<compile_context>
chip_gen: v7x
topology: tpu7x:2x2x1
jax: 0.10.2.dev20260603
libtpu: 0.0.44.dev20260713+nightly
codegen_flags: <defaults>
</compile_context>

<pallas_src>
import functools

import jax
import jax.numpy as jnp
from jax import lax
from jax.experimental import pallas as pl
from jax.experimental.pallas import tpu as pltpu
from jax.experimental.pallas import tpu_sc as plsc

_N = 10000
_E = 320000
_IN = 128
_OUT = 128
_H1 = 8
_C1 = 8

_ROWS = 1000

_NC, _NS, _L = 2, 16, 16
_B = 128
_NCHUNK = 162
_ETP = _NS * _NCHUNK * _B
_NP = 10240
_RPT = _NP // _NS
_ZR = 32
_NED = _N + 8
_HP = 8



def _dense1_body(x_ref, w_ref, asrc_ref, adst_ref, h_ref, es_ref, ed_ref):
    h = jnp.dot(x_ref[...], w_ref[...], preferred_element_type=jnp.float32)
    h_ref[...] = h
    es_ref[...] = jnp.dot(h, asrc_ref[...], preferred_element_type=jnp.float32)
    ed_ref[...] = jnp.dot(h, adst_ref[...], preferred_element_type=jnp.float32)


def _dense2_body(x_ref, b_ref, w_ref, asrc_ref, adst_ref, h_ref, es_ref, ed_ref):
    o = jnp.maximum(x_ref[...] + b_ref[...], 0.0)
    h = jnp.dot(o, w_ref[...], preferred_element_type=jnp.float32)
    h_ref[...] = h
    es_ref[...] = jnp.dot(h, asrc_ref[...], preferred_element_type=jnp.float32)
    ed_ref[...] = jnp.dot(h, adst_ref[...], preferred_element_type=jnp.float32)


def _att_proj(a, heads, ch):
    eye = jnp.eye(heads, dtype=jnp.float32)
    return (a.reshape(heads, ch)[:, :, None] * eye[:, None, :]).reshape(
        heads * ch, heads)


def _dense_stage(x, W, a_src, a_dst, heads, ch, bias=None):
    n, k = x.shape[0], W.shape[1]
    Asrc = _att_proj(a_src, heads, ch)
    Adst = _att_proj(a_dst, heads, ch)
    grid = n // _ROWS
    in_specs = [
        pl.BlockSpec((_ROWS, x.shape[1]), lambda i: (i, 0)),
        pl.BlockSpec((x.shape[1], k), lambda i: (0, 0)),
        pl.BlockSpec((k, heads), lambda i: (0, 0)),
        pl.BlockSpec((k, heads), lambda i: (0, 0)),
    ]
    args = (x, W, Asrc, Adst)
    body = _dense1_body
    if bias is not None:
        in_specs.insert(1, pl.BlockSpec((1, x.shape[1]), lambda i: (0, 0)))
        args = (x, bias.reshape(1, -1), W, Asrc, Adst)
        body = _dense2_body
    return pl.pallas_call(
        body,
        grid=(grid,),
        in_specs=in_specs,
        out_specs=[
            pl.BlockSpec((_ROWS, k), lambda i: (i, 0)),
            pl.BlockSpec((_ROWS, heads), lambda i: (i, 0)),
            pl.BlockSpec((_ROWS, heads), lambda i: (i, 0)),
        ],
        out_shape=[
            jax.ShapeDtypeStruct((n, k), jnp.float32),
            jax.ShapeDtypeStruct((n, heads), jnp.float32),
            jax.ShapeDtypeStruct((n, heads), jnp.float32),
        ],
    )(*args)


def _lsm_body(x_ref, b_ref, o_ref):
    z = x_ref[...] + b_ref[...]
    m = jnp.max(z, axis=1, keepdims=True)
    ez = jnp.exp(z - m)
    lse = jnp.log(jnp.sum(ez, axis=1, keepdims=True))
    o_ref[...] = z - m - lse


def _log_softmax_bias(x, b):
    n, k = x.shape
    return pl.pallas_call(
        _lsm_body,
        grid=(n // _ROWS,),
        in_specs=[
            pl.BlockSpec((_ROWS, k), lambda i: (i, 0)),
            pl.BlockSpec((1, k), lambda i: (0, 0)),
        ],
        out_specs=pl.BlockSpec((_ROWS, k), lambda i: (i, 0)),
        out_shape=jax.ShapeDtypeStruct((n, k), jnp.float32),
    )(x, b.reshape(1, k))



def _make_edge_sc(Hh, C, Fh, n_stripes):
    R = Fh // _L
    log2C = C.bit_length() - 1
    stride = _NP // n_stripes
    srows = _NP if n_stripes == 1 else 5632
    srpt = srows // _NS
    rpt = stride // _NS
    junk0 = stride if n_stripes > 1 else _N + 8
    mesh = plsc.VectorSubcoreMesh(core_axis_name="c", subcore_axis_name="s")

    @functools.partial(
        pl.kernel,
        out_type=jax.ShapeDtypeStruct((2, _NP, Fh), jnp.float32),
        mesh=mesh,
        compiler_params=pltpu.CompilerParams(
            needs_layout_passes=False, use_tc_tiling_on_sc=False),
        scratch_types=[
            pltpu.VMEM((_NCHUNK, _B), jnp.int32),
            pltpu.VMEM((_NCHUNK, _B), jnp.int32),
            pltpu.VMEM((_NCHUNK, _B), jnp.int32),
            pltpu.VMEM((_B,), jnp.int32),
            pltpu.VMEM((_B,), jnp.int32),
            pltpu.VMEM((_B,), jnp.int32),
            pltpu.VMEM((_B, Fh), jnp.float32),
            pltpu.VMEM((_B, Fh), jnp.float32),
            pltpu.VMEM((_B, Fh), jnp.float32),
            pltpu.VMEM((_B, _HP), jnp.float32),
            pltpu.VMEM((_B, _HP), jnp.float32),
            pltpu.VMEM((_B, _HP), jnp.float32),
            pltpu.VMEM((_B, _HP), jnp.float32),
            pltpu.VMEM((_B, _HP), jnp.float32),
            pltpu.VMEM((_B, _HP), jnp.float32),
            pltpu.VMEM((_B, _HP), jnp.float32),
            pltpu.VMEM((_B, _HP), jnp.float32),
            pltpu.VMEM((_B, _HP), jnp.float32),
            pltpu.VMEM((_ZR, Fh), jnp.float32),
            pltpu.VMEM((srpt, _HP), jnp.float32),
            pltpu.VMEM((_ZR, Fh), jnp.float32),
            pltpu.VMEM((_ZR, _HP), jnp.float32),
            pltpu.VMEM((_ZR, Fh), jnp.float32),
            pltpu.VMEM((16,), jnp.float32),
            pltpu.VMEM_SHARED((srows, Fh), jnp.float32),
            pltpu.VMEM_SHARED((srows, _HP), jnp.float32),
            pltpu.SemaphoreType.DMA,
            pltpu.SemaphoreType.DMA,
            pltpu.SemaphoreType.DMA,
            pltpu.SemaphoreType.DMA,
            pltpu.SemaphoreType.DMA,
        ],
    )
    def k(src_hbm, dst_hbm, h_hbm, es_hbm, ed_hbm, m_hbm, out_hbm,
          src_adj, dst_raw, dst_adj,
          ds0, ds1, ds2, hb0, hb1, hb2, eA0, eA1, eA2, eB0, eB1, eB2,
          pb0, pb1, pb2,
          zbuf, zdbuf, sbuf, dbuf, obuf, mv, S, D,
          sem_h, sem_e, sem_d, sem_s, sem_p):
        c = lax.axis_index("c")
        s = lax.axis_index("s")
        iota = lax.iota(jnp.int32, _L)
        zf = jnp.zeros((_L,), jnp.float32)
        bufs = ((hb0, eA0, eB0, pb0, ds0),
                (hb1, eA1, eB1, pb1, ds1),
                (hb2, eA2, eB2, pb2, ds2))

        pltpu.sync_copy(src_hbm.at[s], src_adj)
        pltpu.sync_copy(dst_hbm.at[s], dst_raw)
        pltpu.sync_copy(m_hbm, mv)
        m_vec = mv[...]

        cNv = jnp.full((_L,), c * _N, jnp.int32)
        cMv = jnp.full((_L,), c * _NED, jnp.int32)

        def adj_chunk(j, _):
            def adj_vec(q, _):
                sl = pl.ds(q * _L, _L)
                src_adj[j, sl] = src_adj[j, sl] + cNv
                dst_adj[j, sl] = dst_raw[j, sl] + cMv
                return 0
            return lax.fori_loop(0, _B // _L, adj_vec, 0)
        lax.fori_loop(0, _NCHUNK, adj_chunk, 0)

        def zrow(b, _):
            def zcol(o, _):
                zbuf[b, pl.ds(o * _L, _L)] = zf
                return 0
            return lax.fori_loop(0, R, zcol, 0)
        lax.fori_loop(0, _ZR, zrow, 0)

        iota_div8 = lax.shift_right_arithmetic(iota, 3)
        iota_mod8 = lax.bitwise_and(iota, 7)
        log2Hh = Hh.bit_length() - 1
        iota_divH = lax.shift_right_arithmetic(iota, log2Hh)
        iota_modH = lax.bitwise_and(iota, Hh - 1)

        def zd(g, _):
            r = jnp.full((_L,), g * 2, jnp.int32) + iota_div8
            plsc.store_scatter(zdbuf, [r, iota_mod8], zf)
            return 0
        lax.fori_loop(0, (srpt * _HP) // _L, zd, 0)

        junkv = jnp.full((_L,), junk0, jnp.int32)

        def gather_issue(j, b):
            hb, eA, eB, pbn, dsb = bufs[b]
            sidx = src_adj.at[j]
            pltpu.async_copy(h_hbm.at[sidx], hb, sem_h)
            pltpu.async_copy(es_hbm.at[sidx], eA, sem_e)
            pltpu.async_copy(ed_hbm.at[dst_adj.at[j]], eB, sem_d)

        def scatter_issue(b):
            hb, eA, eB, pbn, dsb = bufs[b]
            pltpu.async_copy(hb, S.at[dsb], sem_s, add=True)
            pltpu.async_copy(pbn, D.at[dsb], sem_p, add=True)

        def scatter_drain(b):
            hb, eA, eB, pbn, dsb = bufs[b]
            pltpu.make_async_copy(hb, S.at[dsb], sem_s).wait()
            pltpu.make_async_copy(pbn, D.at[dsb], sem_p).wait()

        for st in range(n_stripes):
            base = st * stride
            basev = jnp.full((_L,), base, jnp.int32)

            def zs(q, _):
                pltpu.sync_copy(zbuf, S.at[pl.ds(s * srpt + q * _ZR, _ZR)])
                return 0
            lax.fori_loop(0, srpt // _ZR, zs, 0)
            pltpu.sync_copy(zdbuf, D.at[pl.ds(s * srpt, srpt)])

            plsc.subcore_barrier()

            def substep(j, b):
                hb, eA, eB, pbn, dsb = bufs[b]
                nb = (b + 1) % 3
                scatter_drain(nb)
                gather_issue(jnp.minimum(j + 1, _NCHUNK - 1), nb)

                def srow(q, _):
                    sl = pl.ds(q * _L, _L)
                    rel = dst_raw[j, sl] - basev
                    if n_stripes == 1:
                        dsb[sl] = rel
                    else:
                        ok = jnp.logical_and(rel >= 0, rel < stride)
                        junk = junkv + lax.bitwise_and(rel, 255)
                        dsb[sl] = jnp.where(ok, rel, junk)
                    return 0
                lax.fori_loop(0, _B // _L, srow, 0)

                sidx = src_adj.at[j]
                pltpu.make_async_copy(es_hbm.at[sidx], eA, sem_e).wait()
                pltpu.make_async_copy(ed_hbm.at[dst_adj.at[j]], eB, sem_d).wait()

                def pstep(g, _):
                    r = jnp.full((_L,), g * (_L // Hh), jnp.int32) + iota_divH
                    es_v = plsc.load_gather(eA, [r, iota_modH])
                    ed_v = plsc.load_gather(eB, [r, iota_modH])
                    e = es_v + ed_v
                    e = jnp.where(e >= 0.0, e, 0.2 * e)
                    plsc.store_scatter(pbn, [r, iota_modH],
                                       jnp.exp(e - m_vec))
                    return 0
                lax.fori_loop(0, (_B * Hh) // _L, pstep, 0)

                pltpu.make_async_copy(h_hbm.at[sidx], hb, sem_h).wait()

                if Hh == 1:
                    zi = jnp.zeros((_L,), jnp.int32)
                    def mrow(bb, _):
                        bv = jnp.full((_L,), bb, jnp.int32)
                        pv = plsc.load_gather(pbn, [bv, zi])
                        def mcol(o, _):
                            sl = pl.ds(o * _L, _L)
                            hb[bb, sl] = hb[bb, sl] * pv
                            return 0
                        return lax.fori_loop(0, R, mcol, 0)
                else:
                    def mrow(bb, _):
                        bv = jnp.full((_L,), bb, jnp.int32)
                        def mcol(o, _):
                            off = o * _L
                            sl = pl.ds(off, _L)
                            head = lax.shift_right_arithmetic(
                                jnp.full((_L,), off, jnp.int32) + iota, log2C)
                            pv = plsc.load_gather(pbn, [bv, head])
                            hb[bb, sl] = hb[bb, sl] * pv
                            return 0
                        return lax.fori_loop(0, R, mcol, 0)
                lax.fori_loop(0, _B, mrow, 0)

                scatter_issue(b)

            def dfill(b):
                dsb = bufs[b][4]
                def f(q, _):
                    dsb[pl.ds(q * _L, _L)] = junkv
                    return 0
                lax.fori_loop(0, _B // _L, f, 0)
            dfill(1)
            dfill(2)
            scatter_issue(1)
            scatter_issue(2)
            gather_issue(jnp.int32(0), 0)

            def tri(g, _):
                j = g * 3
                substep(j, 0)
                substep(j + 1, 1)
                substep(j + 2, 2)
                return 0
            lax.fori_loop(0, _NCHUNK // 3, tri, 0)

            scatter_drain(1)
            scatter_drain(2)
            hb, eA, eB, pbn, dsb = bufs[0]
            jl = jnp.int32(_NCHUNK - 1)
            pltpu.make_async_copy(es_hbm.at[src_adj.at[jl]], eA, sem_e).wait()
            pltpu.make_async_copy(ed_hbm.at[dst_adj.at[jl]], eB, sem_d).wait()
            pltpu.make_async_copy(h_hbm.at[src_adj.at[jl]], hb, sem_h).wait()

            plsc.subcore_barrier()

            def rd(q, _):
                r0 = s * rpt + q * _ZR
                pltpu.sync_copy(S.at[pl.ds(r0, _ZR)], sbuf)
                pltpu.sync_copy(D.at[pl.ds(r0, _ZR)], dbuf)

                if Hh == 1:
                    zi = jnp.zeros((_L,), jnp.int32)
                    def rrow(b, _):
                        bv = jnp.full((_L,), b, jnp.int32)
                        dv = plsc.load_gather(dbuf, [bv, zi]) + 1e-16
                        def rcol(o, _):
                            sl = pl.ds(o * _L, _L)
                            obuf[b, sl] = sbuf[b, sl] / dv
                            return 0
                        return lax.fori_loop(0, R, rcol, 0)
                else:
                    def rrow(b, _):
                        bv = jnp.full((_L,), b, jnp.int32)
                        def rcol(o, _):
                            off = o * _L
                            sl = pl.ds(off, _L)
                            head = lax.shift_right_arithmetic(
                                jnp.full((_L,), off, jnp.int32) + iota, log2C)
                            dv = plsc.load_gather(dbuf, [bv, head])
                            obuf[b, sl] = sbuf[b, sl] / (dv + 1e-16)
                            return 0
                        return lax.fori_loop(0, R, rcol, 0)
                lax.fori_loop(0, _ZR, rrow, 0)

                pltpu.sync_copy(obuf, out_hbm.at[c].at[pl.ds(base + r0, _ZR)])
                return 0
            lax.fori_loop(0, rpt // _ZR, rd, 0)

            if st + 1 < n_stripes:
                plsc.subcore_barrier()

    return k


@functools.lru_cache(maxsize=None)
def _edge_sc_cached(Hh, C, Fh, n_stripes):
    return _make_edge_sc(Hh, C, Fh, n_stripes)


def _split_cols(t, Fh):
    n = t.shape[0]
    return t.reshape(n, 2, Fh).transpose(1, 0, 2).reshape(2 * n, Fh)


def _pad_heads(t):
    return jnp.pad(t, ((0, 0), (0, _HP - t.shape[1])))


def _shift_upper_bound(es, ed):
    m = jnp.max(es) + jnp.max(ed)
    m = jnp.where(m >= 0.0, m, 0.2 * m)
    return jnp.full((16,), m, jnp.float32)


def kernel(x, edge_index, W1, att_src1, att_dst1, b1, W2, att_src2, att_dst2, b2):
    loop = jnp.arange(_N, dtype=jnp.int32)
    pad = _ETP - (_E + _N)
    src = jnp.concatenate(
        [edge_index[0].astype(jnp.int32), loop, jnp.zeros((pad,), jnp.int32)])
    dst = jnp.concatenate(
        [edge_index[1].astype(jnp.int32), loop,
         jnp.full((pad,), _N, jnp.int32)])
    src2d = src.reshape(_NS, _NCHUNK, _B)
    dst2d = dst.reshape(_NS, _NCHUNK, _B)

    h1, es1, ed1 = _dense_stage(x, W1, att_src1, att_dst1, _H1, _C1)
    m1 = _shift_upper_bound(es1, ed1)
    h1s = _split_cols(h1, (_H1 * _C1) // 2)
    es1s = _pad_heads(_split_cols(es1, _H1 // 2))
    ed1p = jnp.concatenate([ed1, jnp.zeros((_NED - _N, _H1), jnp.float32)], 0)
    ed1s = _pad_heads(_split_cols(ed1p, _H1 // 2))
    _edge_sc1 = _edge_sc_cached(_H1 // 2, _C1, (_H1 * _C1) // 2, 1)
    agg1 = _edge_sc1(src2d, dst2d, h1s, es1s, ed1s, m1)
    agg1 = jnp.concatenate([agg1[0, :_N], agg1[1, :_N]], axis=1)

    h2, es2, ed2 = _dense_stage(agg1, W2, att_src2, att_dst2, 1, _OUT,
                                bias=b1)
    m2 = _shift_upper_bound(es2, ed2)
    h2s = _split_cols(h2, _OUT // 2)
    es2s = _pad_heads(jnp.concatenate([es2, es2], 0))
    ed2p = jnp.concatenate([ed2, jnp.zeros((_NED - _N, 1), jnp.float32)], 0)
    ed2s = _pad_heads(jnp.concatenate([ed2p, ed2p], 0))
    _edge_sc2 = _edge_sc_cached(1, _OUT, _OUT // 2, 2)
    agg2 = _edge_sc2(src2d, dst2d, h2s, es2s, ed2s, m2)
    agg2 = jnp.concatenate([agg2[0, :_N], agg2[1, :_N]], axis=1)

    return _log_softmax_bias(agg2, b2)

# --- scband reference (transcript-rebuilt; emitter-appended) ---
"""Pipeline reference for scband-gat-21260088115447 (READ-ONLY COPY).

The authoritative reference and input builder live on the scoring server;
editing this copy changes nothing except your own understanding.
"""

import jax, jax.numpy as jnp
import numpy as np

N = 10000
E = 320000
IN = 128
OUT = 128
H1 = 8
C1 = 8


def setup_inputs(seed: int = 0) -> dict:
    key = jax.random.key(seed)
    ks = jax.random.split(key, 12)
    x = jax.random.normal(ks[0], (N, IN), dtype=jnp.float32)
    edge_index = jax.random.randint(ks[1], (2, E), 0, N, dtype=jnp.int32)
    s1 = 1.0 / np.sqrt(IN)
    s2 = 1.0 / np.sqrt(H1 * C1)
    W1 = jax.random.normal(ks[2], (IN, H1 * C1), dtype=jnp.float32) * s1
    att_src1 = jax.random.normal(ks[3], (1, H1, C1), dtype=jnp.float32) * s1
    att_dst1 = jax.random.normal(ks[4], (1, H1, C1), dtype=jnp.float32) * s1
    b1 = jnp.zeros((H1 * C1,), dtype=jnp.float32)
    W2 = jax.random.normal(ks[5], (H1 * C1, OUT), dtype=jnp.float32) * s2
    att_src2 = jax.random.normal(ks[6], (1, 1, OUT), dtype=jnp.float32) * s2
    att_dst2 = jax.random.normal(ks[7], (1, 1, OUT), dtype=jnp.float32) * s2
    b2 = jnp.zeros((OUT,), dtype=jnp.float32)
    return {"x": x, "edge_index": edge_index, "W1": W1, "att_src1": att_src1,
            "att_dst1": att_dst1, "b1": b1, "W2": W2, "att_src2": att_src2,
            "att_dst2": att_dst2, "b2": b2}


def _gat_layer(x, src, dst, W, a_src, a_dst, b, heads, ch, concat, n):
    h = (x @ W).reshape(n, heads, ch)
    e_src = (h * a_src).sum(-1)
    e_dst = (h * a_dst).sum(-1)
    e = e_src[src] + e_dst[dst]
    e = jax.nn.leaky_relu(e, 0.2)
    m = jax.lax.stop_gradient(jax.ops.segment_max(e, dst, num_segments=n))
    p = jnp.exp(e - m[dst])
    denom = jax.ops.segment_sum(p, dst, num_segments=n)
    alpha = p / (denom[dst] + 1e-16)
    out = jax.ops.segment_sum(h[src] * alpha[..., None], dst, num_segments=n)
    if concat:
        out = out.reshape(n, heads * ch)
    else:
        out = out.mean(axis=1)
    return out + b


def reference(x, edge_index, W1, att_src1, att_dst1, b1, W2, att_src2, att_dst2, b2):
    # PyG GATConv defaults: add_self_loops=True, negative_slope=0.2, bias=True.
    loop = jnp.arange(N, dtype=edge_index.dtype)
    src = jnp.concatenate([edge_index[0], loop])
    dst = jnp.concatenate([edge_index[1], loop])
    h = _gat_layer(x, src, dst, W1, att_src1, att_dst1, b1, H1, C1, True, N)
    h = jax.nn.relu(h)
    # F.dropout acts as identity in eval mode
    h = _gat_layer(h, src, dst, W2, att_src2, att_dst2, b2, 1, OUT, False, N)
    return jax.nn.log_softmax(h, axis=1)

if __name__ == "__main__":
    import jax
    _d = setup_inputs()
    print(jax.jit(kernel)(*tuple(_d.values())))

</pallas_src>

<mosaic_0001>
#map = affine_map<(d0, d1) -> (0, 0, 0)>
#map1 = affine_map<(d0, d1) -> (0, 0)>
#map2 = affine_map<(d0, d1) -> (0)>
module attributes {stable_mosaic.version = 14 : i64} {
  func.func @k(%arg0: i32, %arg1: i32, %arg2: memref<16x162x128xi32, #tpu.memory_space<hbm>>, %arg3: memref<16x162x128xi32, #tpu.memory_space<hbm>>, %arg4: memref<20000x32xf32, #tpu.memory_space<hbm>>, %arg5: memref<20000x8xf32, #tpu.memory_space<hbm>>, %arg6: memref<20016x8xf32, #tpu.memory_space<hbm>>, %arg7: memref<16xf32, #tpu.memory_space<hbm>>, %arg8: memref<2x10240x32xf32, #tpu.memory_space<hbm>>, %arg9: memref<162x128xi32, #tpu.memory_space<vmem>>, %arg10: memref<162x128xi32, #tpu.memory_space<vmem>>, %arg11: memref<162x128xi32, #tpu.memory_space<vmem>>, %arg12: memref<128xi32, #tpu.memory_space<vmem>>, %arg13: memref<128xi32, #tpu.memory_space<vmem>>, %arg14: memref<128xi32, #tpu.memory_space<vmem>>, %arg15: memref<128x32xf32, #tpu.memory_space<vmem>>, %arg16: memref<128x32xf32, #tpu.memory_space<vmem>>, %arg17: memref<128x32xf32, #tpu.memory_space<vmem>>, %arg18: memref<128x8xf32, #tpu.memory_space<vmem>>, %arg19: memref<128x8xf32, #tpu.memory_space<vmem>>, %arg20: memref<128x8xf32, #tpu.memory_space<vmem>>, %arg21: memref<128x8xf32, #tpu.memory_space<vmem>>, %arg22: memref<128x8xf32, #tpu.memory_space<vmem>>, %arg23: memref<128x8xf32, #tpu.memory_space<vmem>>, %arg24: memref<128x8xf32, #tpu.memory_space<vmem>>, %arg25: memref<128x8xf32, #tpu.memory_space<vmem>>, %arg26: memref<128x8xf32, #tpu.memory_space<vmem>>, %arg27: memref<32x32xf32, #tpu.memory_space<vmem>>, %arg28: memref<640x8xf32, #tpu.memory_space<vmem>>, %arg29: memref<32x32xf32, #tpu.memory_space<vmem>>, %arg30: memref<32x8xf32, #tpu.memory_space<vmem>>, %arg31: memref<32x32xf32, #tpu.memory_space<vmem>>, %arg32: memref<16xf32, #tpu.memory_space<vmem>>, %arg33: memref<10240x32xf32, #tpu.memory_space<vmem_shared>>, %arg34: memref<10240x8xf32, #tpu.memory_space<vmem_shared>>, %arg35: memref<!tpu.dma_semaphore, #tpu.memory_space<semaphore_mem>>, %arg36: memref<!tpu.dma_semaphore, #tpu.memory_space<semaphore_mem>>, %arg37: memref<!tpu.dma_semaphore, #tpu.memory_space<semaphore_mem>>, %arg38: memref<!tpu.dma_semaphore, #tpu.memory_space<semaphore_mem>>, %arg39: memref<!tpu.dma_semaphore, #tpu.memory_space<semaphore_mem>>) attributes {dimension_semantics = [#tpu.dimension_semantics<core_parallel>, #tpu.dimension_semantics<subcore_parallel>], iteration_bounds = array<i64: 2, 16>, scalar_prefetch = 0 : i64, scratch_operands = 31 : i64, tpu.core_type = #tpu.core_type<sc_vector_subcore>, window_params = [{transform_indices = #map}, {transform_indices = #map}, {transform_indices = #map1}, {transform_indices = #map1}, {transform_indices = #map1}, {transform_indices = #map2}, {transform_indices = #map}]} {
    %iota3A = tpu.iota {dimensions = array<i32: 0>} : vector<16xi32>
    %broadcast_in_dim3A = arith.constant 0.000000e+00 : f32
    %broadcast_in_dim3A_0 = vector.broadcast %broadcast_in_dim3A : f32 to vector<16xf32>
    "tpu.region"() ({
      %run_scoped3A = tpu.sem_alloc : memref<!tpu.dma_semaphore, #tpu.memory_space<semaphore_mem>>
      %dma_start3A_143 = arith.constant 0 : i32
      %dma_start3A_144 = arith.constant 0 : i32
      %dma_start3A_145 = tpu.memref_slice %arg2[%arg1, %dma_start3A_143, %dma_start3A_144] : memref<16x162x128xi32, #tpu.memory_space<hbm>> -> memref<1x162x128xi32, #tpu.memory_space<hbm>>
      %dma_start3A_146 = tpu.memref_squeeze %dma_start3A_145 : memref<1x162x128xi32, #tpu.memory_space<hbm>> -> memref<162x128xi32, #tpu.memory_space<hbm>>
      %dma_start3A_147 = arith.constant 0 : i32
      %dma_start3A_148 = arith.constant 0 : i32
      %dma_start3A_149 = tpu.memref_slice %arg2[%arg1, %dma_start3A_147, %dma_start3A_148] : memref<16x162x128xi32, #tpu.memory_space<hbm>> -> memref<1x162x128xi32, #tpu.memory_space<hbm>>
      %dma_start3A_150 = tpu.memref_squeeze %dma_start3A_149 : memref<1x162x128xi32, #tpu.memory_space<hbm>> -> memref<162x128xi32, #tpu.memory_space<hbm>>
      tpu.enqueue_dma source(%dma_start3A_150 : memref<162x128xi32, #tpu.memory_space<hbm>>) target(%arg9 : memref<162x128xi32, #tpu.memory_space<vmem>>) target_semaphore(%run_scoped3A : memref<!tpu.dma_semaphore, #tpu.memory_space<semaphore_mem>>)
      %dma_wait3A_151 = arith.constant 0 : i32
      %dma_wait3A_152 = arith.constant 0 : i32
      %dma_wait3A_153 = tpu.memref_slice %arg2[%arg1, %dma_wait3A_151, %dma_wait3A_152] : memref<16x162x128xi32, #tpu.memory_space<hbm>> -> memref<1x162x128xi32, #tpu.memory_space<hbm>>
      %dma_wait3A_154 = tpu.memref_squeeze %dma_wait3A_153 : memref<1x162x128xi32, #tpu.memory_space<hbm>> -> memref<162x128xi32, #tpu.memory_space<hbm>>
      %dma_wait3A_155 = arith.constant 0 : i32
      %dma_wait3A_156 = arith.constant 0 : i32
      %dma_wait3A_157 = tpu.memref_slice %arg2[%arg1, %dma_wait3A_155, %dma_wait3A_156] : memref<16x162x128xi32, #tpu.memory_space<hbm>> -> memref<1x162x128xi32, #tpu.memory_space<hbm>>
      %dma_wait3A_158 = tpu.memref_squeeze %dma_wait3A_157 : memref<1x162x128xi32, #tpu.memory_space<hbm>> -> memref<162x128xi32, #tpu.memory_space<hbm>>
      tpu.wait_dma2 semaphore(%run_scoped3A : memref<!tpu.dma_semaphore, #tpu.memory_space<semaphore_mem>>) src(%dma_wait3A_158 : memref<162x128xi32, #tpu.memory_space<hbm>>) dst(%arg9 : memref<162x128xi32, #tpu.memory_space<vmem>>)
      tpu.yield
    }) : () -> ()
    "tpu.region"() ({
      %run_scoped3A = tpu.sem_alloc : memref<!tpu.dma_semaphore, #tpu.memory_space<semaphore_mem>>
      %dma_start3A_143 = arith.constant 0 : i32
      %dma_start3A_144 = arith.constant 0 : i32
      %dma_start3A_145 = tpu.memref_slice %arg3[%arg1, %dma_start3A_143, %dma_start3A_144] : memref<16x162x128xi32, #tpu.memory_space<hbm>> -> memref<1x162x128xi32, #tpu.memory_space<hbm>>
      %dma_start3A_146 = tpu.memref_squeeze %dma_start3A_145 : memref<1x162x128xi32, #tpu.memory_space<hbm>> -> memref<162x128xi32, #tpu.memory_space<hbm>>
      %dma_start3A_147 = arith.constant 0 : i32
      %dma_start3A_148 = arith.constant 0 : i32
      %dma_start3A_149 = tpu.memref_slice %arg3[%arg1, %dma_start3A_147, %dma_start3A_148] : memref<16x162x128xi32, #tpu.memory_space<hbm>> -> memref<1x162x128xi32, #tpu.memory_space<hbm>>
      %dma_start3A_150 = tpu.memref_squeeze %dma_start3A_149 : memref<1x162x128xi32, #tpu.memory_space<hbm>> -> memref<162x128xi32, #tpu.memory_space<hbm>>
      tpu.enqueue_dma source(%dma_start3A_150 : memref<162x128xi32, #tpu.memory_space<hbm>>) target(%arg10 : memref<162x128xi32, #tpu.memory_space<vmem>>) target_semaphore(%run_scoped3A : memref<!tpu.dma_semaphore, #tpu.memory_space<semaphore_mem>>)
      %dma_wait3A_151 = arith.constant 0 : i32
      %dma_wait3A_152 = arith.constant 0 : i32
      %dma_wait3A_153 = tpu.memref_slice %arg3[%arg1, %dma_wait3A_151, %dma_wait3A_152] : memref<16x162x128xi32, #tpu.memory_space<hbm>> -> memref<1x162x128xi32, #tpu.memory_space<hbm>>
      %dma_wait3A_154 = tpu.memref_squeeze %dma_wait3A_153 : memref<1x162x128xi32, #tpu.memory_space<hbm>> -> memref<162x128xi32, #tpu.memory_space<hbm>>
      %dma_wait3A_155 = arith.constant 0 : i32
      %dma_wait3A_156 = arith.constant 0 : i32
      %dma_wait3A_157 = tpu.memref_slice %arg3[%arg1, %dma_wait3A_155, %dma_wait3A_156] : memref<16x162x128xi32, #tpu.memory_space<hbm>> -> memref<1x162x128xi32, #tpu.memory_space<hbm>>
      %dma_wait3A_158 = tpu.memref_squeeze %dma_wait3A_157 : memref<1x162x128xi32, #tpu.memory_space<hbm>> -> memref<162x128xi32, #tpu.memory_space<hbm>>
      tpu.wait_dma2 semaphore(%run_scoped3A : memref<!tpu.dma_semaphore, #tpu.memory_space<semaphore_mem>>) src(%dma_wait3A_158 : memref<162x128xi32, #tpu.memory_space<hbm>>) dst(%arg10 : memref<162x128xi32, #tpu.memory_space<vmem>>)
      tpu.yield
    }) : () -> ()
    "tpu.region"() ({
      %run_scoped3A = tpu.sem_alloc : memref<!tpu.dma_semaphore, #tpu.memory_space<semaphore_mem>>
      tpu.enqueue_dma source(%arg7 : memref<16xf32, #tpu.memory_space<hbm>>) target(%arg32 : memref<16xf32, #tpu.memory_space<vmem>>) target_semaphore(%run_scoped3A : memref<!tpu.dma_semaphore, #tpu.memory_space<semaphore_mem>>)
      tpu.wait_dma2 semaphore(%run_scoped3A : memref<!tpu.dma_semaphore, #tpu.memory_space<semaphore_mem>>) src(%arg7 : memref<16xf32, #tpu.memory_space<hbm>>) dst(%arg32 : memref<16xf32, #tpu.memory_space<vmem>>)
      tpu.yield
    }) : () -> ()
    %get3A = arith.constant 0 : index
    %get3A_1 = tpu.vector_load %arg32[%get3A] {strides = array<i32>} : memref<16xf32, #tpu.memory_space<vmem>>, vector<16xf32>,
    %mul3A = arith.constant 10000 : i32
    %mul3A_2 = arith.muli %arg0, %mul3A : i32
    %broadcast_in_dim3A_3 = vector.broadcast %mul3A_2 : i32 to vector<16xi32>
    %mul3A_4 = arith.constant 10008 : i32
    %mul3A_5 = arith.muli %arg0, %mul3A_4 : i32
    %broadcast_in_dim3A_6 = vector.broadcast %mul3A_5 : i32 to vector<16xi32>
    %scan3A = arith.constant 0 : i32
    %scan3A_7 = arith.constant 0 : i32
    %scan3A_8 = arith.constant 162 : i32
    %scan3A_9 = arith.addi %scan3A_7, %scan3A_8 : i32
    %scan3A_10 = arith.constant 1 : i32
    %scan3A_11 = scf.for %scan3A_143 = %scan3A_7 to %scan3A_9 step %scan3A_10 iter_args(%scan3A_144 = %scan3A) -> (i32)  : i32 {
      %scan3A_145 = arith.constant 0 : i32
      %scan3A_146 = arith.constant 0 : i32
      %scan3A_147 = arith.constant 8 : i32
      %scan3A_148 = arith.addi %scan3A_146, %scan3A_147 : i32
      %scan3A_149 = arith.constant 1 : i32
      %scan3A_150 = scf.for %scan3A_152 = %scan3A_146 to %scan3A_148 step %scan3A_149 iter_args(%scan3A_153 = %scan3A_145) -> (i32)  : i32 {
        %mul3A_154 = arith.constant 16 : i32
        %mul3A_155 = arith.muli %scan3A_152, %mul3A_154 : i32
        %get3A_156 = arith.index_cast %scan3A_143 : i32 to index
        %get3A_157 = arith.index_cast %mul3A_155 : i32 to index
        %get3A_158 = tpu.vector_load %arg9[%get3A_156, %get3A_157] {strides = array<i32>} : memref<162x128xi32, #tpu.memory_space<vmem>>, vector<16xi32>,
        %add3A = arith.addi %get3A_158, %broadcast_in_dim3A_3 : vector<16xi32>
        %swap3A = arith.index_cast %scan3A_143 : i32 to index
        %swap3A_159 = arith.index_cast %mul3A_155 : i32 to index
        %swap3A_160 = tpu.vector_load %arg9[%swap3A, %swap3A_159] {strides = array<i32>} : memref<162x128xi32, #tpu.memory_space<vmem>>, vector<16xi32>,
        tpu.vector_store %arg9[%swap3A, %swap3A_159], %add3A {strides = array<i32>} : memref<162x128xi32, #tpu.memory_space<vmem>>, vector<16xi32>,
        %get3A_161 = arith.index_cast %scan3A_143 : i32 to index
        %get3A_162 = arith.index_cast %mul3A_155 : i32 to index
        %get3A_163 = tpu.vector_load %arg10[%get3A_161, %get3A_162] {strides = array<i32>} : memref<162x128xi32, #tpu.memory_space<vmem>>, vector<16xi32>,
        %add3A_164 = arith.addi %get3A_163, %broadcast_in_dim3A_6 : vector<16xi32>
        %swap3A_165 = arith.index_cast %scan3A_143 : i32 to index
        %swap3A_166 = arith.index_cast %mul3A_155 : i32 to index
        %swap3A_167 = tpu.vector_load %arg11[%swap3A_165, %swap3A_166] {strides = array<i32>} : memref<162x128xi32, #tpu.memory_space<vmem>>, vector<16xi32>,
        tpu.vector_store %arg11[%swap3A_165, %swap3A_166], %add3A_164 {strides = array<i32>} : memref<162x128xi32, #tpu.memory_space<vmem>>, vector<16xi32>,
        %scan3A_168 = arith.constant 0 : i32
        scf.yield %scan3A_168 : i32
      }
      %scan3A_151 = arith.constant 8 : i32
      scf.yield %scan3A_150 : i32
    }
    %scan3A_12 = arith.constant 162 : i32
    %scan3A_13 = arith.constant 0 : i32
    %scan3A_14 = arith.constant 0 : i32
    %scan3A_15 = arith.constant 32 : i32
    %scan3A_16 = arith.addi %scan3A_14, %scan3A_15 : i32
    %scan3A_17 = arith.constant 1 : i32
    %scan3A_18 = scf.for %scan3A_143 = %scan3A_14 to %scan3A_16 step %scan3A_17 iter_args(%scan3A_144 = %scan3A_13) -> (i32)  : i32 {
      %scan3A_145 = arith.constant 0 : i32
      %scan3A_146 = arith.constant 0 : i32
      %scan3A_147 = arith.constant 2 : i32
      %scan3A_148 = arith.addi %scan3A_146, %scan3A_147 : i32
      %scan3A_149 = arith.constant 1 : i32
      %scan3A_150 = scf.for %scan3A_152 = %scan3A_146 to %scan3A_148 step %scan3A_149 iter_args(%scan3A_153 = %scan3A_145) -> (i32)  : i32 {
        %mul3A_154 = arith.constant 16 : i32
        %mul3A_155 = arith.muli %scan3A_152, %mul3A_154 : i32
        %swap3A = arith.index_cast %scan3A_143 : i32 to index
        %swap3A_156 = arith.index_cast %mul3A_155 : i32 to index
        %swap3A_157 = tpu.vector_load %arg27[%swap3A, %swap3A_156] {strides = array<i32>} : memref<32x32xf32, #tpu.memory_space<vmem>>, vector<16xf32>,
        tpu.vector_store %arg27[%swap3A, %swap3A_156], %broadcast_in_dim3A_0 {strides = array<i32>} : memref<32x32xf32, #tpu.memory_space<vmem>>, vector<16xf32>,
        %scan3A_158 = arith.constant 0 : i32
        scf.yield %scan3A_158 : i32
      }
      %scan3A_151 = arith.constant 2 : i32
      scf.yield %scan3A_150 : i32
    }
    %scan3A_19 = arith.constant 32 : i32
    %shift_right_arithmetic3A = arith.constant 3 : i32
    %shift_right_arithmetic3A_20 = vector.broadcast %shift_right_arithmetic3A : i32 to vector<16xi32>
    %shift_right_arithmetic3A_21 = arith.shrsi %iota3A, %shift_right_arithmetic3A_20 : vector<16xi32>
    %and3A = arith.constant 7 : i32
    %and3A_22 = vector.broadcast %and3A : i32 to vector<16xi32>
    %and3A_23 = arith.andi %iota3A, %and3A_22 : vector<16xi32>
    %shift_right_arithmetic3A_24 = arith.constant 2 : i32
    %shift_right_arithmetic3A_25 = vector.broadcast %shift_right_arithmetic3A_24 : i32 to vector<16xi32>
    %shift_right_arithmetic3A_26 = arith.shrsi %iota3A, %shift_right_arithmetic3A_25 : vector<16xi32>
    %and3A_27 = arith.constant 3 : i32
    %and3A_28 = vector.broadcast %and3A_27 : i32 to vector<16xi32>
    %and3A_29 = arith.andi %iota3A, %and3A_28 : vector<16xi32>
    %scan3A_30 = arith.constant 0 : i32
    %scan3A_31 = arith.constant 0 : i32
    %scan3A_32 = arith.constant 320 : i32
    %scan3A_33 = arith.addi %scan3A_31, %scan3A_32 : i32
    %scan3A_34 = arith.constant 1 : i32
    %scan3A_35 = scf.for %scan3A_143 = %scan3A_31 to %scan3A_33 step %scan3A_34 iter_args(%scan3A_144 = %scan3A_30) -> (i32)  : i32 {
      %mul3A_145 = arith.constant 2 : i32
      %mul3A_146 = arith.muli %scan3A_143, %mul3A_145 : i32
      %broadcast_in_dim3A_147 = vector.broadcast %mul3A_146 : i32 to vector<16xi32>
      %add3A = arith.addi %broadcast_in_dim3A_147, %shift_right_arithmetic3A_21 : vector<16xi32>
      tpu.vector_store_idx %arg28[%add3A, %and3A_23], %broadcast_in_dim3A_0 : memref<640x8xf32, #tpu.memory_space<vmem>>[vector<16xi32>, vector<16xi32>], vector<16xf32>,
      %scan3A_148 = arith.constant 0 : i32
      scf.yield %scan3A_148 : i32
    }
    %scan3A_36 = arith.constant 320 : i32
    %broadcast_in_dim3A_37 = arith.constant 10008 : i32
    %broadcast_in_dim3A_38 = vector.broadcast %broadcast_in_dim3A_37 : i32 to vector<16xi32>
    %broadcast_in_dim3A_39 = arith.constant 0 : i32
    %broadcast_in_dim3A_40 = vector.broadcast %broadcast_in_dim3A_39 : i32 to vector<16xi32>
    %scan3A_41 = arith.constant 0 : i32
    %scan3A_42 = arith.constant 0 : i32
    %scan3A_43 = arith.constant 20 : i32
    %scan3A_44 = arith.addi %scan3A_42, %scan3A_43 : i32
    %scan3A_45 = arith.constant 1 : i32
    %scan3A_46 = scf.for %scan3A_143 = %scan3A_42 to %scan3A_44 step %scan3A_45 iter_args(%scan3A_144 = %scan3A_41) -> (i32)  : i32 {
      %mul3A_145 = arith.constant 640 : i32
      %mul3A_146 = arith.muli %arg1, %mul3A_145 : i32
      %mul3A_147 = arith.constant 32 : i32
      %mul3A_148 = arith.muli %scan3A_143, %mul3A_147 : i32
      %add3A = arith.addi %mul3A_146, %mul3A_148 : i32
      "tpu.region"() ({
        %run_scoped3A = tpu.sem_alloc : memref<!tpu.dma_semaphore, #tpu.memory_space<semaphore_mem>>
        %dma_start3A_150 = arith.constant 0 : i32
        %dma_start3A_151 = tpu.memref_slice %arg33[%add3A, %dma_start3A_150] : memref<10240x32xf32, #tpu.memory_space<vmem_shared>> -> memref<32x32xf32, #tpu.memory_space<vmem_shared>>
        %dma_start3A_152 = arith.constant 0 : i32
        %dma_start3A_153 = tpu.memref_slice %arg33[%add3A, %dma_start3A_152] : memref<10240x32xf32, #tpu.memory_space<vmem_shared>> -> memref<32x32xf32, #tpu.memory_space<vmem_shared>>
        tpu.enqueue_dma source(%arg27 : memref<32x32xf32, #tpu.memory_space<vmem>>) target(%dma_start3A_153 : memref<32x32xf32, #tpu.memory_space<vmem_shared>>) target_semaphore(%run_scoped3A : memref<!tpu.dma_semaphore, #tpu.memory_space<semaphore_mem>>)
        %dma_wait3A_154 = arith.constant 0 : i32
        %dma_wait3A_155 = tpu.memref_slice %arg33[%add3A, %dma_wait3A_154] : memref<10240x32xf32, #tpu.memory_space<vmem_shared>> -> memref<32x32xf32, #tpu.memory_space<vmem_shared>>
        %dma_wait3A_156 = arith.constant 0 : i32
        %dma_wait3A_157 = tpu.memref_slice %arg33[%add3A, %dma_wait3A_156] : memref<10240x32xf32, #tpu.memory_space<vmem_shared>> -> memref<32x32xf32, #tpu.memory_space<vmem_shared>>
        tpu.wait_dma2 semaphore(%run_scoped3A : memref<!tpu.dma_semaphore, #tpu.memory_space<semaphore_mem>>) src(%arg27 : memref<32x32xf32, #tpu.memory_space<vmem>>) dst(%dma_wait3A_157 : memref<32x32xf32, #tpu.memory_space<vmem_shared>>)
        tpu.yield
      }) : () -> ()
      %scan3A_149 = arith.constant 0 : i32
      scf.yield %scan3A_149 : i32
    }
    %scan3A_47 = arith.constant 20 : i32
    %mul3A_48 = arith.constant 640 : i32
    %mul3A_49 = arith.muli %arg1, %mul3A_48 : i32
    "tpu.region"() ({
      %run_scoped3A = tpu.sem_alloc : memref<!tpu.dma_semaphore, #tpu.memory_space<semaphore_mem>>
      %dma_start3A_143 = arith.constant 0 : i32
      %dma_start3A_144 = tpu.memref_slice %arg34[%mul3A_49, %dma_start3A_143] : memref<10240x8xf32, #tpu.memory_space<vmem_shared>> -> memref<640x8xf32, #tpu.memory_space<vmem_shared>>
      %dma_start3A_145 = arith.constant 0 : i32
      %dma_start3A_146 = tpu.memref_slice %arg34[%mul3A_49, %dma_start3A_145] : memref<10240x8xf32, #tpu.memory_space<vmem_shared>> -> memref<640x8xf32, #tpu.memory_space<vmem_shared>>
      tpu.enqueue_dma source(%arg28 : memref<640x8xf32, #tpu.memory_space<vmem>>) target(%dma_start3A_146 : memref<640x8xf32, #tpu.memory_space<vmem_shared>>) target_semaphore(%run_scoped3A : memref<!tpu.dma_semaphore, #tpu.memory_space<semaphore_mem>>)
      %dma_wait3A_147 = arith.constant 0 : i32
      %dma_wait3A_148 = tpu.memref_slice %arg34[%mul3A_49, %dma_wait3A_147] : memref<10240x8xf32, #tpu.memory_space<vmem_shared>> -> memref<640x8xf32, #tpu.memory_space<vmem_shared>>
      %dma_wait3A_149 = arith.constant 0 : i32
      %dma_wait3A_150 = tpu.memref_slice %arg34[%mul3A_49, %dma_wait3A_149] : memref<10240x8xf32, #tpu.memory_space<vmem_shared>> -> memref<640x8xf32, #tpu.memory_space<vmem_shared>>
      tpu.wait_dma2 semaphore(%run_scoped3A : memref<!tpu.dma_semaphore, #tpu.memory_space<semaphore_mem>>) src(%arg28 : memref<640x8xf32, #tpu.memory_space<vmem>>) dst(%dma_wait3A_150 : memref<640x8xf32, #tpu.memory_space<vmem_shared>>)
      tpu.yield
    }) : () -> ()
    %barrier3A = arith.constant 0 : index
    tpu.barrier barrier_id(%barrier3A)
    %scan3A_50 = arith.constant 0 : i32
    %scan3A_51 = arith.constant 0 : i32
    %scan3A_52 = arith.constant 8 : i32
    %scan3A_53 = arith.addi %scan3A_51, %scan3A_52 : i32
    %scan3A_54 = arith.constant 1 : i32
    %scan3A_55 = scf.for %scan3A_143 = %scan3A_51 to %scan3A_53 step %scan3A_54 iter_args(%scan3A_144 = %scan3A_50) -> (i32)  : i32 {
      %mul3A_145 = arith.constant 16 : i32
      %mul3A_146 = arith.muli %scan3A_143, %mul3A_145 : i32
      %swap3A = arith.index_cast %mul3A_146 : i32 to index
      %swap3A_147 = tpu.vector_load %arg13[%swap3A] {strides = array<i32>} : memref<128xi32, #tpu.memory_space<vmem>>, vector<16xi32>,
      tpu.vector_store %arg13[%swap3A], %broadcast_in_dim3A_38 {strides = array<i32>} : memref<128xi32, #tpu.memory_space<vmem>>, vector<16xi32>,
      %scan3A_148 = arith.constant 0 : i32
      scf.yield %scan3A_148 : i32
    }
    %scan3A_56 = arith.constant 8 : i32
    %scan3A_57 = arith.constant 0 : i32
    %scan3A_58 = arith.constant 0 : i32
    %scan3A_59 = arith.constant 8 : i32
    %scan3A_60 = arith.addi %scan3A_58, %scan3A_59 : i32
    %scan3A_61 = arith.constant 1 : i32
    %scan3A_62 = scf.for %scan3A_143 = %scan3A_58 to %scan3A_60 step %scan3A_61 iter_args(%scan3A_144 = %scan3A_57) -> (i32)  : i32 {
      %mul3A_145 = arith.constant 16 : i32
      %mul3A_146 = arith.muli %scan3A_143, %mul3A_145 : i32
      %swap3A = arith.index_cast %mul3A_146 : i32 to index
      %swap3A_147 = tpu.vector_load %arg14[%swap3A] {strides = array<i32>} : memref<128xi32, #tpu.memory_space<vmem>>, vector<16xi32>,
      tpu.vector_store %arg14[%swap3A], %broadcast_in_dim3A_38 {strides = array<i32>} : memref<128xi32, #tpu.memory_space<vmem>>, vector<16xi32>,
      %scan3A_148 = arith.constant 0 : i32
      scf.yield %scan3A_148 : i32
    }
    %scan3A_63 = arith.constant 8 : i32
    %dma_start3A = arith.constant 0 : i32
    %dma_start3A_64 = arith.constant 0 : i32
    %dma_start3A_65 = tpu.memref_slice %arg33[%dma_start3A, %dma_start3A_64] : memref<10240x32xf32, #tpu.memory_space<vmem_shared>> -> memref<10240x32xf32, #tpu.memory_space<vmem_shared>>
    tpu.enqueue_indirect_dma source(%arg16 : memref<128x32xf32, #tpu.memory_space<vmem>>) target(%dma_start3A_65 : memref<10240x32xf32, #tpu.memory_space<vmem_shared>>) offsets(%arg13 : memref<128xi32, #tpu.memory_space<vmem>>) semaphore(%arg38 : memref<!tpu.dma_semaphore, #tpu.memory_space<semaphore_mem>>) {add = true}
    %dma_start3A_66 = arith.constant 0 : i32
    %dma_start3A_67 = arith.constant 0 : i32
    %dma_start3A_68 = tpu.memref_slice %arg34[%dma_start3A_66, %dma_start3A_67] : memref<10240x8xf32, #tpu.memory_space<vmem_shared>> -> memref<10240x8xf32, #tpu.memory_space<vmem_shared>>
    tpu.enqueue_indirect_dma source(%arg25 : memref<128x8xf32, #tpu.memory_space<vmem>>) target(%dma_start3A_68 : memref<10240x8xf32, #tpu.memory_space<vmem_shared>>) offsets(%arg13 : memref<128xi32, #tpu.memory_space<vmem>>) semaphore(%arg39 : memref<!tpu.dma_semaphore, #tpu.memory_space<semaphore_mem>>) {add = true}
    %dma_start3A_69 = arith.constant 0 : i32
    %dma_start3A_70 = arith.constant 0 : i32
    %dma_start3A_71 = tpu.memref_slice %arg33[%dma_start3A_69, %dma_start3A_70] : memref<10240x32xf32, #tpu.memory_space<vmem_shared>> -> memref<10240x32xf32, #tpu.memory_space<vmem_shared>>
    tpu.enqueue_indirect_dma source(%arg17 : memref<128x32xf32, #tpu.memory_space<vmem>>) target(%dma_start3A_71 : memref<10240x32xf32, #tpu.memory_space<vmem_shared>>) offsets(%arg14 : memref<128xi32, #tpu.memory_space<vmem>>) semaphore(%arg38 : memref<!tpu.dma_semaphore, #tpu.memory_space<semaphore_mem>>) {add = true}
    %dma_start3A_72 = arith.constant 0 : i32
    %dma_start3A_73 = arith.constant 0 : i32
    %dma_start3A_74 = tpu.memref_slice %arg34[%dma_start3A_72, %dma_start3A_73] : memref<10240x8xf32, #tpu.memory_space<vmem_shared>> -> memref<10240x8xf32, #tpu.memory_space<vmem_shared>>
    tpu.enqueue_indirect_dma source(%arg26 : memref<128x8xf32, #tpu.memory_space<vmem>>) target(%dma_start3A_74 : memref<10240x8xf32, #tpu.memory_space<vmem_shared>>) offsets(%arg14 : memref<128xi32, #tpu.memory_space<vmem>>) semaphore(%arg39 : memref<!tpu.dma_semaphore, #tpu.memory_space<semaphore_mem>>) {add = true}
    %dma_start3A_75 = arith.constant 0 : i32
    %dma_start3A_76 = arith.constant 0 : i32
    %dma_start3A_77 = tpu.memref_slice %arg9[%dma_start3A_75, %dma_start3A_76] : memref<162x128xi32, #tpu.memory_space<vmem>> -> memref<1x128xi32, #tpu.memory_space<vmem>>
    %dma_start3A_78 = tpu.memref_squeeze %dma_start3A_77 : memref<1x128xi32, #tpu.memory_space<vmem>> -> memref<128xi32, #tpu.memory_space<vmem>>
    %dma_start3A_79 = arith.constant 0 : i32
    %dma_start3A_80 = arith.constant 0 : i32
    %dma_start3A_81 = tpu.memref_slice %arg4[%dma_start3A_79, %dma_start3A_80] : memref<20000x32xf32, #tpu.memory_space<hbm>> -> memref<20000x32xf32, #tpu.memory_space<hbm>>
    tpu.enqueue_indirect_dma source(%dma_start3A_81 : memref<20000x32xf32, #tpu.memory_space<hbm>>) target(%arg15 : memref<128x32xf32, #tpu.memory_space<vmem>>) offsets(%dma_start3A_78 : memref<128xi32, #tpu.memory_space<vmem>>) semaphore(%arg35 : memref<!tpu.dma_semaphore, #tpu.memory_space<semaphore_mem>>)
    %dma_start3A_82 = arith.constant 0 : i32
    %dma_start3A_83 = arith.constant 0 : i32
    %dma_start3A_84 = tpu.memref_slice %arg9[%dma_start3A_82, %dma_start3A_83] : memref<162x128xi32, #tpu.memory_space<vmem>> -> memref<1x128xi32, #tpu.memory_space<vmem>>
    %dma_start3A_85 = tpu.memref_squeeze %dma_start3A_84 : memref<1x128xi32, #tpu.memory_space<vmem>> -> memref<128xi32, #tpu.memory_space<vmem>>
    %dma_start3A_86 = arith.constant 0 : i32
    %dma_start3A_87 = arith.constant 0 : i32
    %dma_start3A_88 = tpu.memref_slice %arg5[%dma_start3A_86, %dma_start3A_87] : memref<20000x8xf32, #tpu.memory_space<hbm>> -> memref<20000x8xf32, #tpu.memory_space<hbm>>
    tpu.enqueue_indirect_dma source(%dma_start3A_88 : memref<20000x8xf32, #tpu.memory_space<hbm>>) target(%arg18 : memref<128x8xf32, #tpu.memory_space<vmem>>) offsets(%dma_start3A_85 : memref<128xi32, #tpu.memory_space<vmem>>) semaphore(%arg36 : memref<!tpu.dma_semaphore, #tpu.memory_space<semaphore_mem>>)
    %dma_start3A_89 = arith.constant 0 : i32
    %dma_start3A_90 = arith.constant 0 : i32
    %dma_start3A_91 = tpu.memref_slice %arg11[%dma_start3A_89, %dma_start3A_90] : memref<162x128xi32, #tpu.memory_space<vmem>> -> memref<1x128xi32, #tpu.memory_space<vmem>>
    %dma_start3A_92 = tpu.memref_squeeze %dma_start3A_91 : memref<1x128xi32, #tpu.memory_space<vmem>> -> memref<128xi32, #tpu.memory_space<vmem>>
    %dma_start3A_93 = arith.constant 0 : i32
    %dma_start3A_94 = arith.constant 0 : i32
    %dma_start3A_95 = tpu.memref_slice %arg6[%dma_start3A_93, %dma_start3A_94] : memref<20016x8xf32, #tpu.memory_space<hbm>> -> memref<20016x8xf32, #tpu.memory_space<hbm>>
    tpu.enqueue_indirect_dma source(%dma_start3A_95 : memref<20016x8xf32, #tpu.memory_space<hbm>>) target(%arg21 : memref<128x8xf32, #tpu.memory_space<vmem>>) offsets(%dma_start3A_92 : memref<128xi32, #tpu.memory_space<vmem>>) semaphore(%arg37 : memref<!tpu.dma_semaphore, #tpu.memory_space<semaphore_mem>>)
    %scan3A_96 = arith.constant 0 : i32
    %scan3A_97 = arith.constant 0 : i32
    %scan3A_98 = arith.constant 54 : i32
    %scan3A_99 = arith.addi %scan3A_97, %scan3A_98 : i32
    %scan3A_100 = arith.constant 1 : i32
    %scan3A_101 = scf.for %scan3A_143 = %scan3A_97 to %scan3A_99 step %scan3A_100 iter_args(%scan3A_144 = %scan3A_96) -> (i32)  : i32 {
      %mul3A_145 = arith.constant 3 : i32
      %mul3A_146 = arith.muli %scan3A_143, %mul3A_145 : i32
      %dma_wait3A_147 = arith.constant 0 : i32
      %dma_wait3A_148 = arith.constant 0 : i32
      %dma_wait3A_149 = tpu.memref_slice %arg33[%dma_wait3A_147, %dma_wait3A_148] : memref<10240x32xf32, #tpu.memory_space<vmem_shared>> -> memref<10240x32xf32, #tpu.memory_space<vmem_shared>>
      tpu.wait_indirect_dma semaphore(%arg38 : memref<!tpu.dma_semaphore, #tpu.memory_space<semaphore_mem>>) src(%arg16 : memref<128x32xf32, #tpu.memory_space<vmem>>) dst(%dma_wait3A_149 : memref<10240x32xf32, #tpu.memory_space<vmem_shared>>)
      %dma_wait3A_150 = arith.constant 0 : i32
      %dma_wait3A_151 = arith.constant 0 : i32
      %dma_wait3A_152 = tpu.memref_slice %arg34[%dma_wait3A_150, %dma_wait3A_151] : memref<10240x8xf32, #tpu.memory_space<vmem_shared>> -> memref<10240x8xf32, #tpu.memory_space<vmem_shared>>
      tpu.wait_indirect_dma semaphore(%arg39 : memref<!tpu.dma_semaphore, #tpu.memory_space<semaphore_mem>>) src(%arg25 : memref<128x8xf32, #tpu.memory_space<vmem>>) dst(%dma_wait3A_152 : memref<10240x8xf32, #tpu.memory_space<vmem_shared>>)
      %add3A = arith.constant 1 : i32
      %add3A_153 = arith.addi %mul3A_146, %add3A : i32
      %min3A = arith.constant 161 : i32
      %min3A_154 = arith.minsi %add3A_153, %min3A : i32
      %dma_start3A_155 = arith.constant 0 : i32
      %dma_start3A_156 = tpu.memref_slice %arg9[%min3A_154, %dma_start3A_155] : memref<162x128xi32, #tpu.memory_space<vmem>> -> memref<1x128xi32, #tpu.memory_space<vmem>>
      %dma_start3A_157 = tpu.memref_squeeze %dma_start3A_156 : memref<1x128xi32, #tpu.memory_space<vmem>> -> memref<128xi32, #tpu.memory_space<vmem>>
      %dma_start3A_158 = arith.constant 0 : i32
      %dma_start3A_159 = arith.constant 0 : i32
      %dma_start3A_160 = tpu.memref_slice %arg4[%dma_start3A_158, %dma_start3A_159] : memref<20000x32xf32, #tpu.memory_space<hbm>> -> memref<20000x32xf32, #tpu.memory_space<hbm>>
      tpu.enqueue_indirect_dma source(%dma_start3A_160 : memref<20000x32xf32, #tpu.memory_space<hbm>>) target(%arg16 : memref<128x32xf32, #tpu.memory_space<vmem>>) offsets(%dma_start3A_157 : memref<128xi32, #tpu.memory_space<vmem>>) semaphore(%arg35 : memref<!tpu.dma_semaphore, #tpu.memory_space<semaphore_mem>>)
      %dma_start3A_161 = arith.constant 0 : i32
      %dma_start3A_162 = tpu.memref_slice %arg9[%min3A_154, %dma_start3A_161] : memref<162x128xi32, #tpu.memory_space<vmem>> -> memref<1x128xi32, #tpu.memory_space<vmem>>
      %dma_start3A_163 = tpu.memref_squeeze %dma_start3A_162 : memref<1x128xi32, #tpu.memory_space<vmem>> -> memref<128xi32, #tpu.memory_space<vmem>>
      %dma_start3A_164 = arith.constant 0 : i32
      %dma_start3A_165 = arith.constant 0 : i32
      %dma_start3A_166 = tpu.memref_slice %arg5[%dma_start3A_164, %dma_start3A_165] : memref<20000x8xf32, #tpu.memory_space<hbm>> -> memref<20000x8xf32, #tpu.memory_space<hbm>>
      tpu.enqueue_indirect_dma source(%dma_start3A_166 : memref<20000x8xf32, #tpu.memory_space<hbm>>) target(%arg19 : memref<128x8xf32, #tpu.memory_space<vmem>>) offsets(%dma_start3A_163 : memref<128xi32, #tpu.memory_space<vmem>>) semaphore(%arg36 : memref<!tpu.dma_semaphore, #tpu.memory_space<semaphore_mem>>)
      %dma_start3A_167 = arith.constant 0 : i32
      %dma_start3A_168 = tpu.memref_slice %arg11[%min3A_154, %dma_start3A_167] : memref<162x128xi32, #tpu.memory_space<vmem>> -> memref<1x128xi32, #tpu.memory_space<vmem>>
      %dma_start3A_169 = tpu.memref_squeeze %dma_start3A_168 : memref<1x128xi32, #tpu.memory_space<vmem>> -> memref<128xi32, #tpu.memory_space<vmem>>
      %dma_start3A_170 = arith.constant 0 : i32
      %dma_start3A_171 = arith.constant 0 : i32
      %dma_start3A_172 = tpu.memref_slice %arg6[%dma_start3A_170, %dma_start3A_171] : memref<20016x8xf32, #tpu.memory_space<hbm>> -> memref<20016x8xf32, #tpu.memory_space<hbm>>
      tpu.enqueue_indirect_dma source(%dma_start3A_172 : memref<20016x8xf32, #tpu.memory_space<hbm>>) target(%arg22 : memref<128x8xf32, #tpu.memory_space<vmem>>) offsets(%dma_start3A_169 : memref<128xi32, #tpu.memory_space<vmem>>) semaphore(%arg37 : memref<!tpu.dma_semaphore, #tpu.memory_space<semaphore_mem>>)
      %scan3A_173 = arith.constant 0 : i32
      %scan3A_174 = arith.constant 0 : i32
      %scan3A_175 = arith.constant 8 : i32
      %scan3A_176 = arith.addi %scan3A_174, %scan3A_175 : i32
      %scan3A_177 = arith.constant 1 : i32
      %scan3A_178 = scf.for %scan3A_369 = %scan3A_174 to %scan3A_176 step %scan3A_177 iter_args(%scan3A_370 = %scan3A_173) -> (i32)  : i32 {
        %mul3A_371 = arith.constant 16 : i32
        %mul3A_372 = arith.muli %scan3A_369, %mul3A_371 : i32
        %get3A_373 = arith.index_cast %mul3A_146 : i32 to index
        %get3A_374 = arith.index_cast %mul3A_372 : i32 to index
        %get3A_375 = tpu.vector_load %arg10[%get3A_373, %get3A_374] {strides = array<i32>} : memref<162x128xi32, #tpu.memory_space<vmem>>, vector<16xi32>,
        %sub3A = arith.subi %get3A_375, %broadcast_in_dim3A_40 : vector<16xi32>
        %swap3A = arith.index_cast %mul3A_372 : i32 to index
        %swap3A_376 = tpu.vector_load %arg12[%swap3A] {strides = array<i32>} : memref<128xi32, #tpu.memory_space<vmem>>, vector<16xi32>,
        tpu.vector_store %arg12[%swap3A], %sub3A {strides = array<i32>} : memref<128xi32, #tpu.memory_space<vmem>>, vector<16xi32>,
        %scan3A_377 = arith.constant 0 : i32
        scf.yield %scan3A_377 : i32
      }
      %scan3A_179 = arith.constant 8 : i32
      %dma_wait3A_180 = arith.constant 0 : i32
      %dma_wait3A_181 = tpu.memref_slice %arg9[%mul3A_146, %dma_wait3A_180] : memref<162x128xi32, #tpu.memory_space<vmem>> -> memref<1x128xi32, #tpu.memory_space<vmem>>
      %dma_wait3A_182 = tpu.memref_squeeze %dma_wait3A_181 : memref<1x128xi32, #tpu.memory_space<vmem>> -> memref<128xi32, #tpu.memory_space<vmem>>
      %dma_wait3A_183 = arith.constant 0 : i32
      %dma_wait3A_184 = arith.constant 0 : i32
      %dma_wait3A_185 = tpu.memref_slice %arg5[%dma_wait3A_183, %dma_wait3A_184] : memref<20000x8xf32, #tpu.memory_space<hbm>> -> memref<20000x8xf32, #tpu.memory_space<hbm>>
      tpu.wait_indirect_dma semaphore(%arg36 : memref<!tpu.dma_semaphore, #tpu.memory_space<semaphore_mem>>) src(%dma_wait3A_185 : memref<20000x8xf32, #tpu.memory_space<hbm>>) dst(%arg18 : memref<128x8xf32, #tpu.memory_space<vmem>>)
      %dma_wait3A_186 = arith.constant 0 : i32
      %dma_wait3A_187 = tpu.memref_slice %arg11[%mul3A_146, %dma_wait3A_186] : memref<162x128xi32, #tpu.memory_space<vmem>> -> memref<1x128xi32, #tpu.memory_space<vmem>>
      %dma_wait3A_188 = tpu.memref_squeeze %dma_wait3A_187 : memref<1x128xi32, #tpu.memory_space<vmem>> -> memref<128xi32, #tpu.memory_space<vmem>>
      %dma_wait3A_189 = arith.constant 0 : i32
      %dma_wait3A_190 = arith.constant 0 : i32
      %dma_wait3A_191 = tpu.memref_slice %arg6[%dma_wait3A_189, %dma_wait3A_190] : memref<20016x8xf32, #tpu.memory_space<hbm>> -> memref<20016x8xf32, #tpu.memory_space<hbm>>
      tpu.wait_indirect_dma semaphore(%arg37 : memref<!tpu.dma_semaphore, #tpu.memory_space<semaphore_mem>>) src(%dma_wait3A_191 : memref<20016x8xf32, #tpu.memory_space<hbm>>) dst(%arg21 : memref<128x8xf32, #tpu.memory_space<vmem>>)
      %scan3A_192 = arith.constant 0 : i32
      %scan3A_193 = arith.constant 0 : i32
      %scan3A_194 = arith.constant 32 : i32
      %scan3A_195 = arith.addi %scan3A_193, %scan3A_194 : i32
      %scan3A_196 = arith.constant 1 : i32
      %scan3A_197 = scf.for %scan3A_369 = %scan3A_193 to %scan3A_195 step %scan3A_196 iter_args(%scan3A_370 = %scan3A_192) -> (i32)  : i32 {
        %mul3A_371 = arith.constant 4 : i32
        %mul3A_372 = arith.muli %scan3A_369, %mul3A_371 : i32
        %broadcast_in_dim3A_373 = vector.broadcast %mul3A_372 : i32 to vector<16xi32>
        %add3A_374 = arith.addi %broadcast_in_dim3A_373, %shift_right_arithmetic3A_26 : vector<16xi32>
        %gather3A = tpu.vector_load_idx %arg18[%add3A_374, %and3A_29] : memref<128x8xf32, #tpu.memory_space<vmem>>[vector<16xi32>, vector<16xi32>], vector<16xf32>,
        %gather3A_375 = tpu.vector_load_idx %arg21[%add3A_374, %and3A_29] : memref<128x8xf32, #tpu.memory_space<vmem>>[vector<16xi32>, vector<16xi32>], vector<16xf32>,
        %add3A_376 = arith.addf %gather3A, %gather3A_375 : vector<16xf32>
        %ge3A = arith.constant 0.000000e+00 : f32
        %ge3A_377 = vector.broadcast %ge3A : f32 to vector<16xf32>
        %ge3A_378 = arith.cmpf oge, %add3A_376, %ge3A_377 : vector<16xf32>
        %mul3A_379 = arith.constant 2.000000e-01 : f32
        %mul3A_380 = vector.broadcast %mul3A_379 : f32 to vector<16xf32>
        %mul3A_381 = arith.mulf %mul3A_380, %add3A_376 : vector<16xf32>
        %select_n3A = arith.select %ge3A_378, %add3A_376, %mul3A_381 : vector<16xi1>, vector<16xf32>
        %sub3A = arith.subf %select_n3A, %get3A_1 : vector<16xf32>
        %exp3A = math.exp %sub3A : vector<16xf32>
        tpu.vector_store_idx %arg24[%add3A_374, %and3A_29], %exp3A : memref<128x8xf32, #tpu.memory_space<vmem>>[vector<16xi32>, vector<16xi32>], vector<16xf32>,
        %scan3A_382 = arith.constant 0 : i32
        scf.yield %scan3A_382 : i32
      }
      %scan3A_198 = arith.constant 32 : i32
      %dma_wait3A_199 = arith.constant 0 : i32
      %dma_wait3A_200 = tpu.memref_slice %arg9[%mul3A_146, %dma_wait3A_199] : memref<162x128xi32, #tpu.memory_space<vmem>> -> memref<1x128xi32, #tpu.memory_space<vmem>>
      %dma_wait3A_201 = tpu.memref_squeeze %dma_wait3A_200 : memref<1x128xi32, #tpu.memory_space<vmem>> -> memref<128xi32, #tpu.memory_space<vmem>>
      %dma_wait3A_202 = arith.constant 0 : i32
      %dma_wait3A_203 = arith.constant 0 : i32
      %dma_wait3A_204 = tpu.memref_slice %arg4[%dma_wait3A_202, %dma_wait3A_203] : memref<20000x32xf32, #tpu.memory_space<hbm>> -> memref<20000x32xf32, #tpu.memory_space<hbm>>
      tpu.wait_indirect_dma semaphore(%arg35 : memref<!tpu.dma_semaphore, #tpu.memory_space<semaphore_mem>>) src(%dma_wait3A_204 : memref<20000x32xf32, #tpu.memory_space<hbm>>) dst(%arg15 : memref<128x32xf32, #tpu.memory_space<vmem>>)
      %scan3A_205 = arith.constant 0 : i32
      %scan3A_206 = arith.constant 0 : i32
      %scan3A_207 = arith.constant 128 : i32
      %scan3A_208 = arith.addi %scan3A_206, %scan3A_207 : i32
      %scan3A_209 = arith.constant 1 : i32
      %scan3A_210 = scf.for %scan3A_369 = %scan3A_206 to %scan3A_208 step %scan3A_209 iter_args(%scan3A_370 = %scan3A_205) -> (i32)  : i32 {
        %broadcast_in_dim3A_371 = vector.broadcast %scan3A_369 : i32 to vector<16xi32>
        %scan3A_372 = arith.constant 0 : i32
        %scan3A_373 = arith.constant 0 : i32
        %scan3A_374 = arith.constant 2 : i32
        %scan3A_375 = arith.addi %scan3A_373, %scan3A_374 : i32
        %scan3A_376 = arith.constant 1 : i32
        %scan3A_377 = scf.for %scan3A_379 = %scan3A_373 to %scan3A_375 step %scan3A_376 iter_args(%scan3A_380 = %scan3A_372) -> (i32)  : i32 {
          %mul3A_381 = arith.constant 16 : i32
          %mul3A_382 = arith.muli %scan3A_379, %mul3A_381 : i32
          %broadcast_in_dim3A_383 = vector.broadcast %mul3A_382 : i32 to vector<16xi32>
          %add3A_384 = arith.addi %broadcast_in_dim3A_383, %iota3A : vector<16xi32>
          %shift_right_arithmetic3A_385 = arith.constant 3 : i32
          %shift_right_arithmetic3A_386 = vector.broadcast %shift_right_arithmetic3A_385 : i32 to vector<16xi32>
          %shift_right_arithmetic3A_387 = arith.shrsi %add3A_384, %shift_right_arithmetic3A_386 : vector<16xi32>
          %gather3A = tpu.vector_load_idx %arg24[%broadcast_in_dim3A_371, %shift_right_arithmetic3A_387] : memref<128x8xf32, #tpu.memory_space<vmem>>[vector<16xi32>, vector<16xi32>], vector<16xf32>,
          %get3A_388 = arith.index_cast %scan3A_369 : i32 to index
          %get3A_389 = arith.index_cast %mul3A_382 : i32 to index
          %get3A_390 = tpu.vector_load %arg15[%get3A_388, %get3A_389] {strides = array<i32>} : memref<128x32xf32, #tpu.memory_space<vmem>>, vector<16xf32>,
          %mul3A_391 = arith.mulf %get3A_390, %gather3A : vector<16xf32>
          %swap3A = arith.index_cast %scan3A_369 : i32 to index
          %swap3A_392 = arith.index_cast %mul3A_382 : i32 to index
          %swap3A_393 = tpu.vector_load %arg15[%swap3A, %swap3A_392] {strides = array<i32>} : memref<128x32xf32, #tpu.memory_space<vmem>>, vector<16xf32>,
          tpu.vector_store %arg15[%swap3A, %swap3A_392], %mul3A_391 {strides = array<i32>} : memref<128x32xf32, #tpu.memory_space<vmem>>, vector<16xf32>,
          %scan3A_394 = arith.constant 0 : i32
          scf.yield %scan3A_394 : i32
        }
        %scan3A_378 = arith.constant 2 : i32
        scf.yield %scan3A_377 : i32
      }
      %scan3A_211 = arith.constant 128 : i32
      %dma_start3A_212 = arith.constant 0 : i32
      %dma_start3A_213 = arith.constant 0 : i32
      %dma_start3A_214 = tpu.memref_slice %arg33[%dma_start3A_212, %dma_start3A_213] : memref<10240x32xf32, #tpu.memory_space<vmem_shared>> -> memref<10240x32xf32, #tpu.memory_space<vmem_shared>>
      tpu.enqueue_indirect_dma source(%arg15 : memref<128x32xf32, #tpu.memory_space<vmem>>) target(%dma_start3A_214 : memref<10240x32xf32, #tpu.memory_space<vmem_shared>>) offsets(%arg12 : memref<128xi32, #tpu.memory_space<vmem>>) semaphore(%arg38 : memref<!tpu.dma_semaphore, #tpu.memory_space<semaphore_mem>>) {add = true}
      %dma_start3A_215 = arith.constant 0 : i32
      %dma_start3A_216 = arith.constant 0 : i32
      %dma_start3A_217 = tpu.memref_slice %arg34[%dma_start3A_215, %dma_start3A_216] : memref<10240x8xf32, #tpu.memory_space<vmem_shared>> -> memref<10240x8xf32, #tpu.memory_space<vmem_shared>>
      tpu.enqueue_indirect_dma source(%arg24 : memref<128x8xf32, #tpu.memory_space<vmem>>) target(%dma_start3A_217 : memref<10240x8xf32, #tpu.memory_space<vmem_shared>>) offsets(%arg12 : memref<128xi32, #tpu.memory_space<vmem>>) semaphore(%arg39 : memref<!tpu.dma_semaphore, #tpu.memory_space<semaphore_mem>>) {add = true}
      %add3A_218 = arith.constant 1 : i32
      %add3A_219 = arith.addi %mul3A_146, %add3A_218 : i32
      %dma_wait3A_220 = arith.constant 0 : i32
      %dma_wait3A_221 = arith.constant 0 : i32
      %dma_wait3A_222 = tpu.memref_slice %arg33[%dma_wait3A_220, %dma_wait3A_221] : memref<10240x32xf32, #tpu.memory_space<vmem_shared>> -> memref<10240x32xf32, #tpu.memory_space<vmem_shared>>
      tpu.wait_indirect_dma semaphore(%arg38 : memref<!tpu.dma_semaphore, #tpu.memory_space<semaphore_mem>>) src(%arg17 : memref<128x32xf32, #tpu.memory_space<vmem>>) dst(%dma_wait3A_222 : memref<10240x32xf32, #tpu.memory_space<vmem_shared>>)
      %dma_wait3A_223 = arith.constant 0 : i32
      %dma_wait3A_224 = arith.constant 0 : i32
      %dma_wait3A_225 = tpu.memref_slice %arg34[%dma_wait3A_223, %dma_wait3A_224] : memref<10240x8xf32, #tpu.memory_space<vmem_shared>> -> memref<10240x8xf32, #tpu.memory_space<vmem_shared>>
      tpu.wait_indirect_dma semaphore(%arg39 : memref<!tpu.dma_semaphore, #tpu.memory_space<semaphore_mem>>) src(%arg26 : memref<128x8xf32, #tpu.memory_space<vmem>>) dst(%dma_wait3A_225 : memref<10240x8xf32, #tpu.memory_space<vmem_shared>>)
      %add3A_226 = arith.constant 1 : i32
      %add3A_227 = arith.addi %add3A_219, %add3A_226 : i32
      %min3A_228 = arith.constant 161 : i32
      %min3A_229 = arith.minsi %add3A_227, %min3A_228 : i32
      %dma_start3A_230 = arith.constant 0 : i32
      %dma_start3A_231 = tpu.memref_slice %arg9[%min3A_229, %dma_start3A_230] : memref<162x128xi32, #tpu.memory_space<vmem>> -> memref<1x128xi32, #tpu.memory_space<vmem>>
      %dma_start3A_232 = tpu.memref_squeeze %dma_start3A_231 : memref<1x128xi32, #tpu.memory_space<vmem>> -> memref<128xi32, #tpu.memory_space<vmem>>
      %dma_start3A_233 = arith.constant 0 : i32
      %dma_start3A_234 = arith.constant 0 : i32
      %dma_start3A_235 = tpu.memref_slice %arg4[%dma_start3A_233, %dma_start3A_234] : memref<20000x32xf32, #tpu.memory_space<hbm>> -> memref<20000x32xf32, #tpu.memory_space<hbm>>
      tpu.enqueue_indirect_dma source(%dma_start3A_235 : memref<20000x32xf32, #tpu.memory_space<hbm>>) target(%arg17 : memref<128x32xf32, #tpu.memory_space<vmem>>) offsets(%dma_start3A_232 : memref<128xi32, #tpu.memory_space<vmem>>) semaphore(%arg35 : memref<!tpu.dma_semaphore, #tpu.memory_space<semaphore_mem>>)
      %dma_start3A_236 = arith.constant 0 : i32
      %dma_start3A_237 = tpu.memref_slice %arg9[%min3A_229, %dma_start3A_236] : memref<162x128xi32, #tpu.memory_space<vmem>> -> memref<1x128xi32, #tpu.memory_space<vmem>>
      %dma_start3A_238 = tpu.memref_squeeze %dma_start3A_237 : memref<1x128xi32, #tpu.memory_space<vmem>> -> memref<128xi32, #tpu.memory_space<vmem>>
      %dma_start3A_239 = arith.constant 0 : i32
      %dma_start3A_240 = arith.constant 0 : i32
      %dma_start3A_241 = tpu.memref_slice %arg5[%dma_start3A_239, %dma_start3A_240] : memref<20000x8xf32, #tpu.memory_space<hbm>> -> memref<20000x8xf32, #tpu.memory_space<hbm>>
      tpu.enqueue_indirect_dma source(%dma_start3A_241 : memref<20000x8xf32, #tpu.memory_space<hbm>>) target(%arg20 : memref<128x8xf32, #tpu.memory_space<vmem>>) offsets(%dma_start3A_238 : memref<128xi32, #tpu.memory_space<vmem>>) semaphore(%arg36 : memref<!tpu.dma_semaphore, #tpu.memory_space<semaphore_mem>>)
      %dma_start3A_242 = arith.constant 0 : i32
      %dma_start3A_243 = tpu.memref_slice %arg11[%min3A_229, %dma_start3A_242] : memref<162x128xi32, #tpu.memory_space<vmem>> -> memref<1x128xi32, #tpu.memory_space<vmem>>
      %dma_start3A_244 = tpu.memref_squeeze %dma_start3A_243 : memref<1x128xi32, #tpu.memory_space<vmem>> -> memref<128xi32, #tpu.memory_space<vmem>>
      %dma_start3A_245 = arith.constant 0 : i32
      %dma_start3A_246 = arith.constant 0 : i32
      %dma_start3A_247 = tpu.memref_slice %arg6[%dma_start3A_245, %dma_start3A_246] : memref<20016x8xf32, #tpu.memory_space<hbm>> -> memref<20016x8xf32, #tpu.memory_space<hbm>>
      tpu.enqueue_indirect_dma source(%dma_start3A_247 : memref<20016x8xf32, #tpu.memory_space<hbm>>) target(%arg23 : memref<128x8xf32, #tpu.memory_space<vmem>>) offsets(%dma_start3A_244 : memref<128xi32, #tpu.memory_space<vmem>>) semaphore(%arg37 : memref<!tpu.dma_semaphore, #tpu.memory_space<semaphore_mem>>)
      %scan3A_248 = arith.constant 0 : i32
      %scan3A_249 = arith.constant 0 : i32
      %scan3A_250 = arith.constant 8 : i32
      %scan3A_251 = arith.addi %scan3A_249, %scan3A_250 : i32
      %scan3A_252 = arith.constant 1 : i32
      %scan3A_253 = scf.for %scan3A_369 = %scan3A_249 to %scan3A_251 step %scan3A_252 iter_args(%scan3A_370 = %scan3A_248) -> (i32)  : i32 {
        %mul3A_371 = arith.constant 16 : i32
        %mul3A_372 = arith.muli %scan3A_369, %mul3A_371 : i32
        %get3A_373 = arith.index_cast %add3A_219 : i32 to index
        %get3A_374 = arith.index_cast %mul3A_372 : i32 to index
        %get3A_375 = tpu.vector_load %arg10[%get3A_373, %get3A_374] {strides = array<i32>} : memref<162x128xi32, #tpu.memory_space<vmem>>, vector<16xi32>,
        %sub3A = arith.subi %get3A_375, %broadcast_in_dim3A_40 : vector<16xi32>
        %swap3A = arith.index_cast %mul3A_372 : i32 to index
        %swap3A_376 = tpu.vector_load %arg13[%swap3A] {strides = array<i32>} : memref<128xi32, #tpu.memory_space<vmem>>, vector<16xi32>,
        tpu.vector_store %arg13[%swap3A], %sub3A {strides = array<i32>} : memref<128xi32, #tpu.memory_space<vmem>>, vector<16xi32>,
        %scan3A_377 = arith.constant 0 : i32
        scf.yield %scan3A_377 : i32
      }
      %scan3A_254 = arith.constant 8 : i32
      %dma_wait3A_255 = arith.constant 0 : i32
      %dma_wait3A_256 = tpu.memref_slice %arg9[%add3A_219, %dma_wait3A_255] : memref<162x128xi32, #tpu.memory_space<vmem>> -> memref<1x128xi32, #tpu.memory_space<vmem>>
      %dma_wait3A_257 = tpu.memref_squeeze %dma_wait3A_256 : memref<1x128xi32, #tpu.memory_space<vmem>> -> memref<128xi32, #tpu.memory_space<vmem>>
      %dma_wait3A_258 = arith.constant 0 : i32
      %dma_wait3A_259 = arith.constant 0 : i32
      %dma_wait3A_260 = tpu.memref_slice %arg5[%dma_wait3A_258, %dma_wait3A_259] : memref<20000x8xf32, #tpu.memory_space<hbm>> -> memref<20000x8xf32, #tpu.memory_space<hbm>>
      tpu.wait_indirect_dma semaphore(%arg36 : memref<!tpu.dma_semaphore, #tpu.memory_space<semaphore_mem>>) src(%dma_wait3A_260 : memref<20000x8xf32, #tpu.memory_space<hbm>>) dst(%arg19 : memref<128x8xf32, #tpu.memory_space<vmem>>)
      %dma_wait3A_261 = arith.constant 0 : i32
      %dma_wait3A_262 = tpu.memref_slice %arg11[%add3A_219, %dma_wait3A_261] : memref<162x128xi32, #tpu.memory_space<vmem>> -> memref<1x128xi32, #tpu.memory_space<vmem>>
      %dma_wait3A_263 = tpu.memref_squeeze %dma_wait3A_262 : memref<1x128xi32, #tpu.memory_space<vmem>> -> memref<128xi32, #tpu.memory_space<vmem>>
      %dma_wait3A_264 = arith.constant 0 : i32
      %dma_wait3A_265 = arith.constant 0 : i32
      %dma_wait3A_266 = tpu.memref_slice %arg6[%dma_wait3A_264, %dma_wait3A_265] : memref<20016x8xf32, #tpu.memory_space<hbm>> -> memref<20016x8xf32, #tpu.memory_space<hbm>>
      tpu.wait_indirect_dma semaphore(%arg37 : memref<!tpu.dma_semaphore, #tpu.memory_space<semaphore_mem>>) src(%dma_wait3A_266 : memref<20016x8xf32, #tpu.memory_space<hbm>>) dst(%arg22 : memref<128x8xf32, #tpu.memory_space<vmem>>)
      %scan3A_267 = arith.constant 0 : i32
      %scan3A_268 = arith.constant 0 : i32
      %scan3A_269 = arith.constant 32 : i32
      %scan3A_270 = arith.addi %scan3A_268, %scan3A_269 : i32
      %scan3A_271 = arith.constant 1 : i32
      %scan3A_272 = scf.for %scan3A_369 = %scan3A_268 to %scan3A_270 step %scan3A_271 iter_args(%scan3A_370 = %scan3A_267) -> (i32)  : i32 {
        %mul3A_371 = arith.constant 4 : i32
        %mul3A_372 = arith.muli %scan3A_369, %mul3A_371 : i32
        %broadcast_in_dim3A_373 = vector.broadcast %mul3A_372 : i32 to vector<16xi32>
        %add3A_374 = arith.addi %broadcast_in_dim3A_373, %shift_right_arithmetic3A_26 : vector<16xi32>
        %gather3A = tpu.vector_load_idx %arg19[%add3A_374, %and3A_29] : memref<128x8xf32, #tpu.memory_space<vmem>>[vector<16xi32>, vector<16xi32>], vector<16xf32>,
        %gather3A_375 = tpu.vector_load_idx %arg22[%add3A_374, %and3A_29] : memref<128x8xf32, #tpu.memory_space<vmem>>[vector<16xi32>, vector<16xi32>], vector<16xf32>,
        %add3A_376 = arith.addf %gather3A, %gather3A_375 : vector<16xf32>
        %ge3A = arith.constant 0.000000e+00 : f32
        %ge3A_377 = vector.broadcast %ge3A : f32 to vector<16xf32>
        %ge3A_378 = arith.cmpf oge, %add3A_376, %ge3A_377 : vector<16xf32>
        %mul3A_379 = arith.constant 2.000000e-01 : f32
        %mul3A_380 = vector.broadcast %mul3A_379 : f32 to vector<16xf32>
        %mul3A_381 = arith.mulf %mul3A_380, %add3A_376 : vector<16xf32>
        %select_n3A = arith.select %ge3A_378, %add3A_376, %mul3A_381 : vector<16xi1>, vector<16xf32>
        %sub3A = arith.subf %select_n3A, %get3A_1 : vector<16xf32>
        %exp3A = math.exp %sub3A : vector<16xf32>
        tpu.vector_store_idx %arg25[%add3A_374, %and3A_29], %exp3A : memref<128x8xf32, #tpu.memory_space<vmem>>[vector<16xi32>, vector<16xi32>], vector<16xf32>,
        %scan3A_382 = arith.constant 0 : i32
        scf.yield %scan3A_382 : i32
      }
      %scan3A_273 = arith.constant 32 : i32
      %dma_wait3A_274 = arith.constant 0 : i32
      %dma_wait3A_275 = tpu.memref_slice %arg9[%add3A_219, %dma_wait3A_274] : memref<162x128xi32, #tpu.memory_space<vmem>> -> memref<1x128xi32, #tpu.memory_space<vmem>>
      %dma_wait3A_276 = tpu.memref_squeeze %dma_wait3A_275 : memref<1x128xi32, #tpu.memory_space<vmem>> -> memref<128xi32, #tpu.memory_space<vmem>>
      %dma_wait3A_277 = arith.constant 0 : i32
      %dma_wait3A_278 = arith.constant 0 : i32
      %dma_wait3A_279 = tpu.memref_slice %arg4[%dma_wait3A_277, %dma_wait3A_278] : memref<20000x32xf32, #tpu.memory_space<hbm>> -> memref<20000x32xf32, #tpu.memory_space<hbm>>
      tpu.wait_indirect_dma semaphore(%arg35 : memref<!tpu.dma_semaphore, #tpu.memory_space<semaphore_mem>>) src(%dma_wait3A_279 : memref<20000x32xf32, #tpu.memory_space<hbm>>) dst(%arg16 : memref<128x32xf32, #tpu.memory_space<vmem>>)
      %scan3A_280 = arith.constant 0 : i32
      %scan3A_281 = arith.constant 0 : i32
      %scan3A_282 = arith.constant 128 : i32
      %scan3A_283 = arith.addi %scan3A_281, %scan3A_282 : i32
      %scan3A_284 = arith.constant 1 : i32
      %scan3A_285 = scf.for %scan3A_369 = %scan3A_281 to %scan3A_283 step %scan3A_284 iter_args(%scan3A_370 = %scan3A_280) -> (i32)  : i32 {
        %broadcast_in_dim3A_371 = vector.broadcast %scan3A_369 : i32 to vector<16xi32>
        %scan3A_372 = arith.constant 0 : i32
        %scan3A_373 = arith.constant 0 : i32
        %scan3A_374 = arith.constant 2 : i32
        %scan3A_375 = arith.addi %scan3A_373, %scan3A_374 : i32
        %scan3A_376 = arith.constant 1 : i32
        %scan3A_377 = scf.for %scan3A_379 = %scan3A_373 to %scan3A_375 step %scan3A_376 iter_args(%scan3A_380 = %scan3A_372) -> (i32)  : i32 {
          %mul3A_381 = arith.constant 16 : i32
          %mul3A_382 = arith.muli %scan3A_379, %mul3A_381 : i32
          %broadcast_in_dim3A_383 = vector.broadcast %mul3A_382 : i32 to vector<16xi32>
          %add3A_384 = arith.addi %broadcast_in_dim3A_383, %iota3A : vector<16xi32>
          %shift_right_arithmetic3A_385 = arith.constant 3 : i32
          %shift_right_arithmetic3A_386 = vector.broadcast %shift_right_arithmetic3A_385 : i32 to vector<16xi32>
          %shift_right_arithmetic3A_387 = arith.shrsi %add3A_384, %shift_right_arithmetic3A_386 : vector<16xi32>
          %gather3A = tpu.vector_load_idx %arg25[%broadcast_in_dim3A_371, %shift_right_arithmetic3A_387] : memref<128x8xf32, #tpu.memory_space<vmem>>[vector<16xi32>, vector<16xi32>], vector<16xf32>,
          %get3A_388 = arith.index_cast %scan3A_369 : i32 to index
          %get3A_389 = arith.index_cast %mul3A_382 : i32 to index
          %get3A_390 = tpu.vector_load %arg16[%get3A_388, %get3A_389] {strides = array<i32>} : memref<128x32xf32, #tpu.memory_space<vmem>>, vector<16xf32>,
          %mul3A_391 = arith.mulf %get3A_390, %gather3A : vector<16xf32>
          %swap3A = arith.index_cast %scan3A_369 : i32 to index
          %swap3A_392 = arith.index_cast %mul3A_382 : i32 to index
          %swap3A_393 = tpu.vector_load %arg16[%swap3A, %swap3A_392] {strides = array<i32>} : memref<128x32xf32, #tpu.memory_space<vmem>>, vector<16xf32>,
          tpu.vector_store %arg16[%swap3A, %swap3A_392], %mul3A_391 {strides = array<i32>} : memref<128x32xf32, #tpu.memory_space<vmem>>, vector<16xf32>,
          %scan3A_394 = arith.constant 0 : i32
          scf.yield %scan3A_394 : i32
        }
        %scan3A_378 = arith.constant 2 : i32
        scf.yield %scan3A_377 : i32
      }
      %scan3A_286 = arith.constant 128 : i32
      %dma_start3A_287 = arith.constant 0 : i32
      %dma_start3A_288 = arith.constant 0 : i32
      %dma_start3A_289 = tpu.memref_slice %arg33[%dma_start3A_287, %dma_start3A_288] : memref<10240x32xf32, #tpu.memory_space<vmem_shared>> -> memref<10240x32xf32, #tpu.memory_space<vmem_shared>>
      tpu.enqueue_indirect_dma source(%arg16 : memref<128x32xf32, #tpu.memory_space<vmem>>) target(%dma_start3A_289 : memref<10240x32xf32, #tpu.memory_space<vmem_shared>>) offsets(%arg13 : memref<128xi32, #tpu.memory_space<vmem>>) semaphore(%arg38 : memref<!tpu.dma_semaphore, #tpu.memory_space<semaphore_mem>>) {add = true}
      %dma_start3A_290 = arith.constant 0 : i32
      %dma_start3A_291 = arith.constant 0 : i32
      %dma_start3A_292 = tpu.memref_slice %arg34[%dma_start3A_290, %dma_start3A_291] : memref<10240x8xf32, #tpu.memory_space<vmem_shared>> -> memref<10240x8xf32, #tpu.memory_space<vmem_shared>>
      tpu.enqueue_indirect_dma source(%arg25 : memref<128x8xf32, #tpu.memory_space<vmem>>) target(%dma_start3A_292 : memref<10240x8xf32, #tpu.memory_space<vmem_shared>>) offsets(%arg13 : memref<128xi32, #tpu.memory_space<vmem>>) semaphore(%arg39 : memref<!tpu.dma_semaphore, #tpu.memory_space<semaphore_mem>>) {add = true}
      %add3A_293 = arith.constant 2 : i32
      %add3A_294 = arith.addi %mul3A_146, %add3A_293 : i32
      %dma_wait3A_295 = arith.constant 0 : i32
      %dma_wait3A_296 = arith.constant 0 : i32
      %dma_wait3A_297 = tpu.memref_slice %arg33[%dma_wait3A_295, %dma_wait3A_296] : memref<10240x32xf32, #tpu.memory_space<vmem_shared>> -> memref<10240x32xf32, #tpu.memory_space<vmem_shared>>
      tpu.wait_indirect_dma semaphore(%arg38 : memref<!tpu.dma_semaphore, #tpu.memory_space<semaphore_mem>>) src(%arg15 : memref<128x32xf32, #tpu.memory_space<vmem>>) dst(%dma_wait3A_297 : memref<10240x32xf32, #tpu.memory_space<vmem_shared>>)
      %dma_wait3A_298 = arith.constant 0 : i32
      %dma_wait3A_299 = arith.constant 0 : i32
      %dma_wait3A_300 = tpu.memref_slice %arg34[%dma_wait3A_298, %dma_wait3A_299] : memref<10240x8xf32, #tpu.memory_space<vmem_shared>> -> memref<10240x8xf32, #tpu.memory_space<vmem_shared>>
      tpu.wait_indirect_dma semaphore(%arg39 : memref<!tpu.dma_semaphore, #tpu.memory_space<semaphore_mem>>) src(%arg24 : memref<128x8xf32, #tpu.memory_space<vmem>>) dst(%dma_wait3A_300 : memref<10240x8xf32, #tpu.memory_space<vmem_shared>>)
      %add3A_301 = arith.constant 1 : i32
      %add3A_302 = arith.addi %add3A_294, %add3A_301 : i32
      %min3A_303 = arith.constant 161 : i32
      %min3A_304 = arith.minsi %add3A_302, %min3A_303 : i32
      %dma_start3A_305 = arith.constant 0 : i32
      %dma_start3A_306 = tpu.memref_slice %arg9[%min3A_304, %dma_start3A_305] : memref<162x128xi32, #tpu.memory_space<vmem>> -> memref<1x128xi32, #tpu.memory_space<vmem>>
      %dma_start3A_307 = tpu.memref_squeeze %dma_start3A_306 : memref<1x128xi32, #tpu.memory_space<vmem>> -> memref<128xi32, #tpu.memory_space<vmem>>
      %dma_start3A_308 = arith.constant 0 : i32
      %dma_start3A_309 = arith.constant 0 : i32
      %dma_start3A_310 = tpu.memref_slice %arg4[%dma_start3A_308, %dma_start3A_309] : memref<20000x32xf32, #tpu.memory_space<hbm>> -> memref<20000x32xf32, #tpu.memory_space<hbm>>
      tpu.enqueue_indirect_dma source(%dma_start3A_310 : memref<20000x32xf32, #tpu.memory_space<hbm>>) target(%arg15 : memref<128x32xf32, #tpu.memory_space<vmem>>) offsets(%dma_start3A_307 : memref<128xi32, #tpu.memory_space<vmem>>) semaphore(%arg35 : memref<!tpu.dma_semaphore, #tpu.memory_space<semaphore_mem>>)
      %dma_start3A_311 = arith.constant 0 : i32
      %dma_start3A_312 = tpu.memref_slice %arg9[%min3A_304, %dma_start3A_311] : memref<162x128xi32, #tpu.memory_space<vmem>> -> memref<1x128xi32, #tpu.memory_space<vmem>>
      %dma_start3A_313 = tpu.memref_squeeze %dma_start3A_312 : memref<1x128xi32, #tpu.memory_space<vmem>> -> memref<128xi32, #tpu.memory_space<vmem>>
      %dma_start3A_314 = arith.constant 0 : i32
      %dma_start3A_315 = arith.constant 0 : i32
      %dma_start3A_316 = tpu.memref_slice %arg5[%dma_start3A_314, %dma_start3A_315] : memref<20000x8xf32, #tpu.memory_space<hbm>> -> memref<20000x8xf32, #tpu.memory_space<hbm>>
      tpu.enqueue_indirect_dma source(%dma_start3A_316 : memref<20000x8xf32, #tpu.memory_space<hbm>>) target(%arg18 : memref<128x8xf32, #tpu.memory_space<vmem>>) offsets(%dma_start3A_313 : memref<128xi32, #tpu.memory_space<vmem>>) semaphore(%arg36 : memref<!tpu.dma_semaphore, #tpu.memory_space<semaphore_mem>>)
      %dma_start3A_317 = arith.constant 0 : i32
      %dma_start3A_318 = tpu.memref_slice %arg11[%min3A_304, %dma_start3A_317] : memref<162x128xi32, #tpu.memory_space<vmem>> -> memref<1x128xi32, #tpu.memory_space<vmem>>
      %dma_start3A_319 = tpu.memref_squeeze %dma_start3A_318 : memref<1x128xi32, #tpu.memory_space<vmem>> -> memref<128xi32, #tpu.memory_space<vmem>>
      %dma_start3A_320 = arith.constant 0 : i32
      %dma_start3A_321 = arith.constant 0 : i32
      %dma_start3A_322 = tpu.memref_slice %arg6[%dma_start3A_320, %dma_start3A_321] : memref<20016x8xf32, #tpu.memory_space<hbm>> -> memref<20016x8xf32, #tpu.memory_space<hbm>>
      tpu.enqueue_indirect_dma source(%dma_start3A_322 : memref<20016x8xf32, #tpu.memory_space<hbm>>) target(%arg21 : memref<128x8xf32, #tpu.memory_space<vmem>>) offsets(%dma_start3A_319 : memref<128xi32, #tpu.memory_space<vmem>>) semaphore(%arg37 : memref<!tpu.dma_semaphore, #tpu.memory_space<semaphore_mem>>)
      %scan3A_323 = arith.constant 0 : i32
      %scan3A_324 = arith.constant 0 : i32
      %scan3A_325 = arith.constant 8 : i32
      %scan3A_326 = arith.addi %scan3A_324, %scan3A_325 : i32
      %scan3A_327 = arith.constant 1 : i32
      %scan3A_328 = scf.for %scan3A_369 = %scan3A_324 to %scan3A_326 step %scan3A_327 iter_args(%scan3A_370 = %scan3A_323) -> (i32)  : i32 {
        %mul3A_371 = arith.constant 16 : i32
        %mul3A_372 = arith.muli %scan3A_369, %mul3A_371 : i32
        %get3A_373 = arith.index_cast %add3A_294 : i32 to index
        %get3A_374 = arith.index_cast %mul3A_372 : i32 to index
        %get3A_375 = tpu.vector_load %arg10[%get3A_373, %get3A_374] {strides = array<i32>} : memref<162x128xi32, #tpu.memory_space<vmem>>, vector<16xi32>,
        %sub3A = arith.subi %get3A_375, %broadcast_in_dim3A_40 : vector<16xi32>
        %swap3A = arith.index_cast %mul3A_372 : i32 to index
        %swap3A_376 = tpu.vector_load %arg14[%swap3A] {strides = array<i32>} : memref<128xi32, #tpu.memory_space<vmem>>, vector<16xi32>,
        tpu.vector_store %arg14[%swap3A], %sub3A {strides = array<i32>} : memref<128xi32, #tpu.memory_space<vmem>>, vector<16xi32>,
        %scan3A_377 = arith.constant 0 : i32
        scf.yield %scan3A_377 : i32
      }
      %scan3A_329 = arith.constant 8 : i32
      %dma_wait3A_330 = arith.constant 0 : i32
      %dma_wait3A_331 = tpu.memref_slice %arg9[%add3A_294, %dma_wait3A_330] : memref<162x128xi32, #tpu.memory_space<vmem>> -> memref<1x128xi32, #tpu.memory_space<vmem>>
      %dma_wait3A_332 = tpu.memref_squeeze %dma_wait3A_331 : memref<1x128xi32, #tpu.memory_space<vmem>> -> memref<128xi32, #tpu.memory_space<vmem>>
      %dma_wait3A_333 = arith.constant 0 : i32
      %dma_wait3A_334 = arith.constant 0 : i32
      %dma_wait3A_335 = tpu.memref_slice %arg5[%dma_wait3A_333, %dma_wait3A_334] : memref<20000x8xf32, #tpu.memory_space<hbm>> -> memref<20000x8xf32, #tpu.memory_space<hbm>>
      tpu.wait_indirect_dma semaphore(%arg36 : memref<!tpu.dma_semaphore, #tpu.memory_space<semaphore_mem>>) src(%dma_wait3A_335 : memref<20000x8xf32, #tpu.memory_space<hbm>>) dst(%arg20 : memref<128x8xf32, #tpu.memory_space<vmem>>)
      %dma_wait3A_336 = arith.constant 0 : i32
      %dma_wait3A_337 = tpu.memref_slice %arg11[%add3A_294, %dma_wait3A_336] : memref<162x128xi32, #tpu.memory_space<vmem>> -> memref<1x128xi32, #tpu.memory_space<vmem>>
      %dma_wait3A_338 = tpu.memref_squeeze %dma_wait3A_337 : memref<1x128xi32, #tpu.memory_space<vmem>> -> memref<128xi32, #tpu.memory_space<vmem>>
      %dma_wait3A_339 = arith.constant 0 : i32
      %dma_wait3A_340 = arith.constant 0 : i32
      %dma_wait3A_341 = tpu.memref_slice %arg6[%dma_wait3A_339, %dma_wait3A_340] : memref<20016x8xf32, #tpu.memory_space<hbm>> -> memref<20016x8xf32, #tpu.memory_space<hbm>>
      tpu.wait_indirect_dma semaphore(%arg37 : memref<!tpu.dma_semaphore, #tpu.memory_space<semaphore_mem>>) src(%dma_wait3A_341 : memref<20016x8xf32, #tpu.memory_space<hbm>>) dst(%arg23 : memref<128x8xf32, #tpu.memory_space<vmem>>)
      %scan3A_342 = arith.constant 0 : i32
      %scan3A_343 = arith.constant 0 : i32
      %scan3A_344 = arith.constant 32 : i32
      %scan3A_345 = arith.addi %scan3A_343, %scan3A_344 : i32
      %scan3A_346 = arith.constant 1 : i32
      %scan3A_347 = scf.for %scan3A_369 = %scan3A_343 to %scan3A_345 step %scan3A_346 iter_args(%scan3A_370 = %scan3A_342) -> (i32)  : i32 {
        %mul3A_371 = arith.constant 4 : i32
        %mul3A_372 = arith.muli %scan3A_369, %mul3A_371 : i32
        %broadcast_in_dim3A_373 = vector.broadcast %mul3A_372 : i32 to vector<16xi32>
        %add3A_374 = arith.addi %broadcast_in_dim3A_373, %shift_right_arithmetic3A_26 : vector<16xi32>
        %gather3A = tpu.vector_load_idx %arg20[%add3A_374, %and3A_29] : memref<128x8xf32, #tpu.memory_space<vmem>>[vector<16xi32>, vector<16xi32>], vector<16xf32>,
        %gather3A_375 = tpu.vector_load_idx %arg23[%add3A_374, %and3A_29] : memref<128x8xf32, #tpu.memory_space<vmem>>[vector<16xi32>, vector<16xi32>], vector<16xf32>,
        %add3A_376 = arith.addf %gather3A, %gather3A_375 : vector<16xf32>
        %ge3A = arith.constant 0.000000e+00 : f32
        %ge3A_377 = vector.broadcast %ge3A : f32 to vector<16xf32>
        %ge3A_378 = arith.cmpf oge, %add3A_376, %ge3A_377 : vector<16xf32>
        %mul3A_379 = arith.constant 2.000000e-01 : f32
        %mul3A_380 = vector.broadcast %mul3A_379 : f32 to vector<16xf32>
        %mul3A_381 = arith.mulf %mul3A_380, %add3A_376 : vector<16xf32>
        %select_n3A = arith.select %ge3A_378, %add3A_376, %mul3A_381 : vector<16xi1>, vector<16xf32>
        %sub3A = arith.subf %select_n3A, %get3A_1 : vector<16xf32>
        %exp3A = math.exp %sub3A : vector<16xf32>
        tpu.vector_store_idx %arg26[%add3A_374, %and3A_29], %exp3A : memref<128x8xf32, #tpu.memory_space<vmem>>[vector<16xi32>, vector<16xi32>], vector<16xf32>,
        %scan3A_382 = arith.constant 0 : i32
        scf.yield %scan3A_382 : i32
      }
      %scan3A_348 = arith.constant 32 : i32
      %dma_wait3A_349 = arith.constant 0 : i32
      %dma_wait3A_350 = tpu.memref_slice %arg9[%add3A_294, %dma_wait3A_349] : memref<162x128xi32, #tpu.memory_space<vmem>> -> memref<1x128xi32, #tpu.memory_space<vmem>>
      %dma_wait3A_351 = tpu.memref_squeeze %dma_wait3A_350 : memref<1x128xi32, #tpu.memory_space<vmem>> -> memref<128xi32, #tpu.memory_space<vmem>>
      %dma_wait3A_352 = arith.constant 0 : i32
      %dma_wait3A_353 = arith.constant 0 : i32
      %dma_wait3A_354 = tpu.memref_slice %arg4[%dma_wait3A_352, %dma_wait3A_353] : memref<20000x32xf32, #tpu.memory_space<hbm>> -> memref<20000x32xf32, #tpu.memory_space<hbm>>
      tpu.wait_indirect_dma semaphore(%arg35 : memref<!tpu.dma_semaphore, #tpu.memory_space<semaphore_mem>>) src(%dma_wait3A_354 : memref<20000x32xf32, #tpu.memory_space<hbm>>) dst(%arg17 : memref<128x32xf32, #tpu.memory_space<vmem>>)
      %scan3A_355 = arith.constant 0 : i32
      %scan3A_356 = arith.constant 0 : i32
      %scan3A_357 = arith.constant 128 : i32
      %scan3A_358 = arith.addi %scan3A_356, %scan3A_357 : i32
      %scan3A_359 = arith.constant 1 : i32
      %scan3A_360 = scf.for %scan3A_369 = %scan3A_356 to %scan3A_358 step %scan3A_359 iter_args(%scan3A_370 = %scan3A_355) -> (i32)  : i32 {
        %broadcast_in_dim3A_371 = vector.broadcast %scan3A_369 : i32 to vector<16xi32>
        %scan3A_372 = arith.constant 0 : i32
        %scan3A_373 = arith.constant 0 : i32
        %scan3A_374 = arith.constant 2 : i32
        %scan3A_375 = arith.addi %scan3A_373, %scan3A_374 : i32
        %scan3A_376 = arith.constant 1 : i32
        %scan3A_377 = scf.for %scan3A_379 = %scan3A_373 to %scan3A_375 step %scan3A_376 iter_args(%scan3A_380 = %scan3A_372) -> (i32)  : i32 {
          %mul3A_381 = arith.constant 16 : i32
          %mul3A_382 = arith.muli %scan3A_379, %mul3A_381 : i32
          %broadcast_in_dim3A_383 = vector.broadcast %mul3A_382 : i32 to vector<16xi32>
          %add3A_384 = arith.addi %broadcast_in_dim3A_383, %iota3A : vector<16xi32>
          %shift_right_arithmetic3A_385 = arith.constant 3 : i32
          %shift_right_arithmetic3A_386 = vector.broadcast %shift_right_arithmetic3A_385 : i32 to vector<16xi32>
          %shift_right_arithmetic3A_387 = arith.shrsi %add3A_384, %shift_right_arithmetic3A_386 : vector<16xi32>
          %gather3A = tpu.vector_load_idx %arg26[%broadcast_in_dim3A_371, %shift_right_arithmetic3A_387] : memref<128x8xf32, #tpu.memory_space<vmem>>[vector<16xi32>, vector<16xi32>], vector<16xf32>,
          %get3A_388 = arith.index_cast %scan3A_369 : i32 to index
          %get3A_389 = arith.index_cast %mul3A_382 : i32 to index
          %get3A_390 = tpu.vector_load %arg17[%get3A_388, %get3A_389] {strides = array<i32>} : memref<128x32xf32, #tpu.memory_space<vmem>>, vector<16xf32>,
          %mul3A_391 = arith.mulf %get3A_390, %gather3A : vector<16xf32>
          %swap3A = arith.index_cast %scan3A_369 : i32 to index
          %swap3A_392 = arith.index_cast %mul3A_382 : i32 to index
          %swap3A_393 = tpu.vector_load %arg17[%swap3A, %swap3A_392] {strides = array<i32>} : memref<128x32xf32, #tpu.memory_space<vmem>>, vector<16xf32>,
          tpu.vector_store %arg17[%swap3A, %swap3A_392], %mul3A_391 {strides = array<i32>} : memref<128x32xf32, #tpu.memory_space<vmem>>, vector<16xf32>,
          %scan3A_394 = arith.constant 0 : i32
          scf.yield %scan3A_394 : i32
        }
        %scan3A_378 = arith.constant 2 : i32
        scf.yield %scan3A_377 : i32
      }
      %scan3A_361 = arith.constant 128 : i32
      %dma_start3A_362 = arith.constant 0 : i32
      %dma_start3A_363 = arith.constant 0 : i32
      %dma_start3A_364 = tpu.memref_slice %arg33[%dma_start3A_362, %dma_start3A_363] : memref<10240x32xf32, #tpu.memory_space<vmem_shared>> -> memref<10240x32xf32, #tpu.memory_space<vmem_shared>>
      tpu.enqueue_indirect_dma source(%arg17 : memref<128x32xf32, #tpu.memory_space<vmem>>) target(%dma_start3A_364 : memref<10240x32xf32, #tpu.memory_space<vmem_shared>>) offsets(%arg14 : memref<128xi32, #tpu.memory_space<vmem>>) semaphore(%arg38 : memref<!tpu.dma_semaphore, #tpu.memory_space<semaphore_mem>>) {add = true}
      %dma_start3A_365 = arith.constant 0 : i32
      %dma_start3A_366 = arith.constant 0 : i32
      %dma_start3A_367 = tpu.memref_slice %arg34[%dma_start3A_365, %dma_start3A_366] : memref<10240x8xf32, #tpu.memory_space<vmem_shared>> -> memref<10240x8xf32, #tpu.memory_space<vmem_shared>>
      tpu.enqueue_indirect_dma source(%arg26 : memref<128x8xf32, #tpu.memory_space<vmem>>) target(%dma_start3A_367 : memref<10240x8xf32, #tpu.memory_space<vmem_shared>>) offsets(%arg14 : memref<128xi32, #tpu.memory_space<vmem>>) semaphore(%arg39 : memref<!tpu.dma_semaphore, #tpu.memory_space<semaphore_mem>>) {add = true}
      %scan3A_368 = arith.constant 0 : i32
      scf.yield %scan3A_368 : i32
    }
    %scan3A_102 = arith.constant 54 : i32
    %dma_wait3A = arith.constant 0 : i32
    %dma_wait3A_103 = arith.constant 0 : i32
    %dma_wait3A_104 = tpu.memref_slice %arg33[%dma_wait3A, %dma_wait3A_103] : memref<10240x32xf32, #tpu.memory_space<vmem_shared>> -> memref<10240x32xf32, #tpu.memory_space<vmem_shared>>
    tpu.wait_indirect_dma semaphore(%arg38 : memref<!tpu.dma_semaphore, #tpu.memory_space<semaphore_mem>>) src(%arg16 : memref<128x32xf32, #tpu.memory_space<vmem>>) dst(%dma_wait3A_104 : memref<10240x32xf32, #tpu.memory_space<vmem_shared>>)
    %dma_wait3A_105 = arith.constant 0 : i32
    %dma_wait3A_106 = arith.constant 0 : i32
    %dma_wait3A_107 = tpu.memref_slice %arg34[%dma_wait3A_105, %dma_wait3A_106] : memref<10240x8xf32, #tpu.memory_space<vmem_shared>> -> memref<10240x8xf32, #tpu.memory_space<vmem_shared>>
    tpu.wait_indirect_dma semaphore(%arg39 : memref<!tpu.dma_semaphore, #tpu.memory_space<semaphore_mem>>) src(%arg25 : memref<128x8xf32, #tpu.memory_space<vmem>>) dst(%dma_wait3A_107 : memref<10240x8xf32, #tpu.memory_space<vmem_shared>>)
    %dma_wait3A_108 = arith.constant 0 : i32
    %dma_wait3A_109 = arith.constant 0 : i32
    %dma_wait3A_110 = tpu.memref_slice %arg33[%dma_wait3A_108, %dma_wait3A_109] : memref<10240x32xf32, #tpu.memory_space<vmem_shared>> -> memref<10240x32xf32, #tpu.memory_space<vmem_shared>>
    tpu.wait_indirect_dma semaphore(%arg38 : memref<!tpu.dma_semaphore, #tpu.memory_space<semaphore_mem>>) src(%arg17 : memref<128x32xf32, #tpu.memory_space<vmem>>) dst(%dma_wait3A_110 : memref<10240x32xf32, #tpu.memory_space<vmem_shared>>)
    %dma_wait3A_111 = arith.constant 0 : i32
    %dma_wait3A_112 = arith.constant 0 : i32
    %dma_wait3A_113 = tpu.memref_slice %arg34[%dma_wait3A_111, %dma_wait3A_112] : memref<10240x8xf32, #tpu.memory_space<vmem_shared>> -> memref<10240x8xf32, #tpu.memory_space<vmem_shared>>
    tpu.wait_indirect_dma semaphore(%arg39 : memref<!tpu.dma_semaphore, #tpu.memory_space<semaphore_mem>>) src(%arg26 : memref<128x8xf32, #tpu.memory_space<vmem>>) dst(%dma_wait3A_113 : memref<10240x8xf32, #tpu.memory_space<vmem_shared>>)
    %dma_wait3A_114 = arith.constant 161 : i32
    %dma_wait3A_115 = arith.constant 0 : i32
    %dma_wait3A_116 = tpu.memref_slice %arg9[%dma_wait3A_114, %dma_wait3A_115] : memref<162x128xi32, #tpu.memory_space<vmem>> -> memref<1x128xi32, #tpu.memory_space<vmem>>
    %dma_wait3A_117 = tpu.memref_squeeze %dma_wait3A_116 : memref<1x128xi32, #tpu.memory_space<vmem>> -> memref<128xi32, #tpu.memory_space<vmem>>
    %dma_wait3A_118 = arith.constant 0 : i32
    %dma_wait3A_119 = arith.constant 0 : i32
    %dma_wait3A_120 = tpu.memref_slice %arg5[%dma_wait3A_118, %dma_wait3A_119] : memref<20000x8xf32, #tpu.memory_space<hbm>> -> memref<20000x8xf32, #tpu.memory_space<hbm>>
    tpu.wait_indirect_dma semaphore(%arg36 : memref<!tpu.dma_semaphore, #tpu.memory_space<semaphore_mem>>) src(%dma_wait3A_120 : memref<20000x8xf32, #tpu.memory_space<hbm>>) dst(%arg18 : memref<128x8xf32, #tpu.memory_space<vmem>>)
    %dma_wait3A_121 = arith.constant 161 : i32
    %dma_wait3A_122 = arith.constant 0 : i32
    %dma_wait3A_123 = tpu.memref_slice %arg11[%dma_wait3A_121, %dma_wait3A_122] : memref<162x128xi32, #tpu.memory_space<vmem>> -> memref<1x128xi32, #tpu.memory_space<vmem>>
    %dma_wait3A_124 = tpu.memref_squeeze %dma_wait3A_123 : memref<1x128xi32, #tpu.memory_space<vmem>> -> memref<128xi32, #tpu.memory_space<vmem>>
    %dma_wait3A_125 = arith.constant 0 : i32
    %dma_wait3A_126 = arith.constant 0 : i32
    %dma_wait3A_127 = tpu.memref_slice %arg6[%dma_wait3A_125, %dma_wait3A_126] : memref<20016x8xf32, #tpu.memory_space<hbm>> -> memref<20016x8xf32, #tpu.memory_space<hbm>>
    tpu.wait_indirect_dma semaphore(%arg37 : memref<!tpu.dma_semaphore, #tpu.memory_space<semaphore_mem>>) src(%dma_wait3A_127 : memref<20016x8xf32, #tpu.memory_space<hbm>>) dst(%arg21 : memref<128x8xf32, #tpu.memory_space<vmem>>)
    %dma_wait3A_128 = arith.constant 161 : i32
    %dma_wait3A_129 = arith.constant 0 : i32
    %dma_wait3A_130 = tpu.memref_slice %arg9[%dma_wait3A_128, %dma_wait3A_129] : memref<162x128xi32, #tpu.memory_space<vmem>> -> memref<1x128xi32, #tpu.memory_space<vmem>>
    %dma_wait3A_131 = tpu.memref_squeeze %dma_wait3A_130 : memref<1x128xi32, #tpu.memory_space<vmem>> -> memref<128xi32, #tpu.memory_space<vmem>>
    %dma_wait3A_132 = arith.constant 0 : i32
    %dma_wait3A_133 = arith.constant 0 : i32
    %dma_wait3A_134 = tpu.memref_slice %arg4[%dma_wait3A_132, %dma_wait3A_133] : memref<20000x32xf32, #tpu.memory_space<hbm>> -> memref<20000x32xf32, #tpu.memory_space<hbm>>
    tpu.wait_indirect_dma semaphore(%arg35 : memref<!tpu.dma_semaphore, #tpu.memory_space<semaphore_mem>>) src(%dma_wait3A_134 : memref<20000x32xf32, #tpu.memory_space<hbm>>) dst(%arg15 : memref<128x32xf32, #tpu.memory_space<vmem>>)
    %barrier3A_135 = arith.constant 0 : index
    tpu.barrier barrier_id(%barrier3A_135)
    %scan3A_136 = arith.constant 0 : i32
    %scan3A_137 = arith.constant 0 : i32
    %scan3A_138 = arith.constant 20 : i32
    %scan3A_139 = arith.addi %scan3A_137, %scan3A_138 : i32
    %scan3A_140 = arith.constant 1 : i32
    %scan3A_141 = scf.for %scan3A_143 = %scan3A_137 to %scan3A_139 step %scan3A_140 iter_args(%scan3A_144 = %scan3A_136) -> (i32)  : i32 {
      %mul3A_145 = arith.constant 640 : i32
      %mul3A_146 = arith.muli %arg1, %mul3A_145 : i32
      %mul3A_147 = arith.constant 32 : i32
      %mul3A_148 = arith.muli %scan3A_143, %mul3A_147 : i32
      %add3A = arith.addi %mul3A_146, %mul3A_148 : i32
      "tpu.region"() ({
        %run_scoped3A = tpu.sem_alloc : memref<!tpu.dma_semaphore, #tpu.memory_space<semaphore_mem>>
        %dma_start3A_159 = arith.constant 0 : i32
        %dma_start3A_160 = tpu.memref_slice %arg33[%add3A, %dma_start3A_159] : memref<10240x32xf32, #tpu.memory_space<vmem_shared>> -> memref<32x32xf32, #tpu.memory_space<vmem_shared>>
        %dma_start3A_161 = arith.constant 0 : i32
        %dma_start3A_162 = tpu.memref_slice %arg33[%add3A, %dma_start3A_161] : memref<10240x32xf32, #tpu.memory_space<vmem_shared>> -> memref<32x32xf32, #tpu.memory_space<vmem_shared>>
        tpu.enqueue_dma source(%dma_start3A_162 : memref<32x32xf32, #tpu.memory_space<vmem_shared>>) target(%arg29 : memref<32x32xf32, #tpu.memory_space<vmem>>) target_semaphore(%run_scoped3A : memref<!tpu.dma_semaphore, #tpu.memory_space<semaphore_mem>>)
        %dma_wait3A_163 = arith.constant 0 : i32
        %dma_wait3A_164 = tpu.memref_slice %arg33[%add3A, %dma_wait3A_163] : memref<10240x32xf32, #tpu.memory_space<vmem_shared>> -> memref<32x32xf32, #tpu.memory_space<vmem_shared>>
        %dma_wait3A_165 = arith.constant 0 : i32
        %dma_wait3A_166 = tpu.memref_slice %arg33[%add3A, %dma_wait3A_165] : memref<10240x32xf32, #tpu.memory_space<vmem_shared>> -> memref<32x32xf32, #tpu.memory_space<vmem_shared>>
        tpu.wait_dma2 semaphore(%run_scoped3A : memref<!tpu.dma_semaphore, #tpu.memory_space<semaphore_mem>>) src(%dma_wait3A_166 : memref<32x32xf32, #tpu.memory_space<vmem_shared>>) dst(%arg29 : memref<32x32xf32, #tpu.memory_space<vmem>>)
        tpu.yield
      }) : () -> ()
      "tpu.region"() ({
        %run_scoped3A = tpu.sem_alloc : memref<!tpu.dma_semaphore, #tpu.memory_space<semaphore_mem>>
        %dma_start3A_159 = arith.constant 0 : i32
        %dma_start3A_160 = tpu.memref_slice %arg34[%add3A, %dma_start3A_159] : memref<10240x8xf32, #tpu.memory_space<vmem_shared>> -> memref<32x8xf32, #tpu.memory_space<vmem_shared>>
        %dma_start3A_161 = arith.constant 0 : i32
        %dma_start3A_162 = tpu.memref_slice %arg34[%add3A, %dma_start3A_161] : memref<10240x8xf32, #tpu.memory_space<vmem_shared>> -> memref<32x8xf32, #tpu.memory_space<vmem_shared>>
        tpu.enqueue_dma source(%dma_start3A_162 : memref<32x8xf32, #tpu.memory_space<vmem_shared>>) target(%arg30 : memref<32x8xf32, #tpu.memory_space<vmem>>) target_semaphore(%run_scoped3A : memref<!tpu.dma_semaphore, #tpu.memory_space<semaphore_mem>>)
        %dma_wait3A_163 = arith.constant 0 : i32
        %dma_wait3A_164 = tpu.memref_slice %arg34[%add3A, %dma_wait3A_163] : memref<10240x8xf32, #tpu.memory_space<vmem_shared>> -> memref<32x8xf32, #tpu.memory_space<vmem_shared>>
        %dma_wait3A_165 = arith.constant 0 : i32
        %dma_wait3A_166 = tpu.memref_slice %arg34[%add3A, %dma_wait3A_165] : memref<10240x8xf32, #tpu.memory_space<vmem_shared>> -> memref<32x8xf32, #tpu.memory_space<vmem_shared>>
        tpu.wait_dma2 semaphore(%run_scoped3A : memref<!tpu.dma_semaphore, #tpu.memory_space<semaphore_mem>>) src(%dma_wait3A_166 : memref<32x8xf32, #tpu.memory_space<vmem_shared>>) dst(%arg30 : memref<32x8xf32, #tpu.memory_space<vmem>>)
        tpu.yield
      }) : () -> ()
      %scan3A_149 = arith.constant 0 : i32
      %scan3A_150 = arith.constant 0 : i32
      %scan3A_151 = arith.constant 32 : i32
      %scan3A_152 = arith.addi %scan3A_150, %scan3A_151 : i32
      %scan3A_153 = arith.constant 1 : i32
      %scan3A_154 = scf.for %scan3A_159 = %scan3A_150 to %scan3A_152 step %scan3A_153 iter_args(%scan3A_160 = %scan3A_149) -> (i32)  : i32 {
        %broadcast_in_dim3A_161 = vector.broadcast %scan3A_159 : i32 to vector<16xi32>
        %scan3A_162 = arith.constant 0 : i32
        %scan3A_163 = arith.constant 0 : i32
        %scan3A_164 = arith.constant 2 : i32
        %scan3A_165 = arith.addi %scan3A_163, %scan3A_164 : i32
        %scan3A_166 = arith.constant 1 : i32
        %scan3A_167 = scf.for %scan3A_169 = %scan3A_163 to %scan3A_165 step %scan3A_166 iter_args(%scan3A_170 = %scan3A_162) -> (i32)  : i32 {
          %mul3A_171 = arith.constant 16 : i32
          %mul3A_172 = arith.muli %scan3A_169, %mul3A_171 : i32
          %broadcast_in_dim3A_173 = vector.broadcast %mul3A_172 : i32 to vector<16xi32>
          %add3A_174 = arith.addi %broadcast_in_dim3A_173, %iota3A : vector<16xi32>
          %shift_right_arithmetic3A_175 = arith.constant 3 : i32
          %shift_right_arithmetic3A_176 = vector.broadcast %shift_right_arithmetic3A_175 : i32 to vector<16xi32>
          %shift_right_arithmetic3A_177 = arith.shrsi %add3A_174, %shift_right_arithmetic3A_176 : vector<16xi32>
          %gather3A = tpu.vector_load_idx %arg30[%broadcast_in_dim3A_161, %shift_right_arithmetic3A_177] : memref<32x8xf32, #tpu.memory_space<vmem>>[vector<16xi32>, vector<16xi32>], vector<16xf32>,
          %get3A_178 = arith.index_cast %scan3A_159 : i32 to index
          %get3A_179 = arith.index_cast %mul3A_172 : i32 to index
          %get3A_180 = tpu.vector_load %arg29[%get3A_178, %get3A_179] {strides = array<i32>} : memref<32x32xf32, #tpu.memory_space<vmem>>, vector<16xf32>,
          %add3A_181 = arith.constant 1.000000e-16 : f32
          %add3A_182 = vector.broadcast %add3A_181 : f32 to vector<16xf32>
          %add3A_183 = arith.addf %gather3A, %add3A_182 : vector<16xf32>
          %div3A = arith.divf %get3A_180, %add3A_183 : vector<16xf32>
          %swap3A = arith.index_cast %scan3A_159 : i32 to index
          %swap3A_184 = arith.index_cast %mul3A_172 : i32 to index
          %swap3A_185 = tpu.vector_load %arg31[%swap3A, %swap3A_184] {strides = array<i32>} : memref<32x32xf32, #tpu.memory_space<vmem>>, vector<16xf32>,
          tpu.vector_store %arg31[%swap3A, %swap3A_184], %div3A {strides = array<i32>} : memref<32x32xf32, #tpu.memory_space<vmem>>, vector<16xf32>,
          %scan3A_186 = arith.constant 0 : i32
          scf.yield %scan3A_186 : i32
        }
        %scan3A_168 = arith.constant 2 : i32
        scf.yield %scan3A_167 : i32
      }
      %scan3A_155 = arith.constant 32 : i32
      %add3A_156 = arith.constant 0 : i32
      %add3A_157 = arith.addi %add3A_156, %add3A : i32
      "tpu.region"() ({
        %run_scoped3A = tpu.sem_alloc : memref<!tpu.dma_semaphore, #tpu.memory_space<semaphore_mem>>
        %dma_start3A_159 = arith.constant 0 : i32
        %dma_start3A_160 = arith.constant 0 : i32
        %dma_start3A_161 = tpu.memref_slice %arg8[%arg0, %dma_start3A_159, %dma_start3A_160] : memref<2x10240x32xf32, #tpu.memory_space<hbm>> -> memref<1x10240x32xf32, #tpu.memory_space<hbm>>
        %dma_start3A_162 = tpu.memref_squeeze %dma_start3A_161 : memref<1x10240x32xf32, #tpu.memory_space<hbm>> -> memref<10240x32xf32, #tpu.memory_space<hbm>>
        %dma_start3A_163 = arith.constant 0 : i32
        %dma_start3A_164 = tpu.memref_slice %dma_start3A_162[%add3A_157, %dma_start3A_163] : memref<10240x32xf32, #tpu.memory_space<hbm>> -> memref<32x32xf32, #tpu.memory_space<hbm>>
        %dma_start3A_165 = arith.constant 0 : i32
        %dma_start3A_166 = arith.constant 0 : i32
        %dma_start3A_167 = tpu.memref_slice %arg8[%arg0, %dma_start3A_165, %dma_start3A_166] : memref<2x10240x32xf32, #tpu.memory_space<hbm>> -> memref<1x10240x32xf32, #tpu.memory_space<hbm>>
        %dma_start3A_168 = tpu.memref_squeeze %dma_start3A_167 : memref<1x10240x32xf32, #tpu.memory_space<hbm>> -> memref<10240x32xf32, #tpu.memory_space<hbm>>
        %dma_start3A_169 = arith.constant 0 : i32
        %dma_start3A_170 = tpu.memref_slice %dma_start3A_168[%add3A_157, %dma_start3A_169] : memref<10240x32xf32, #tpu.memory_space<hbm>> -> memref<32x32xf32, #tpu.memory_space<hbm>>
        tpu.enqueue_dma source(%arg31 : memref<32x32xf32, #tpu.memory_space<vmem>>) target(%dma_start3A_170 : memref<32x32xf32, #tpu.memory_space<hbm>>) target_semaphore(%run_scoped3A : memref<!tpu.dma_semaphore, #tpu.memory_space<semaphore_mem>>)
        %dma_wait3A_171 = arith.constant 0 : i32
        %dma_wait3A_172 = arith.constant 0 : i32
        %dma_wait3A_173 = tpu.memref_slice %arg8[%arg0, %dma_wait3A_171, %dma_wait3A_172] : memref<2x10240x32xf32, #tpu.memory_space<hbm>> -> memref<1x10240x32xf32, #tpu.memory_space<hbm>>
        %dma_wait3A_174 = tpu.memref_squeeze %dma_wait3A_173 : memref<1x10240x32xf32, #tpu.memory_space<hbm>> -> memref<10240x32xf32, #tpu.memory_space<hbm>>
        %dma_wait3A_175 = arith.constant 0 : i32
        %dma_wait3A_176 = tpu.memref_slice %dma_wait3A_174[%add3A_157, %dma_wait3A_175] : memref<10240x32xf32, #tpu.memory_space<hbm>> -> memref<32x32xf32, #tpu.memory_space<hbm>>
        %dma_wait3A_177 = arith.constant 0 : i32
        %dma_wait3A_178 = arith.constant 0 : i32
        %dma_wait3A_179 = tpu.memref_slice %arg8[%arg0, %dma_wait3A_177, %dma_wait3A_178] : memref<2x10240x32xf32, #tpu.memory_space<hbm>> -> memref<1x10240x32xf32, #tpu.memory_space<hbm>>
        %dma_wait3A_180 = tpu.memref_squeeze %dma_wait3A_179 : memref<1x10240x32xf32, #tpu.memory_space<hbm>> -> memref<10240x32xf32, #tpu.memory_space<hbm>>
        %dma_wait3A_181 = arith.constant 0 : i32
        %dma_wait3A_182 = tpu.memref_slice %dma_wait3A_180[%add3A_157, %dma_wait3A_181] : memref<10240x32xf32, #tpu.memory_space<hbm>> -> memref<32x32xf32, #tpu.memory_space<hbm>>
        tpu.wait_dma2 semaphore(%run_scoped3A : memref<!tpu.dma_semaphore, #tpu.memory_space<semaphore_mem>>) src(%arg31 : memref<32x32xf32, #tpu.memory_space<vmem>>) dst(%dma_wait3A_182 : memref<32x32xf32, #tpu.memory_space<hbm>>)
        tpu.yield
      }) : () -> ()
      %scan3A_158 = arith.constant 0 : i32
      scf.yield %scan3A_158 : i32
    }
    %scan3A_142 = arith.constant 20 : i32
    return
  }
}

#map = affine_map<(d0, d1) -> (0, 0, 0)>
#map1 = affine_map<(d0, d1) -> (0, 0)>
#map2 = affine_map<(d0, d1) -> (0)>
module attributes {stable_mosaic.version = 14 : i64} {
  func.func @k(%arg0: i32, %arg1: i32, %arg2: memref<16x162x128xi32, #tpu.memory_space<hbm>>, %arg3: memref<16x162x128xi32, #tpu.memory_space<hbm>>, %arg4: memref<20000x64xf32, #tpu.memory_space<hbm>>, %arg5: memref<20000x8xf32, #tpu.memory_space<hbm>>, %arg6: memref<20016x8xf32, #tpu.memory_space<hbm>>, %arg7: memref<16xf32, #tpu.memory_space<hbm>>, %arg8: memref<2x10240x64xf32, #tpu.memory_space<hbm>>, %arg9: memref<162x128xi32, #tpu.memory_space<vmem>>, %arg10: memref<162x128xi32, #tpu.memory_space<vmem>>, %arg11: memref<162x128xi32, #tpu.memory_space<vmem>>, %arg12: memref<128xi32, #tpu.memory_space<vmem>>, %arg13: memref<128xi32, #tpu.memory_space<vmem>>, %arg14: memref<128xi32, #tpu.memory_space<vmem>>, %arg15: memref<128x64xf32, #tpu.memory_space<vmem>>, %arg16: memref<128x64xf32, #tpu.memory_space<vmem>>, %arg17: memref<128x64xf32, #tpu.memory_space<vmem>>, %arg18: memref<128x8xf32, #tpu.memory_space<vmem>>, %arg19: memref<128x8xf32, #tpu.memory_space<vmem>>, %arg20: memref<128x8xf32, #tpu.memory_space<vmem>>, %arg21: memref<128x8xf32, #tpu.memory_space<vmem>>, %arg22: memref<128x8xf32, #tpu.memory_space<vmem>>, %arg23: memref<128x8xf32, #tpu.memory_space<vmem>>, %arg24: memref<128x8xf32, #tpu.memory_space<vmem>>, %arg25: memref<128x8xf32, #tpu.memory_space<vmem>>, %arg26: memref<128x8xf32, #tpu.memory_space<vmem>>, %arg27: memref<32x64xf32, #tpu.memory_space<vmem>>, %arg28: memref<352x8xf32, #tpu.memory_space<vmem>>, %arg29: memref<32x64xf32, #tpu.memory_space<vmem>>, %arg30: memref<32x8xf32, #tpu.memory_space<vmem>>, %arg31: memref<32x64xf32, #tpu.memory_space<vmem>>, %arg32: memref<16xf32, #tpu.memory_space<vmem>>, %arg33: memref<5632x64xf32, #tpu.memory_space<vmem_shared>>, %arg34: memref<5632x8xf32, #tpu.memory_space<vmem_shared>>, %arg35: memref<!tpu.dma_semaphore, #tpu.memory_space<semaphore_mem>>, %arg36: memref<!tpu.dma_semaphore, #tpu.memory_space<semaphore_mem>>, %arg37: memref<!tpu.dma_semaphore, #tpu.memory_space<semaphore_mem>>, %arg38: memref<!tpu.dma_semaphore, #tpu.memory_space<semaphore_mem>>, %arg39: memref<!tpu.dma_semaphore, #tpu.memory_space<semaphore_mem>>) attributes {dimension_semantics = [#tpu.dimension_semantics<core_parallel>, #tpu.dimension_semantics<subcore_parallel>], iteration_bounds = array<i64: 2, 16>, scalar_prefetch = 0 : i64, scratch_operands = 31 : i64, tpu.core_type = #tpu.core_type<sc_vector_subcore>, window_params = [{transform_indices = #map}, {transform_indices = #map}, {transform_indices = #map1}, {transform_indices = #map1}, {transform_indices = #map1}, {transform_indices = #map2}, {transform_indices = #map}]} {
    %iota3A = tpu.iota {dimensions = array<i32: 0>} : vector<16xi32>
    %broadcast_in_dim3A = arith.constant 0.000000e+00 : f32
    %broadcast_in_dim3A_0 = vector.broadcast %broadcast_in_dim3A : f32 to vector<16xf32>
    "tpu.region"() ({
      %run_scoped3A = tpu.sem_alloc : memref<!tpu.dma_semaphore, #tpu.memory_space<semaphore_mem>>
      %dma_start3A_251 = arith.constant 0 : i32
      %dma_start3A_252 = arith.constant 0 : i32
      %dma_start3A_253 = tpu.memref_slice %arg2[%arg1, %dma_start3A_251, %dma_start3A_252] : memref<16x162x128xi32, #tpu.memory_space<hbm>> -> memref<1x162x128xi32, #tpu.memory_space<hbm>>
      %dma_start3A_254 = tpu.memref_squeeze %dma_start3A_253 : memref<1x162x128xi32, #tpu.memory_space<hbm>> -> memref<162x128xi32, #tpu.memory_space<hbm>>
      %dma_start3A_255 = arith.constant 0 : i32
      %dma_start3A_256 = arith.constant 0 : i32
      %dma_start3A_257 = tpu.memref_slice %arg2[%arg1, %dma_start3A_255, %dma_start3A_256] : memref<16x162x128xi32, #tpu.memory_space<hbm>> -> memref<1x162x128xi32, #tpu.memory_space<hbm>>
      %dma_start3A_258 = tpu.memref_squeeze %dma_start3A_257 : memref<1x162x128xi32, #tpu.memory_space<hbm>> -> memref<162x128xi32, #tpu.memory_space<hbm>>
      tpu.enqueue_dma source(%dma_start3A_258 : memref<162x128xi32, #tpu.memory_space<hbm>>) target(%arg9 : memref<162x128xi32, #tpu.memory_space<vmem>>) target_semaphore(%run_scoped3A : memref<!tpu.dma_semaphore, #tpu.memory_space<semaphore_mem>>)
      %dma_wait3A_259 = arith.constant 0 : i32
      %dma_wait3A_260 = arith.constant 0 : i32
      %dma_wait3A_261 = tpu.memref_slice %arg2[%arg1, %dma_wait3A_259, %dma_wait3A_260] : memref<16x162x128xi32, #tpu.memory_space<hbm>> -> memref<1x162x128xi32, #tpu.memory_space<hbm>>
      %dma_wait3A_262 = tpu.memref_squeeze %dma_wait3A_261 : memref<1x162x128xi32, #tpu.memory_space<hbm>> -> memref<162x128xi32, #tpu.memory_space<hbm>>
      %dma_wait3A_263 = arith.constant 0 : i32
      %dma_wait3A_264 = arith.constant 0 : i32
      %dma_wait3A_265 = tpu.memref_slice %arg2[%arg1, %dma_wait3A_263, %dma_wait3A_264] : memref<16x162x128xi32, #tpu.memory_space<hbm>> -> memref<1x162x128xi32, #tpu.memory_space<hbm>>
      %dma_wait3A_266 = tpu.memref_squeeze %dma_wait3A_265 : memref<1x162x128xi32, #tpu.memory_space<hbm>> -> memref<162x128xi32, #tpu.memory_space<hbm>>
      tpu.wait_dma2 semaphore(%run_scoped3A : memref<!tpu.dma_semaphore, #tpu.memory_space<semaphore_mem>>) src(%dma_wait3A_266 : memref<162x128xi32, #tpu.memory_space<hbm>>) dst(%arg9 : memref<162x128xi32, #tpu.memory_space<vmem>>)
      tpu.yield
    }) : () -> ()
    "tpu.region"() ({
      %run_scoped3A = tpu.sem_alloc : memref<!tpu.dma_semaphore, #tpu.memory_space<semaphore_mem>>
      %dma_start3A_251 = arith.constant 0 : i32
      %dma_start3A_252 = arith.constant 0 : i32
      %dma_start3A_253 = tpu.memref_slice %arg3[%arg1, %dma_start3A_251, %dma_start3A_252] : memref<16x162x128xi32, #tpu.memory_space<hbm>> -> memref<1x162x128xi32, #tpu.memory_space<hbm>>
      %dma_start3A_254 = tpu.memref_squeeze %dma_start3A_253 : memref<1x162x128xi32, #tpu.memory_space<hbm>> -> memref<162x128xi32, #tpu.memory_space<hbm>>
      %dma_start3A_255 = arith.constant 0 : i32
      %dma_start3A_256 = arith.constant 0 : i32
      %dma_start3A_257 = tpu.memref_slice %arg3[%arg1, %dma_start3A_255, %dma_start3A_256] : memref<16x162x128xi32, #tpu.memory_space<hbm>> -> memref<1x162x128xi32, #tpu.memory_space<hbm>>
      %dma_start3A_258 = tpu.memref_squeeze %dma_start3A_257 : memref<1x162x128xi32, #tpu.memory_space<hbm>> -> memref<162x128xi32, #tpu.memory_space<hbm>>
      tpu.enqueue_dma source(%dma_start3A_258 : memref<162x128xi32, #tpu.memory_space<hbm>>) target(%arg10 : memref<162x128xi32, #tpu.memory_space<vmem>>) target_semaphore(%run_scoped3A : memref<!tpu.dma_semaphore, #tpu.memory_space<semaphore_mem>>)
      %dma_wait3A_259 = arith.constant 0 : i32
      %dma_wait3A_260 = arith.constant 0 : i32
      %dma_wait3A_261 = tpu.memref_slice %arg3[%arg1, %dma_wait3A_259, %dma_wait3A_260] : memref<16x162x128xi32, #tpu.memory_space<hbm>> -> memref<1x162x128xi32, #tpu.memory_space<hbm>>
      %dma_wait3A_262 = tpu.memref_squeeze %dma_wait3A_261 : memref<1x162x128xi32, #tpu.memory_space<hbm>> -> memref<162x128xi32, #tpu.memory_space<hbm>>
      %dma_wait3A_263 = arith.constant 0 : i32
      %dma_wait3A_264 = arith.constant 0 : i32
      %dma_wait3A_265 = tpu.memref_slice %arg3[%arg1, %dma_wait3A_263, %dma_wait3A_264] : memref<16x162x128xi32, #tpu.memory_space<hbm>> -> memref<1x162x128xi32, #tpu.memory_space<hbm>>
      %dma_wait3A_266 = tpu.memref_squeeze %dma_wait3A_265 : memref<1x162x128xi32, #tpu.memory_space<hbm>> -> memref<162x128xi32, #tpu.memory_space<hbm>>
      tpu.wait_dma2 semaphore(%run_scoped3A : memref<!tpu.dma_semaphore, #tpu.memory_space<semaphore_mem>>) src(%dma_wait3A_266 : memref<162x128xi32, #tpu.memory_space<hbm>>) dst(%arg10 : memref<162x128xi32, #tpu.memory_space<vmem>>)
      tpu.yield
    }) : () -> ()
    "tpu.region"() ({
      %run_scoped3A = tpu.sem_alloc : memref<!tpu.dma_semaphore, #tpu.memory_space<semaphore_mem>>
      tpu.enqueue_dma source(%arg7 : memref<16xf32, #tpu.memory_space<hbm>>) target(%arg32 : memref<16xf32, #tpu.memory_space<vmem>>) target_semaphore(%run_scoped3A : memref<!tpu.dma_semaphore, #tpu.memory_space<semaphore_mem>>)
      tpu.wait_dma2 semaphore(%run_scoped3A : memref<!tpu.dma_semaphore, #tpu.memory_space<semaphore_mem>>) src(%arg7 : memref<16xf32, #tpu.memory_space<hbm>>) dst(%arg32 : memref<16xf32, #tpu.memory_space<vmem>>)
      tpu.yield
    }) : () -> ()
    %get3A = arith.constant 0 : index
    %get3A_1 = tpu.vector_load %arg32[%get3A] {strides = array<i32>} : memref<16xf32, #tpu.memory_space<vmem>>, vector<16xf32>,
    %mul3A = arith.constant 10000 : i32
    %mul3A_2 = arith.muli %arg0, %mul3A : i32
    %broadcast_in_dim3A_3 = vector.broadcast %mul3A_2 : i32 to vector<16xi32>
    %mul3A_4 = arith.constant 10008 : i32
    %mul3A_5 = arith.muli %arg0, %mul3A_4 : i32
    %broadcast_in_dim3A_6 = vector.broadcast %mul3A_5 : i32 to vector<16xi32>
    %scan3A = arith.constant 0 : i32
    %scan3A_7 = arith.constant 0 : i32
    %scan3A_8 = arith.constant 162 : i32
    %scan3A_9 = arith.addi %scan3A_7, %scan3A_8 : i32
    %scan3A_10 = arith.constant 1 : i32
    %scan3A_11 = scf.for %scan3A_251 = %scan3A_7 to %scan3A_9 step %scan3A_10 iter_args(%scan3A_252 = %scan3A) -> (i32)  : i32 {
      %scan3A_253 = arith.constant 0 : i32
      %scan3A_254 = arith.constant 0 : i32
      %scan3A_255 = arith.constant 8 : i32
      %scan3A_256 = arith.addi %scan3A_254, %scan3A_255 : i32
      %scan3A_257 = arith.constant 1 : i32
      %scan3A_258 = scf.for %scan3A_260 = %scan3A_254 to %scan3A_256 step %scan3A_257 iter_args(%scan3A_261 = %scan3A_253) -> (i32)  : i32 {
        %mul3A_262 = arith.constant 16 : i32
        %mul3A_263 = arith.muli %scan3A_260, %mul3A_262 : i32
        %get3A_264 = arith.index_cast %scan3A_251 : i32 to index
        %get3A_265 = arith.index_cast %mul3A_263 : i32 to index
        %get3A_266 = tpu.vector_load %arg9[%get3A_264, %get3A_265] {strides = array<i32>} : memref<162x128xi32, #tpu.memory_space<vmem>>, vector<16xi32>,
        %add3A = arith.addi %get3A_266, %broadcast_in_dim3A_3 : vector<16xi32>
        %swap3A = arith.index_cast %scan3A_251 : i32 to index
        %swap3A_267 = arith.index_cast %mul3A_263 : i32 to index
        %swap3A_268 = tpu.vector_load %arg9[%swap3A, %swap3A_267] {strides = array<i32>} : memref<162x128xi32, #tpu.memory_space<vmem>>, vector<16xi32>,
        tpu.vector_store %arg9[%swap3A, %swap3A_267], %add3A {strides = array<i32>} : memref<162x128xi32, #tpu.memory_space<vmem>>, vector<16xi32>,
        %get3A_269 = arith.index_cast %scan3A_251 : i32 to index
        %get3A_270 = arith.index_cast %mul3A_263 : i32 to index
        %get3A_271 = tpu.vector_load %arg10[%get3A_269, %get3A_270] {strides = array<i32>} : memref<162x128xi32, #tpu.memory_space<vmem>>, vector<16xi32>,
        %add3A_272 = arith.addi %get3A_271, %broadcast_in_dim3A_6 : vector<16xi32>
        %swap3A_273 = arith.index_cast %scan3A_251 : i32 to index
        %swap3A_274 = arith.index_cast %mul3A_263 : i32 to index
        %swap3A_275 = tpu.vector_load %arg11[%swap3A_273, %swap3A_274] {strides = array<i32>} : memref<162x128xi32, #tpu.memory_space<vmem>>, vector<16xi32>,
        tpu.vector_store %arg11[%swap3A_273, %swap3A_274], %add3A_272 {strides = array<i32>} : memref<162x128xi32, #tpu.memory_space<vmem>>, vector<16xi32>,
        %scan3A_276 = arith.constant 0 : i32
        scf.yield %scan3A_276 : i32
      }
      %scan3A_259 = arith.constant 8 : i32
      scf.yield %scan3A_258 : i32
    }
    %scan3A_12 = arith.constant 162 : i32
    %scan3A_13 = arith.constant 0 : i32
    %scan3A_14 = arith.constant 0 : i32
    %scan3A_15 = arith.constant 32 : i32
    %scan3A_16 = arith.addi %scan3A_14, %scan3A_15 : i32
    %scan3A_17 = arith.constant 1 : i32
    %scan3A_18 = scf.for %scan3A_251 = %scan3A_14 to %scan3A_16 step %scan3A_17 iter_args(%scan3A_252 = %scan3A_13) -> (i32)  : i32 {
      %scan3A_253 = arith.constant 0 : i32
      %scan3A_254 = arith.constant 0 : i32
      %scan3A_255 = arith.constant 4 : i32
      %scan3A_256 = arith.addi %scan3A_254, %scan3A_255 : i32
      %scan3A_257 = arith.constant 1 : i32
      %scan3A_258 = scf.for %scan3A_260 = %scan3A_254 to %scan3A_256 step %scan3A_257 iter_args(%scan3A_261 = %scan3A_253) -> (i32)  : i32 {
        %mul3A_262 = arith.constant 16 : i32
        %mul3A_263 = arith.muli %scan3A_260, %mul3A_262 : i32
        %swap3A = arith.index_cast %scan3A_251 : i32 to index
        %swap3A_264 = arith.index_cast %mul3A_263 : i32 to index
        %swap3A_265 = tpu.vector_load %arg27[%swap3A, %swap3A_264] {strides = array<i32>} : memref<32x64xf32, #tpu.memory_space<vmem>>, vector<16xf32>,
        tpu.vector_store %arg27[%swap3A, %swap3A_264], %broadcast_in_dim3A_0 {strides = array<i32>} : memref<32x64xf32, #tpu.memory_space<vmem>>, vector<16xf32>,
        %scan3A_266 = arith.constant 0 : i32
        scf.yield %scan3A_266 : i32
      }
      %scan3A_259 = arith.constant 4 : i32
      scf.yield %scan3A_258 : i32
    }
    %scan3A_19 = arith.constant 32 : i32
    %shift_right_arithmetic3A = arith.constant 3 : i32
    %shift_right_arithmetic3A_20 = vector.broadcast %shift_right_arithmetic3A : i32 to vector<16xi32>
    %shift_right_arithmetic3A_21 = arith.shrsi %iota3A, %shift_right_arithmetic3A_20 : vector<16xi32>
    %and3A = arith.constant 7 : i32
    %and3A_22 = vector.broadcast %and3A : i32 to vector<16xi32>
    %and3A_23 = arith.andi %iota3A, %and3A_22 : vector<16xi32>
    %shift_right_arithmetic3A_24 = arith.constant 0 : i32
    %shift_right_arithmetic3A_25 = vector.broadcast %shift_right_arithmetic3A_24 : i32 to vector<16xi32>
    %shift_right_arithmetic3A_26 = arith.shrsi %iota3A, %shift_right_arithmetic3A_25 : vector<16xi32>
    %and3A_27 = arith.constant 0 : i32
    %and3A_28 = vector.broadcast %and3A_27 : i32 to vector<16xi32>
    %and3A_29 = arith.andi %iota3A, %and3A_28 : vector<16xi32>
    %scan3A_30 = arith.constant 0 : i32
    %scan3A_31 = arith.constant 0 : i32
    %scan3A_32 = arith.constant 176 : i32
    %scan3A_33 = arith.addi %scan3A_31, %scan3A_32 : i32
    %scan3A_34 = arith.constant 1 : i32
    %scan3A_35 = scf.for %scan3A_251 = %scan3A_31 to %scan3A_33 step %scan3A_34 iter_args(%scan3A_252 = %scan3A_30) -> (i32)  : i32 {
      %mul3A_253 = arith.constant 2 : i32
      %mul3A_254 = arith.muli %scan3A_251, %mul3A_253 : i32
      %broadcast_in_dim3A_255 = vector.broadcast %mul3A_254 : i32 to vector<16xi32>
      %add3A = arith.addi %broadcast_in_dim3A_255, %shift_right_arithmetic3A_21 : vector<16xi32>
      tpu.vector_store_idx %arg28[%add3A, %and3A_23], %broadcast_in_dim3A_0 : memref<352x8xf32, #tpu.memory_space<vmem>>[vector<16xi32>, vector<16xi32>], vector<16xf32>,
      %scan3A_256 = arith.constant 0 : i32
      scf.yield %scan3A_256 : i32
    }
    %scan3A_36 = arith.constant 176 : i32
    %broadcast_in_dim3A_37 = arith.constant 5120 : i32
    %broadcast_in_dim3A_38 = vector.broadcast %broadcast_in_dim3A_37 : i32 to vector<16xi32>
    %broadcast_in_dim3A_39 = arith.constant 0 : i32
    %broadcast_in_dim3A_40 = vector.broadcast %broadcast_in_dim3A_39 : i32 to vector<16xi32>
    %scan3A_41 = arith.constant 0 : i32
    %scan3A_42 = arith.constant 0 : i32
    %scan3A_43 = arith.constant 11 : i32
    %scan3A_44 = arith.addi %scan3A_42, %scan3A_43 : i32
    %scan3A_45 = arith.constant 1 : i32
    %scan3A_46 = scf.for %scan3A_251 = %scan3A_42 to %scan3A_44 step %scan3A_45 iter_args(%scan3A_252 = %scan3A_41) -> (i32)  : i32 {
      %mul3A_253 = arith.constant 352 : i32
      %mul3A_254 = arith.muli %arg1, %mul3A_253 : i32
      %mul3A_255 = arith.constant 32 : i32
      %mul3A_256 = arith.muli %scan3A_251, %mul3A_255 : i32
      %add3A = arith.addi %mul3A_254, %mul3A_256 : i32
      "tpu.region"() ({
        %run_scoped3A = tpu.sem_alloc : memref<!tpu.dma_semaphore, #tpu.memory_space<semaphore_mem>>
        %dma_start3A_258 = arith.constant 0 : i32
        %dma_start3A_259 = tpu.memref_slice %arg33[%add3A, %dma_start3A_258] : memref<5632x64xf32, #tpu.memory_space<vmem_shared>> -> memref<32x64xf32, #tpu.memory_space<vmem_shared>>
        %dma_start3A_260 = arith.constant 0 : i32
        %dma_start3A_261 = tpu.memref_slice %arg33[%add3A, %dma_start3A_260] : memref<5632x64xf32, #tpu.memory_space<vmem_shared>> -> memref<32x64xf32, #tpu.memory_space<vmem_shared>>
        tpu.enqueue_dma source(%arg27 : memref<32x64xf32, #tpu.memory_space<vmem>>) target(%dma_start3A_261 : memref<32x64xf32, #tpu.memory_space<vmem_shared>>) target_semaphore(%run_scoped3A : memref<!tpu.dma_semaphore, #tpu.memory_space<semaphore_mem>>)
        %dma_wait3A_262 = arith.constant 0 : i32
        %dma_wait3A_263 = tpu.memref_slice %arg33[%add3A, %dma_wait3A_262] : memref<5632x64xf32, #tpu.memory_space<vmem_shared>> -> memref<32x64xf32, #tpu.memory_space<vmem_shared>>
        %dma_wait3A_264 = arith.constant 0 : i32
        %dma_wait3A_265 = tpu.memref_slice %arg33[%add3A, %dma_wait3A_264] : memref<5632x64xf32, #tpu.memory_space<vmem_shared>> -> memref<32x64xf32, #tpu.memory_space<vmem_shared>>
        tpu.wait_dma2 semaphore(%run_scoped3A : memref<!tpu.dma_semaphore, #tpu.memory_space<semaphore_mem>>) src(%arg27 : memref<32x64xf32, #tpu.memory_space<vmem>>) dst(%dma_wait3A_265 : memref<32x64xf32, #tpu.memory_space<vmem_shared>>)
        tpu.yield
      }) : () -> ()
      %scan3A_257 = arith.constant 0 : i32
      scf.yield %scan3A_257 : i32
    }
    %scan3A_47 = arith.constant 11 : i32
    %mul3A_48 = arith.constant 352 : i32
    %mul3A_49 = arith.muli %arg1, %mul3A_48 : i32
    "tpu.region"() ({
      %run_scoped3A = tpu.sem_alloc : memref<!tpu.dma_semaphore, #tpu.memory_space<semaphore_mem>>
      %dma_start3A_251 = arith.constant 0 : i32
      %dma_start3A_252 = tpu.memref_slice %arg34[%mul3A_49, %dma_start3A_251] : memref<5632x8xf32, #tpu.memory_space<vmem_shared>> -> memref<352x8xf32, #tpu.memory_space<vmem_shared>>
      %dma_start3A_253 = arith.constant 0 : i32
      %dma_start3A_254 = tpu.memref_slice %arg34[%mul3A_49, %dma_start3A_253] : memref<5632x8xf32, #tpu.memory_space<vmem_shared>> -> memref<352x8xf32, #tpu.memory_space<vmem_shared>>
      tpu.enqueue_dma source(%arg28 : memref<352x8xf32, #tpu.memory_space<vmem>>) target(%dma_start3A_254 : memref<352x8xf32, #tpu.memory_space<vmem_shared>>) target_semaphore(%run_scoped3A : memref<!tpu.dma_semaphore, #tpu.memory_space<semaphore_mem>>)
      %dma_wait3A_255 = arith.constant 0 : i32
      %dma_wait3A_256 = tpu.memref_slice %arg34[%mul3A_49, %dma_wait3A_255] : memref<5632x8xf32, #tpu.memory_space<vmem_shared>> -> memref<352x8xf32, #tpu.memory_space<vmem_shared>>
      %dma_wait3A_257 = arith.constant 0 : i32
      %dma_wait3A_258 = tpu.memref_slice %arg34[%mul3A_49, %dma_wait3A_257] : memref<5632x8xf32, #tpu.memory_space<vmem_shared>> -> memref<352x8xf32, #tpu.memory_space<vmem_shared>>
      tpu.wait_dma2 semaphore(%run_scoped3A : memref<!tpu.dma_semaphore, #tpu.memory_space<semaphore_mem>>) src(%arg28 : memref<352x8xf32, #tpu.memory_space<vmem>>) dst(%dma_wait3A_258 : memref<352x8xf32, #tpu.memory_space<vmem_shared>>)
      tpu.yield
    }) : () -> ()
    %barrier3A = arith.constant 0 : index
    tpu.barrier barrier_id(%barrier3A)
    %scan3A_50 = arith.constant 0 : i32
    %scan3A_51 = arith.constant 0 : i32
    %scan3A_52 = arith.constant 8 : i32
    %scan3A_53 = arith.addi %scan3A_51, %scan3A_52 : i32
    %scan3A_54 = arith.constant 1 : i32
    %scan3A_55 = scf.for %scan3A_251 = %scan3A_51 to %scan3A_53 step %scan3A_54 iter_args(%scan3A_252 = %scan3A_50) -> (i32)  : i32 {
      %mul3A_253 = arith.constant 16 : i32
      %mul3A_254 = arith.muli %scan3A_251, %mul3A_253 : i32
      %swap3A = arith.index_cast %mul3A_254 : i32 to index
      %swap3A_255 = tpu.vector_load %arg13[%swap3A] {strides = array<i32>} : memref<128xi32, #tpu.memory_space<vmem>>, vector<16xi32>,
      tpu.vector_store %arg13[%swap3A], %broadcast_in_dim3A_38 {strides = array<i32>} : memref<128xi32, #tpu.memory_space<vmem>>, vector<16xi32>,
      %scan3A_256 = arith.constant 0 : i32
      scf.yield %scan3A_256 : i32
    }
    %scan3A_56 = arith.constant 8 : i32
    %scan3A_57 = arith.constant 0 : i32
    %scan3A_58 = arith.constant 0 : i32
    %scan3A_59 = arith.constant 8 : i32
    %scan3A_60 = arith.addi %scan3A_58, %scan3A_59 : i32
    %scan3A_61 = arith.constant 1 : i32
    %scan3A_62 = scf.for %scan3A_251 = %scan3A_58 to %scan3A_60 step %scan3A_61 iter_args(%scan3A_252 = %scan3A_57) -> (i32)  : i32 {
      %mul3A_253 = arith.constant 16 : i32
      %mul3A_254 = arith.muli %scan3A_251, %mul3A_253 : i32
      %swap3A = arith.index_cast %mul3A_254 : i32 to index
      %swap3A_255 = tpu.vector_load %arg14[%swap3A] {strides = array<i32>} : memref<128xi32, #tpu.memory_space<vmem>>, vector<16xi32>,
      tpu.vector_store %arg14[%swap3A], %broadcast_in_dim3A_38 {strides = array<i32>} : memref<128xi32, #tpu.memory_space<vmem>>, vector<16xi32>,
      %scan3A_256 = arith.constant 0 : i32
      scf.yield %scan3A_256 : i32
    }
    %scan3A_63 = arith.constant 8 : i32
    %dma_start3A = arith.constant 0 : i32
    %dma_start3A_64 = arith.constant 0 : i32
    %dma_start3A_65 = tpu.memref_slice %arg33[%dma_start3A, %dma_start3A_64] : memref<5632x64xf32, #tpu.memory_space<vmem_shared>> -> memref<5632x64xf32, #tpu.memory_space<vmem_shared>>
    tpu.enqueue_indirect_dma source(%arg16 : memref<128x64xf32, #tpu.memory_space<vmem>>) target(%dma_start3A_65 : memref<5632x64xf32, #tpu.memory_space<vmem_shared>>) offsets(%arg13 : memref<128xi32, #tpu.memory_space<vmem>>) semaphore(%arg38 : memref<!tpu.dma_semaphore, #tpu.memory_space<semaphore_mem>>) {add = true}
    %dma_start3A_66 = arith.constant 0 : i32
    %dma_start3A_67 = arith.constant 0 : i32
    %dma_start3A_68 = tpu.memref_slice %arg34[%dma_start3A_66, %dma_start3A_67] : memref<5632x8xf32, #tpu.memory_space<vmem_shared>> -> memref<5632x8xf32, #tpu.memory_space<vmem_shared>>
    tpu.enqueue_indirect_dma source(%arg25 : memref<128x8xf32, #tpu.memory_space<vmem>>) target(%dma_start3A_68 : memref<5632x8xf32, #tpu.memory_space<vmem_shared>>) offsets(%arg13 : memref<128xi32, #tpu.memory_space<vmem>>) semaphore(%arg39 : memref<!tpu.dma_semaphore, #tpu.memory_space<semaphore_mem>>) {add = true}
    %dma_start3A_69 = arith.constant 0 : i32
    %dma_start3A_70 = arith.constant 0 : i32
    %dma_start3A_71 = tpu.memref_slice %arg33[%dma_start3A_69, %dma_start3A_70] : memref<5632x64xf32, #tpu.memory_space<vmem_shared>> -> memref<5632x64xf32, #tpu.memory_space<vmem_shared>>
    tpu.enqueue_indirect_dma source(%arg17 : memref<128x64xf32, #tpu.memory_space<vmem>>) target(%dma_start3A_71 : memref<5632x64xf32, #tpu.memory_space<vmem_shared>>) offsets(%arg14 : memref<128xi32, #tpu.memory_space<vmem>>) semaphore(%arg38 : memref<!tpu.dma_semaphore, #tpu.memory_space<semaphore_mem>>) {add = true}
    %dma_start3A_72 = arith.constant 0 : i32
    %dma_start3A_73 = arith.constant 0 : i32
    %dma_start3A_74 = tpu.memref_slice %arg34[%dma_start3A_72, %dma_start3A_73] : memref<5632x8xf32, #tpu.memory_space<vmem_shared>> -> memref<5632x8xf32, #tpu.memory_space<vmem_shared>>
    tpu.enqueue_indirect_dma source(%arg26 : memref<128x8xf32, #tpu.memory_space<vmem>>) target(%dma_start3A_74 : memref<5632x8xf32, #tpu.memory_space<vmem_shared>>) offsets(%arg14 : memref<128xi32, #tpu.memory_space<vmem>>) semaphore(%arg39 : memref<!tpu.dma_semaphore, #tpu.memory_space<semaphore_mem>>) {add = true}
    %dma_start3A_75 = arith.constant 0 : i32
    %dma_start3A_76 = arith.constant 0 : i32
    %dma_start3A_77 = tpu.memref_slice %arg9[%dma_start3A_75, %dma_start3A_76] : memref<162x128xi32, #tpu.memory_space<vmem>> -> memref<1x128xi32, #tpu.memory_space<vmem>>
    %dma_start3A_78 = tpu.memref_squeeze %dma_start3A_77 : memref<1x128xi32, #tpu.memory_space<vmem>> -> memref<128xi32, #tpu.memory_space<vmem>>
    %dma_start3A_79 = arith.constant 0 : i32
    %dma_start3A_80 = arith.constant 0 : i32
    %dma_start3A_81 = tpu.memref_slice %arg4[%dma_start3A_79, %dma_start3A_80] : memref<20000x64xf32, #tpu.memory_space<hbm>> -> memref<20000x64xf32, #tpu.memory_space<hbm>>
    tpu.enqueue_indirect_dma source(%dma_start3A_81 : memref<20000x64xf32, #tpu.memory_space<hbm>>) target(%arg15 : memref<128x64xf32, #tpu.memory_space<vmem>>) offsets(%dma_start3A_78 : memref<128xi32, #tpu.memory_space<vmem>>) semaphore(%arg35 : memref<!tpu.dma_semaphore, #tpu.memory_space<semaphore_mem>>)
    %dma_start3A_82 = arith.constant 0 : i32
    %dma_start3A_83 = arith.constant 0 : i32
    %dma_start3A_84 = tpu.memref_slice %arg9[%dma_start3A_82, %dma_start3A_83] : memref<162x128xi32, #tpu.memory_space<vmem>> -> memref<1x128xi32, #tpu.memory_space<vmem>>
    %dma_start3A_85 = tpu.memref_squeeze %dma_start3A_84 : memref<1x128xi32, #tpu.memory_space<vmem>> -> memref<128xi32, #tpu.memory_space<vmem>>
    %dma_start3A_86 = arith.constant 0 : i32
    %dma_start3A_87 = arith.constant 0 : i32
    %dma_start3A_88 = tpu.memref_slice %arg5[%dma_start3A_86, %dma_start3A_87] : memref<20000x8xf32, #tpu.memory_space<hbm>> -> memref<20000x8xf32, #tpu.memory_space<hbm>>
    tpu.enqueue_indirect_dma source(%dma_start3A_88 : memref<20000x8xf32, #tpu.memory_space<hbm>>) target(%arg18 : memref<128x8xf32, #tpu.memory_space<vmem>>) offsets(%dma_start3A_85 : memref<128xi32, #tpu.memory_space<vmem>>) semaphore(%arg36 : memref<!tpu.dma_semaphore, #tpu.memory_space<semaphore_mem>>)
    %dma_start3A_89 = arith.constant 0 : i32
    %dma_start3A_90 = arith.constant 0 : i32
    %dma_start3A_91 = tpu.memref_slice %arg11[%dma_start3A_89, %dma_start3A_90] : memref<162x128xi32, #tpu.memory_space<vmem>> -> memref<1x128xi32, #tpu.memory_space<vmem>>
    %dma_start3A_92 = tpu.memref_squeeze %dma_start3A_91 : memref<1x128xi32, #tpu.memory_space<vmem>> -> memref<128xi32, #tpu.memory_space<vmem>>
    %dma_start3A_93 = arith.constant 0 : i32
    %dma_start3A_94 = arith.constant 0 : i32
    %dma_start3A_95 = tpu.memref_slice %arg6[%dma_start3A_93, %dma_start3A_94] : memref<20016x8xf32, #tpu.memory_space<hbm>> -> memref<20016x8xf32, #tpu.memory_space<hbm>>
    tpu.enqueue_indirect_dma source(%dma_start3A_95 : memref<20016x8xf32, #tpu.memory_space<hbm>>) target(%arg21 : memref<128x8xf32, #tpu.memory_space<vmem>>) offsets(%dma_start3A_92 : memref<128xi32, #tpu.memory_space<vmem>>) semaphore(%arg37 : memref<!tpu.dma_semaphore, #tpu.memory_space<semaphore_mem>>)
    %scan3A_96 = arith.constant 0 : i32
    %scan3A_97 = arith.constant 0 : i32
    %scan3A_98 = arith.constant 54 : i32
    %scan3A_99 = arith.addi %scan3A_97, %scan3A_98 : i32
    %scan3A_100 = arith.constant 1 : i32
    %scan3A_101 = scf.for %scan3A_251 = %scan3A_97 to %scan3A_99 step %scan3A_100 iter_args(%scan3A_252 = %scan3A_96) -> (i32)  : i32 {
      %mul3A_253 = arith.constant 3 : i32
      %mul3A_254 = arith.muli %scan3A_251, %mul3A_253 : i32
      %dma_wait3A_255 = arith.constant 0 : i32
      %dma_wait3A_256 = arith.constant 0 : i32
      %dma_wait3A_257 = tpu.memref_slice %arg33[%dma_wait3A_255, %dma_wait3A_256] : memref<5632x64xf32, #tpu.memory_space<vmem_shared>> -> memref<5632x64xf32, #tpu.memory_space<vmem_shared>>
      tpu.wait_indirect_dma semaphore(%arg38 : memref<!tpu.dma_semaphore, #tpu.memory_space<semaphore_mem>>) src(%arg16 : memref<128x64xf32, #tpu.memory_space<vmem>>) dst(%dma_wait3A_257 : memref<5632x64xf32, #tpu.memory_space<vmem_shared>>)
      %dma_wait3A_258 = arith.constant 0 : i32
      %dma_wait3A_259 = arith.constant 0 : i32
      %dma_wait3A_260 = tpu.memref_slice %arg34[%dma_wait3A_258, %dma_wait3A_259] : memref<5632x8xf32, #tpu.memory_space<vmem_shared>> -> memref<5632x8xf32, #tpu.memory_space<vmem_shared>>
      tpu.wait_indirect_dma semaphore(%arg39 : memref<!tpu.dma_semaphore, #tpu.memory_space<semaphore_mem>>) src(%arg25 : memref<128x8xf32, #tpu.memory_space<vmem>>) dst(%dma_wait3A_260 : memref<5632x8xf32, #tpu.memory_space<vmem_shared>>)
      %add3A = arith.constant 1 : i32
      %add3A_261 = arith.addi %mul3A_254, %add3A : i32
      %min3A = arith.constant 161 : i32
      %min3A_262 = arith.minsi %add3A_261, %min3A : i32
      %dma_start3A_263 = arith.constant 0 : i32
      %dma_start3A_264 = tpu.memref_slice %arg9[%min3A_262, %dma_start3A_263] : memref<162x128xi32, #tpu.memory_space<vmem>> -> memref<1x128xi32, #tpu.memory_space<vmem>>
      %dma_start3A_265 = tpu.memref_squeeze %dma_start3A_264 : memref<1x128xi32, #tpu.memory_space<vmem>> -> memref<128xi32, #tpu.memory_space<vmem>>
      %dma_start3A_266 = arith.constant 0 : i32
      %dma_start3A_267 = arith.constant 0 : i32
      %dma_start3A_268 = tpu.memref_slice %arg4[%dma_start3A_266, %dma_start3A_267] : memref<20000x64xf32, #tpu.memory_space<hbm>> -> memref<20000x64xf32, #tpu.memory_space<hbm>>
      tpu.enqueue_indirect_dma source(%dma_start3A_268 : memref<20000x64xf32, #tpu.memory_space<hbm>>) target(%arg16 : memref<128x64xf32, #tpu.memory_space<vmem>>) offsets(%dma_start3A_265 : memref<128xi32, #tpu.memory_space<vmem>>) semaphore(%arg35 : memref<!tpu.dma_semaphore, #tpu.memory_space<semaphore_mem>>)
      %dma_start3A_269 = arith.constant 0 : i32
      %dma_start3A_270 = tpu.memref_slice %arg9[%min3A_262, %dma_start3A_269] : memref<162x128xi32, #tpu.memory_space<vmem>> -> memref<1x128xi32, #tpu.memory_space<vmem>>
      %dma_start3A_271 = tpu.memref_squeeze %dma_start3A_270 : memref<1x128xi32, #tpu.memory_space<vmem>> -> memref<128xi32, #tpu.memory_space<vmem>>
      %dma_start3A_272 = arith.constant 0 : i32
      %dma_start3A_273 = arith.constant 0 : i32
      %dma_start3A_274 = tpu.memref_slice %arg5[%dma_start3A_272, %dma_start3A_273] : memref<20000x8xf32, #tpu.memory_space<hbm>> -> memref<20000x8xf32, #tpu.memory_space<hbm>>
      tpu.enqueue_indirect_dma source(%dma_start3A_274 : memref<20000x8xf32, #tpu.memory_space<hbm>>) target(%arg19 : memref<128x8xf32, #tpu.memory_space<vmem>>) offsets(%dma_start3A_271 : memref<128xi32, #tpu.memory_space<vmem>>) semaphore(%arg36 : memref<!tpu.dma_semaphore, #tpu.memory_space<semaphore_mem>>)
      %dma_start3A_275 = arith.constant 0 : i32
      %dma_start3A_276 = tpu.memref_slice %arg11[%min3A_262, %dma_start3A_275] : memref<162x128xi32, #tpu.memory_space<vmem>> -> memref<1x128xi32, #tpu.memory_space<vmem>>
      %dma_start3A_277 = tpu.memref_squeeze %dma_start3A_276 : memref<1x128xi32, #tpu.memory_space<vmem>> -> memref<128xi32, #tpu.memory_space<vmem>>
      %dma_start3A_278 = arith.constant 0 : i32
      %dma_start3A_279 = arith.constant 0 : i32
      %dma_start3A_280 = tpu.memref_slice %arg6[%dma_start3A_278, %dma_start3A_279] : memref<20016x8xf32, #tpu.memory_space<hbm>> -> memref<20016x8xf32, #tpu.memory_space<hbm>>
      tpu.enqueue_indirect_dma source(%dma_start3A_280 : memref<20016x8xf32, #tpu.memory_space<hbm>>) target(%arg22 : memref<128x8xf32, #tpu.memory_space<vmem>>) offsets(%dma_start3A_277 : memref<128xi32, #tpu.memory_space<vmem>>) semaphore(%arg37 : memref<!tpu.dma_semaphore, #tpu.memory_space<semaphore_mem>>)
      %scan3A_281 = arith.constant 0 : i32
      %scan3A_282 = arith.constant 0 : i32
      %scan3A_283 = arith.constant 8 : i32
      %scan3A_284 = arith.addi %scan3A_282, %scan3A_283 : i32
      %scan3A_285 = arith.constant 1 : i32
      %scan3A_286 = scf.for %scan3A_483 = %scan3A_282 to %scan3A_284 step %scan3A_285 iter_args(%scan3A_484 = %scan3A_281) -> (i32)  : i32 {
        %mul3A_485 = arith.constant 16 : i32
        %mul3A_486 = arith.muli %scan3A_483, %mul3A_485 : i32
        %get3A_487 = arith.index_cast %mul3A_254 : i32 to index
        %get3A_488 = arith.index_cast %mul3A_486 : i32 to index
        %get3A_489 = tpu.vector_load %arg10[%get3A_487, %get3A_488] {strides = array<i32>} : memref<162x128xi32, #tpu.memory_space<vmem>>, vector<16xi32>,
        %sub3A = arith.subi %get3A_489, %broadcast_in_dim3A_40 : vector<16xi32>
        %ge3A = arith.constant 0 : i32
        %ge3A_490 = vector.broadcast %ge3A : i32 to vector<16xi32>
        %ge3A_491 = arith.cmpi sge, %sub3A, %ge3A_490 : vector<16xi32>
        %lt3A = arith.constant 5120 : i32
        %lt3A_492 = vector.broadcast %lt3A : i32 to vector<16xi32>
        %lt3A_493 = arith.cmpi slt, %sub3A, %lt3A_492 : vector<16xi32>
        %and3A_494 = arith.andi %ge3A_491, %lt3A_493 : vector<16xi1>
        %and3A_495 = arith.constant 255 : i32
        %and3A_496 = vector.broadcast %and3A_495 : i32 to vector<16xi32>
        %and3A_497 = arith.andi %sub3A, %and3A_496 : vector<16xi32>
        %add3A_498 = arith.addi %broadcast_in_dim3A_38, %and3A_497 : vector<16xi32>
        %select_n3A = arith.select %and3A_494, %sub3A, %add3A_498 : vector<16xi1>, vector<16xi32>
        %swap3A = arith.index_cast %mul3A_486 : i32 to index
        %swap3A_499 = tpu.vector_load %arg12[%swap3A] {strides = array<i32>} : memref<128xi32, #tpu.memory_space<vmem>>, vector<16xi32>,
        tpu.vector_store %arg12[%swap3A], %select_n3A {strides = array<i32>} : memref<128xi32, #tpu.memory_space<vmem>>, vector<16xi32>,
        %scan3A_500 = arith.constant 0 : i32
        scf.yield %scan3A_500 : i32
      }
      %scan3A_287 = arith.constant 8 : i32
      %dma_wait3A_288 = arith.constant 0 : i32
      %dma_wait3A_289 = tpu.memref_slice %arg9[%mul3A_254, %dma_wait3A_288] : memref<162x128xi32, #tpu.memory_space<vmem>> -> memref<1x128xi32, #tpu.memory_space<vmem>>
      %dma_wait3A_290 = tpu.memref_squeeze %dma_wait3A_289 : memref<1x128xi32, #tpu.memory_space<vmem>> -> memref<128xi32, #tpu.memory_space<vmem>>
      %dma_wait3A_291 = arith.constant 0 : i32
      %dma_wait3A_292 = arith.constant 0 : i32
      %dma_wait3A_293 = tpu.memref_slice %arg5[%dma_wait3A_291, %dma_wait3A_292] : memref<20000x8xf32, #tpu.memory_space<hbm>> -> memref<20000x8xf32, #tpu.memory_space<hbm>>
      tpu.wait_indirect_dma semaphore(%arg36 : memref<!tpu.dma_semaphore, #tpu.memory_space<semaphore_mem>>) src(%dma_wait3A_293 : memref<20000x8xf32, #tpu.memory_space<hbm>>) dst(%arg18 : memref<128x8xf32, #tpu.memory_space<vmem>>)
      %dma_wait3A_294 = arith.constant 0 : i32
      %dma_wait3A_295 = tpu.memref_slice %arg11[%mul3A_254, %dma_wait3A_294] : memref<162x128xi32, #tpu.memory_space<vmem>> -> memref<1x128xi32, #tpu.memory_space<vmem>>
      %dma_wait3A_296 = tpu.memref_squeeze %dma_wait3A_295 : memref<1x128xi32, #tpu.memory_space<vmem>> -> memref<128xi32, #tpu.memory_space<vmem>>
      %dma_wait3A_297 = arith.constant 0 : i32
      %dma_wait3A_298 = arith.constant 0 : i32
      %dma_wait3A_299 = tpu.memref_slice %arg6[%dma_wait3A_297, %dma_wait3A_298] : memref<20016x8xf32, #tpu.memory_space<hbm>> -> memref<20016x8xf32, #tpu.memory_space<hbm>>
      tpu.wait_indirect_dma semaphore(%arg37 : memref<!tpu.dma_semaphore, #tpu.memory_space<semaphore_mem>>) src(%dma_wait3A_299 : memref<20016x8xf32, #tpu.memory_space<hbm>>) dst(%arg21 : memref<128x8xf32, #tpu.memory_space<vmem>>)
      %scan3A_300 = arith.constant 0 : i32
      %scan3A_301 = arith.constant 0 : i32
      %scan3A_302 = arith.constant 8 : i32
      %scan3A_303 = arith.addi %scan3A_301, %scan3A_302 : i32
      %scan3A_304 = arith.constant 1 : i32
      %scan3A_305 = scf.for %scan3A_483 = %scan3A_301 to %scan3A_303 step %scan3A_304 iter_args(%scan3A_484 = %scan3A_300) -> (i32)  : i32 {
        %mul3A_485 = arith.constant 16 : i32
        %mul3A_486 = arith.muli %scan3A_483, %mul3A_485 : i32
        %broadcast_in_dim3A_487 = vector.broadcast %mul3A_486 : i32 to vector<16xi32>
        %add3A_488 = arith.addi %broadcast_in_dim3A_487, %shift_right_arithmetic3A_26 : vector<16xi32>
        %gather3A = tpu.vector_load_idx %arg18[%add3A_488, %and3A_29] : memref<128x8xf32, #tpu.memory_space<vmem>>[vector<16xi32>, vector<16xi32>], vector<16xf32>,
        %gather3A_489 = tpu.vector_load_idx %arg21[%add3A_488, %and3A_29] : memref<128x8xf32, #tpu.memory_space<vmem>>[vector<16xi32>, vector<16xi32>], vector<16xf32>,
        %add3A_490 = arith.addf %gather3A, %gather3A_489 : vector<16xf32>
        %ge3A = arith.constant 0.000000e+00 : f32
        %ge3A_491 = vector.broadcast %ge3A : f32 to vector<16xf32>
        %ge3A_492 = arith.cmpf oge, %add3A_490, %ge3A_491 : vector<16xf32>
        %mul3A_493 = arith.constant 2.000000e-01 : f32
        %mul3A_494 = vector.broadcast %mul3A_493 : f32 to vector<16xf32>
        %mul3A_495 = arith.mulf %mul3A_494, %add3A_490 : vector<16xf32>
        %select_n3A = arith.select %ge3A_492, %add3A_490, %mul3A_495 : vector<16xi1>, vector<16xf32>
        %sub3A = arith.subf %select_n3A, %get3A_1 : vector<16xf32>
        %exp3A = math.exp %sub3A : vector<16xf32>
        tpu.vector_store_idx %arg24[%add3A_488, %and3A_29], %exp3A : memref<128x8xf32, #tpu.memory_space<vmem>>[vector<16xi32>, vector<16xi32>], vector<16xf32>,
        %scan3A_496 = arith.constant 0 : i32
        scf.yield %scan3A_496 : i32
      }
      %scan3A_306 = arith.constant 8 : i32
      %dma_wait3A_307 = arith.constant 0 : i32
      %dma_wait3A_308 = tpu.memref_slice %arg9[%mul3A_254, %dma_wait3A_307] : memref<162x128xi32, #tpu.memory_space<vmem>> -> memref<1x128xi32, #tpu.memory_space<vmem>>
      %dma_wait3A_309 = tpu.memref_squeeze %dma_wait3A_308 : memref<1x128xi32, #tpu.memory_space<vmem>> -> memref<128xi32, #tpu.memory_space<vmem>>
      %dma_wait3A_310 = arith.constant 0 : i32
      %dma_wait3A_311 = arith.constant 0 : i32
      %dma_wait3A_312 = tpu.memref_slice %arg4[%dma_wait3A_310, %dma_wait3A_311] : memref<20000x64xf32, #tpu.memory_space<hbm>> -> memref<20000x64xf32, #tpu.memory_space<hbm>>
      tpu.wait_indirect_dma semaphore(%arg35 : memref<!tpu.dma_semaphore, #tpu.memory_space<semaphore_mem>>) src(%dma_wait3A_312 : memref<20000x64xf32, #tpu.memory_space<hbm>>) dst(%arg15 : memref<128x64xf32, #tpu.memory_space<vmem>>)
      %broadcast_in_dim3A_313 = arith.constant 0 : i32
      %broadcast_in_dim3A_314 = vector.broadcast %broadcast_in_dim3A_313 : i32 to vector<16xi32>
      %scan3A_315 = arith.constant 0 : i32
      %scan3A_316 = arith.constant 0 : i32
      %scan3A_317 = arith.constant 128 : i32
      %scan3A_318 = arith.addi %scan3A_316, %scan3A_317 : i32
      %scan3A_319 = arith.constant 1 : i32
      %scan3A_320 = scf.for %scan3A_483 = %scan3A_316 to %scan3A_318 step %scan3A_319 iter_args(%scan3A_484 = %scan3A_315) -> (i32)  : i32 {
        %broadcast_in_dim3A_485 = vector.broadcast %scan3A_483 : i32 to vector<16xi32>
        %gather3A = tpu.vector_load_idx %arg24[%broadcast_in_dim3A_485, %broadcast_in_dim3A_314] : memref<128x8xf32, #tpu.memory_space<vmem>>[vector<16xi32>, vector<16xi32>], vector<16xf32>,
        %scan3A_486 = arith.constant 0 : i32
        %scan3A_487 = arith.constant 0 : i32
        %scan3A_488 = arith.constant 4 : i32
        %scan3A_489 = arith.addi %scan3A_487, %scan3A_488 : i32
        %scan3A_490 = arith.constant 1 : i32
        %scan3A_491 = scf.for %scan3A_493 = %scan3A_487 to %scan3A_489 step %scan3A_490 iter_args(%scan3A_494 = %scan3A_486) -> (i32)  : i32 {
          %mul3A_495 = arith.constant 16 : i32
          %mul3A_496 = arith.muli %scan3A_493, %mul3A_495 : i32
          %get3A_497 = arith.index_cast %scan3A_483 : i32 to index
          %get3A_498 = arith.index_cast %mul3A_496 : i32 to index
          %get3A_499 = tpu.vector_load %arg15[%get3A_497, %get3A_498] {strides = array<i32>} : memref<128x64xf32, #tpu.memory_space<vmem>>, vector<16xf32>,
          %mul3A_500 = arith.mulf %get3A_499, %gather3A : vector<16xf32>
          %swap3A = arith.index_cast %scan3A_483 : i32 to index
          %swap3A_501 = arith.index_cast %mul3A_496 : i32 to index
          %swap3A_502 = tpu.vector_load %arg15[%swap3A, %swap3A_501] {strides = array<i32>} : memref<128x64xf32, #tpu.memory_space<vmem>>, vector<16xf32>,
          tpu.vector_store %arg15[%swap3A, %swap3A_501], %mul3A_500 {strides = array<i32>} : memref<128x64xf32, #tpu.memory_space<vmem>>, vector<16xf32>,
          %scan3A_503 = arith.constant 0 : i32
          scf.yield %scan3A_503 : i32
        }
        %scan3A_492 = arith.constant 4 : i32
        scf.yield %scan3A_491 : i32
      }
      %scan3A_321 = arith.constant 128 : i32
      %dma_start3A_322 = arith.constant 0 : i32
      %dma_start3A_323 = arith.constant 0 : i32
      %dma_start3A_324 = tpu.memref_slice %arg33[%dma_start3A_322, %dma_start3A_323] : memref<5632x64xf32, #tpu.memory_space<vmem_shared>> -> memref<5632x64xf32, #tpu.memory_space<vmem_shared>>
      tpu.enqueue_indirect_dma source(%arg15 : memref<128x64xf32, #tpu.memory_space<vmem>>) target(%dma_start3A_324 : memref<5632x64xf32, #tpu.memory_space<vmem_shared>>) offsets(%arg12 : memref<128xi32, #tpu.memory_space<vmem>>) semaphore(%arg38 : memref<!tpu.dma_semaphore, #tpu.memory_space<semaphore_mem>>) {add = true}
      %dma_start3A_325 = arith.constant 0 : i32
      %dma_start3A_326 = arith.constant 0 : i32
      %dma_start3A_327 = tpu.memref_slice %arg34[%dma_start3A_325, %dma_start3A_326] : memref<5632x8xf32, #tpu.memory_space<vmem_shared>> -> memref<5632x8xf32, #tpu.memory_space<vmem_shared>>
      tpu.enqueue_indirect_dma source(%arg24 : memref<128x8xf32, #tpu.memory_space<vmem>>) target(%dma_start3A_327 : memref<5632x8xf32, #tpu.memory_space<vmem_shared>>) offsets(%arg12 : memref<128xi32, #tpu.memory_space<vmem>>) semaphore(%arg39 : memref<!tpu.dma_semaphore, #tpu.memory_space<semaphore_mem>>) {add = true}
      %add3A_328 = arith.constant 1 : i32
      %add3A_329 = arith.addi %mul3A_254, %add3A_328 : i32
      %dma_wait3A_330 = arith.constant 0 : i32
      %dma_wait3A_331 = arith.constant 0 : i32
      %dma_wait3A_332 = tpu.memref_slice %arg33[%dma_wait3A_330, %dma_wait3A_331] : memref<5632x64xf32, #tpu.memory_space<vmem_shared>> -> memref<5632x64xf32, #tpu.memory_space<vmem_shared>>
      tpu.wait_indirect_dma semaphore(%arg38 : memref<!tpu.dma_semaphore, #tpu.memory_space<semaphore_mem>>) src(%arg17 : memref<128x64xf32, #tpu.memory_space<vmem>>) dst(%dma_wait3A_332 : memref<5632x64xf32, #tpu.memory_space<vmem_shared>>)
      %dma_wait3A_333 = arith.constant 0 : i32
      %dma_wait3A_334 = arith.constant 0 : i32
      %dma_wait3A_335 = tpu.memref_slice %arg34[%dma_wait3A_333, %dma_wait3A_334] : memref<5632x8xf32, #tpu.memory_space<vmem_shared>> -> memref<5632x8xf32, #tpu.memory_space<vmem_shared>>
      tpu.wait_indirect_dma semaphore(%arg39 : memref<!tpu.dma_semaphore, #tpu.memory_space<semaphore_mem>>) src(%arg26 : memref<128x8xf32, #tpu.memory_space<vmem>>) dst(%dma_wait3A_335 : memref<5632x8xf32, #tpu.memory_space<vmem_shared>>)
      %add3A_336 = arith.constant 1 : i32
      %add3A_337 = arith.addi %add3A_329, %add3A_336 : i32
      %min3A_338 = arith.constant 161 : i32
      %min3A_339 = arith.minsi %add3A_337, %min3A_338 : i32
      %dma_start3A_340 = arith.constant 0 : i32
      %dma_start3A_341 = tpu.memref_slice %arg9[%min3A_339, %dma_start3A_340] : memref<162x128xi32, #tpu.memory_space<vmem>> -> memref<1x128xi32, #tpu.memory_space<vmem>>
      %dma_start3A_342 = tpu.memref_squeeze %dma_start3A_341 : memref<1x128xi32, #tpu.memory_space<vmem>> -> memref<128xi32, #tpu.memory_space<vmem>>
      %dma_start3A_343 = arith.constant 0 : i32
      %dma_start3A_344 = arith.constant 0 : i32
      %dma_start3A_345 = tpu.memref_slice %arg4[%dma_start3A_343, %dma_start3A_344] : memref<20000x64xf32, #tpu.memory_space<hbm>> -> memref<20000x64xf32, #tpu.memory_space<hbm>>
      tpu.enqueue_indirect_dma source(%dma_start3A_345 : memref<20000x64xf32, #tpu.memory_space<hbm>>) target(%arg17 : memref<128x64xf32, #tpu.memory_space<vmem>>) offsets(%dma_start3A_342 : memref<128xi32, #tpu.memory_space<vmem>>) semaphore(%arg35 : memref<!tpu.dma_semaphore, #tpu.memory_space<semaphore_mem>>)
      %dma_start3A_346 = arith.constant 0 : i32
      %dma_start3A_347 = tpu.memref_slice %arg9[%min3A_339, %dma_start3A_346] : memref<162x128xi32, #tpu.memory_space<vmem>> -> memref<1x128xi32, #tpu.memory_space<vmem>>
      %dma_start3A_348 = tpu.memref_squeeze %dma_start3A_347 : memref<1x128xi32, #tpu.memory_space<vmem>> -> memref<128xi32, #tpu.memory_space<vmem>>
      %dma_start3A_349 = arith.constant 0 : i32
      %dma_start3A_350 = arith.constant 0 : i32
      %dma_start3A_351 = tpu.memref_slice %arg5[%dma_start3A_349, %dma_start3A_350] : memref<20000x8xf32, #tpu.memory_space<hbm>> -> memref<20000x8xf32, #tpu.memory_space<hbm>>
      tpu.enqueue_indirect_dma source(%dma_start3A_351 : memref<20000x8xf32, #tpu.memory_space<hbm>>) target(%arg20 : memref<128x8xf32, #tpu.memory_space<vmem>>) offsets(%dma_start3A_348 : memref<128xi32, #tpu.memory_space<vmem>>) semaphore(%arg36 : memref<!tpu.dma_semaphore, #tpu.memory_space<semaphore_mem>>)
      %dma_start3A_352 = arith.constant 0 : i32
      %dma_start3A_353 = tpu.memref_slice %arg11[%min3A_339, %dma_start3A_352] : memref<162x128xi32, #tpu.memory_space<vmem>> -> memref<1x128xi32, #tpu.memory_space<vmem>>
      %dma_start3A_354 = tpu.memref_squeeze %dma_start3A_353 : memref<1x128xi32, #tpu.memory_space<vmem>> -> memref<128xi32, #tpu.memory_space<vmem>>
      %dma_start3A_355 = arith.constant 0 : i32
      %dma_start3A_356 = arith.constant 0 : i32
      %dma_start3A_357 = tpu.memref_slice %arg6[%dma_start3A_355, %dma_start3A_356] : memref<20016x8xf32, #tpu.memory_space<hbm>> -> memref<20016x8xf32, #tpu.memory_space<hbm>>
      tpu.enqueue_indirect_dma source(%dma_start3A_357 : memref<20016x8xf32, #tpu.memory_space<hbm>>) target(%arg23 : memref<128x8xf32, #tpu.memory_space<vmem>>) offsets(%dma_start3A_354 : memref<128xi32, #tpu.memory_space<vmem>>) semaphore(%arg37 : memref<!tpu.dma_semaphore, #tpu.memory_space<semaphore_mem>>)
      %scan3A_358 = arith.constant 0 : i32
      %scan3A_359 = arith.constant 0 : i32
      %scan3A_360 = arith.constant 8 : i32
      %scan3A_361 = arith.addi %scan3A_359, %scan3A_360 : i32
      %scan3A_362 = arith.constant 1 : i32
      %scan3A_363 = scf.for %scan3A_483 = %scan3A_359 to %scan3A_361 step %scan3A_362 iter_args(%scan3A_484 = %scan3A_358) -> (i32)  : i32 {
        %mul3A_485 = arith.constant 16 : i32
        %mul3A_486 = arith.muli %scan3A_483, %mul3A_485 : i32
        %get3A_487 = arith.index_cast %add3A_329 : i32 to index
        %get3A_488 = arith.index_cast %mul3A_486 : i32 to index
        %get3A_489 = tpu.vector_load %arg10[%get3A_487, %get3A_488] {strides = array<i32>} : memref<162x128xi32, #tpu.memory_space<vmem>>, vector<16xi32>,
        %sub3A = arith.subi %get3A_489, %broadcast_in_dim3A_40 : vector<16xi32>
        %ge3A = arith.constant 0 : i32
        %ge3A_490 = vector.broadcast %ge3A : i32 to vector<16xi32>
        %ge3A_491 = arith.cmpi sge, %sub3A, %ge3A_490 : vector<16xi32>
        %lt3A = arith.constant 5120 : i32
        %lt3A_492 = vector.broadcast %lt3A : i32 to vector<16xi32>
        %lt3A_493 = arith.cmpi slt, %sub3A, %lt3A_492 : vector<16xi32>
        %and3A_494 = arith.andi %ge3A_491, %lt3A_493 : vector<16xi1>
        %and3A_495 = arith.constant 255 : i32
        %and3A_496 = vector.broadcast %and3A_495 : i32 to vector<16xi32>
        %and3A_497 = arith.andi %sub3A, %and3A_496 : vector<16xi32>
        %add3A_498 = arith.addi %broadcast_in_dim3A_38, %and3A_497 : vector<16xi32>
        %select_n3A = arith.select %and3A_494, %sub3A, %add3A_498 : vector<16xi1>, vector<16xi32>
        %swap3A = arith.index_cast %mul3A_486 : i32 to index
        %swap3A_499 = tpu.vector_load %arg13[%swap3A] {strides = array<i32>} : memref<128xi32, #tpu.memory_space<vmem>>, vector<16xi32>,
        tpu.vector_store %arg13[%swap3A], %select_n3A {strides = array<i32>} : memref<128xi32, #tpu.memory_space<vmem>>, vector<16xi32>,
        %scan3A_500 = arith.constant 0 : i32
        scf.yield %scan3A_500 : i32
      }
      %scan3A_364 = arith.constant 8 : i32
      %dma_wait3A_365 = arith.constant 0 : i32
      %dma_wait3A_366 = tpu.memref_slice %arg9[%add3A_329, %dma_wait3A_365] : memref<162x128xi32, #tpu.memory_space<vmem>> -> memref<1x128xi32, #tpu.memory_space<vmem>>
      %dma_wait3A_367 = tpu.memref_squeeze %dma_wait3A_366 : memref<1x128xi32, #tpu.memory_space<vmem>> -> memref<128xi32, #tpu.memory_space<vmem>>
      %dma_wait3A_368 = arith.constant 0 : i32
      %dma_wait3A_369 = arith.constant 0 : i32
      %dma_wait3A_370 = tpu.memref_slice %arg5[%dma_wait3A_368, %dma_wait3A_369] : memref<20000x8xf32, #tpu.memory_space<hbm>> -> memref<20000x8xf32, #tpu.memory_space<hbm>>
      tpu.wait_indirect_dma semaphore(%arg36 : memref<!tpu.dma_semaphore, #tpu.memory_space<semaphore_mem>>) src(%dma_wait3A_370 : memref<20000x8xf32, #tpu.memory_space<hbm>>) dst(%arg19 : memref<128x8xf32, #tpu.memory_space<vmem>>)
      %dma_wait3A_371 = arith.constant 0 : i32
      %dma_wait3A_372 = tpu.memref_slice %arg11[%add3A_329, %dma_wait3A_371] : memref<162x128xi32, #tpu.memory_space<vmem>> -> memref<1x128xi32, #tpu.memory_space<vmem>>
      %dma_wait3A_373 = tpu.memref_squeeze %dma_wait3A_372 : memref<1x128xi32, #tpu.memory_space<vmem>> -> memref<128xi32, #tpu.memory_space<vmem>>
      %dma_wait3A_374 = arith.constant 0 : i32
      %dma_wait3A_375 = arith.constant 0 : i32
      %dma_wait3A_376 = tpu.memref_slice %arg6[%dma_wait3A_374, %dma_wait3A_375] : memref<20016x8xf32, #tpu.memory_space<hbm>> -> memref<20016x8xf32, #tpu.memory_space<hbm>>
      tpu.wait_indirect_dma semaphore(%arg37 : memref<!tpu.dma_semaphore, #tpu.memory_space<semaphore_mem>>) src(%dma_wait3A_376 : memref<20016x8xf32, #tpu.memory_space<hbm>>) dst(%arg22 : memref<128x8xf32, #tpu.memory_space<vmem>>)
      %scan3A_377 = arith.constant 0 : i32
      %scan3A_378 = arith.constant 0 : i32
      %scan3A_379 = arith.constant 8 : i32
      %scan3A_380 = arith.addi %scan3A_378, %scan3A_379 : i32
      %scan3A_381 = arith.constant 1 : i32
      %scan3A_382 = scf.for %scan3A_483 = %scan3A_378 to %scan3A_380 step %scan3A_381 iter_args(%scan3A_484 = %scan3A_377) -> (i32)  : i32 {
        %mul3A_485 = arith.constant 16 : i32
        %mul3A_486 = arith.muli %scan3A_483, %mul3A_485 : i32
        %broadcast_in_dim3A_487 = vector.broadcast %mul3A_486 : i32 to vector<16xi32>
        %add3A_488 = arith.addi %broadcast_in_dim3A_487, %shift_right_arithmetic3A_26 : vector<16xi32>
        %gather3A = tpu.vector_load_idx %arg19[%add3A_488, %and3A_29] : memref<128x8xf32, #tpu.memory_space<vmem>>[vector<16xi32>, vector<16xi32>], vector<16xf32>,
        %gather3A_489 = tpu.vector_load_idx %arg22[%add3A_488, %and3A_29] : memref<128x8xf32, #tpu.memory_space<vmem>>[vector<16xi32>, vector<16xi32>], vector<16xf32>,
        %add3A_490 = arith.addf %gather3A, %gather3A_489 : vector<16xf32>
        %ge3A = arith.constant 0.000000e+00 : f32
        %ge3A_491 = vector.broadcast %ge3A : f32 to vector<16xf32>
        %ge3A_492 = arith.cmpf oge, %add3A_490, %ge3A_491 : vector<16xf32>
        %mul3A_493 = arith.constant 2.000000e-01 : f32
        %mul3A_494 = vector.broadcast %mul3A_493 : f32 to vector<16xf32>
        %mul3A_495 = arith.mulf %mul3A_494, %add3A_490 : vector<16xf32>
        %select_n3A = arith.select %ge3A_492, %add3A_490, %mul3A_495 : vector<16xi1>, vector<16xf32>
        %sub3A = arith.subf %select_n3A, %get3A_1 : vector<16xf32>
        %exp3A = math.exp %sub3A : vector<16xf32>
        tpu.vector_store_idx %arg25[%add3A_488, %and3A_29], %exp3A : memref<128x8xf32, #tpu.memory_space<vmem>>[vector<16xi32>, vector<16xi32>], vector<16xf32>,
        %scan3A_496 = arith.constant 0 : i32
        scf.yield %scan3A_496 : i32
      }
      %scan3A_383 = arith.constant 8 : i32
      %dma_wait3A_384 = arith.constant 0 : i32
      %dma_wait3A_385 = tpu.memref_slice %arg9[%add3A_329, %dma_wait3A_384] : memref<162x128xi32, #tpu.memory_space<vmem>> -> memref<1x128xi32, #tpu.memory_space<vmem>>
      %dma_wait3A_386 = tpu.memref_squeeze %dma_wait3A_385 : memref<1x128xi32, #tpu.memory_space<vmem>> -> memref<128xi32, #tpu.memory_space<vmem>>
      %dma_wait3A_387 = arith.constant 0 : i32
      %dma_wait3A_388 = arith.constant 0 : i32
      %dma_wait3A_389 = tpu.memref_slice %arg4[%dma_wait3A_387, %dma_wait3A_388] : memref<20000x64xf32, #tpu.memory_space<hbm>> -> memref<20000x64xf32, #tpu.memory_space<hbm>>
      tpu.wait_indirect_dma semaphore(%arg35 : memref<!tpu.dma_semaphore, #tpu.memory_space<semaphore_mem>>) src(%dma_wait3A_389 : memref<20000x64xf32, #tpu.memory_space<hbm>>) dst(%arg16 : memref<128x64xf32, #tpu.memory_space<vmem>>)
      %broadcast_in_dim3A_390 = arith.constant 0 : i32
      %broadcast_in_dim3A_391 = vector.broadcast %broadcast_in_dim3A_390 : i32 to vector<16xi32>
      %scan3A_392 = arith.constant 0 : i32
      %scan3A_393 = arith.constant 0 : i32
      %scan3A_394 = arith.constant 128 : i32
      %scan3A_395 = arith.addi %scan3A_393, %scan3A_394 : i32
      %scan3A_396 = arith.constant 1 : i32
      %scan3A_397 = scf.for %scan3A_483 = %scan3A_393 to %scan3A_395 step %scan3A_396 iter_args(%scan3A_484 = %scan3A_392) -> (i32)  : i32 {
        %broadcast_in_dim3A_485 = vector.broadcast %scan3A_483 : i32 to vector<16xi32>
        %gather3A = tpu.vector_load_idx %arg25[%broadcast_in_dim3A_485, %broadcast_in_dim3A_391] : memref<128x8xf32, #tpu.memory_space<vmem>>[vector<16xi32>, vector<16xi32>], vector<16xf32>,
        %scan3A_486 = arith.constant 0 : i32
        %scan3A_487 = arith.constant 0 : i32
        %scan3A_488 = arith.constant 4 : i32
        %scan3A_489 = arith.addi %scan3A_487, %scan3A_488 : i32
        %scan3A_490 = arith.constant 1 : i32
        %scan3A_491 = scf.for %scan3A_493 = %scan3A_487 to %scan3A_489 step %scan3A_490 iter_args(%scan3A_494 = %scan3A_486) -> (i32)  : i32 {
          %mul3A_495 = arith.constant 16 : i32
          %mul3A_496 = arith.muli %scan3A_493, %mul3A_495 : i32
          %get3A_497 = arith.index_cast %scan3A_483 : i32 to index
          %get3A_498 = arith.index_cast %mul3A_496 : i32 to index
          %get3A_499 = tpu.vector_load %arg16[%get3A_497, %get3A_498] {strides = array<i32>} : memref<128x64xf32, #tpu.memory_space<vmem>>, vector<16xf32>,
          %mul3A_500 = arith.mulf %get3A_499, %gather3A : vector<16xf32>
          %swap3A = arith.index_cast %scan3A_483 : i32 to index
          %swap3A_501 = arith.index_cast %mul3A_496 : i32 to index
          %swap3A_502 = tpu.vector_load %arg16[%swap3A, %swap3A_501] {strides = array<i32>} : memref<128x64xf32, #tpu.memory_space<vmem>>, vector<16xf32>,
          tpu.vector_store %arg16[%swap3A, %swap3A_501], %mul3A_500 {strides = array<i32>} : memref<128x64xf32, #tpu.memory_space<vmem>>, vector<16xf32>,
          %scan3A_503 = arith.constant 0 : i32
          scf.yield %scan3A_503 : i32
        }
        %scan3A_492 = arith.constant 4 : i32
        scf.yield %scan3A_491 : i32
      }
      %scan3A_398 = arith.constant 128 : i32
      %dma_start3A_399 = arith.constant 0 : i32
      %dma_start3A_400 = arith.constant 0 : i32
      %dma_start3A_401 = tpu.memref_slice %arg33[%dma_start3A_399, %dma_start3A_400] : memref<5632x64xf32, #tpu.memory_space<vmem_shared>> -> memref<5632x64xf32, #tpu.memory_space<vmem_shared>>
      tpu.enqueue_indirect_dma source(%arg16 : memref<128x64xf32, #tpu.memory_space<vmem>>) target(%dma_start3A_401 : memref<5632x64xf32, #tpu.memory_space<vmem_shared>>) offsets(%arg13 : memref<128xi32, #tpu.memory_space<vmem>>) semaphore(%arg38 : memref<!tpu.dma_semaphore, #tpu.memory_space<semaphore_mem>>) {add = true}
      %dma_start3A_402 = arith.constant 0 : i32
      %dma_start3A_403 = arith.constant 0 : i32
      %dma_start3A_404 = tpu.memref_slice %arg34[%dma_start3A_402, %dma_start3A_403] : memref<5632x8xf32, #tpu.memory_space<vmem_shared>> -> memref<5632x8xf32, #tpu.memory_space<vmem_shared>>
      tpu.enqueue_indirect_dma source(%arg25 : memref<128x8xf32, #tpu.memory_space<vmem>>) target(%dma_start3A_404 : memref<5632x8xf32, #tpu.memory_space<vmem_shared>>) offsets(%arg13 : memref<128xi32, #tpu.memory_space<vmem>>) semaphore(%arg39 : memref<!tpu.dma_semaphore, #tpu.memory_space<semaphore_mem>>) {add = true}
      %add3A_405 = arith.constant 2 : i32
      %add3A_406 = arith.addi %mul3A_254, %add3A_405 : i32
      %dma_wait3A_407 = arith.constant 0 : i32
      %dma_wait3A_408 = arith.constant 0 : i32
      %dma_wait3A_409 = tpu.memref_slice %arg33[%dma_wait3A_407, %dma_wait3A_408] : memref<5632x64xf32, #tpu.memory_space<vmem_shared>> -> memref<5632x64xf32, #tpu.memory_space<vmem_shared>>
      tpu.wait_indirect_dma semaphore(%arg38 : memref<!tpu.dma_semaphore, #tpu.memory_space<semaphore_mem>>) src(%arg15 : memref<128x64xf32, #tpu.memory_space<vmem>>) dst(%dma_wait3A_409 : memref<5632x64xf32, #tpu.memory_space<vmem_shared>>)
      %dma_wait3A_410 = arith.constant 0 : i32
      %dma_wait3A_411 = arith.constant 0 : i32
      %dma_wait3A_412 = tpu.memref_slice %arg34[%dma_wait3A_410, %dma_wait3A_411] : memref<5632x8xf32, #tpu.memory_space<vmem_shared>> -> memref<5632x8xf32, #tpu.memory_space<vmem_shared>>
      tpu.wait_indirect_dma semaphore(%arg39 : memref<!tpu.dma_semaphore, #tpu.memory_space<semaphore_mem>>) src(%arg24 : memref<128x8xf32, #tpu.memory_space<vmem>>) dst(%dma_wait3A_412 : memref<5632x8xf32, #tpu.memory_space<vmem_shared>>)
      %add3A_413 = arith.constant 1 : i32
      %add3A_414 = arith.addi %add3A_406, %add3A_413 : i32
      %min3A_415 = arith.constant 161 : i32
      %min3A_416 = arith.minsi %add3A_414, %min3A_415 : i32
      %dma_start3A_417 = arith.constant 0 : i32
      %dma_start3A_418 = tpu.memref_slice %arg9[%min3A_416, %dma_start3A_417] : memref<162x128xi32, #tpu.memory_space<vmem>> -> memref<1x128xi32, #tpu.memory_space<vmem>>
      %dma_start3A_419 = tpu.memref_squeeze %dma_start3A_418 : memref<1x128xi32, #tpu.memory_space<vmem>> -> memref<128xi32, #tpu.memory_space<vmem>>
      %dma_start3A_420 = arith.constant 0 : i32
      %dma_start3A_421 = arith.constant 0 : i32
      %dma_start3A_422 = tpu.memref_slice %arg4[%dma_start3A_420, %dma_start3A_421] : memref<20000x64xf32, #tpu.memory_space<hbm>> -> memref<20000x64xf32, #tpu.memory_space<hbm>>
      tpu.enqueue_indirect_dma source(%dma_start3A_422 : memref<20000x64xf32, #tpu.memory_space<hbm>>) target(%arg15 : memref<128x64xf32, #tpu.memory_space<vmem>>) offsets(%dma_start3A_419 : memref<128xi32, #tpu.memory_space<vmem>>) semaphore(%arg35 : memref<!tpu.dma_semaphore, #tpu.memory_space<semaphore_mem>>)
      %dma_start3A_423 = arith.constant 0 : i32
      %dma_start3A_424 = tpu.memref_slice %arg9[%min3A_416, %dma_start3A_423] : memref<162x128xi32, #tpu.memory_space<vmem>> -> memref<1x128xi32, #tpu.memory_space<vmem>>
      %dma_start3A_425 = tpu.memref_squeeze %dma_start3A_424 : memref<1x128xi32, #tpu.memory_space<vmem>> -> memref<128xi32, #tpu.memory_space<vmem>>
      %dma_start3A_426 = arith.constant 0 : i32
      %dma_start3A_427 = arith.constant 0 : i32
      %dma_start3A_428 = tpu.memref_slice %arg5[%dma_start3A_426, %dma_start3A_427] : memref<20000x8xf32, #tpu.memory_space<hbm>> -> memref<20000x8xf32, #tpu.memory_space<hbm>>
      tpu.enqueue_indirect_dma source(%dma_start3A_428 : memref<20000x8xf32, #tpu.memory_space<hbm>>) target(%arg18 : memref<128x8xf32, #tpu.memory_space<vmem>>) offsets(%dma_start3A_425 : memref<128xi32, #tpu.memory_space<vmem>>) semaphore(%arg36 : memref<!tpu.dma_semaphore, #tpu.memory_space<semaphore_mem>>)
      %dma_start3A_429 = arith.constant 0 : i32
      %dma_start3A_430 = tpu.memref_slice %arg11[%min3A_416, %dma_start3A_429] : memref<162x128xi32, #tpu.memory_space<vmem>> -> memref<1x128xi32, #tpu.memory_space<vmem>>
      %dma_start3A_431 = tpu.memref_squeeze %dma_start3A_430 : memref<1x128xi32, #tpu.memory_space<vmem>> -> memref<128xi32, #tpu.memory_space<vmem>>
      %dma_start3A_432 = arith.constant 0 : i32
      %dma_start3A_433 = arith.constant 0 : i32
      %dma_start3A_434 = tpu.memref_slice %arg6[%dma_start3A_432, %dma_start3A_433] : memref<20016x8xf32, #tpu.memory_space<hbm>> -> memref<20016x8xf32, #tpu.memory_space<hbm>>
      tpu.enqueue_indirect_dma source(%dma_start3A_434 : memref<20016x8xf32, #tpu.memory_space<hbm>>) target(%arg21 : memref<128x8xf32, #tpu.memory_space<vmem>>) offsets(%dma_start3A_431 : memref<128xi32, #tpu.memory_space<vmem>>) semaphore(%arg37 : memref<!tpu.dma_semaphore, #tpu.memory_space<semaphore_mem>>)
      %scan3A_435 = arith.constant 0 : i32
      %scan3A_436 = arith.constant 0 : i32
      %scan3A_437 = arith.constant 8 : i32
      %scan3A_438 = arith.addi %scan3A_436, %scan3A_437 : i32
      %scan3A_439 = arith.constant 1 : i32
      %scan3A_440 = scf.for %scan3A_483 = %scan3A_436 to %scan3A_438 step %scan3A_439 iter_args(%scan3A_484 = %scan3A_435) -> (i32)  : i32 {
        %mul3A_485 = arith.constant 16 : i32
        %mul3A_486 = arith.muli %scan3A_483, %mul3A_485 : i32
        %get3A_487 = arith.index_cast %add3A_406 : i32 to index
        %get3A_488 = arith.index_cast %mul3A_486 : i32 to index
        %get3A_489 = tpu.vector_load %arg10[%get3A_487, %get3A_488] {strides = array<i32>} : memref<162x128xi32, #tpu.memory_space<vmem>>, vector<16xi32>,
        %sub3A = arith.subi %get3A_489, %broadcast_in_dim3A_40 : vector<16xi32>
        %ge3A = arith.constant 0 : i32
        %ge3A_490 = vector.broadcast %ge3A : i32 to vector<16xi32>
        %ge3A_491 = arith.cmpi sge, %sub3A, %ge3A_490 : vector<16xi32>
        %lt3A = arith.constant 5120 : i32
        %lt3A_492 = vector.broadcast %lt3A : i32 to vector<16xi32>
        %lt3A_493 = arith.cmpi slt, %sub3A, %lt3A_492 : vector<16xi32>
        %and3A_494 = arith.andi %ge3A_491, %lt3A_493 : vector<16xi1>
        %and3A_495 = arith.constant 255 : i32
        %and3A_496 = vector.broadcast %and3A_495 : i32 to vector<16xi32>
        %and3A_497 = arith.andi %sub3A, %and3A_496 : vector<16xi32>
        %add3A_498 = arith.addi %broadcast_in_dim3A_38, %and3A_497 : vector<16xi32>
        %select_n3A = arith.select %and3A_494, %sub3A, %add3A_498 : vector<16xi1>, vector<16xi32>
        %swap3A = arith.index_cast %mul3A_486 : i32 to index
        %swap3A_499 = tpu.vector_load %arg14[%swap3A] {strides = array<i32>} : memref<128xi32, #tpu.memory_space<vmem>>, vector<16xi32>,
        tpu.vector_store %arg14[%swap3A], %select_n3A {strides = array<i32>} : memref<128xi32, #tpu.memory_space<vmem>>, vector<16xi32>,
        %scan3A_500 = arith.constant 0 : i32
        scf.yield %scan3A_500 : i32
      }
      %scan3A_441 = arith.constant 8 : i32
      %dma_wait3A_442 = arith.constant 0 : i32
      %dma_wait3A_443 = tpu.memref_slice %arg9[%add3A_406, %dma_wait3A_442] : memref<162x128xi32, #tpu.memory_space<vmem>> -> memref<1x128xi32, #tpu.memory_space<vmem>>
      %dma_wait3A_444 = tpu.memref_squeeze %dma_wait3A_443 : memref<1x128xi32, #tpu.memory_space<vmem>> -> memref<128xi32, #tpu.memory_space<vmem>>
      %dma_wait3A_445 = arith.constant 0 : i32
      %dma_wait3A_446 = arith.constant 0 : i32
      %dma_wait3A_447 = tpu.memref_slice %arg5[%dma_wait3A_445, %dma_wait3A_446] : memref<20000x8xf32, #tpu.memory_space<hbm>> -> memref<20000x8xf32, #tpu.memory_space<hbm>>
      tpu.wait_indirect_dma semaphore(%arg36 : memref<!tpu.dma_semaphore, #tpu.memory_space<semaphore_mem>>) src(%dma_wait3A_447 : memref<20000x8xf32, #tpu.memory_space<hbm>>) dst(%arg20 : memref<128x8xf32, #tpu.memory_space<vmem>>)
      %dma_wait3A_448 = arith.constant 0 : i32
      %dma_wait3A_449 = tpu.memref_slice %arg11[%add3A_406, %dma_wait3A_448] : memref<162x128xi32, #tpu.memory_space<vmem>> -> memref<1x128xi32, #tpu.memory_space<vmem>>
      %dma_wait3A_450 = tpu.memref_squeeze %dma_wait3A_449 : memref<1x128xi32, #tpu.memory_space<vmem>> -> memref<128xi32, #tpu.memory_space<vmem>>
      %dma_wait3A_451 = arith.constant 0 : i32
      %dma_wait3A_452 = arith.constant 0 : i32
      %dma_wait3A_453 = tpu.memref_slice %arg6[%dma_wait3A_451, %dma_wait3A_452] : memref<20016x8xf32, #tpu.memory_space<hbm>> -> memref<20016x8xf32, #tpu.memory_space<hbm>>
      tpu.wait_indirect_dma semaphore(%arg37 : memref<!tpu.dma_semaphore, #tpu.memory_space<semaphore_mem>>) src(%dma_wait3A_453 : memref<20016x8xf32, #tpu.memory_space<hbm>>) dst(%arg23 : memref<128x8xf32, #tpu.memory_space<vmem>>)
      %scan3A_454 = arith.constant 0 : i32
      %scan3A_455 = arith.constant 0 : i32
      %scan3A_456 = arith.constant 8 : i32
      %scan3A_457 = arith.addi %scan3A_455, %scan3A_456 : i32
      %scan3A_458 = arith.constant 1 : i32
      %scan3A_459 = scf.for %scan3A_483 = %scan3A_455 to %scan3A_457 step %scan3A_458 iter_args(%scan3A_484 = %scan3A_454) -> (i32)  : i32 {
        %mul3A_485 = arith.constant 16 : i32
        %mul3A_486 = arith.muli %scan3A_483, %mul3A_485 : i32
        %broadcast_in_dim3A_487 = vector.broadcast %mul3A_486 : i32 to vector<16xi32>
        %add3A_488 = arith.addi %broadcast_in_dim3A_487, %shift_right_arithmetic3A_26 : vector<16xi32>
        %gather3A = tpu.vector_load_idx %arg20[%add3A_488, %and3A_29] : memref<128x8xf32, #tpu.memory_space<vmem>>[vector<16xi32>, vector<16xi32>], vector<16xf32>,
        %gather3A_489 = tpu.vector_load_idx %arg23[%add3A_488, %and3A_29] : memref<128x8xf32, #tpu.memory_space<vmem>>[vector<16xi32>, vector<16xi32>], vector<16xf32>,
        %add3A_490 = arith.addf %gather3A, %gather3A_489 : vector<16xf32>
        %ge3A = arith.constant 0.000000e+00 : f32
        %ge3A_491 = vector.broadcast %ge3A : f32 to vector<16xf32>
        %ge3A_492 = arith.cmpf oge, %add3A_490, %ge3A_491 : vector<16xf32>
        %mul3A_493 = arith.constant 2.000000e-01 : f32
        %mul3A_494 = vector.broadcast %mul3A_493 : f32 to vector<16xf32>
        %mul3A_495 = arith.mulf %mul3A_494, %add3A_490 : vector<16xf32>
        %select_n3A = arith.select %ge3A_492, %add3A_490, %mul3A_495 : vector<16xi1>, vector<16xf32>
        %sub3A = arith.subf %select_n3A, %get3A_1 : vector<16xf32>
        %exp3A = math.exp %sub3A : vector<16xf32>
        tpu.vector_store_idx %arg26[%add3A_488, %and3A_29], %exp3A : memref<128x8xf32, #tpu.memory_space<vmem>>[vector<16xi32>, vector<16xi32>], vector<16xf32>,
        %scan3A_496 = arith.constant 0 : i32
        scf.yield %scan3A_496 : i32
      }
      %scan3A_460 = arith.constant 8 : i32
      %dma_wait3A_461 = arith.constant 0 : i32
      %dma_wait3A_462 = tpu.memref_slice %arg9[%add3A_406, %dma_wait3A_461] : memref<162x128xi32, #tpu.memory_space<vmem>> -> memref<1x128xi32, #tpu.memory_space<vmem>>
      %dma_wait3A_463 = tpu.memref_squeeze %dma_wait3A_462 : memref<1x128xi32, #tpu.memory_space<vmem>> -> memref<128xi32, #tpu.memory_space<vmem>>
      %dma_wait3A_464 = arith.constant 0 : i32
      %dma_wait3A_465 = arith.constant 0 : i32
      %dma_wait3A_466 = tpu.memref_slice %arg4[%dma_wait3A_464, %dma_wait3A_465] : memref<20000x64xf32, #tpu.memory_space<hbm>> -> memref<20000x64xf32, #tpu.memory_space<hbm>>
      tpu.wait_indirect_dma semaphore(%arg35 : memref<!tpu.dma_semaphore, #tpu.memory_space<semaphore_mem>>) src(%dma_wait3A_466 : memref<20000x64xf32, #tpu.memory_space<hbm>>) dst(%arg17 : memref<128x64xf32, #tpu.memory_space<vmem>>)
      %broadcast_in_dim3A_467 = arith.constant 0 : i32
      %broadcast_in_dim3A_468 = vector.broadcast %broadcast_in_dim3A_467 : i32 to vector<16xi32>
      %scan3A_469 = arith.constant 0 : i32
      %scan3A_470 = arith.constant 0 : i32
      %scan3A_471 = arith.constant 128 : i32
      %scan3A_472 = arith.addi %scan3A_470, %scan3A_471 : i32
      %scan3A_473 = arith.constant 1 : i32
      %scan3A_474 = scf.for %scan3A_483 = %scan3A_470 to %scan3A_472 step %scan3A_473 iter_args(%scan3A_484 = %scan3A_469) -> (i32)  : i32 {
        %broadcast_in_dim3A_485 = vector.broadcast %scan3A_483 : i32 to vector<16xi32>
        %gather3A = tpu.vector_load_idx %arg26[%broadcast_in_dim3A_485, %broadcast_in_dim3A_468] : memref<128x8xf32, #tpu.memory_space<vmem>>[vector<16xi32>, vector<16xi32>], vector<16xf32>,
        %scan3A_486 = arith.constant 0 : i32
        %scan3A_487 = arith.constant 0 : i32
        %scan3A_488 = arith.constant 4 : i32
        %scan3A_489 = arith.addi %scan3A_487, %scan3A_488 : i32
        %scan3A_490 = arith.constant 1 : i32
        %scan3A_491 = scf.for %scan3A_493 = %scan3A_487 to %scan3A_489 step %scan3A_490 iter_args(%scan3A_494 = %scan3A_486) -> (i32)  : i32 {
          %mul3A_495 = arith.constant 16 : i32
          %mul3A_496 = arith.muli %scan3A_493, %mul3A_495 : i32
          %get3A_497 = arith.index_cast %scan3A_483 : i32 to index
          %get3A_498 = arith.index_cast %mul3A_496 : i32 to index
          %get3A_499 = tpu.vector_load %arg17[%get3A_497, %get3A_498] {strides = array<i32>} : memref<128x64xf32, #tpu.memory_space<vmem>>, vector<16xf32>,
          %mul3A_500 = arith.mulf %get3A_499, %gather3A : vector<16xf32>
          %swap3A = arith.index_cast %scan3A_483 : i32 to index
          %swap3A_501 = arith.index_cast %mul3A_496 : i32 to index
          %swap3A_502 = tpu.vector_load %arg17[%swap3A, %swap3A_501] {strides = array<i32>} : memref<128x64xf32, #tpu.memory_space<vmem>>, vector<16xf32>,
          tpu.vector_store %arg17[%swap3A, %swap3A_501], %mul3A_500 {strides = array<i32>} : memref<128x64xf32, #tpu.memory_space<vmem>>, vector<16xf32>,
          %scan3A_503 = arith.constant 0 : i32
          scf.yield %scan3A_503 : i32
        }
        %scan3A_492 = arith.constant 4 : i32
        scf.yield %scan3A_491 : i32
      }
      %scan3A_475 = arith.constant 128 : i32
      %dma_start3A_476 = arith.constant 0 : i32
      %dma_start3A_477 = arith.constant 0 : i32
      %dma_start3A_478 = tpu.memref_slice %arg33[%dma_start3A_476, %dma_start3A_477] : memref<5632x64xf32, #tpu.memory_space<vmem_shared>> -> memref<5632x64xf32, #tpu.memory_space<vmem_shared>>
      tpu.enqueue_indirect_dma source(%arg17 : memref<128x64xf32, #tpu.memory_space<vmem>>) target(%dma_start3A_478 : memref<5632x64xf32, #tpu.memory_space<vmem_shared>>) offsets(%arg14 : memref<128xi32, #tpu.memory_space<vmem>>) semaphore(%arg38 : memref<!tpu.dma_semaphore, #tpu.memory_space<semaphore_mem>>) {add = true}
      %dma_start3A_479 = arith.constant 0 : i32
      %dma_start3A_480 = arith.constant 0 : i32
      %dma_start3A_481 = tpu.memref_slice %arg34[%dma_start3A_479, %dma_start3A_480] : memref<5632x8xf32, #tpu.memory_space<vmem_shared>> -> memref<5632x8xf32, #tpu.memory_space<vmem_shared>>
      tpu.enqueue_indirect_dma source(%arg26 : memref<128x8xf32, #tpu.memory_space<vmem>>) target(%dma_start3A_481 : memref<5632x8xf32, #tpu.memory_space<vmem_shared>>) offsets(%arg14 : memref<128xi32, #tpu.memory_space<vmem>>) semaphore(%arg39 : memref<!tpu.dma_semaphore, #tpu.memory_space<semaphore_mem>>) {add = true}
      %scan3A_482 = arith.constant 0 : i32
      scf.yield %scan3A_482 : i32
    }
    %scan3A_102 = arith.constant 54 : i32
    %dma_wait3A = arith.constant 0 : i32
    %dma_wait3A_103 = arith.constant 0 : i32
    %dma_wait3A_104 = tpu.memref_slice %arg33[%dma_wait3A, %dma_wait3A_103] : memref<5632x64xf32, #tpu.memory_space<vmem_shared>> -> memref<5632x64xf32, #tpu.memory_space<vmem_shared>>
    tpu.wait_indirect_dma semaphore(%arg38 : memref<!tpu.dma_semaphore, #tpu.memory_space<semaphore_mem>>) src(%arg16 : memref<128x64xf32, #tpu.memory_space<vmem>>) dst(%dma_wait3A_104 : memref<5632x64xf32, #tpu.memory_space<vmem_shared>>)
    %dma_wait3A_105 = arith.constant 0 : i32
    %dma_wait3A_106 = arith.constant 0 : i32
    %dma_wait3A_107 = tpu.memref_slice %arg34[%dma_wait3A_105, %dma_wait3A_106] : memref<5632x8xf32, #tpu.memory_space<vmem_shared>> -> memref<5632x8xf32, #tpu.memory_space<vmem_shared>>
    tpu.wait_indirect_dma semaphore(%arg39 : memref<!tpu.dma_semaphore, #tpu.memory_space<semaphore_mem>>) src(%arg25 : memref<128x8xf32, #tpu.memory_space<vmem>>) dst(%dma_wait3A_107 : memref<5632x8xf32, #tpu.memory_space<vmem_shared>>)
    %dma_wait3A_108 = arith.constant 0 : i32
    %dma_wait3A_109 = arith.constant 0 : i32
    %dma_wait3A_110 = tpu.memref_slice %arg33[%dma_wait3A_108, %dma_wait3A_109] : memref<5632x64xf32, #tpu.memory_space<vmem_shared>> -> memref<5632x64xf32, #tpu.memory_space<vmem_shared>>
    tpu.wait_indirect_dma semaphore(%arg38 : memref<!tpu.dma_semaphore, #tpu.memory_space<semaphore_mem>>) src(%arg17 : memref<128x64xf32, #tpu.memory_space<vmem>>) dst(%dma_wait3A_110 : memref<5632x64xf32, #tpu.memory_space<vmem_shared>>)
    %dma_wait3A_111 = arith.constant 0 : i32
    %dma_wait3A_112 = arith.constant 0 : i32
    %dma_wait3A_113 = tpu.memref_slice %arg34[%dma_wait3A_111, %dma_wait3A_112] : memref<5632x8xf32, #tpu.memory_space<vmem_shared>> -> memref<5632x8xf32, #tpu.memory_space<vmem_shared>>
    tpu.wait_indirect_dma semaphore(%arg39 : memref<!tpu.dma_semaphore, #tpu.memory_space<semaphore_mem>>) src(%arg26 : memref<128x8xf32, #tpu.memory_space<vmem>>) dst(%dma_wait3A_113 : memref<5632x8xf32, #tpu.memory_space<vmem_shared>>)
    %dma_wait3A_114 = arith.constant 161 : i32
    %dma_wait3A_115 = arith.constant 0 : i32
    %dma_wait3A_116 = tpu.memref_slice %arg9[%dma_wait3A_114, %dma_wait3A_115] : memref<162x128xi32, #tpu.memory_space<vmem>> -> memref<1x128xi32, #tpu.memory_space<vmem>>
    %dma_wait3A_117 = tpu.memref_squeeze %dma_wait3A_116 : memref<1x128xi32, #tpu.memory_space<vmem>> -> memref<128xi32, #tpu.memory_space<vmem>>
    %dma_wait3A_118 = arith.constant 0 : i32
    %dma_wait3A_119 = arith.constant 0 : i32
    %dma_wait3A_120 = tpu.memref_slice %arg5[%dma_wait3A_118, %dma_wait3A_119] : memref<20000x8xf32, #tpu.memory_space<hbm>> -> memref<20000x8xf32, #tpu.memory_space<hbm>>
    tpu.wait_indirect_dma semaphore(%arg36 : memref<!tpu.dma_semaphore, #tpu.memory_space<semaphore_mem>>) src(%dma_wait3A_120 : memref<20000x8xf32, #tpu.memory_space<hbm>>) dst(%arg18 : memref<128x8xf32, #tpu.memory_space<vmem>>)
    %dma_wait3A_121 = arith.constant 161 : i32
    %dma_wait3A_122 = arith.constant 0 : i32
    %dma_wait3A_123 = tpu.memref_slice %arg11[%dma_wait3A_121, %dma_wait3A_122] : memref<162x128xi32, #tpu.memory_space<vmem>> -> memref<1x128xi32, #tpu.memory_space<vmem>>
    %dma_wait3A_124 = tpu.memref_squeeze %dma_wait3A_123 : memref<1x128xi32, #tpu.memory_space<vmem>> -> memref<128xi32, #tpu.memory_space<vmem>>
    %dma_wait3A_125 = arith.constant 0 : i32
    %dma_wait3A_126 = arith.constant 0 : i32
    %dma_wait3A_127 = tpu.memref_slice %arg6[%dma_wait3A_125, %dma_wait3A_126] : memref<20016x8xf32, #tpu.memory_space<hbm>> -> memref<20016x8xf32, #tpu.memory_space<hbm>>
    tpu.wait_indirect_dma semaphore(%arg37 : memref<!tpu.dma_semaphore, #tpu.memory_space<semaphore_mem>>) src(%dma_wait3A_127 : memref<20016x8xf32, #tpu.memory_space<hbm>>) dst(%arg21 : memref<128x8xf32, #tpu.memory_space<vmem>>)
    %dma_wait3A_128 = arith.constant 161 : i32
    %dma_wait3A_129 = arith.constant 0 : i32
    %dma_wait3A_130 = tpu.memref_slice %arg9[%dma_wait3A_128, %dma_wait3A_129] : memref<162x128xi32, #tpu.memory_space<vmem>> -> memref<1x128xi32, #tpu.memory_space<vmem>>
    %dma_wait3A_131 = tpu.memref_squeeze %dma_wait3A_130 : memref<1x128xi32, #tpu.memory_space<vmem>> -> memref<128xi32, #tpu.memory_space<vmem>>
    %dma_wait3A_132 = arith.constant 0 : i32
    %dma_wait3A_133 = arith.constant 0 : i32
    %dma_wait3A_134 = tpu.memref_slice %arg4[%dma_wait3A_132, %dma_wait3A_133] : memref<20000x64xf32, #tpu.memory_space<hbm>> -> memref<20000x64xf32, #tpu.memory_space<hbm>>
    tpu.wait_indirect_dma semaphore(%arg35 : memref<!tpu.dma_semaphore, #tpu.memory_space<semaphore_mem>>) src(%dma_wait3A_134 : memref<20000x64xf32, #tpu.memory_space<hbm>>) dst(%arg15 : memref<128x64xf32, #tpu.memory_space<vmem>>)
    %barrier3A_135 = arith.constant 0 : index
    tpu.barrier barrier_id(%barrier3A_135)
    %scan3A_136 = arith.constant 0 : i32
    %scan3A_137 = arith.constant 0 : i32
    %scan3A_138 = arith.constant 10 : i32
    %scan3A_139 = arith.addi %scan3A_137, %scan3A_138 : i32
    %scan3A_140 = arith.constant 1 : i32
    %scan3A_141 = scf.for %scan3A_251 = %scan3A_137 to %scan3A_139 step %scan3A_140 iter_args(%scan3A_252 = %scan3A_136) -> (i32)  : i32 {
      %mul3A_253 = arith.constant 320 : i32
      %mul3A_254 = arith.muli %arg1, %mul3A_253 : i32
      %mul3A_255 = arith.constant 32 : i32
      %mul3A_256 = arith.muli %scan3A_251, %mul3A_255 : i32
      %add3A = arith.addi %mul3A_254, %mul3A_256 : i32
      "tpu.region"() ({
        %run_scoped3A = tpu.sem_alloc : memref<!tpu.dma_semaphore, #tpu.memory_space<semaphore_mem>>
        %dma_start3A_269 = arith.constant 0 : i32
        %dma_start3A_270 = tpu.memref_slice %arg33[%add3A, %dma_start3A_269] : memref<5632x64xf32, #tpu.memory_space<vmem_shared>> -> memref<32x64xf32, #tpu.memory_space<vmem_shared>>
        %dma_start3A_271 = arith.constant 0 : i32
        %dma_start3A_272 = tpu.memref_slice %arg33[%add3A, %dma_start3A_271] : memref<5632x64xf32, #tpu.memory_space<vmem_shared>> -> memref<32x64xf32, #tpu.memory_space<vmem_shared>>
        tpu.enqueue_dma source(%dma_start3A_272 : memref<32x64xf32, #tpu.memory_space<vmem_shared>>) target(%arg29 : memref<32x64xf32, #tpu.memory_space<vmem>>) target_semaphore(%run_scoped3A : memref<!tpu.dma_semaphore, #tpu.memory_space<semaphore_mem>>)
        %dma_wait3A_273 = arith.constant 0 : i32
        %dma_wait3A_274 = tpu.memref_slice %arg33[%add3A, %dma_wait3A_273] : memref<5632x64xf32, #tpu.memory_space<vmem_shared>> -> memref<32x64xf32, #tpu.memory_space<vmem_shared>>
        %dma_wait3A_275 = arith.constant 0 : i32
        %dma_wait3A_276 = tpu.memref_slice %arg33[%add3A, %dma_wait3A_275] : memref<5632x64xf32, #tpu.memory_space<vmem_shared>> -> memref<32x64xf32, #tpu.memory_space<vmem_shared>>
        tpu.wait_dma2 semaphore(%run_scoped3A : memref<!tpu.dma_semaphore, #tpu.memory_space<semaphore_mem>>) src(%dma_wait3A_276 : memref<32x64xf32, #tpu.memory_space<vmem_shared>>) dst(%arg29 : memref<32x64xf32, #tpu.memory_space<vmem>>)
        tpu.yield
      }) : () -> ()
      "tpu.region"() ({
        %run_scoped3A = tpu.sem_alloc : memref<!tpu.dma_semaphore, #tpu.memory_space<semaphore_mem>>
        %dma_start3A_269 = arith.constant 0 : i32
        %dma_start3A_270 = tpu.memref_slice %arg34[%add3A, %dma_start3A_269] : memref<5632x8xf32, #tpu.memory_space<vmem_shared>> -> memref<32x8xf32, #tpu.memory_space<vmem_shared>>
        %dma_start3A_271 = arith.constant 0 : i32
        %dma_start3A_272 = tpu.memref_slice %arg34[%add3A, %dma_start3A_271] : memref<5632x8xf32, #tpu.memory_space<vmem_shared>> -> memref<32x8xf32, #tpu.memory_space<vmem_shared>>
        tpu.enqueue_dma source(%dma_start3A_272 : memref<32x8xf32, #tpu.memory_space<vmem_shared>>) target(%arg30 : memref<32x8xf32, #tpu.memory_space<vmem>>) target_semaphore(%run_scoped3A : memref<!tpu.dma_semaphore, #tpu.memory_space<semaphore_mem>>)
        %dma_wait3A_273 = arith.constant 0 : i32
        %dma_wait3A_274 = tpu.memref_slice %arg34[%add3A, %dma_wait3A_273] : memref<5632x8xf32, #tpu.memory_space<vmem_shared>> -> memref<32x8xf32, #tpu.memory_space<vmem_shared>>
        %dma_wait3A_275 = arith.constant 0 : i32
        %dma_wait3A_276 = tpu.memref_slice %arg34[%add3A, %dma_wait3A_275] : memref<5632x8xf32, #tpu.memory_space<vmem_shared>> -> memref<32x8xf32, #tpu.memory_space<vmem_shared>>
        tpu.wait_dma2 semaphore(%run_scoped3A : memref<!tpu.dma_semaphore, #tpu.memory_space<semaphore_mem>>) src(%dma_wait3A_276 : memref<32x8xf32, #tpu.memory_space<vmem_shared>>) dst(%arg30 : memref<32x8xf32, #tpu.memory_space<vmem>>)
        tpu.yield
      }) : () -> ()
      %broadcast_in_dim3A_257 = arith.constant 0 : i32
      %broadcast_in_dim3A_258 = vector.broadcast %broadcast_in_dim3A_257 : i32 to vector<16xi32>
      %scan3A_259 = arith.constant 0 : i32
      %scan3A_260 = arith.constant 0 : i32
      %scan3A_261 = arith.constant 32 : i32
      %scan3A_262 = arith.addi %scan3A_260, %scan3A_261 : i32
      %scan3A_263 = arith.constant 1 : i32
      %scan3A_264 = scf.for %scan3A_269 = %scan3A_260 to %scan3A_262 step %scan3A_263 iter_args(%scan3A_270 = %scan3A_259) -> (i32)  : i32 {
        %broadcast_in_dim3A_271 = vector.broadcast %scan3A_269 : i32 to vector<16xi32>
        %gather3A = tpu.vector_load_idx %arg30[%broadcast_in_dim3A_271, %broadcast_in_dim3A_258] : memref<32x8xf32, #tpu.memory_space<vmem>>[vector<16xi32>, vector<16xi32>], vector<16xf32>,
        %add3A_272 = arith.constant 1.000000e-16 : f32
        %add3A_273 = vector.broadcast %add3A_272 : f32 to vector<16xf32>
        %add3A_274 = arith.addf %gather3A, %add3A_273 : vector<16xf32>
        %scan3A_275 = arith.constant 0 : i32
        %scan3A_276 = arith.constant 0 : i32
        %scan3A_277 = arith.constant 4 : i32
        %scan3A_278 = arith.addi %scan3A_276, %scan3A_277 : i32
        %scan3A_279 = arith.constant 1 : i32
        %scan3A_280 = scf.for %scan3A_282 = %scan3A_276 to %scan3A_278 step %scan3A_279 iter_args(%scan3A_283 = %scan3A_275) -> (i32)  : i32 {
          %mul3A_284 = arith.constant 16 : i32
          %mul3A_285 = arith.muli %scan3A_282, %mul3A_284 : i32
          %get3A_286 = arith.index_cast %scan3A_269 : i32 to index
          %get3A_287 = arith.index_cast %mul3A_285 : i32 to index
          %get3A_288 = tpu.vector_load %arg29[%get3A_286, %get3A_287] {strides = array<i32>} : memref<32x64xf32, #tpu.memory_space<vmem>>, vector<16xf32>,
          %div3A = arith.divf %get3A_288, %add3A_274 : vector<16xf32>
          %swap3A = arith.index_cast %scan3A_269 : i32 to index
          %swap3A_289 = arith.index_cast %mul3A_285 : i32 to index
          %swap3A_290 = tpu.vector_load %arg31[%swap3A, %swap3A_289] {strides = array<i32>} : memref<32x64xf32, #tpu.memory_space<vmem>>, vector<16xf32>,
          tpu.vector_store %arg31[%swap3A, %swap3A_289], %div3A {strides = array<i32>} : memref<32x64xf32, #tpu.memory_space<vmem>>, vector<16xf32>,
          %scan3A_291 = arith.constant 0 : i32
          scf.yield %scan3A_291 : i32
        }
        %scan3A_281 = arith.constant 4 : i32
        scf.yield %scan3A_280 : i32
      }
      %scan3A_265 = arith.constant 32 : i32
      %add3A_266 = arith.constant 0 : i32
      %add3A_267 = arith.addi %add3A_266, %add3A : i32
      "tpu.region"() ({
        %run_scoped3A = tpu.sem_alloc : memref<!tpu.dma_semaphore, #tpu.memory_space<semaphore_mem>>
        %dma_start3A_269 = arith.constant 0 : i32
        %dma_start3A_270 = arith.constant 0 : i32
        %dma_start3A_271 = tpu.memref_slice %arg8[%arg0, %dma_start3A_269, %dma_start3A_270] : memref<2x10240x64xf32, #tpu.memory_space<hbm>> -> memref<1x10240x64xf32, #tpu.memory_space<hbm>>
        %dma_start3A_272 = tpu.memref_squeeze %dma_start3A_271 : memref<1x10240x64xf32, #tpu.memory_space<hbm>> -> memref<10240x64xf32, #tpu.memory_space<hbm>>
        %dma_start3A_273 = arith.constant 0 : i32
        %dma_start3A_274 = tpu.memref_slice %dma_start3A_272[%add3A_267, %dma_start3A_273] : memref<10240x64xf32, #tpu.memory_space<hbm>> -> memref<32x64xf32, #tpu.memory_space<hbm>>
        %dma_start3A_275 = arith.constant 0 : i32
        %dma_start3A_276 = arith.constant 0 : i32
        %dma_start3A_277 = tpu.memref_slice %arg8[%arg0, %dma_start3A_275, %dma_start3A_276] : memref<2x10240x64xf32, #tpu.memory_space<hbm>> -> memref<1x10240x64xf32, #tpu.memory_space<hbm>>
        %dma_start3A_278 = tpu.memref_squeeze %dma_start3A_277 : memref<1x10240x64xf32, #tpu.memory_space<hbm>> -> memref<10240x64xf32, #tpu.memory_space<hbm>>
        %dma_start3A_279 = arith.constant 0 : i32
        %dma_start3A_280 = tpu.memref_slice %dma_start3A_278[%add3A_267, %dma_start3A_279] : memref<10240x64xf32, #tpu.memory_space<hbm>> -> memref<32x64xf32, #tpu.memory_space<hbm>>
        tpu.enqueue_dma source(%arg31 : memref<32x64xf32, #tpu.memory_space<vmem>>) target(%dma_start3A_280 : memref<32x64xf32, #tpu.memory_space<hbm>>) target_semaphore(%run_scoped3A : memref<!tpu.dma_semaphore, #tpu.memory_space<semaphore_mem>>)
        %dma_wait3A_281 = arith.constant 0 : i32
        %dma_wait3A_282 = arith.constant 0 : i32
        %dma_wait3A_283 = tpu.memref_slice %arg8[%arg0, %dma_wait3A_281, %dma_wait3A_282] : memref<2x10240x64xf32, #tpu.memory_space<hbm>> -> memref<1x10240x64xf32, #tpu.memory_space<hbm>>
        %dma_wait3A_284 = tpu.memref_squeeze %dma_wait3A_283 : memref<1x10240x64xf32, #tpu.memory_space<hbm>> -> memref<10240x64xf32, #tpu.memory_space<hbm>>
        %dma_wait3A_285 = arith.constant 0 : i32
        %dma_wait3A_286 = tpu.memref_slice %dma_wait3A_284[%add3A_267, %dma_wait3A_285] : memref<10240x64xf32, #tpu.memory_space<hbm>> -> memref<32x64xf32, #tpu.memory_space<hbm>>
        %dma_wait3A_287 = arith.constant 0 : i32
        %dma_wait3A_288 = arith.constant 0 : i32
        %dma_wait3A_289 = tpu.memref_slice %arg8[%arg0, %dma_wait3A_287, %dma_wait3A_288] : memref<2x10240x64xf32, #tpu.memory_space<hbm>> -> memref<1x10240x64xf32, #tpu.memory_space<hbm>>
        %dma_wait3A_290 = tpu.memref_squeeze %dma_wait3A_289 : memref<1x10240x64xf32, #tpu.memory_space<hbm>> -> memref<10240x64xf32, #tpu.memory_space<hbm>>
        %dma_wait3A_291 = arith.constant 0 : i32
        %dma_wait3A_292 = tpu.memref_slice %dma_wait3A_290[%add3A_267, %dma_wait3A_291] : memref<10240x64xf32, #tpu.memory_space<hbm>> -> memref<32x64xf32, #tpu.memory_space<hbm>>
        tpu.wait_dma2 semaphore(%run_scoped3A : memref<!tpu.dma_semaphore, #tpu.memory_space<semaphore_mem>>) src(%arg31 : memref<32x64xf32, #tpu.memory_space<vmem>>) dst(%dma_wait3A_292 : memref<32x64xf32, #tpu.memory_space<hbm>>)
        tpu.yield
      }) : () -> ()
      %scan3A_268 = arith.constant 0 : i32
      scf.yield %scan3A_268 : i32
    }
    %scan3A_142 = arith.constant 10 : i32
    %barrier3A_143 = arith.constant 0 : index
    tpu.barrier barrier_id(%barrier3A_143)
    %broadcast_in_dim3A_144 = arith.constant 5120 : i32
    %broadcast_in_dim3A_145 = vector.broadcast %broadcast_in_dim3A_144 : i32 to vector<16xi32>
    %scan3A_146 = arith.constant 0 : i32
    %scan3A_147 = arith.constant 0 : i32
    %scan3A_148 = arith.constant 11 : i32
    %scan3A_149 = arith.addi %scan3A_147, %scan3A_148 : i32
    %scan3A_150 = arith.constant 1 : i32
    %scan3A_151 = scf.for %scan3A_251 = %scan3A_147 to %scan3A_149 step %scan3A_150 iter_args(%scan3A_252 = %scan3A_146) -> (i32)  : i32 {
      %mul3A_253 = arith.constant 352 : i32
      %mul3A_254 = arith.muli %arg1, %mul3A_253 : i32
      %mul3A_255 = arith.constant 32 : i32
      %mul3A_256 = arith.muli %scan3A_251, %mul3A_255 : i32
      %add3A = arith.addi %mul3A_254, %mul3A_256 : i32
      "tpu.region"() ({
        %run_scoped3A = tpu.sem_alloc : memref<!tpu.dma_semaphore, #tpu.memory_space<semaphore_mem>>
        %dma_start3A_258 = arith.constant 0 : i32
        %dma_start3A_259 = tpu.memref_slice %arg33[%add3A, %dma_start3A_258] : memref<5632x64xf32, #tpu.memory_space<vmem_shared>> -> memref<32x64xf32, #tpu.memory_space<vmem_shared>>
        %dma_start3A_260 = arith.constant 0 : i32
        %dma_start3A_261 = tpu.memref_slice %arg33[%add3A, %dma_start3A_260] : memref<5632x64xf32, #tpu.memory_space<vmem_shared>> -> memref<32x64xf32, #tpu.memory_space<vmem_shared>>
        tpu.enqueue_dma source(%arg27 : memref<32x64xf32, #tpu.memory_space<vmem>>) target(%dma_start3A_261 : memref<32x64xf32, #tpu.memory_space<vmem_shared>>) target_semaphore(%run_scoped3A : memref<!tpu.dma_semaphore, #tpu.memory_space<semaphore_mem>>)
        %dma_wait3A_262 = arith.constant 0 : i32
        %dma_wait3A_263 = tpu.memref_slice %arg33[%add3A, %dma_wait3A_262] : memref<5632x64xf32, #tpu.memory_space<vmem_shared>> -> memref<32x64xf32, #tpu.memory_space<vmem_shared>>
        %dma_wait3A_264 = arith.constant 0 : i32
        %dma_wait3A_265 = tpu.memref_slice %arg33[%add3A, %dma_wait3A_264] : memref<5632x64xf32, #tpu.memory_space<vmem_shared>> -> memref<32x64xf32, #tpu.memory_space<vmem_shared>>
        tpu.wait_dma2 semaphore(%run_scoped3A : memref<!tpu.dma_semaphore, #tpu.memory_space<semaphore_mem>>) src(%arg27 : memref<32x64xf32, #tpu.memory_space<vmem>>) dst(%dma_wait3A_265 : memref<32x64xf32, #tpu.memory_space<vmem_shared>>)
        tpu.yield
      }) : () -> ()
      %scan3A_257 = arith.constant 0 : i32
      scf.yield %scan3A_257 : i32
    }
    %scan3A_152 = arith.constant 11 : i32
    %mul3A_153 = arith.constant 352 : i32
    %mul3A_154 = arith.muli %arg1, %mul3A_153 : i32
    "tpu.region"() ({
      %run_scoped3A = tpu.sem_alloc : memref<!tpu.dma_semaphore, #tpu.memory_space<semaphore_mem>>
      %dma_start3A_251 = arith.constant 0 : i32
      %dma_start3A_252 = tpu.memref_slice %arg34[%mul3A_154, %dma_start3A_251] : memref<5632x8xf32, #tpu.memory_space<vmem_shared>> -> memref<352x8xf32, #tpu.memory_space<vmem_shared>>
      %dma_start3A_253 = arith.constant 0 : i32
      %dma_start3A_254 = tpu.memref_slice %arg34[%mul3A_154, %dma_start3A_253] : memref<5632x8xf32, #tpu.memory_space<vmem_shared>> -> memref<352x8xf32, #tpu.memory_space<vmem_shared>>
      tpu.enqueue_dma source(%arg28 : memref<352x8xf32, #tpu.memory_space<vmem>>) target(%dma_start3A_254 : memref<352x8xf32, #tpu.memory_space<vmem_shared>>) target_semaphore(%run_scoped3A : memref<!tpu.dma_semaphore, #tpu.memory_space<semaphore_mem>>)
      %dma_wait3A_255 = arith.constant 0 : i32
      %dma_wait3A_256 = tpu.memref_slice %arg34[%mul3A_154, %dma_wait3A_255] : memref<5632x8xf32, #tpu.memory_space<vmem_shared>> -> memref<352x8xf32, #tpu.memory_space<vmem_shared>>
      %dma_wait3A_257 = arith.constant 0 : i32
      %dma_wait3A_258 = tpu.memref_slice %arg34[%mul3A_154, %dma_wait3A_257] : memref<5632x8xf32, #tpu.memory_space<vmem_shared>> -> memref<352x8xf32, #tpu.memory_space<vmem_shared>>
      tpu.wait_dma2 semaphore(%run_scoped3A : memref<!tpu.dma_semaphore, #tpu.memory_space<semaphore_mem>>) src(%arg28 : memref<352x8xf32, #tpu.memory_space<vmem>>) dst(%dma_wait3A_258 : memref<352x8xf32, #tpu.memory_space<vmem_shared>>)
      tpu.yield
    }) : () -> ()
    %barrier3A_155 = arith.constant 0 : index
    tpu.barrier barrier_id(%barrier3A_155)
    %scan3A_156 = arith.constant 0 : i32
    %scan3A_157 = arith.constant 0 : i32
    %scan3A_158 = arith.constant 8 : i32
    %scan3A_159 = arith.addi %scan3A_157, %scan3A_158 : i32
    %scan3A_160 = arith.constant 1 : i32
    %scan3A_161 = scf.for %scan3A_251 = %scan3A_157 to %scan3A_159 step %scan3A_160 iter_args(%scan3A_252 = %scan3A_156) -> (i32)  : i32 {
      %mul3A_253 = arith.constant 16 : i32
      %mul3A_254 = arith.muli %scan3A_251, %mul3A_253 : i32
      %swap3A = arith.index_cast %mul3A_254 : i32 to index
      %swap3A_255 = tpu.vector_load %arg13[%swap3A] {strides = array<i32>} : memref<128xi32, #tpu.memory_space<vmem>>, vector<16xi32>,
      tpu.vector_store %arg13[%swap3A], %broadcast_in_dim3A_38 {strides = array<i32>} : memref<128xi32, #tpu.memory_space<vmem>>, vector<16xi32>,
      %scan3A_256 = arith.constant 0 : i32
      scf.yield %scan3A_256 : i32
    }
    %scan3A_162 = arith.constant 8 : i32
    %scan3A_163 = arith.constant 0 : i32
    %scan3A_164 = arith.constant 0 : i32
    %scan3A_165 = arith.constant 8 : i32
    %scan3A_166 = arith.addi %scan3A_164, %scan3A_165 : i32
    %scan3A_167 = arith.constant 1 : i32
    %scan3A_168 = scf.for %scan3A_251 = %scan3A_164 to %scan3A_166 step %scan3A_167 iter_args(%scan3A_252 = %scan3A_163) -> (i32)  : i32 {
      %mul3A_253 = arith.constant 16 : i32
      %mul3A_254 = arith.muli %scan3A_251, %mul3A_253 : i32
      %swap3A = arith.index_cast %mul3A_254 : i32 to index
      %swap3A_255 = tpu.vector_load %arg14[%swap3A] {strides = array<i32>} : memref<128xi32, #tpu.memory_space<vmem>>, vector<16xi32>,
      tpu.vector_store %arg14[%swap3A], %broadcast_in_dim3A_38 {strides = array<i32>} : memref<128xi32, #tpu.memory_space<vmem>>, vector<16xi32>,
      %scan3A_256 = arith.constant 0 : i32
      scf.yield %scan3A_256 : i32
    }
    %scan3A_169 = arith.constant 8 : i32
    %dma_start3A_170 = arith.constant 0 : i32
    %dma_start3A_171 = arith.constant 0 : i32
    %dma_start3A_172 = tpu.memref_slice %arg33[%dma_start3A_170, %dma_start3A_171] : memref<5632x64xf32, #tpu.memory_space<vmem_shared>> -> memref<5632x64xf32, #tpu.memory_space<vmem_shared>>
    tpu.enqueue_indirect_dma source(%arg16 : memref<128x64xf32, #tpu.memory_space<vmem>>) target(%dma_start3A_172 : memref<5632x64xf32, #tpu.memory_space<vmem_shared>>) offsets(%arg13 : memref<128xi32, #tpu.memory_space<vmem>>) semaphore(%arg38 : memref<!tpu.dma_semaphore, #tpu.memory_space<semaphore_mem>>) {add = true}
    %dma_start3A_173 = arith.constant 0 : i32
    %dma_start3A_174 = arith.constant 0 : i32
    %dma_start3A_175 = tpu.memref_slice %arg34[%dma_start3A_173, %dma_start3A_174] : memref<5632x8xf32, #tpu.memory_space<vmem_shared>> -> memref<5632x8xf32, #tpu.memory_space<vmem_shared>>
    tpu.enqueue_indirect_dma source(%arg25 : memref<128x8xf32, #tpu.memory_space<vmem>>) target(%dma_start3A_175 : memref<5632x8xf32, #tpu.memory_space<vmem_shared>>) offsets(%arg13 : memref<128xi32, #tpu.memory_space<vmem>>) semaphore(%arg39 : memref<!tpu.dma_semaphore, #tpu.memory_space<semaphore_mem>>) {add = true}
    %dma_start3A_176 = arith.constant 0 : i32
    %dma_start3A_177 = arith.constant 0 : i32
    %dma_start3A_178 = tpu.memref_slice %arg33[%dma_start3A_176, %dma_start3A_177] : memref<5632x64xf32, #tpu.memory_space<vmem_shared>> -> memref<5632x64xf32, #tpu.memory_space<vmem_shared>>
    tpu.enqueue_indirect_dma source(%arg17 : memref<128x64xf32, #tpu.memory_space<vmem>>) target(%dma_start3A_178 : memref<5632x64xf32, #tpu.memory_space<vmem_shared>>) offsets(%arg14 : memref<128xi32, #tpu.memory_space<vmem>>) semaphore(%arg38 : memref<!tpu.dma_semaphore, #tpu.memory_space<semaphore_mem>>) {add = true}
    %dma_start3A_179 = arith.constant 0 : i32
    %dma_start3A_180 = arith.constant 0 : i32
    %dma_start3A_181 = tpu.memref_slice %arg34[%dma_start3A_179, %dma_start3A_180] : memref<5632x8xf32, #tpu.memory_space<vmem_shared>> -> memref<5632x8xf32, #tpu.memory_space<vmem_shared>>
    tpu.enqueue_indirect_dma source(%arg26 : memref<128x8xf32, #tpu.memory_space<vmem>>) target(%dma_start3A_181 : memref<5632x8xf32, #tpu.memory_space<vmem_shared>>) offsets(%arg14 : memref<128xi32, #tpu.memory_space<vmem>>) semaphore(%arg39 : memref<!tpu.dma_semaphore, #tpu.memory_space<semaphore_mem>>) {add = true}
    %dma_start3A_182 = arith.constant 0 : i32
    %dma_start3A_183 = arith.constant 0 : i32
    %dma_start3A_184 = tpu.memref_slice %arg9[%dma_start3A_182, %dma_start3A_183] : memref<162x128xi32, #tpu.memory_space<vmem>> -> memref<1x128xi32, #tpu.memory_space<vmem>>
    %dma_start3A_185 = tpu.memref_squeeze %dma_start3A_184 : memref<1x128xi32, #tpu.memory_space<vmem>> -> memref<128xi32, #tpu.memory_space<vmem>>
    %dma_start3A_186 = arith.constant 0 : i32
    %dma_start3A_187 = arith.constant 0 : i32
    %dma_start3A_188 = tpu.memref_slice %arg4[%dma_start3A_186, %dma_start3A_187] : memref<20000x64xf32, #tpu.memory_space<hbm>> -> memref<20000x64xf32, #tpu.memory_space<hbm>>
    tpu.enqueue_indirect_dma source(%dma_start3A_188 : memref<20000x64xf32, #tpu.memory_space<hbm>>) target(%arg15 : memref<128x64xf32, #tpu.memory_space<vmem>>) offsets(%dma_start3A_185 : memref<128xi32, #tpu.memory_space<vmem>>) semaphore(%arg35 : memref<!tpu.dma_semaphore, #tpu.memory_space<semaphore_mem>>)
    %dma_start3A_189 = arith.constant 0 : i32
    %dma_start3A_190 = arith.constant 0 : i32
    %dma_start3A_191 = tpu.memref_slice %arg9[%dma_start3A_189, %dma_start3A_190] : memref<162x128xi32, #tpu.memory_space<vmem>> -> memref<1x128xi32, #tpu.memory_space<vmem>>
    %dma_start3A_192 = tpu.memref_squeeze %dma_start3A_191 : memref<1x128xi32, #tpu.memory_space<vmem>> -> memref<128xi32, #tpu.memory_space<vmem>>
    %dma_start3A_193 = arith.constant 0 : i32
    %dma_start3A_194 = arith.constant 0 : i32
    %dma_start3A_195 = tpu.memref_slice %arg5[%dma_start3A_193, %dma_start3A_194] : memref<20000x8xf32, #tpu.memory_space<hbm>> -> memref<20000x8xf32, #tpu.memory_space<hbm>>
    tpu.enqueue_indirect_dma source(%dma_start3A_195 : memref<20000x8xf32, #tpu.memory_space<hbm>>) target(%arg18 : memref<128x8xf32, #tpu.memory_space<vmem>>) offsets(%dma_start3A_192 : memref<128xi32, #tpu.memory_space<vmem>>) semaphore(%arg36 : memref<!tpu.dma_semaphore, #tpu.memory_space<semaphore_mem>>)
    %dma_start3A_196 = arith.constant 0 : i32
    %dma_start3A_197 = arith.constant 0 : i32
    %dma_start3A_198 = tpu.memref_slice %arg11[%dma_start3A_196, %dma_start3A_197] : memref<162x128xi32, #tpu.memory_space<vmem>> -> memref<1x128xi32, #tpu.memory_space<vmem>>
    %dma_start3A_199 = tpu.memref_squeeze %dma_start3A_198 : memref<1x128xi32, #tpu.memory_space<vmem>> -> memref<128xi32, #tpu.memory_space<vmem>>
    %dma_start3A_200 = arith.constant 0 : i32
    %dma_start3A_201 = arith.constant 0 : i32
    %dma_start3A_202 = tpu.memref_slice %arg6[%dma_start3A_200, %dma_start3A_201] : memref<20016x8xf32, #tpu.memory_space<hbm>> -> memref<20016x8xf32, #tpu.memory_space<hbm>>
    tpu.enqueue_indirect_dma source(%dma_start3A_202 : memref<20016x8xf32, #tpu.memory_space<hbm>>) target(%arg21 : memref<128x8xf32, #tpu.memory_space<vmem>>) offsets(%dma_start3A_199 : memref<128xi32, #tpu.memory_space<vmem>>) semaphore(%arg37 : memref<!tpu.dma_semaphore, #tpu.memory_space<semaphore_mem>>)
    %scan3A_203 = arith.constant 0 : i32
    %scan3A_204 = arith.constant 0 : i32
    %scan3A_205 = arith.constant 54 : i32
    %scan3A_206 = arith.addi %scan3A_204, %scan3A_205 : i32
    %scan3A_207 = arith.constant 1 : i32
    %scan3A_208 = scf.for %scan3A_251 = %scan3A_204 to %scan3A_206 step %scan3A_207 iter_args(%scan3A_252 = %scan3A_203) -> (i32)  : i32 {
      %mul3A_253 = arith.constant 3 : i32
      %mul3A_254 = arith.muli %scan3A_251, %mul3A_253 : i32
      %dma_wait3A_255 = arith.constant 0 : i32
      %dma_wait3A_256 = arith.constant 0 : i32
      %dma_wait3A_257 = tpu.memref_slice %arg33[%dma_wait3A_255, %dma_wait3A_256] : memref<5632x64xf32, #tpu.memory_space<vmem_shared>> -> memref<5632x64xf32, #tpu.memory_space<vmem_shared>>
      tpu.wait_indirect_dma semaphore(%arg38 : memref<!tpu.dma_semaphore, #tpu.memory_space<semaphore_mem>>) src(%arg16 : memref<128x64xf32, #tpu.memory_space<vmem>>) dst(%dma_wait3A_257 : memref<5632x64xf32, #tpu.memory_space<vmem_shared>>)
      %dma_wait3A_258 = arith.constant 0 : i32
      %dma_wait3A_259 = arith.constant 0 : i32
      %dma_wait3A_260 = tpu.memref_slice %arg34[%dma_wait3A_258, %dma_wait3A_259] : memref<5632x8xf32, #tpu.memory_space<vmem_shared>> -> memref<5632x8xf32, #tpu.memory_space<vmem_shared>>
      tpu.wait_indirect_dma semaphore(%arg39 : memref<!tpu.dma_semaphore, #tpu.memory_space<semaphore_mem>>) src(%arg25 : memref<128x8xf32, #tpu.memory_space<vmem>>) dst(%dma_wait3A_260 : memref<5632x8xf32, #tpu.memory_space<vmem_shared>>)
      %add3A = arith.constant 1 : i32
      %add3A_261 = arith.addi %mul3A_254, %add3A : i32
      %min3A = arith.constant 161 : i32
      %min3A_262 = arith.minsi %add3A_261, %min3A : i32
      %dma_start3A_263 = arith.constant 0 : i32
      %dma_start3A_264 = tpu.memref_slice %arg9[%min3A_262, %dma_start3A_263] : memref<162x128xi32, #tpu.memory_space<vmem>> -> memref<1x128xi32, #tpu.memory_space<vmem>>
      %dma_start3A_265 = tpu.memref_squeeze %dma_start3A_264 : memref<1x128xi32, #tpu.memory_space<vmem>> -> memref<128xi32, #tpu.memory_space<vmem>>
      %dma_start3A_266 = arith.constant 0 : i32
      %dma_start3A_267 = arith.constant 0 : i32
      %dma_start3A_268 = tpu.memref_slice %arg4[%dma_start3A_266, %dma_start3A_267] : memref<20000x64xf32, #tpu.memory_space<hbm>> -> memref<20000x64xf32, #tpu.memory_space<hbm>>
      tpu.enqueue_indirect_dma source(%dma_start3A_268 : memref<20000x64xf32, #tpu.memory_space<hbm>>) target(%arg16 : memref<128x64xf32, #tpu.memory_space<vmem>>) offsets(%dma_start3A_265 : memref<128xi32, #tpu.memory_space<vmem>>) semaphore(%arg35 : memref<!tpu.dma_semaphore, #tpu.memory_space<semaphore_mem>>)
      %dma_start3A_269 = arith.constant 0 : i32
      %dma_start3A_270 = tpu.memref_slice %arg9[%min3A_262, %dma_start3A_269] : memref<162x128xi32, #tpu.memory_space<vmem>> -> memref<1x128xi32, #tpu.memory_space<vmem>>
      %dma_start3A_271 = tpu.memref_squeeze %dma_start3A_270 : memref<1x128xi32, #tpu.memory_space<vmem>> -> memref<128xi32, #tpu.memory_space<vmem>>
      %dma_start3A_272 = arith.constant 0 : i32
      %dma_start3A_273 = arith.constant 0 : i32
      %dma_start3A_274 = tpu.memref_slice %arg5[%dma_start3A_272, %dma_start3A_273] : memref<20000x8xf32, #tpu.memory_space<hbm>> -> memref<20000x8xf32, #tpu.memory_space<hbm>>
      tpu.enqueue_indirect_dma source(%dma_start3A_274 : memref<20000x8xf32, #tpu.memory_space<hbm>>) target(%arg19 : memref<128x8xf32, #tpu.memory_space<vmem>>) offsets(%dma_start3A_271 : memref<128xi32, #tpu.memory_space<vmem>>) semaphore(%arg36 : memref<!tpu.dma_semaphore, #tpu.memory_space<semaphore_mem>>)
      %dma_start3A_275 = arith.constant 0 : i32
      %dma_start3A_276 = tpu.memref_slice %arg11[%min3A_262, %dma_start3A_275] : memref<162x128xi32, #tpu.memory_space<vmem>> -> memref<1x128xi32, #tpu.memory_space<vmem>>
      %dma_start3A_277 = tpu.memref_squeeze %dma_start3A_276 : memref<1x128xi32, #tpu.memory_space<vmem>> -> memref<128xi32, #tpu.memory_space<vmem>>
      %dma_start3A_278 = arith.constant 0 : i32
      %dma_start3A_279 = arith.constant 0 : i32
      %dma_start3A_280 = tpu.memref_slice %arg6[%dma_start3A_278, %dma_start3A_279] : memref<20016x8xf32, #tpu.memory_space<hbm>> -> memref<20016x8xf32, #tpu.memory_space<hbm>>
      tpu.enqueue_indirect_dma source(%dma_start3A_280 : memref<20016x8xf32, #tpu.memory_space<hbm>>) target(%arg22 : memref<128x8xf32, #tpu.memory_space<vmem>>) offsets(%dma_start3A_277 : memref<128xi32, #tpu.memory_space<vmem>>) semaphore(%arg37 : memref<!tpu.dma_semaphore, #tpu.memory_space<semaphore_mem>>)
      %scan3A_281 = arith.constant 0 : i32
      %scan3A_282 = arith.constant 0 : i32
      %scan3A_283 = arith.constant 8 : i32
      %scan3A_284 = arith.addi %scan3A_282, %scan3A_283 : i32
      %scan3A_285 = arith.constant 1 : i32
      %scan3A_286 = scf.for %scan3A_483 = %scan3A_282 to %scan3A_284 step %scan3A_285 iter_args(%scan3A_484 = %scan3A_281) -> (i32)  : i32 {
        %mul3A_485 = arith.constant 16 : i32
        %mul3A_486 = arith.muli %scan3A_483, %mul3A_485 : i32
        %get3A_487 = arith.index_cast %mul3A_254 : i32 to index
        %get3A_488 = arith.index_cast %mul3A_486 : i32 to index
        %get3A_489 = tpu.vector_load %arg10[%get3A_487, %get3A_488] {strides = array<i32>} : memref<162x128xi32, #tpu.memory_space<vmem>>, vector<16xi32>,
        %sub3A = arith.subi %get3A_489, %broadcast_in_dim3A_145 : vector<16xi32>
        %ge3A = arith.constant 0 : i32
        %ge3A_490 = vector.broadcast %ge3A : i32 to vector<16xi32>
        %ge3A_491 = arith.cmpi sge, %sub3A, %ge3A_490 : vector<16xi32>
        %lt3A = arith.constant 5120 : i32
        %lt3A_492 = vector.broadcast %lt3A : i32 to vector<16xi32>
        %lt3A_493 = arith.cmpi slt, %sub3A, %lt3A_492 : vector<16xi32>
        %and3A_494 = arith.andi %ge3A_491, %lt3A_493 : vector<16xi1>
        %and3A_495 = arith.constant 255 : i32
        %and3A_496 = vector.broadcast %and3A_495 : i32 to vector<16xi32>
        %and3A_497 = arith.andi %sub3A, %and3A_496 : vector<16xi32>
        %add3A_498 = arith.addi %broadcast_in_dim3A_38, %and3A_497 : vector<16xi32>
        %select_n3A = arith.select %and3A_494, %sub3A, %add3A_498 : vector<16xi1>, vector<16xi32>
        %swap3A = arith.index_cast %mul3A_486 : i32 to index
        %swap3A_499 = tpu.vector_load %arg12[%swap3A] {strides = array<i32>} : memref<128xi32, #tpu.memory_space<vmem>>, vector<16xi32>,
        tpu.vector_store %arg12[%swap3A], %select_n3A {strides = array<i32>} : memref<128xi32, #tpu.memory_space<vmem>>, vector<16xi32>,
        %scan3A_500 = arith.constant 0 : i32
        scf.yield %scan3A_500 : i32
      }
      %scan3A_287 = arith.constant 8 : i32
      %dma_wait3A_288 = arith.constant 0 : i32
      %dma_wait3A_289 = tpu.memref_slice %arg9[%mul3A_254, %dma_wait3A_288] : memref<162x128xi32, #tpu.memory_space<vmem>> -> memref<1x128xi32, #tpu.memory_space<vmem>>
      %dma_wait3A_290 = tpu.memref_squeeze %dma_wait3A_289 : memref<1x128xi32, #tpu.memory_space<vmem>> -> memref<128xi32, #tpu.memory_space<vmem>>
      %dma_wait3A_291 = arith.constant 0 : i32
      %dma_wait3A_292 = arith.constant 0 : i32
      %dma_wait3A_293 = tpu.memref_slice %arg5[%dma_wait3A_291, %dma_wait3A_292] : memref<20000x8xf32, #tpu.memory_space<hbm>> -> memref<20000x8xf32, #tpu.memory_space<hbm>>
      tpu.wait_indirect_dma semaphore(%arg36 : memref<!tpu.dma_semaphore, #tpu.memory_space<semaphore_mem>>) src(%dma_wait3A_293 : memref<20000x8xf32, #tpu.memory_space<hbm>>) dst(%arg18 : memref<128x8xf32, #tpu.memory_space<vmem>>)
      %dma_wait3A_294 = arith.constant 0 : i32
      %dma_wait3A_295 = tpu.memref_slice %arg11[%mul3A_254, %dma_wait3A_294] : memref<162x128xi32, #tpu.memory_space<vmem>> -> memref<1x128xi32, #tpu.memory_space<vmem>>
      %dma_wait3A_296 = tpu.memref_squeeze %dma_wait3A_295 : memref<1x128xi32, #tpu.memory_space<vmem>> -> memref<128xi32, #tpu.memory_space<vmem>>
      %dma_wait3A_297 = arith.constant 0 : i32
      %dma_wait3A_298 = arith.constant 0 : i32
      %dma_wait3A_299 = tpu.memref_slice %arg6[%dma_wait3A_297, %dma_wait3A_298] : memref<20016x8xf32, #tpu.memory_space<hbm>> -> memref<20016x8xf32, #tpu.memory_space<hbm>>
      tpu.wait_indirect_dma semaphore(%arg37 : memref<!tpu.dma_semaphore, #tpu.memory_space<semaphore_mem>>) src(%dma_wait3A_299 : memref<20016x8xf32, #tpu.memory_space<hbm>>) dst(%arg21 : memref<128x8xf32, #tpu.memory_space<vmem>>)
      %scan3A_300 = arith.constant 0 : i32
      %scan3A_301 = arith.constant 0 : i32
      %scan3A_302 = arith.constant 8 : i32
      %scan3A_303 = arith.addi %scan3A_301, %scan3A_302 : i32
      %scan3A_304 = arith.constant 1 : i32
      %scan3A_305 = scf.for %scan3A_483 = %scan3A_301 to %scan3A_303 step %scan3A_304 iter_args(%scan3A_484 = %scan3A_300) -> (i32)  : i32 {
        %mul3A_485 = arith.constant 16 : i32
        %mul3A_486 = arith.muli %scan3A_483, %mul3A_485 : i32
        %broadcast_in_dim3A_487 = vector.broadcast %mul3A_486 : i32 to vector<16xi32>
        %add3A_488 = arith.addi %broadcast_in_dim3A_487, %shift_right_arithmetic3A_26 : vector<16xi32>
        %gather3A = tpu.vector_load_idx %arg18[%add3A_488, %and3A_29] : memref<128x8xf32, #tpu.memory_space<vmem>>[vector<16xi32>, vector<16xi32>], vector<16xf32>,
        %gather3A_489 = tpu.vector_load_idx %arg21[%add3A_488, %and3A_29] : memref<128x8xf32, #tpu.memory_space<vmem>>[vector<16xi32>, vector<16xi32>], vector<16xf32>,
        %add3A_490 = arith.addf %gather3A, %gather3A_489 : vector<16xf32>
        %ge3A = arith.constant 0.000000e+00 : f32
        %ge3A_491 = vector.broadcast %ge3A : f32 to vector<16xf32>
        %ge3A_492 = arith.cmpf oge, %add3A_490, %ge3A_491 : vector<16xf32>
        %mul3A_493 = arith.constant 2.000000e-01 : f32
        %mul3A_494 = vector.broadcast %mul3A_493 : f32 to vector<16xf32>
        %mul3A_495 = arith.mulf %mul3A_494, %add3A_490 : vector<16xf32>
        %select_n3A = arith.select %ge3A_492, %add3A_490, %mul3A_495 : vector<16xi1>, vector<16xf32>
        %sub3A = arith.subf %select_n3A, %get3A_1 : vector<16xf32>
        %exp3A = math.exp %sub3A : vector<16xf32>
        tpu.vector_store_idx %arg24[%add3A_488, %and3A_29], %exp3A : memref<128x8xf32, #tpu.memory_space<vmem>>[vector<16xi32>, vector<16xi32>], vector<16xf32>,
        %scan3A_496 = arith.constant 0 : i32
        scf.yield %scan3A_496 : i32
      }
      %scan3A_306 = arith.constant 8 : i32
      %dma_wait3A_307 = arith.constant 0 : i32
      %dma_wait3A_308 = tpu.memref_slice %arg9[%mul3A_254, %dma_wait3A_307] : memref<162x128xi32, #tpu.memory_space<vmem>> -> memref<1x128xi32, #tpu.memory_space<vmem>>
      %dma_wait3A_309 = tpu.memref_squeeze %dma_wait3A_308 : memref<1x128xi32, #tpu.memory_space<vmem>> -> memref<128xi32, #tpu.memory_space<vmem>>
      %dma_wait3A_310 = arith.constant 0 : i32
      %dma_wait3A_311 = arith.constant 0 : i32
      %dma_wait3A_312 = tpu.memref_slice %arg4[%dma_wait3A_310, %dma_wait3A_311] : memref<20000x64xf32, #tpu.memory_space<hbm>> -> memref<20000x64xf32, #tpu.memory_space<hbm>>
      tpu.wait_indirect_dma semaphore(%arg35 : memref<!tpu.dma_semaphore, #tpu.memory_space<semaphore_mem>>) src(%dma_wait3A_312 : memref<20000x64xf32, #tpu.memory_space<hbm>>) dst(%arg15 : memref<128x64xf32, #tpu.memory_space<vmem>>)
      %broadcast_in_dim3A_313 = arith.constant 0 : i32
      %broadcast_in_dim3A_314 = vector.broadcast %broadcast_in_dim3A_313 : i32 to vector<16xi32>
      %scan3A_315 = arith.constant 0 : i32
      %scan3A_316 = arith.constant 0 : i32
      %scan3A_317 = arith.constant 128 : i32
      %scan3A_318 = arith.addi %scan3A_316, %scan3A_317 : i32
      %scan3A_319 = arith.constant 1 : i32
      %scan3A_320 = scf.for %scan3A_483 = %scan3A_316 to %scan3A_318 step %scan3A_319 iter_args(%scan3A_484 = %scan3A_315) -> (i32)  : i32 {
        %broadcast_in_dim3A_485 = vector.broadcast %scan3A_483 : i32 to vector<16xi32>
        %gather3A = tpu.vector_load_idx %arg24[%broadcast_in_dim3A_485, %broadcast_in_dim3A_314] : memref<128x8xf32, #tpu.memory_space<vmem>>[vector<16xi32>, vector<16xi32>], vector<16xf32>,
        %scan3A_486 = arith.constant 0 : i32
        %scan3A_487 = arith.constant 0 : i32
        %scan3A_488 = arith.constant 4 : i32
        %scan3A_489 = arith.addi %scan3A_487, %scan3A_488 : i32
        %scan3A_490 = arith.constant 1 : i32
        %scan3A_491 = scf.for %scan3A_493 = %scan3A_487 to %scan3A_489 step %scan3A_490 iter_args(%scan3A_494 = %scan3A_486) -> (i32)  : i32 {
          %mul3A_495 = arith.constant 16 : i32
          %mul3A_496 = arith.muli %scan3A_493, %mul3A_495 : i32
          %get3A_497 = arith.index_cast %scan3A_483 : i32 to index
          %get3A_498 = arith.index_cast %mul3A_496 : i32 to index
          %get3A_499 = tpu.vector_load %arg15[%get3A_497, %get3A_498] {strides = array<i32>} : memref<128x64xf32, #tpu.memory_space<vmem>>, vector<16xf32>,
          %mul3A_500 = arith.mulf %get3A_499, %gather3A : vector<16xf32>
          %swap3A = arith.index_cast %scan3A_483 : i32 to index
          %swap3A_501 = arith.index_cast %mul3A_496 : i32 to index
          %swap3A_502 = tpu.vector_load %arg15[%swap3A, %swap3A_501] {strides = array<i32>} : memref<128x64xf32, #tpu.memory_space<vmem>>, vector<16xf32>,
          tpu.vector_store %arg15[%swap3A, %swap3A_501], %mul3A_500 {strides = array<i32>} : memref<128x64xf32, #tpu.memory_space<vmem>>, vector<16xf32>,
          %scan3A_503 = arith.constant 0 : i32
          scf.yield %scan3A_503 : i32
        }
        %scan3A_492 = arith.constant 4 : i32
        scf.yield %scan3A_491 : i32
      }
      %scan3A_321 = arith.constant 128 : i32
      %dma_start3A_322 = arith.constant 0 : i32
      %dma_start3A_323 = arith.constant 0 : i32
      %dma_start3A_324 = tpu.memref_slice %arg33[%dma_start3A_322, %dma_start3A_323] : memref<5632x64xf32, #tpu.memory_space<vmem_shared>> -> memref<5632x64xf32, #tpu.memory_space<vmem_shared>>
      tpu.enqueue_indirect_dma source(%arg15 : memref<128x64xf32, #tpu.memory_space<vmem>>) target(%dma_start3A_324 : memref<5632x64xf32, #tpu.memory_space<vmem_shared>>) offsets(%arg12 : memref<128xi32, #tpu.memory_space<vmem>>) semaphore(%arg38 : memref<!tpu.dma_semaphore, #tpu.memory_space<semaphore_mem>>) {add = true}
      %dma_start3A_325 = arith.constant 0 : i32
      %dma_start3A_326 = arith.constant 0 : i32
      %dma_start3A_327 = tpu.memref_slice %arg34[%dma_start3A_325, %dma_start3A_326] : memref<5632x8xf32, #tpu.memory_space<vmem_shared>> -> memref<5632x8xf32, #tpu.memory_space<vmem_shared>>
      tpu.enqueue_indirect_dma source(%arg24 : memref<128x8xf32, #tpu.memory_space<vmem>>) target(%dma_start3A_327 : memref<5632x8xf32, #tpu.memory_space<vmem_shared>>) offsets(%arg12 : memref<128xi32, #tpu.memory_space<vmem>>) semaphore(%arg39 : memref<!tpu.dma_semaphore, #tpu.memory_space<semaphore_mem>>) {add = true}
      %add3A_328 = arith.constant 1 : i32
      %add3A_329 = arith.addi %mul3A_254, %add3A_328 : i32
      %dma_wait3A_330 = arith.constant 0 : i32
      %dma_wait3A_331 = arith.constant 0 : i32
      %dma_wait3A_332 = tpu.memref_slice %arg33[%dma_wait3A_330, %dma_wait3A_331] : memref<5632x64xf32, #tpu.memory_space<vmem_shared>> -> memref<5632x64xf32, #tpu.memory_space<vmem_shared>>
      tpu.wait_indirect_dma semaphore(%arg38 : memref<!tpu.dma_semaphore, #tpu.memory_space<semaphore_mem>>) src(%arg17 : memref<128x64xf32, #tpu.memory_space<vmem>>) dst(%dma_wait3A_332 : memref<5632x64xf32, #tpu.memory_space<vmem_shared>>)
      %dma_wait3A_333 = arith.constant 0 : i32
      %dma_wait3A_334 = arith.constant 0 : i32
      %dma_wait3A_335 = tpu.memref_slice %arg34[%dma_wait3A_333, %dma_wait3A_334] : memref<5632x8xf32, #tpu.memory_space<vmem_shared>> -> memref<5632x8xf32, #tpu.memory_space<vmem_shared>>
      tpu.wait_indirect_dma semaphore(%arg39 : memref<!tpu.dma_semaphore, #tpu.memory_space<semaphore_mem>>) src(%arg26 : memref<128x8xf32, #tpu.memory_space<vmem>>) dst(%dma_wait3A_335 : memref<5632x8xf32, #tpu.memory_space<vmem_shared>>)
      %add3A_336 = arith.constant 1 : i32
      %add3A_337 = arith.addi %add3A_329, %add3A_336 : i32
      %min3A_338 = arith.constant 161 : i32
      %min3A_339 = arith.minsi %add3A_337, %min3A_338 : i32
      %dma_start3A_340 = arith.constant 0 : i32
      %dma_start3A_341 = tpu.memref_slice %arg9[%min3A_339, %dma_start3A_340] : memref<162x128xi32, #tpu.memory_space<vmem>> -> memref<1x128xi32, #tpu.memory_space<vmem>>
      %dma_start3A_342 = tpu.memref_squeeze %dma_start3A_341 : memref<1x128xi32, #tpu.memory_space<vmem>> -> memref<128xi32, #tpu.memory_space<vmem>>
      %dma_start3A_343 = arith.constant 0 : i32
      %dma_start3A_344 = arith.constant 0 : i32
      %dma_start3A_345 = tpu.memref_slice %arg4[%dma_start3A_343, %dma_start3A_344] : memref<20000x64xf32, #tpu.memory_space<hbm>> -> memref<20000x64xf32, #tpu.memory_space<hbm>>
      tpu.enqueue_indirect_dma source(%dma_start3A_345 : memref<20000x64xf32, #tpu.memory_space<hbm>>) target(%arg17 : memref<128x64xf32, #tpu.memory_space<vmem>>) offsets(%dma_start3A_342 : memref<128xi32, #tpu.memory_space<vmem>>) semaphore(%arg35 : memref<!tpu.dma_semaphore, #tpu.memory_space<semaphore_mem>>)
      %dma_start3A_346 = arith.constant 0 : i32
      %dma_start3A_347 = tpu.memref_slice %arg9[%min3A_339, %dma_start3A_346] : memref<162x128xi32, #tpu.memory_space<vmem>> -> memref<1x128xi32, #tpu.memory_space<vmem>>
      %dma_start3A_348 = tpu.memref_squeeze %dma_start3A_347 : memref<1x128xi32, #tpu.memory_space<vmem>> -> memref<128xi32, #tpu.memory_space<vmem>>
      %dma_start3A_349 = arith.constant 0 : i32
      %dma_start3A_350 = arith.constant 0 : i32
      %dma_start3A_351 = tpu.memref_slice %arg5[%dma_start3A_349, %dma_start3A_350] : memref<20000x8xf32, #tpu.memory_space<hbm>> -> memref<20000x8xf32, #tpu.memory_space<hbm>>
      tpu.enqueue_indirect_dma source(%dma_start3A_351 : memref<20000x8xf32, #tpu.memory_space<hbm>>) target(%arg20 : memref<128x8xf32, #tpu.memory_space<vmem>>) offsets(%dma_start3A_348 : memref<128xi32, #tpu.memory_space<vmem>>) semaphore(%arg36 : memref<!tpu.dma_semaphore, #tpu.memory_space<semaphore_mem>>)
      %dma_start3A_352 = arith.constant 0 : i32
      %dma_start3A_353 = tpu.memref_slice %arg11[%min3A_339, %dma_start3A_352] : memref<162x128xi32, #tpu.memory_space<vmem>> -> memref<1x128xi32, #tpu.memory_space<vmem>>
      %dma_start3A_354 = tpu.memref_squeeze %dma_start3A_353 : memref<1x128xi32, #tpu.memory_space<vmem>> -> memref<128xi32, #tpu.memory_space<vmem>>
      %dma_start3A_355 = arith.constant 0 : i32
      %dma_start3A_356 = arith.constant 0 : i32
      %dma_start3A_357 = tpu.memref_slice %arg6[%dma_start3A_355, %dma_start3A_356] : memref<20016x8xf32, #tpu.memory_space<hbm>> -> memref<20016x8xf32, #tpu.memory_space<hbm>>
      tpu.enqueue_indirect_dma source(%dma_start3A_357 : memref<20016x8xf32, #tpu.memory_space<hbm>>) target(%arg23 : memref<128x8xf32, #tpu.memory_space<vmem>>) offsets(%dma_start3A_354 : memref<128xi32, #tpu.memory_space<vmem>>) semaphore(%arg37 : memref<!tpu.dma_semaphore, #tpu.memory_space<semaphore_mem>>)
      %scan3A_358 = arith.constant 0 : i32
      %scan3A_359 = arith.constant 0 : i32
      %scan3A_360 = arith.constant 8 : i32
      %scan3A_361 = arith.addi %scan3A_359, %scan3A_360 : i32
      %scan3A_362 = arith.constant 1 : i32
      %scan3A_363 = scf.for %scan3A_483 = %scan3A_359 to %scan3A_361 step %scan3A_362 iter_args(%scan3A_484 = %scan3A_358) -> (i32)  : i32 {
        %mul3A_485 = arith.constant 16 : i32
        %mul3A_486 = arith.muli %scan3A_483, %mul3A_485 : i32
        %get3A_487 = arith.index_cast %add3A_329 : i32 to index
        %get3A_488 = arith.index_cast %mul3A_486 : i32 to index
        %get3A_489 = tpu.vector_load %arg10[%get3A_487, %get3A_488] {strides = array<i32>} : memref<162x128xi32, #tpu.memory_space<vmem>>, vector<16xi32>,
        %sub3A = arith.subi %get3A_489, %broadcast_in_dim3A_145 : vector<16xi32>
        %ge3A = arith.constant 0 : i32
        %ge3A_490 = vector.broadcast %ge3A : i32 to vector<16xi32>
        %ge3A_491 = arith.cmpi sge, %sub3A, %ge3A_490 : vector<16xi32>
        %lt3A = arith.constant 5120 : i32
        %lt3A_492 = vector.broadcast %lt3A : i32 to vector<16xi32>
        %lt3A_493 = arith.cmpi slt, %sub3A, %lt3A_492 : vector<16xi32>
        %and3A_494 = arith.andi %ge3A_491, %lt3A_493 : vector<16xi1>
        %and3A_495 = arith.constant 255 : i32
        %and3A_496 = vector.broadcast %and3A_495 : i32 to vector<16xi32>
        %and3A_497 = arith.andi %sub3A, %and3A_496 : vector<16xi32>
        %add3A_498 = arith.addi %broadcast_in_dim3A_38, %and3A_497 : vector<16xi32>
        %select_n3A = arith.select %and3A_494, %sub3A, %add3A_498 : vector<16xi1>, vector<16xi32>
        %swap3A = arith.index_cast %mul3A_486 : i32 to index
        %swap3A_499 = tpu.vector_load %arg13[%swap3A] {strides = array<i32>} : memref<128xi32, #tpu.memory_space<vmem>>, vector<16xi32>,
        tpu.vector_store %arg13[%swap3A], %select_n3A {strides = array<i32>} : memref<128xi32, #tpu.memory_space<vmem>>, vector<16xi32>,
        %scan3A_500 = arith.constant 0 : i32
        scf.yield %scan3A_500 : i32
      }
      %scan3A_364 = arith.constant 8 : i32
      %dma_wait3A_365 = arith.constant 0 : i32
      %dma_wait3A_366 = tpu.memref_slice %arg9[%add3A_329, %dma_wait3A_365] : memref<162x128xi32, #tpu.memory_space<vmem>> -> memref<1x128xi32, #tpu.memory_space<vmem>>
      %dma_wait3A_367 = tpu.memref_squeeze %dma_wait3A_366 : memref<1x128xi32, #tpu.memory_space<vmem>> -> memref<128xi32, #tpu.memory_space<vmem>>
      %dma_wait3A_368 = arith.constant 0 : i32
      %dma_wait3A_369 = arith.constant 0 : i32
      %dma_wait3A_370 = tpu.memref_slice %arg5[%dma_wait3A_368, %dma_wait3A_369] : memref<20000x8xf32, #tpu.memory_space<hbm>> -> memref<20000x8xf32, #tpu.memory_space<hbm>>
      tpu.wait_indirect_dma semaphore(%arg36 : memref<!tpu.dma_semaphore, #tpu.memory_space<semaphore_mem>>) src(%dma_wait3A_370 : memref<20000x8xf32, #tpu.memory_space<hbm>>) dst(%arg19 : memref<128x8xf32, #tpu.memory_space<vmem>>)
      %dma_wait3A_371 = arith.constant 0 : i32
      %dma_wait3A_372 = tpu.memref_slice %arg11[%add3A_329, %dma_wait3A_371] : memref<162x128xi32, #tpu.memory_space<vmem>> -> memref<1x128xi32, #tpu.memory_space<vmem>>
      %dma_wait3A_373 = tpu.memref_squeeze %dma_wait3A_372 : memref<1x128xi32, #tpu.memory_space<vmem>> -> memref<128xi32, #tpu.memory_space<vmem>>
      %dma_wait3A_374 = arith.constant 0 : i32
      %dma_wait3A_375 = arith.constant 0 : i32
      %dma_wait3A_376 = tpu.memref_slice %arg6[%dma_wait3A_374, %dma_wait3A_375] : memref<20016x8xf32, #tpu.memory_space<hbm>> -> memref<20016x8xf32, #tpu.memory_space<hbm>>
      tpu.wait_indirect_dma semaphore(%arg37 : memref<!tpu.dma_semaphore, #tpu.memory_space<semaphore_mem>>) src(%dma_wait3A_376 : memref<20016x8xf32, #tpu.memory_space<hbm>>) dst(%arg22 : memref<128x8xf32, #tpu.memory_space<vmem>>)
      %scan3A_377 = arith.constant 0 : i32
      %scan3A_378 = arith.constant 0 : i32
      %scan3A_379 = arith.constant 8 : i32
      %scan3A_380 = arith.addi %scan3A_378, %scan3A_379 : i32
      %scan3A_381 = arith.constant 1 : i32
      %scan3A_382 = scf.for %scan3A_483 = %scan3A_378 to %scan3A_380 step %scan3A_381 iter_args(%scan3A_484 = %scan3A_377) -> (i32)  : i32 {
        %mul3A_485 = arith.constant 16 : i32
        %mul3A_486 = arith.muli %scan3A_483, %mul3A_485 : i32
        %broadcast_in_dim3A_487 = vector.broadcast %mul3A_486 : i32 to vector<16xi32>
        %add3A_488 = arith.addi %broadcast_in_dim3A_487, %shift_right_arithmetic3A_26 : vector<16xi32>
        %gather3A = tpu.vector_load_idx %arg19[%add3A_488, %and3A_29] : memref<128x8xf32, #tpu.memory_space<vmem>>[vector<16xi32>, vector<16xi32>], vector<16xf32>,
        %gather3A_489 = tpu.vector_load_idx %arg22[%add3A_488, %and3A_29] : memref<128x8xf32, #tpu.memory_space<vmem>>[vector<16xi32>, vector<16xi32>], vector<16xf32>,
        %add3A_490 = arith.addf %gather3A, %gather3A_489 : vector<16xf32>
        %ge3A = arith.constant 0.000000e+00 : f32
        %ge3A_491 = vector.broadcast %ge3A : f32 to vector<16xf32>
        %ge3A_492 = arith.cmpf oge, %add3A_490, %ge3A_491 : vector<16xf32>
        %mul3A_493 = arith.constant 2.000000e-01 : f32
        %mul3A_494 = vector.broadcast %mul3A_493 : f32 to vector<16xf32>
        %mul3A_495 = arith.mulf %mul3A_494, %add3A_490 : vector<16xf32>
        %select_n3A = arith.select %ge3A_492, %add3A_490, %mul3A_495 : vector<16xi1>, vector<16xf32>
        %sub3A = arith.subf %select_n3A, %get3A_1 : vector<16xf32>
        %exp3A = math.exp %sub3A : vector<16xf32>
        tpu.vector_store_idx %arg25[%add3A_488, %and3A_29], %exp3A : memref<128x8xf32, #tpu.memory_space<vmem>>[vector<16xi32>, vector<16xi32>], vector<16xf32>,
        %scan3A_496 = arith.constant 0 : i32
        scf.yield %scan3A_496 : i32
      }
      %scan3A_383 = arith.constant 8 : i32
      %dma_wait3A_384 = arith.constant 0 : i32
      %dma_wait3A_385 = tpu.memref_slice %arg9[%add3A_329, %dma_wait3A_384] : memref<162x128xi32, #tpu.memory_space<vmem>> -> memref<1x128xi32, #tpu.memory_space<vmem>>
      %dma_wait3A_386 = tpu.memref_squeeze %dma_wait3A_385 : memref<1x128xi32, #tpu.memory_space<vmem>> -> memref<128xi32, #tpu.memory_space<vmem>>
      %dma_wait3A_387 = arith.constant 0 : i32
      %dma_wait3A_388 = arith.constant 0 : i32
      %dma_wait3A_389 = tpu.memref_slice %arg4[%dma_wait3A_387, %dma_wait3A_388] : memref<20000x64xf32, #tpu.memory_space<hbm>> -> memref<20000x64xf32, #tpu.memory_space<hbm>>
      tpu.wait_indirect_dma semaphore(%arg35 : memref<!tpu.dma_semaphore, #tpu.memory_space<semaphore_mem>>) src(%dma_wait3A_389 : memref<20000x64xf32, #tpu.memory_space<hbm>>) dst(%arg16 : memref<128x64xf32, #tpu.memory_space<vmem>>)
      %broadcast_in_dim3A_390 = arith.constant 0 : i32
      %broadcast_in_dim3A_391 = vector.broadcast %broadcast_in_dim3A_390 : i32 to vector<16xi32>
      %scan3A_392 = arith.constant 0 : i32
      %scan3A_393 = arith.constant 0 : i32
      %scan3A_394 = arith.constant 128 : i32
      %scan3A_395 = arith.addi %scan3A_393, %scan3A_394 : i32
      %scan3A_396 = arith.constant 1 : i32
      %scan3A_397 = scf.for %scan3A_483 = %scan3A_393 to %scan3A_395 step %scan3A_396 iter_args(%scan3A_484 = %scan3A_392) -> (i32)  : i32 {
        %broadcast_in_dim3A_485 = vector.broadcast %scan3A_483 : i32 to vector<16xi32>
        %gather3A = tpu.vector_load_idx %arg25[%broadcast_in_dim3A_485, %broadcast_in_dim3A_391] : memref<128x8xf32, #tpu.memory_space<vmem>>[vector<16xi32>, vector<16xi32>], vector<16xf32>,
        %scan3A_486 = arith.constant 0 : i32
        %scan3A_487 = arith.constant 0 : i32
        %scan3A_488 = arith.constant 4 : i32
        %scan3A_489 = arith.addi %scan3A_487, %scan3A_488 : i32
        %scan3A_490 = arith.constant 1 : i32
        %scan3A_491 = scf.for %scan3A_493 = %scan3A_487 to %scan3A_489 step %scan3A_490 iter_args(%scan3A_494 = %scan3A_486) -> (i32)  : i32 {
          %mul3A_495 = arith.constant 16 : i32
          %mul3A_496 = arith.muli %scan3A_493, %mul3A_495 : i32
          %get3A_497 = arith.index_cast %scan3A_483 : i32 to index
          %get3A_498 = arith.index_cast %mul3A_496 : i32 to index
          %get3A_499 = tpu.vector_load %arg16[%get3A_497, %get3A_498] {strides = array<i32>} : memref<128x64xf32, #tpu.memory_space<vmem>>, vector<16xf32>,
          %mul3A_500 = arith.mulf %get3A_499, %gather3A : vector<16xf32>
          %swap3A = arith.index_cast %scan3A_483 : i32 to index
          %swap3A_501 = arith.index_cast %mul3A_496 : i32 to index
          %swap3A_502 = tpu.vector_load %arg16[%swap3A, %swap3A_501] {strides = array<i32>} : memref<128x64xf32, #tpu.memory_space<vmem>>, vector<16xf32>,
          tpu.vector_store %arg16[%swap3A, %swap3A_501], %mul3A_500 {strides = array<i32>} : memref<128x64xf32, #tpu.memory_space<vmem>>, vector<16xf32>,
          %scan3A_503 = arith.constant 0 : i32
          scf.yield %scan3A_503 : i32
        }
        %scan3A_492 = arith.constant 4 : i32
        scf.yield %scan3A_491 : i32
      }
      %scan3A_398 = arith.constant 128 : i32
      %dma_start3A_399 = arith.constant 0 : i32
      %dma_start3A_400 = arith.constant 0 : i32
      %dma_start3A_401 = tpu.memref_slice %arg33[%dma_start3A_399, %dma_start3A_400] : memref<5632x64xf32, #tpu.memory_space<vmem_shared>> -> memref<5632x64xf32, #tpu.memory_space<vmem_shared>>
      tpu.enqueue_indirect_dma source(%arg16 : memref<128x64xf32, #tpu.memory_space<vmem>>) target(%dma_start3A_401 : memref<5632x64xf32, #tpu.memory_space<vmem_shared>>) offsets(%arg13 : memref<128xi32, #tpu.memory_space<vmem>>) semaphore(%arg38 : memref<!tpu.dma_semaphore, #tpu.memory_space<semaphore_mem>>) {add = true}
      %dma_start3A_402 = arith.constant 0 : i32
      %dma_start3A_403 = arith.constant 0 : i32
      %dma_start3A_404 = tpu.memref_slice %arg34[%dma_start3A_402, %dma_start3A_403] : memref<5632x8xf32, #tpu.memory_space<vmem_shared>> -> memref<5632x8xf32, #tpu.memory_space<vmem_shared>>
      tpu.enqueue_indirect_dma source(%arg25 : memref<128x8xf32, #tpu.memory_space<vmem>>) target(%dma_start3A_404 : memref<5632x8xf32, #tpu.memory_space<vmem_shared>>) offsets(%arg13 : memref<128xi32, #tpu.memory_space<vmem>>) semaphore(%arg39 : memref<!tpu.dma_semaphore, #tpu.memory_space<semaphore_mem>>) {add = true}
      %add3A_405 = arith.constant 2 : i32
      %add3A_406 = arith.addi %mul3A_254, %add3A_405 : i32
      %dma_wait3A_407 = arith.constant 0 : i32
      %dma_wait3A_408 = arith.constant 0 : i32
      %dma_wait3A_409 = tpu.memref_slice %arg33[%dma_wait3A_407, %dma_wait3A_408] : memref<5632x64xf32, #tpu.memory_space<vmem_shared>> -> memref<5632x64xf32, #tpu.memory_space<vmem_shared>>
      tpu.wait_indirect_dma semaphore(%arg38 : memref<!tpu.dma_semaphore, #tpu.memory_space<semaphore_mem>>) src(%arg15 : memref<128x64xf32, #tpu.memory_space<vmem>>) dst(%dma_wait3A_409 : memref<5632x64xf32, #tpu.memory_space<vmem_shared>>)
      %dma_wait3A_410 = arith.constant 0 : i32
      %dma_wait3A_411 = arith.constant 0 : i32
      %dma_wait3A_412 = tpu.memref_slice %arg34[%dma_wait3A_410, %dma_wait3A_411] : memref<5632x8xf32, #tpu.memory_space<vmem_shared>> -> memref<5632x8xf32, #tpu.memory_space<vmem_shared>>
      tpu.wait_indirect_dma semaphore(%arg39 : memref<!tpu.dma_semaphore, #tpu.memory_space<semaphore_mem>>) src(%arg24 : memref<128x8xf32, #tpu.memory_space<vmem>>) dst(%dma_wait3A_412 : memref<5632x8xf32, #tpu.memory_space<vmem_shared>>)
      %add3A_413 = arith.constant 1 : i32
      %add3A_414 = arith.addi %add3A_406, %add3A_413 : i32
      %min3A_415 = arith.constant 161 : i32
      %min3A_416 = arith.minsi %add3A_414, %min3A_415 : i32
      %dma_start3A_417 = arith.constant 0 : i32
      %dma_start3A_418 = tpu.memref_slice %arg9[%min3A_416, %dma_start3A_417] : memref<162x128xi32, #tpu.memory_space<vmem>> -> memref<1x128xi32, #tpu.memory_space<vmem>>
      %dma_start3A_419 = tpu.memref_squeeze %dma_start3A_418 : memref<1x128xi32, #tpu.memory_space<vmem>> -> memref<128xi32, #tpu.memory_space<vmem>>
      %dma_start3A_420 = arith.constant 0 : i32
      %dma_start3A_421 = arith.constant 0 : i32
      %dma_start3A_422 = tpu.memref_slice %arg4[%dma_start3A_420, %dma_start3A_421] : memref<20000x64xf32, #tpu.memory_space<hbm>> -> memref<20000x64xf32, #tpu.memory_space<hbm>>
      tpu.enqueue_indirect_dma source(%dma_start3A_422 : memref<20000x64xf32, #tpu.memory_space<hbm>>) target(%arg15 : memref<128x64xf32, #tpu.memory_space<vmem>>) offsets(%dma_start3A_419 : memref<128xi32, #tpu.memory_space<vmem>>) semaphore(%arg35 : memref<!tpu.dma_semaphore, #tpu.memory_space<semaphore_mem>>)
      %dma_start3A_423 = arith.constant 0 : i32
      %dma_start3A_424 = tpu.memref_slice %arg9[%min3A_416, %dma_start3A_423] : memref<162x128xi32, #tpu.memory_space<vmem>> -> memref<1x128xi32, #tpu.memory_space<vmem>>
      %dma_start3A_425 = tpu.memref_squeeze %dma_start3A_424 : memref<1x128xi32, #tpu.memory_space<vmem>> -> memref<128xi32, #tpu.memory_space<vmem>>
      %dma_start3A_426 = arith.constant 0 : i32
      %dma_start3A_427 = arith.constant 0 : i32
      %dma_start3A_428 = tpu.memref_slice %arg5[%dma_start3A_426, %dma_start3A_427] : memref<20000x8xf32, #tpu.memory_space<hbm>> -> memref<20000x8xf32, #tpu.memory_space<hbm>>
      tpu.enqueue_indirect_dma source(%dma_start3A_428 : memref<20000x8xf32, #tpu.memory_space<hbm>>) target(%arg18 : memref<128x8xf32, #tpu.memory_space<vmem>>) offsets(%dma_start3A_425 : memref<128xi32, #tpu.memory_space<vmem>>) semaphore(%arg36 : memref<!tpu.dma_semaphore, #tpu.memory_space<semaphore_mem>>)
      %dma_start3A_429 = arith.constant 0 : i32
      %dma_start3A_430 = tpu.memref_slice %arg11[%min3A_416, %dma_start3A_429] : memref<162x128xi32, #tpu.memory_space<vmem>> -> memref<1x128xi32, #tpu.memory_space<vmem>>
      %dma_start3A_431 = tpu.memref_squeeze %dma_start3A_430 : memref<1x128xi32, #tpu.memory_space<vmem>> -> memref<128xi32, #tpu.memory_space<vmem>>
      %dma_start3A_432 = arith.constant 0 : i32
      %dma_start3A_433 = arith.constant 0 : i32
      %dma_start3A_434 = tpu.memref_slice %arg6[%dma_start3A_432, %dma_start3A_433] : memref<20016x8xf32, #tpu.memory_space<hbm>> -> memref<20016x8xf32, #tpu.memory_space<hbm>>
      tpu.enqueue_indirect_dma source(%dma_start3A_434 : memref<20016x8xf32, #tpu.memory_space<hbm>>) target(%arg21 : memref<128x8xf32, #tpu.memory_space<vmem>>) offsets(%dma_start3A_431 : memref<128xi32, #tpu.memory_space<vmem>>) semaphore(%arg37 : memref<!tpu.dma_semaphore, #tpu.memory_space<semaphore_mem>>)
      %scan3A_435 = arith.constant 0 : i32
      %scan3A_436 = arith.constant 0 : i32
      %scan3A_437 = arith.constant 8 : i32
      %scan3A_438 = arith.addi %scan3A_436, %scan3A_437 : i32
      %scan3A_439 = arith.constant 1 : i32
      %scan3A_440 = scf.for %scan3A_483 = %scan3A_436 to %scan3A_438 step %scan3A_439 iter_args(%scan3A_484 = %scan3A_435) -> (i32)  : i32 {
        %mul3A_485 = arith.constant 16 : i32
        %mul3A_486 = arith.muli %scan3A_483, %mul3A_485 : i32
        %get3A_487 = arith.index_cast %add3A_406 : i32 to index
        %get3A_488 = arith.index_cast %mul3A_486 : i32 to index
        %get3A_489 = tpu.vector_load %arg10[%get3A_487, %get3A_488] {strides = array<i32>} : memref<162x128xi32, #tpu.memory_space<vmem>>, vector<16xi32>,
        %sub3A = arith.subi %get3A_489, %broadcast_in_dim3A_145 : vector<16xi32>
        %ge3A = arith.constant 0 : i32
        %ge3A_490 = vector.broadcast %ge3A : i32 to vector<16xi32>
        %ge3A_491 = arith.cmpi sge, %sub3A, %ge3A_490 : vector<16xi32>
        %lt3A = arith.constant 5120 : i32
        %lt3A_492 = vector.broadcast %lt3A : i32 to vector<16xi32>
        %lt3A_493 = arith.cmpi slt, %sub3A, %lt3A_492 : vector<16xi32>
        %and3A_494 = arith.andi %ge3A_491, %lt3A_493 : vector<16xi1>
        %and3A_495 = arith.constant 255 : i32
        %and3A_496 = vector.broadcast %and3A_495 : i32 to vector<16xi32>
        %and3A_497 = arith.andi %sub3A, %and3A_496 : vector<16xi32>
        %add3A_498 = arith.addi %broadcast_in_dim3A_38, %and3A_497 : vector<16xi32>
        %select_n3A = arith.select %and3A_494, %sub3A, %add3A_498 : vector<16xi1>, vector<16xi32>
        %swap3A = arith.index_cast %mul3A_486 : i32 to index
        %swap3A_499 = tpu.vector_load %arg14[%swap3A] {strides = array<i32>} : memref<128xi32, #tpu.memory_space<vmem>>, vector<16xi32>,
        tpu.vector_store %arg14[%swap3A], %select_n3A {strides = array<i32>} : memref<128xi32, #tpu.memory_space<vmem>>, vector<16xi32>,
        %scan3A_500 = arith.constant 0 : i32
        scf.yield %scan3A_500 : i32
      }
      %scan3A_441 = arith.constant 8 : i32
      %dma_wait3A_442 = arith.constant 0 : i32
      %dma_wait3A_443 = tpu.memref_slice %arg9[%add3A_406, %dma_wait3A_442] : memref<162x128xi32, #tpu.memory_space<vmem>> -> memref<1x128xi32, #tpu.memory_space<vmem>>
      %dma_wait3A_444 = tpu.memref_squeeze %dma_wait3A_443 : memref<1x128xi32, #tpu.memory_space<vmem>> -> memref<128xi32, #tpu.memory_space<vmem>>
      %dma_wait3A_445 = arith.constant 0 : i32
      %dma_wait3A_446 = arith.constant 0 : i32
      %dma_wait3A_447 = tpu.memref_slice %arg5[%dma_wait3A_445, %dma_wait3A_446] : memref<20000x8xf32, #tpu.memory_space<hbm>> -> memref<20000x8xf32, #tpu.memory_space<hbm>>
      tpu.wait_indirect_dma semaphore(%arg36 : memref<!tpu.dma_semaphore, #tpu.memory_space<semaphore_mem>>) src(%dma_wait3A_447 : memref<20000x8xf32, #tpu.memory_space<hbm>>) dst(%arg20 : memref<128x8xf32, #tpu.memory_space<vmem>>)
      %dma_wait3A_448 = arith.constant 0 : i32
      %dma_wait3A_449 = tpu.memref_slice %arg11[%add3A_406, %dma_wait3A_448] : memref<162x128xi32, #tpu.memory_space<vmem>> -> memref<1x128xi32, #tpu.memory_space<vmem>>
      %dma_wait3A_450 = tpu.memref_squeeze %dma_wait3A_449 : memref<1x128xi32, #tpu.memory_space<vmem>> -> memref<128xi32, #tpu.memory_space<vmem>>
      %dma_wait3A_451 = arith.constant 0 : i32
      %dma_wait3A_452 = arith.constant 0 : i32
      %dma_wait3A_453 = tpu.memref_slice %arg6[%dma_wait3A_451, %dma_wait3A_452] : memref<20016x8xf32, #tpu.memory_space<hbm>> -> memref<20016x8xf32, #tpu.memory_space<hbm>>
      tpu.wait_indirect_dma semaphore(%arg37 : memref<!tpu.dma_semaphore, #tpu.memory_space<semaphore_mem>>) src(%dma_wait3A_453 : memref<20016x8xf32, #tpu.memory_space<hbm>>) dst(%arg23 : memref<128x8xf32, #tpu.memory_space<vmem>>)
      %scan3A_454 = arith.constant 0 : i32
      %scan3A_455 = arith.constant 0 : i32
      %scan3A_456 = arith.constant 8 : i32
      %scan3A_457 = arith.addi %scan3A_455, %scan3A_456 : i32
      %scan3A_458 = arith.constant 1 : i32
      %scan3A_459 = scf.for %scan3A_483 = %scan3A_455 to %scan3A_457 step %scan3A_458 iter_args(%scan3A_484 = %scan3A_454) -> (i32)  : i32 {
        %mul3A_485 = arith.constant 16 : i32
        %mul3A_486 = arith.muli %scan3A_483, %mul3A_485 : i32
        %broadcast_in_dim3A_487 = vector.broadcast %mul3A_486 : i32 to vector<16xi32>
        %add3A_488 = arith.addi %broadcast_in_dim3A_487, %shift_right_arithmetic3A_26 : vector<16xi32>
        %gather3A = tpu.vector_load_idx %arg20[%add3A_488, %and3A_29] : memref<128x8xf32, #tpu.memory_space<vmem>>[vector<16xi32>, vector<16xi32>], vector<16xf32>,
        %gather3A_489 = tpu.vector_load_idx %arg23[%add3A_488, %and3A_29] : memref<128x8xf32, #tpu.memory_space<vmem>>[vector<16xi32>, vector<16xi32>], vector<16xf32>,
        %add3A_490 = arith.addf %gather3A, %gather3A_489 : vector<16xf32>
        %ge3A = arith.constant 0.000000e+00 : f32
        %ge3A_491 = vector.broadcast %ge3A : f32 to vector<16xf32>
        %ge3A_492 = arith.cmpf oge, %add3A_490, %ge3A_491 : vector<16xf32>
        %mul3A_493 = arith.constant 2.000000e-01 : f32
        %mul3A_494 = vector.broadcast %mul3A_493 : f32 to vector<16xf32>
        %mul3A_495 = arith.mulf %mul3A_494, %add3A_490 : vector<16xf32>
        %select_n3A = arith.select %ge3A_492, %add3A_490, %mul3A_495 : vector<16xi1>, vector<16xf32>
        %sub3A = arith.subf %select_n3A, %get3A_1 : vector<16xf32>
        %exp3A = math.exp %sub3A : vector<16xf32>
        tpu.vector_store_idx %arg26[%add3A_488, %and3A_29], %exp3A : memref<128x8xf32, #tpu.memory_space<vmem>>[vector<16xi32>, vector<16xi32>], vector<16xf32>,
        %scan3A_496 = arith.constant 0 : i32
        scf.yield %scan3A_496 : i32
      }
      %scan3A_460 = arith.constant 8 : i32
      %dma_wait3A_461 = arith.constant 0 : i32
      %dma_wait3A_462 = tpu.memref_slice %arg9[%add3A_406, %dma_wait3A_461] : memref<162x128xi32, #tpu.memory_space<vmem>> -> memref<1x128xi32, #tpu.memory_space<vmem>>
      %dma_wait3A_463 = tpu.memref_squeeze %dma_wait3A_462 : memref<1x128xi32, #tpu.memory_space<vmem>> -> memref<128xi32, #tpu.memory_space<vmem>>
      %dma_wait3A_464 = arith.constant 0 : i32
      %dma_wait3A_465 = arith.constant 0 : i32
      %dma_wait3A_466 = tpu.memref_slice %arg4[%dma_wait3A_464, %dma_wait3A_465] : memref<20000x64xf32, #tpu.memory_space<hbm>> -> memref<20000x64xf32, #tpu.memory_space<hbm>>
      tpu.wait_indirect_dma semaphore(%arg35 : memref<!tpu.dma_semaphore, #tpu.memory_space<semaphore_mem>>) src(%dma_wait3A_466 : memref<20000x64xf32, #tpu.memory_space<hbm>>) dst(%arg17 : memref<128x64xf32, #tpu.memory_space<vmem>>)
      %broadcast_in_dim3A_467 = arith.constant 0 : i32
      %broadcast_in_dim3A_468 = vector.broadcast %broadcast_in_dim3A_467 : i32 to vector<16xi32>
      %scan3A_469 = arith.constant 0 : i32
      %scan3A_470 = arith.constant 0 : i32
      %scan3A_471 = arith.constant 128 : i32
      %scan3A_472 = arith.addi %scan3A_470, %scan3A_471 : i32
      %scan3A_473 = arith.constant 1 : i32
      %scan3A_474 = scf.for %scan3A_483 = %scan3A_470 to %scan3A_472 step %scan3A_473 iter_args(%scan3A_484 = %scan3A_469) -> (i32)  : i32 {
        %broadcast_in_dim3A_485 = vector.broadcast %scan3A_483 : i32 to vector<16xi32>
        %gather3A = tpu.vector_load_idx %arg26[%broadcast_in_dim3A_485, %broadcast_in_dim3A_468] : memref<128x8xf32, #tpu.memory_space<vmem>>[vector<16xi32>, vector<16xi32>], vector<16xf32>,
        %scan3A_486 = arith.constant 0 : i32
        %scan3A_487 = arith.constant 0 : i32
        %scan3A_488 = arith.constant 4 : i32
        %scan3A_489 = arith.addi %scan3A_487, %scan3A_488 : i32
        %scan3A_490 = arith.constant 1 : i32
        %scan3A_491 = scf.for %scan3A_493 = %scan3A_487 to %scan3A_489 step %scan3A_490 iter_args(%scan3A_494 = %scan3A_486) -> (i32)  : i32 {
          %mul3A_495 = arith.constant 16 : i32
          %mul3A_496 = arith.muli %scan3A_493, %mul3A_495 : i32
          %get3A_497 = arith.index_cast %scan3A_483 : i32 to index
          %get3A_498 = arith.index_cast %mul3A_496 : i32 to index
          %get3A_499 = tpu.vector_load %arg17[%get3A_497, %get3A_498] {strides = array<i32>} : memref<128x64xf32, #tpu.memory_space<vmem>>, vector<16xf32>,
          %mul3A_500 = arith.mulf %get3A_499, %gather3A : vector<16xf32>
          %swap3A = arith.index_cast %scan3A_483 : i32 to index
          %swap3A_501 = arith.index_cast %mul3A_496 : i32 to index
          %swap3A_502 = tpu.vector_load %arg17[%swap3A, %swap3A_501] {strides = array<i32>} : memref<128x64xf32, #tpu.memory_space<vmem>>, vector<16xf32>,
          tpu.vector_store %arg17[%swap3A, %swap3A_501], %mul3A_500 {strides = array<i32>} : memref<128x64xf32, #tpu.memory_space<vmem>>, vector<16xf32>,
          %scan3A_503 = arith.constant 0 : i32
          scf.yield %scan3A_503 : i32
        }
        %scan3A_492 = arith.constant 4 : i32
        scf.yield %scan3A_491 : i32
      }
      %scan3A_475 = arith.constant 128 : i32
      %dma_start3A_476 = arith.constant 0 : i32
      %dma_start3A_477 = arith.constant 0 : i32
      %dma_start3A_478 = tpu.memref_slice %arg33[%dma_start3A_476, %dma_start3A_477] : memref<5632x64xf32, #tpu.memory_space<vmem_shared>> -> memref<5632x64xf32, #tpu.memory_space<vmem_shared>>
      tpu.enqueue_indirect_dma source(%arg17 : memref<128x64xf32, #tpu.memory_space<vmem>>) target(%dma_start3A_478 : memref<5632x64xf32, #tpu.memory_space<vmem_shared>>) offsets(%arg14 : memref<128xi32, #tpu.memory_space<vmem>>) semaphore(%arg38 : memref<!tpu.dma_semaphore, #tpu.memory_space<semaphore_mem>>) {add = true}
      %dma_start3A_479 = arith.constant 0 : i32
      %dma_start3A_480 = arith.constant 0 : i32
      %dma_start3A_481 = tpu.memref_slice %arg34[%dma_start3A_479, %dma_start3A_480] : memref<5632x8xf32, #tpu.memory_space<vmem_shared>> -> memref<5632x8xf32, #tpu.memory_space<vmem_shared>>
      tpu.enqueue_indirect_dma source(%arg26 : memref<128x8xf32, #tpu.memory_space<vmem>>) target(%dma_start3A_481 : memref<5632x8xf32, #tpu.memory_space<vmem_shared>>) offsets(%arg14 : memref<128xi32, #tpu.memory_space<vmem>>) semaphore(%arg39 : memref<!tpu.dma_semaphore, #tpu.memory_space<semaphore_mem>>) {add = true}
      %scan3A_482 = arith.constant 0 : i32
      scf.yield %scan3A_482 : i32
    }
    %scan3A_209 = arith.constant 54 : i32
    %dma_wait3A_210 = arith.constant 0 : i32
    %dma_wait3A_211 = arith.constant 0 : i32
    %dma_wait3A_212 = tpu.memref_slice %arg33[%dma_wait3A_210, %dma_wait3A_211] : memref<5632x64xf32, #tpu.memory_space<vmem_shared>> -> memref<5632x64xf32, #tpu.memory_space<vmem_shared>>
    tpu.wait_indirect_dma semaphore(%arg38 : memref<!tpu.dma_semaphore, #tpu.memory_space<semaphore_mem>>) src(%arg16 : memref<128x64xf32, #tpu.memory_space<vmem>>) dst(%dma_wait3A_212 : memref<5632x64xf32, #tpu.memory_space<vmem_shared>>)
    %dma_wait3A_213 = arith.constant 0 : i32
    %dma_wait3A_214 = arith.constant 0 : i32
    %dma_wait3A_215 = tpu.memref_slice %arg34[%dma_wait3A_213, %dma_wait3A_214] : memref<5632x8xf32, #tpu.memory_space<vmem_shared>> -> memref<5632x8xf32, #tpu.memory_space<vmem_shared>>
    tpu.wait_indirect_dma semaphore(%arg39 : memref<!tpu.dma_semaphore, #tpu.memory_space<semaphore_mem>>) src(%arg25 : memref<128x8xf32, #tpu.memory_space<vmem>>) dst(%dma_wait3A_215 : memref<5632x8xf32, #tpu.memory_space<vmem_shared>>)
    %dma_wait3A_216 = arith.constant 0 : i32
    %dma_wait3A_217 = arith.constant 0 : i32
    %dma_wait3A_218 = tpu.memref_slice %arg33[%dma_wait3A_216, %dma_wait3A_217] : memref<5632x64xf32, #tpu.memory_space<vmem_shared>> -> memref<5632x64xf32, #tpu.memory_space<vmem_shared>>
    tpu.wait_indirect_dma semaphore(%arg38 : memref<!tpu.dma_semaphore, #tpu.memory_space<semaphore_mem>>) src(%arg17 : memref<128x64xf32, #tpu.memory_space<vmem>>) dst(%dma_wait3A_218 : memref<5632x64xf32, #tpu.memory_space<vmem_shared>>)
    %dma_wait3A_219 = arith.constant 0 : i32
    %dma_wait3A_220 = arith.constant 0 : i32
    %dma_wait3A_221 = tpu.memref_slice %arg34[%dma_wait3A_219, %dma_wait3A_220] : memref<5632x8xf32, #tpu.memory_space<vmem_shared>> -> memref<5632x8xf32, #tpu.memory_space<vmem_shared>>
    tpu.wait_indirect_dma semaphore(%arg39 : memref<!tpu.dma_semaphore, #tpu.memory_space<semaphore_mem>>) src(%arg26 : memref<128x8xf32, #tpu.memory_space<vmem>>) dst(%dma_wait3A_221 : memref<5632x8xf32, #tpu.memory_space<vmem_shared>>)
    %dma_wait3A_222 = arith.constant 161 : i32
    %dma_wait3A_223 = arith.constant 0 : i32
    %dma_wait3A_224 = tpu.memref_slice %arg9[%dma_wait3A_222, %dma_wait3A_223] : memref<162x128xi32, #tpu.memory_space<vmem>> -> memref<1x128xi32, #tpu.memory_space<vmem>>
    %dma_wait3A_225 = tpu.memref_squeeze %dma_wait3A_224 : memref<1x128xi32, #tpu.memory_space<vmem>> -> memref<128xi32, #tpu.memory_space<vmem>>
    %dma_wait3A_226 = arith.constant 0 : i32
    %dma_wait3A_227 = arith.constant 0 : i32
    %dma_wait3A_228 = tpu.memref_slice %arg5[%dma_wait3A_226, %dma_wait3A_227] : memref<20000x8xf32, #tpu.memory_space<hbm>> -> memref<20000x8xf32, #tpu.memory_space<hbm>>
    tpu.wait_indirect_dma semaphore(%arg36 : memref<!tpu.dma_semaphore, #tpu.memory_space<semaphore_mem>>) src(%dma_wait3A_228 : memref<20000x8xf32, #tpu.memory_space<hbm>>) dst(%arg18 : memref<128x8xf32, #tpu.memory_space<vmem>>)
    %dma_wait3A_229 = arith.constant 161 : i32
    %dma_wait3A_230 = arith.constant 0 : i32
    %dma_wait3A_231 = tpu.memref_slice %arg11[%dma_wait3A_229, %dma_wait3A_230] : memref<162x128xi32, #tpu.memory_space<vmem>> -> memref<1x128xi32, #tpu.memory_space<vmem>>
    %dma_wait3A_232 = tpu.memref_squeeze %dma_wait3A_231 : memref<1x128xi32, #tpu.memory_space<vmem>> -> memref<128xi32, #tpu.memory_space<vmem>>
    %dma_wait3A_233 = arith.constant 0 : i32
    %dma_wait3A_234 = arith.constant 0 : i32
    %dma_wait3A_235 = tpu.memref_slice %arg6[%dma_wait3A_233, %dma_wait3A_234] : memref<20016x8xf32, #tpu.memory_space<hbm>> -> memref<20016x8xf32, #tpu.memory_space<hbm>>
    tpu.wait_indirect_dma semaphore(%arg37 : memref<!tpu.dma_semaphore, #tpu.memory_space<semaphore_mem>>) src(%dma_wait3A_235 : memref<20016x8xf32, #tpu.memory_space<hbm>>) dst(%arg21 : memref<128x8xf32, #tpu.memory_space<vmem>>)
    %dma_wait3A_236 = arith.constant 161 : i32
    %dma_wait3A_237 = arith.constant 0 : i32
    %dma_wait3A_238 = tpu.memref_slice %arg9[%dma_wait3A_236, %dma_wait3A_237] : memref<162x128xi32, #tpu.memory_space<vmem>> -> memref<1x128xi32, #tpu.memory_space<vmem>>
    %dma_wait3A_239 = tpu.memref_squeeze %dma_wait3A_238 : memref<1x128xi32, #tpu.memory_space<vmem>> -> memref<128xi32, #tpu.memory_space<vmem>>
    %dma_wait3A_240 = arith.constant 0 : i32
    %dma_wait3A_241 = arith.constant 0 : i32
    %dma_wait3A_242 = tpu.memref_slice %arg4[%dma_wait3A_240, %dma_wait3A_241] : memref<20000x64xf32, #tpu.memory_space<hbm>> -> memref<20000x64xf32, #tpu.memory_space<hbm>>
    tpu.wait_indirect_dma semaphore(%arg35 : memref<!tpu.dma_semaphore, #tpu.memory_space<semaphore_mem>>) src(%dma_wait3A_242 : memref<20000x64xf32, #tpu.memory_space<hbm>>) dst(%arg15 : memref<128x64xf32, #tpu.memory_space<vmem>>)
    %barrier3A_243 = arith.constant 0 : index
    tpu.barrier barrier_id(%barrier3A_243)
    %scan3A_244 = arith.constant 0 : i32
    %scan3A_245 = arith.constant 0 : i32
    %scan3A_246 = arith.constant 10 : i32
    %scan3A_247 = arith.addi %scan3A_245, %scan3A_246 : i32
    %scan3A_248 = arith.constant 1 : i32
    %scan3A_249 = scf.for %scan3A_251 = %scan3A_245 to %scan3A_247 step %scan3A_248 iter_args(%scan3A_252 = %scan3A_244) -> (i32)  : i32 {
      %mul3A_253 = arith.constant 320 : i32
      %mul3A_254 = arith.muli %arg1, %mul3A_253 : i32
      %mul3A_255 = arith.constant 32 : i32
      %mul3A_256 = arith.muli %scan3A_251, %mul3A_255 : i32
      %add3A = arith.addi %mul3A_254, %mul3A_256 : i32
      "tpu.region"() ({
        %run_scoped3A = tpu.sem_alloc : memref<!tpu.dma_semaphore, #tpu.memory_space<semaphore_mem>>
        %dma_start3A_269 = arith.constant 0 : i32
        %dma_start3A_270 = tpu.memref_slice %arg33[%add3A, %dma_start3A_269] : memref<5632x64xf32, #tpu.memory_space<vmem_shared>> -> memref<32x64xf32, #tpu.memory_space<vmem_shared>>
        %dma_start3A_271 = arith.constant 0 : i32
        %dma_start3A_272 = tpu.memref_slice %arg33[%add3A, %dma_start3A_271] : memref<5632x64xf32, #tpu.memory_space<vmem_shared>> -> memref<32x64xf32, #tpu.memory_space<vmem_shared>>
        tpu.enqueue_dma source(%dma_start3A_272 : memref<32x64xf32, #tpu.memory_space<vmem_shared>>) target(%arg29 : memref<32x64xf32, #tpu.memory_space<vmem>>) target_semaphore(%run_scoped3A : memref<!tpu.dma_semaphore, #tpu.memory_space<semaphore_mem>>)
        %dma_wait3A_273 = arith.constant 0 : i32
        %dma_wait3A_274 = tpu.memref_slice %arg33[%add3A, %dma_wait3A_273] : memref<5632x64xf32, #tpu.memory_space<vmem_shared>> -> memref<32x64xf32, #tpu.memory_space<vmem_shared>>
        %dma_wait3A_275 = arith.constant 0 : i32
        %dma_wait3A_276 = tpu.memref_slice %arg33[%add3A, %dma_wait3A_275] : memref<5632x64xf32, #tpu.memory_space<vmem_shared>> -> memref<32x64xf32, #tpu.memory_space<vmem_shared>>
        tpu.wait_dma2 semaphore(%run_scoped3A : memref<!tpu.dma_semaphore, #tpu.memory_space<semaphore_mem>>) src(%dma_wait3A_276 : memref<32x64xf32, #tpu.memory_space<vmem_shared>>) dst(%arg29 : memref<32x64xf32, #tpu.memory_space<vmem>>)
        tpu.yield
      }) : () -> ()
      "tpu.region"() ({
        %run_scoped3A = tpu.sem_alloc : memref<!tpu.dma_semaphore, #tpu.memory_space<semaphore_mem>>
        %dma_start3A_269 = arith.constant 0 : i32
        %dma_start3A_270 = tpu.memref_slice %arg34[%add3A, %dma_start3A_269] : memref<5632x8xf32, #tpu.memory_space<vmem_shared>> -> memref<32x8xf32, #tpu.memory_space<vmem_shared>>
        %dma_start3A_271 = arith.constant 0 : i32
        %dma_start3A_272 = tpu.memref_slice %arg34[%add3A, %dma_start3A_271] : memref<5632x8xf32, #tpu.memory_space<vmem_shared>> -> memref<32x8xf32, #tpu.memory_space<vmem_shared>>
        tpu.enqueue_dma source(%dma_start3A_272 : memref<32x8xf32, #tpu.memory_space<vmem_shared>>) target(%arg30 : memref<32x8xf32, #tpu.memory_space<vmem>>) target_semaphore(%run_scoped3A : memref<!tpu.dma_semaphore, #tpu.memory_space<semaphore_mem>>)
        %dma_wait3A_273 = arith.constant 0 : i32
        %dma_wait3A_274 = tpu.memref_slice %arg34[%add3A, %dma_wait3A_273] : memref<5632x8xf32, #tpu.memory_space<vmem_shared>> -> memref<32x8xf32, #tpu.memory_space<vmem_shared>>
        %dma_wait3A_275 = arith.constant 0 : i32
        %dma_wait3A_276 = tpu.memref_slice %arg34[%add3A, %dma_wait3A_275] : memref<5632x8xf32, #tpu.memory_space<vmem_shared>> -> memref<32x8xf32, #tpu.memory_space<vmem_shared>>
        tpu.wait_dma2 semaphore(%run_scoped3A : memref<!tpu.dma_semaphore, #tpu.memory_space<semaphore_mem>>) src(%dma_wait3A_276 : memref<32x8xf32, #tpu.memory_space<vmem_shared>>) dst(%arg30 : memref<32x8xf32, #tpu.memory_space<vmem>>)
        tpu.yield
      }) : () -> ()
      %broadcast_in_dim3A_257 = arith.constant 0 : i32
      %broadcast_in_dim3A_258 = vector.broadcast %broadcast_in_dim3A_257 : i32 to vector<16xi32>
      %scan3A_259 = arith.constant 0 : i32
      %scan3A_260 = arith.constant 0 : i32
      %scan3A_261 = arith.constant 32 : i32
      %scan3A_262 = arith.addi %scan3A_260, %scan3A_261 : i32
      %scan3A_263 = arith.constant 1 : i32
      %scan3A_264 = scf.for %scan3A_269 = %scan3A_260 to %scan3A_262 step %scan3A_263 iter_args(%scan3A_270 = %scan3A_259) -> (i32)  : i32 {
        %broadcast_in_dim3A_271 = vector.broadcast %scan3A_269 : i32 to vector<16xi32>
        %gather3A = tpu.vector_load_idx %arg30[%broadcast_in_dim3A_271, %broadcast_in_dim3A_258] : memref<32x8xf32, #tpu.memory_space<vmem>>[vector<16xi32>, vector<16xi32>], vector<16xf32>,
        %add3A_272 = arith.constant 1.000000e-16 : f32
        %add3A_273 = vector.broadcast %add3A_272 : f32 to vector<16xf32>
        %add3A_274 = arith.addf %gather3A, %add3A_273 : vector<16xf32>
        %scan3A_275 = arith.constant 0 : i32
        %scan3A_276 = arith.constant 0 : i32
        %scan3A_277 = arith.constant 4 : i32
        %scan3A_278 = arith.addi %scan3A_276, %scan3A_277 : i32
        %scan3A_279 = arith.constant 1 : i32
        %scan3A_280 = scf.for %scan3A_282 = %scan3A_276 to %scan3A_278 step %scan3A_279 iter_args(%scan3A_283 = %scan3A_275) -> (i32)  : i32 {
          %mul3A_284 = arith.constant 16 : i32
          %mul3A_285 = arith.muli %scan3A_282, %mul3A_284 : i32
          %get3A_286 = arith.index_cast %scan3A_269 : i32 to index
          %get3A_287 = arith.index_cast %mul3A_285 : i32 to index
          %get3A_288 = tpu.vector_load %arg29[%get3A_286, %get3A_287] {strides = array<i32>} : memref<32x64xf32, #tpu.memory_space<vmem>>, vector<16xf32>,
          %div3A = arith.divf %get3A_288, %add3A_274 : vector<16xf32>
          %swap3A = arith.index_cast %scan3A_269 : i32 to index
          %swap3A_289 = arith.index_cast %mul3A_285 : i32 to index
          %swap3A_290 = tpu.vector_load %arg31[%swap3A, %swap3A_289] {strides = array<i32>} : memref<32x64xf32, #tpu.memory_space<vmem>>, vector<16xf32>,
          tpu.vector_store %arg31[%swap3A, %swap3A_289], %div3A {strides = array<i32>} : memref<32x64xf32, #tpu.memory_space<vmem>>, vector<16xf32>,
          %scan3A_291 = arith.constant 0 : i32
          scf.yield %scan3A_291 : i32
        }
        %scan3A_281 = arith.constant 4 : i32
        scf.yield %scan3A_280 : i32
      }
      %scan3A_265 = arith.constant 32 : i32
      %add3A_266 = arith.constant 5120 : i32
      %add3A_267 = arith.addi %add3A_266, %add3A : i32
      "tpu.region"() ({
        %run_scoped3A = tpu.sem_alloc : memref<!tpu.dma_semaphore, #tpu.memory_space<semaphore_mem>>
        %dma_start3A_269 = arith.constant 0 : i32
        %dma_start3A_270 = arith.constant 0 : i32
        %dma_start3A_271 = tpu.memref_slice %arg8[%arg0, %dma_start3A_269, %dma_start3A_270] : memref<2x10240x64xf32, #tpu.memory_space<hbm>> -> memref<1x10240x64xf32, #tpu.memory_space<hbm>>
        %dma_start3A_272 = tpu.memref_squeeze %dma_start3A_271 : memref<1x10240x64xf32, #tpu.memory_space<hbm>> -> memref<10240x64xf32, #tpu.memory_space<hbm>>
        %dma_start3A_273 = arith.constant 0 : i32
        %dma_start3A_274 = tpu.memref_slice %dma_start3A_272[%add3A_267, %dma_start3A_273] : memref<10240x64xf32, #tpu.memory_space<hbm>> -> memref<32x64xf32, #tpu.memory_space<hbm>>
        %dma_start3A_275 = arith.constant 0 : i32
        %dma_start3A_276 = arith.constant 0 : i32
        %dma_start3A_277 = tpu.memref_slice %arg8[%arg0, %dma_start3A_275, %dma_start3A_276] : memref<2x10240x64xf32, #tpu.memory_space<hbm>> -> memref<1x10240x64xf32, #tpu.memory_space<hbm>>
        %dma_start3A_278 = tpu.memref_squeeze %dma_start3A_277 : memref<1x10240x64xf32, #tpu.memory_space<hbm>> -> memref<10240x64xf32, #tpu.memory_space<hbm>>
        %dma_start3A_279 = arith.constant 0 : i32
        %dma_start3A_280 = tpu.memref_slice %dma_start3A_278[%add3A_267, %dma_start3A_279] : memref<10240x64xf32, #tpu.memory_space<hbm>> -> memref<32x64xf32, #tpu.memory_space<hbm>>
        tpu.enqueue_dma source(%arg31 : memref<32x64xf32, #tpu.memory_space<vmem>>) target(%dma_start3A_280 : memref<32x64xf32, #tpu.memory_space<hbm>>) target_semaphore(%run_scoped3A : memref<!tpu.dma_semaphore, #tpu.memory_space<semaphore_mem>>)
        %dma_wait3A_281 = arith.constant 0 : i32
        %dma_wait3A_282 = arith.constant 0 : i32
        %dma_wait3A_283 = tpu.memref_slice %arg8[%arg0, %dma_wait3A_281, %dma_wait3A_282] : memref<2x10240x64xf32, #tpu.memory_space<hbm>> -> memref<1x10240x64xf32, #tpu.memory_space<hbm>>
        %dma_wait3A_284 = tpu.memref_squeeze %dma_wait3A_283 : memref<1x10240x64xf32, #tpu.memory_space<hbm>> -> memref<10240x64xf32, #tpu.memory_space<hbm>>
        %dma_wait3A_285 = arith.constant 0 : i32
        %dma_wait3A_286 = tpu.memref_slice %dma_wait3A_284[%add3A_267, %dma_wait3A_285] : memref<10240x64xf32, #tpu.memory_space<hbm>> -> memref<32x64xf32, #tpu.memory_space<hbm>>
        %dma_wait3A_287 = arith.constant 0 : i32
        %dma_wait3A_288 = arith.constant 0 : i32
        %dma_wait3A_289 = tpu.memref_slice %arg8[%arg0, %dma_wait3A_287, %dma_wait3A_288] : memref<2x10240x64xf32, #tpu.memory_space<hbm>> -> memref<1x10240x64xf32, #tpu.memory_space<hbm>>
        %dma_wait3A_290 = tpu.memref_squeeze %dma_wait3A_289 : memref<1x10240x64xf32, #tpu.memory_space<hbm>> -> memref<10240x64xf32, #tpu.memory_space<hbm>>
        %dma_wait3A_291 = arith.constant 0 : i32
        %dma_wait3A_292 = tpu.memref_slice %dma_wait3A_290[%add3A_267, %dma_wait3A_291] : memref<10240x64xf32, #tpu.memory_space<hbm>> -> memref<32x64xf32, #tpu.memory_space<hbm>>
        tpu.wait_dma2 semaphore(%run_scoped3A : memref<!tpu.dma_semaphore, #tpu.memory_space<semaphore_mem>>) src(%arg31 : memref<32x64xf32, #tpu.memory_space<vmem>>) dst(%dma_wait3A_292 : memref<32x64xf32, #tpu.memory_space<hbm>>)
        tpu.yield
      }) : () -> ()
      %scan3A_268 = arith.constant 0 : i32
      scf.yield %scan3A_268 : i32
    }
    %scan3A_250 = arith.constant 10 : i32
    return
  }
}

module attributes {stable_mosaic.version = 14 : i64} {
  func.func @_dense1_body(%arg0: i32, %arg1: memref<1000x128xf32, #tpu.memory_space<vmem>>, %arg2: memref<128x64xf32, #tpu.memory_space<vmem>>, %arg3: memref<64x8xf32, #tpu.memory_space<vmem>>, %arg4: memref<64x8xf32, #tpu.memory_space<vmem>>, %arg5: memref<1000x64xf32, #tpu.memory_space<vmem>>, %arg6: memref<1000x8xf32, #tpu.memory_space<vmem>>, %arg7: memref<1000x8xf32, #tpu.memory_space<vmem>>) attributes {dimension_semantics = [#tpu.dimension_semantics<arbitrary>], iteration_bounds = array<i64: 10>, scalar_prefetch = 0 : i64, scratch_operands = 0 : i64, tpu.core_type = #tpu.core_type<tc>, window_params = [{transform_indices = @transform_0, window_bounds = array<i64: 1000, 128>}, {pipeline_mode = #tpu.pipeline_mode<synchronous>, transform_indices = @transform_1, window_bounds = array<i64: 128, 64>}, {pipeline_mode = #tpu.pipeline_mode<synchronous>, transform_indices = @transform_2, window_bounds = array<i64: 64, 8>}, {pipeline_mode = #tpu.pipeline_mode<synchronous>, transform_indices = @transform_3, window_bounds = array<i64: 64, 8>}, {transform_indices = @transform_4, window_bounds = array<i64: 1000, 64>}, {transform_indices = @transform_5, window_bounds = array<i64: 1000, 8>}, {transform_indices = @transform_6, window_bounds = array<i64: 1000, 8>}]} {
    %get3A = arith.constant 0 : index
    %get3A_0 = arith.constant 0 : index
    %get3A_1 = vector.load %arg1[%get3A, %get3A_0] : memref<1000x128xf32, #tpu.memory_space<vmem>>, vector<1000x128xf32>
    %get3A_2 = arith.constant 0 : index
    %get3A_3 = arith.constant 0 : index
    %get3A_4 = vector.load %arg2[%get3A_2, %get3A_3] : memref<128x64xf32, #tpu.memory_space<vmem>>, vector<128x64xf32>
    %dot_general3A = arith.constant dense<0.000000e+00> : vector<1000x64xf32>
    %dot_general3A_5 = tpu.matmul %get3A_1, %get3A_4, %dot_general3A {dimension_numbers = #tpu.dot_dimension_numbers<[1], [0], [0], [1], [0, 0, 1, 1], [], []>, transpose_lhs_hint = false} : vector<1000x128xf32>, vector<128x64xf32>, vector<1000x64xf32> -> vector<1000x64xf32>
    %swap3A = arith.constant 0 : index
    %swap3A_6 = arith.constant 0 : index
    %swap3A_7 = vector.load %arg5[%swap3A, %swap3A_6] : memref<1000x64xf32, #tpu.memory_space<vmem>>, vector<1000x64xf32>
    tpu.vector_store %arg5[%swap3A, %swap3A_6], %dot_general3A_5 {strides = array<i32>} : memref<1000x64xf32, #tpu.memory_space<vmem>>, vector<1000x64xf32>,
    %get3A_8 = arith.constant 0 : index
    %get3A_9 = arith.constant 0 : index
    %get3A_10 = vector.load %arg3[%get3A_8, %get3A_9] : memref<64x8xf32, #tpu.memory_space<vmem>>, vector<64x8xf32>
    %dot_general3A_11 = arith.constant dense<0.000000e+00> : vector<1000x8xf32>
    %dot_general3A_12 = tpu.matmul %dot_general3A_5, %get3A_10, %dot_general3A_11 {dimension_numbers = #tpu.dot_dimension_numbers<[1], [0], [0], [1], [0, 0, 1, 1], [], []>, transpose_lhs_hint = false} : vector<1000x64xf32>, vector<64x8xf32>, vector<1000x8xf32> -> vector<1000x8xf32>
    %swap3A_13 = arith.constant 0 : index
    %swap3A_14 = arith.constant 0 : index
    %swap3A_15 = vector.load %arg6[%swap3A_13, %swap3A_14] : memref<1000x8xf32, #tpu.memory_space<vmem>>, vector<1000x8xf32>
    tpu.vector_store %arg6[%swap3A_13, %swap3A_14], %dot_general3A_12 {strides = array<i32>} : memref<1000x8xf32, #tpu.memory_space<vmem>>, vector<1000x8xf32>,
    %get3A_16 = arith.constant 0 : index
    %get3A_17 = arith.constant 0 : index
    %get3A_18 = vector.load %arg4[%get3A_16, %get3A_17] : memref<64x8xf32, #tpu.memory_space<vmem>>, vector<64x8xf32>
    %dot_general3A_19 = arith.constant dense<0.000000e+00> : vector<1000x8xf32>
    %dot_general3A_20 = tpu.matmul %dot_general3A_5, %get3A_18, %dot_general3A_19 {dimension_numbers = #tpu.dot_dimension_numbers<[1], [0], [0], [1], [0, 0, 1, 1], [], []>, transpose_lhs_hint = false} : vector<1000x64xf32>, vector<64x8xf32>, vector<1000x8xf32> -> vector<1000x8xf32>
    %swap3A_21 = arith.constant 0 : index
    %swap3A_22 = arith.constant 0 : index
    %swap3A_23 = vector.load %arg7[%swap3A_21, %swap3A_22] : memref<1000x8xf32, #tpu.memory_space<vmem>>, vector<1000x8xf32>
    tpu.vector_store %arg7[%swap3A_21, %swap3A_22], %dot_general3A_20 {strides = array<i32>} : memref<1000x8xf32, #tpu.memory_space<vmem>>, vector<1000x8xf32>,
    return
  }
  func.func @transform_0(%arg0: i32) -> (i32, i32) {
    %c0_i32 = arith.constant 0 : i32
    %c0_i32_0 = arith.constant 0 : i32
    return %arg0, %c0_i32 : i32, i32
  }
  func.func @transform_1(%arg0: i32) -> (i32, i32) {
    %c0_i32 = arith.constant 0 : i32
    %c0_i32_0 = arith.constant 0 : i32
    %c0_i32_1 = arith.constant 0 : i32
    return %c0_i32, %c0_i32_0 : i32, i32
  }
  func.func @transform_2(%arg0: i32) -> (i32, i32) {
    %c0_i32 = arith.constant 0 : i32
    %c0_i32_0 = arith.constant 0 : i32
    %c0_i32_1 = arith.constant 0 : i32
    return %c0_i32, %c0_i32_0 : i32, i32
  }
  func.func @transform_3(%arg0: i32) -> (i32, i32) {
    %c0_i32 = arith.constant 0 : i32
    %c0_i32_0 = arith.constant 0 : i32
    %c0_i32_1 = arith.constant 0 : i32
    return %c0_i32, %c0_i32_0 : i32, i32
  }
  func.func @transform_4(%arg0: i32) -> (i32, i32) {
    %c0_i32 = arith.constant 0 : i32
    %c0_i32_0 = arith.constant 0 : i32
    return %arg0, %c0_i32 : i32, i32
  }
  func.func @transform_5(%arg0: i32) -> (i32, i32) {
    %c0_i32 = arith.constant 0 : i32
    %c0_i32_0 = arith.constant 0 : i32
    return %arg0, %c0_i32 : i32, i32
  }
  func.func @transform_6(%arg0: i32) -> (i32, i32) {
    %c0_i32 = arith.constant 0 : i32
    %c0_i32_0 = arith.constant 0 : i32
    return %arg0, %c0_i32 : i32, i32
  }
}

module attributes {stable_mosaic.version = 14 : i64} {
  func.func @_dense2_body(%arg0: i32, %arg1: memref<1000x64xf32, #tpu.memory_space<vmem>>, %arg2: memref<1x64xf32, #tpu.memory_space<vmem>>, %arg3: memref<64x128xf32, #tpu.memory_space<vmem>>, %arg4: memref<128x1xf32, #tpu.memory_space<vmem>>, %arg5: memref<128x1xf32, #tpu.memory_space<vmem>>, %arg6: memref<1000x128xf32, #tpu.memory_space<vmem>>, %arg7: memref<1000x1xf32, #tpu.memory_space<vmem>>, %arg8: memref<1000x1xf32, #tpu.memory_space<vmem>>) attributes {dimension_semantics = [#tpu.dimension_semantics<arbitrary>], iteration_bounds = array<i64: 10>, scalar_prefetch = 0 : i64, scratch_operands = 0 : i64, tpu.core_type = #tpu.core_type<tc>, window_params = [{transform_indices = @transform_0, window_bounds = array<i64: 1000, 64>}, {pipeline_mode = #tpu.pipeline_mode<synchronous>, transform_indices = @transform_1, window_bounds = array<i64: 1, 64>}, {pipeline_mode = #tpu.pipeline_mode<synchronous>, transform_indices = @transform_2, window_bounds = array<i64: 64, 128>}, {pipeline_mode = #tpu.pipeline_mode<synchronous>, transform_indices = @transform_3, window_bounds = array<i64: 128, 1>}, {pipeline_mode = #tpu.pipeline_mode<synchronous>, transform_indices = @transform_4, window_bounds = array<i64: 128, 1>}, {transform_indices = @transform_5, window_bounds = array<i64: 1000, 128>}, {transform_indices = @transform_6, window_bounds = array<i64: 1000, 1>}, {transform_indices = @transform_7, window_bounds = array<i64: 1000, 1>}]} {
    %get3A = arith.constant 0 : index
    %get3A_0 = arith.constant 0 : index
    %get3A_1 = vector.load %arg1[%get3A, %get3A_0] : memref<1000x64xf32, #tpu.memory_space<vmem>>, vector<1000x64xf32>
    %get3A_2 = arith.constant 0 : index
    %get3A_3 = arith.constant 0 : index
    %get3A_4 = vector.load %arg2[%get3A_2, %get3A_3] : memref<1x64xf32, #tpu.memory_space<vmem>>, vector<1x64xf32>
    %add3A = vector.broadcast %get3A_4 : vector<1x64xf32> to vector<1000x64xf32>
    %add3A_5 = arith.addf %get3A_1, %add3A : vector<1000x64xf32>
    %max3A = arith.constant 0.000000e+00 : f32
    %max3A_6 = vector.broadcast %max3A : f32 to vector<1000x64xf32>
    %max3A_7 = arith.maximumf %add3A_5, %max3A_6 : vector<1000x64xf32>
    %get3A_8 = arith.constant 0 : index
    %get3A_9 = arith.constant 0 : index
    %get3A_10 = vector.load %arg3[%get3A_8, %get3A_9] : memref<64x128xf32, #tpu.memory_space<vmem>>, vector<64x128xf32>
    %dot_general3A = arith.constant dense<0.000000e+00> : vector<1000x128xf32>
    %dot_general3A_11 = tpu.matmul %max3A_7, %get3A_10, %dot_general3A {dimension_numbers = #tpu.dot_dimension_numbers<[1], [0], [0], [1], [0, 0, 1, 1], [], []>, transpose_lhs_hint = false} : vector<1000x64xf32>, vector<64x128xf32>, vector<1000x128xf32> -> vector<1000x128xf32>
    %swap3A = arith.constant 0 : index
    %swap3A_12 = arith.constant 0 : index
    %swap3A_13 = vector.load %arg6[%swap3A, %swap3A_12] : memref<1000x128xf32, #tpu.memory_space<vmem>>, vector<1000x128xf32>
    tpu.vector_store %arg6[%swap3A, %swap3A_12], %dot_general3A_11 {strides = array<i32>} : memref<1000x128xf32, #tpu.memory_space<vmem>>, vector<1000x128xf32>,
    %get3A_14 = arith.constant 0 : index
    %get3A_15 = arith.constant 0 : index
    %get3A_16 = vector.load %arg4[%get3A_14, %get3A_15] : memref<128x1xf32, #tpu.memory_space<vmem>>, vector<128x1xf32>
    %dot_general3A_17 = arith.constant dense<0.000000e+00> : vector<1000x1xf32>
    %dot_general3A_18 = tpu.matmul %dot_general3A_11, %get3A_16, %dot_general3A_17 {dimension_numbers = #tpu.dot_dimension_numbers<[1], [0], [0], [1], [0, 0, 1, 1], [], []>, transpose_lhs_hint = false} : vector<1000x128xf32>, vector<128x1xf32>, vector<1000x1xf32> -> vector<1000x1xf32>
    %swap3A_19 = arith.constant 0 : index
    %swap3A_20 = arith.constant 0 : index
    %swap3A_21 = vector.load %arg7[%swap3A_19, %swap3A_20] : memref<1000x1xf32, #tpu.memory_space<vmem>>, vector<1000x1xf32>
    tpu.vector_store %arg7[%swap3A_19, %swap3A_20], %dot_general3A_18 {strides = array<i32>} : memref<1000x1xf32, #tpu.memory_space<vmem>>, vector<1000x1xf32>,
    %get3A_22 = arith.constant 0 : index
    %get3A_23 = arith.constant 0 : index
    %get3A_24 = vector.load %arg5[%get3A_22, %get3A_23] : memref<128x1xf32, #tpu.memory_space<vmem>>, vector<128x1xf32>
    %dot_general3A_25 = arith.constant dense<0.000000e+00> : vector<1000x1xf32>
    %dot_general3A_26 = tpu.matmul %dot_general3A_11, %get3A_24, %dot_general3A_25 {dimension_numbers = #tpu.dot_dimension_numbers<[1], [0], [0], [1], [0, 0, 1, 1], [], []>, transpose_lhs_hint = false} : vector<1000x128xf32>, vector<128x1xf32>, vector<1000x1xf32> -> vector<1000x1xf32>
    %swap3A_27 = arith.constant 0 : index
    %swap3A_28 = arith.constant 0 : index
    %swap3A_29 = vector.load %arg8[%swap3A_27, %swap3A_28] : memref<1000x1xf32, #tpu.memory_space<vmem>>, vector<1000x1xf32>
    tpu.vector_store %arg8[%swap3A_27, %swap3A_28], %dot_general3A_26 {strides = array<i32>} : memref<1000x1xf32, #tpu.memory_space<vmem>>, vector<1000x1xf32>,
    return
  }
  func.func @transform_0(%arg0: i32) -> (i32, i32) {
    %c0_i32 = arith.constant 0 : i32
    %c0_i32_0 = arith.constant 0 : i32
    return %arg0, %c0_i32 : i32, i32
  }
  func.func @transform_1(%arg0: i32) -> (i32, i32) {
    %c0_i32 = arith.constant 0 : i32
    %c0_i32_0 = arith.constant 0 : i32
    %c0_i32_1 = arith.constant 0 : i32
    return %c0_i32, %c0_i32_0 : i32, i32
  }
  func.func @transform_2(%arg0: i32) -> (i32, i32) {
    %c0_i32 = arith.constant 0 : i32
    %c0_i32_0 = arith.constant 0 : i32
    %c0_i32_1 = arith.constant 0 : i32
    return %c0_i32, %c0_i32_0 : i32, i32
  }
  func.func @transform_3(%arg0: i32) -> (i32, i32) {
    %c0_i32 = arith.constant 0 : i32
    %c0_i32_0 = arith.constant 0 : i32
    %c0_i32_1 = arith.constant 0 : i32
    return %c0_i32, %c0_i32_0 : i32, i32
  }
  func.func @transform_4(%arg0: i32) -> (i32, i32) {
    %c0_i32 = arith.constant 0 : i32
    %c0_i32_0 = arith.constant 0 : i32
    %c0_i32_1 = arith.constant 0 : i32
    return %c0_i32, %c0_i32_0 : i32, i32
  }
  func.func @transform_5(%arg0: i32) -> (i32, i32) {
    %c0_i32 = arith.constant 0 : i32
    %c0_i32_0 = arith.constant 0 : i32
    return %arg0, %c0_i32 : i32, i32
  }
  func.func @transform_6(%arg0: i32) -> (i32, i32) {
    %c0_i32 = arith.constant 0 : i32
    %c0_i32_0 = arith.constant 0 : i32
    return %arg0, %c0_i32 : i32, i32
  }
  func.func @transform_7(%arg0: i32) -> (i32, i32) {
    %c0_i32 = arith.constant 0 : i32
    %c0_i32_0 = arith.constant 0 : i32
    return %arg0, %c0_i32 : i32, i32
  }
}

module attributes {stable_mosaic.version = 14 : i64} {
  func.func @_lsm_body(%arg0: i32, %arg1: memref<1000x128xf32, #tpu.memory_space<vmem>>, %arg2: memref<1x128xf32, #tpu.memory_space<vmem>>, %arg3: memref<1000x128xf32, #tpu.memory_space<vmem>>) attributes {dimension_semantics = [#tpu.dimension_semantics<arbitrary>], iteration_bounds = array<i64: 10>, scalar_prefetch = 0 : i64, scratch_operands = 0 : i64, tpu.core_type = #tpu.core_type<tc>, window_params = [{transform_indices = @transform_0, window_bounds = array<i64: 1000, 128>}, {pipeline_mode = #tpu.pipeline_mode<synchronous>, transform_indices = @transform_1, window_bounds = array<i64: 1, 128>}, {transform_indices = @transform_2, window_bounds = array<i64: 1000, 128>}]} {
    %get3A = arith.constant 0 : index
    %get3A_0 = arith.constant 0 : index
    %get3A_1 = vector.load %arg1[%get3A, %get3A_0] : memref<1000x128xf32, #tpu.memory_space<vmem>>, vector<1000x128xf32>
    %get3A_2 = arith.constant 0 : index
    %get3A_3 = arith.constant 0 : index
    %get3A_4 = vector.load %arg2[%get3A_2, %get3A_3] : memref<1x128xf32, #tpu.memory_space<vmem>>, vector<1x128xf32>
    %add3A = vector.broadcast %get3A_4 : vector<1x128xf32> to vector<1000x128xf32>
    %add3A_5 = arith.addf %get3A_1, %add3A : vector<1000x128xf32>
    %reduce_max3A = arith.constant dense<0xFF800000> : vector<1000xf32>
    %reduce_max3A_6 = vector.multi_reduction <maximumf>, %add3A_5, %reduce_max3A [1] : vector<1000x128xf32> to vector<1000xf32>
    %broadcast_in_dim3A = vector.shape_cast %reduce_max3A_6 : vector<1000xf32> to vector<1000x1xf32>
    %sub3A = vector.broadcast %broadcast_in_dim3A : vector<1000x1xf32> to vector<1000x128xf32>
    %sub3A_7 = arith.subf %add3A_5, %sub3A : vector<1000x128xf32>
    %exp3A = math.exp %sub3A_7 : vector<1000x128xf32>
    %reduce_sum3A = arith.constant dense<0.000000e+00> : vector<1000xf32>
    %reduce_sum3A_8 = vector.multi_reduction <add>, %exp3A, %reduce_sum3A [1] : vector<1000x128xf32> to vector<1000xf32>
    %broadcast_in_dim3A_9 = vector.shape_cast %reduce_sum3A_8 : vector<1000xf32> to vector<1000x1xf32>
    %log3A = math.log %broadcast_in_dim3A_9 : vector<1000x1xf32>
    %sub3A_10 = vector.broadcast %broadcast_in_dim3A : vector<1000x1xf32> to vector<1000x128xf32>
    %sub3A_11 = arith.subf %add3A_5, %sub3A_10 : vector<1000x128xf32>
    %sub3A_12 = vector.broadcast %log3A : vector<1000x1xf32> to vector<1000x128xf32>
    %sub3A_13 = arith.subf %sub3A_11, %sub3A_12 : vector<1000x128xf32>
    %swap3A = arith.constant 0 : index
    %swap3A_14 = arith.constant 0 : index
    %swap3A_15 = vector.load %arg3[%swap3A, %swap3A_14] : memref<1000x128xf32, #tpu.memory_space<vmem>>, vector<1000x128xf32>
    tpu.vector_store %arg3[%swap3A, %swap3A_14], %sub3A_13 {strides = array<i32>} : memref<1000x128xf32, #tpu.memory_space<vmem>>, vector<1000x128xf32>,
    return
  }
  func.func @transform_0(%arg0: i32) -> (i32, i32) {
    %c0_i32 = arith.constant 0 : i32
    %c0_i32_0 = arith.constant 0 : i32
    return %arg0, %c0_i32 : i32, i32
  }
  func.func @transform_1(%arg0: i32) -> (i32, i32) {
    %c0_i32 = arith.constant 0 : i32
    %c0_i32_0 = arith.constant 0 : i32
    %c0_i32_1 = arith.constant 0 : i32
    return %c0_i32, %c0_i32_0 : i32, i32
  }
  func.func @transform_2(%arg0: i32) -> (i32, i32) {
    %c0_i32 = arith.constant 0 : i32
    %c0_i32_0 = arith.constant 0 : i32
    return %arg0, %c0_i32 : i32, i32
  }
}

</mosaic_0001>

<sc_bundles>
// kernel: kernel.10.cloned.1.call-start
scs
__scs_entry_jumppad:
0x0: {  	(pc) =	sbr.rel $0x88, $3  }
0x1: {  	(tag) =	ssettag $0x0;
	lr =	simm.s32 $0x1  }
0x2: {  	[smem:$0x3F97] =	sst lr;
	_ =	strace $0xD0000000  }
0x3: {  	_ = 	snop  }
0x4: {  	_ = 	snop  }
0x5: {  	_ = 	snop  }
0x6: {  	_ = 	snop  }
0x7: {  	_ = 	snop  }
__scs_overlays_trampoline_lowered:
0x8: {  	[smem:$0x3FA6] =	sst s0  }
0x9: {  	[smem:$0x3FA7] =	sst s1  }
0xa: {  	[smem:$0x3FA8] =	sst s2  }
0xb: {  	[smem:$0x3FA9] =	sst s3  }
0xc: {  	[smem:$0x3FAA] =	sst s4  }
0xd: {  	[smem:$0x3FAB] =	sst s5  }
0xe: {  	[smem:$0x3FAC] =	sst s6  }
0xf: {  	[smem:$0x3FAD] =	sst s7  }
0x10: {  	[smem:$0x3FAE] =	sst s8  }
0x11: {  	[smem:$0x3FAF] =	sst s9;
	s0 =	simm.s32 @!p0 $0x0  }
0x12: {  	s1 =	sld [smem:$0x3F95];
	s0 =	simm.s32 @p0 $0x1  }
0x13: {  	[smem:$0x3FB0] =	sst s0;
	s0 =	simm.s32 @!p1 $0x0  }
0x14: {  	s2 =	sld [smem:$0x3F94];
	s0 =	simm.s32 @p1 $0x1  }
0x15: {  	[smem:$0x3FB1] =	sst s0;
	s0 =	simm.s32 @!p2 $0x0  }
0x16: {  	s3 =	sld [smem:$0x3FDB];
	s0 =	simm.s32 @p2 $0x1  }
0x17: {  	s4 =	simm.s32 $0x1BF5;
	[smem:$0x3FB3] =	sst s0  }
0x18: {  	s0 =	sld [smem:$0x3F96];
	_ =	swait.ge [sflag:s4], $0x0  }
0x19: {  	s7 =	sld [smem:$0x3F97]  }
0x1a: {  	s8 =	sadd.s32 $0xFFFFE003, lr  }
0x1b: {  	s9 =	sadd.s32 $0xFFFFFEF7, lr;
	s5 =	simm.s32 $0xFFFFFFFF;
	p2 =	slt.u32 s8, $0xFFFFF086  }
0x1c: {  	p1 =	slt.u32 s9, $0xF7A;
	s5 =	simm.s32 @!p2 $0x0  }
0x1d: {  	s5 =	simm.s32 @p1 $0x1;
	p0 =	seq.s32 s7, s2  }
0x1e: {  	s7 =	smul.u32 @!p0 $0xF7A, s2;
	p2 =	seq.s32 @!p0 s5, $0x0  }
0x1f: {  	s9 =	smul.u32 $0xF7A, s1;
	s8 =	simm.s32 @!p0 $0x1BF5;
	p2 =	por !p2, p0  }
0x20: {  	[sflag:s8] =	ssyncset.s32 @!p0 $0xFFFFF086;
	s6 =	sadd.s32 @!p0 s3, s7;
	s7 =	simm.s32 @!p0 $0x108  }
0x21: {  	s3 =	sadd.s32 s3, s9;
	s6 =	sadd.s32 @!p0 $0x88, s6;
	s7 =	simm.s32 @p2 $0x1082  }
0x22: {  	[simem:s7], [sflag:s8] =	dma.local @!p0 [hbm:s6], $0xF7A  }
0x23: {  	s9 =	sor.u32 $0xD0000000, s2;
	s6 =	simm.s32 $0x108;
	_ =	swait.ge @!p0 [sflag:s8], $0x0  }
0x24: {  	s3 =	sadd.s32 $0x88, s3;
	s6 =	simm.s32 @!p1 $0x1082;
	[sflag:s4] =	ssyncset.s32 $0xFFFFF086  }
0x25: {  	[simem:s6], [sflag:s4] =	dma.local [hbm:s3], $0xF7A  }
0x26: {  	[smem:$0x3F97] =	sst s1;
	(tag) =	ssettag s2;
	_ =	strace s9  }
0x27: {  	s1 =	sld [smem:$0x3FA7]  }
0x28: {  	s2 =	sld [smem:$0x3FA8]  }
0x29: {  	s4 =	sld [smem:$0x3FAA]  }
0x2a: {  	p0 =	seq.s32 s5, $0x0;
	s5 =	sld [smem:$0x3FAB]  }
0x2b: {  	s6 =	sld [smem:$0x3FAC]  }
0x2c: {  	s7 =	sld [smem:$0x3FAD]  }
0x2d: {  	s3 =	simm.s32 $0x108;
	s8 =	sld [smem:$0x3FAE]  }
0x2e: {  	s3 =	simm.s32 @!p0 $0x1082;
	s9 =	sld [smem:$0x3FAF]  }
0x2f: {  	lr =	sadd.s32 s0, s3;
	s0 =	sld [smem:$0x3FA6]  }
0x30: {  	s3 =	sld [smem:$0x3FA9]  }
0x31: {  	[smem:$0x3FB2] =	sst s10  }
0x32: {  	s10 =	sld [smem:$0x3FB0];
	_ =	sdelay $0x3  }
0x33: {  	p0 =	seq.s32 s10, $0x1;
	s10 =	sld [smem:$0x3FB2];
	_ =	sdelay $0x3  }
0x34: {  	[smem:$0x3FB2] =	sst s10  }
0x35: {  	s10 =	sld [smem:$0x3FB1];
	_ =	sdelay $0x3  }
0x36: {  	p1 =	seq.s32 s10, $0x1;
	s10 =	sld [smem:$0x3FB2];
	_ =	sdelay $0x3  }
0x37: {  	[smem:$0x3FB2] =	sst s10  }
0x38: {  	s10 =	sld [smem:$0x3FB3]  }
0x39: {  	_ = 	snop;
	(pc) =	sbr.ind lr, $3  }
0x3a: {  	_ = 	snop  }
0x3b: {  	_ = 	snop  }
0x3c: {  	p2 =	seq.s32 s10, $0x1;
	s10 =	sld [smem:$0x3FB2]  }
0x3d: {  	_ =	shalt  }
0x3e: {  	_ =	shalt  }
0x3f: {  	_ =	shalt  }
0x40: {  	_ =	shalt  }
0x41: {  	_ =	shalt  }
0x42: {  	_ =	shalt  }
0x43: {  	_ =	shalt  }
0x44: {  	_ =	shalt  }
0x45: {  	_ =	shalt  }
0x46: {  	_ =	shalt  }
0x47: {  	_ =	shalt  }
0x48: {  	_ =	shalt  }
0x49: {  	_ =	shalt  }
0x4a: {  	_ =	shalt  }
0x4b: {  	_ =	shalt  }
0x4c: {  	_ =	shalt  }
0x4d: {  	_ =	shalt  }
0x4e: {  	_ =	shalt  }
0x4f: {  	_ =	shalt  }
0x50: {  	_ =	shalt  }
0x51: {  	_ =	shalt  }
0x52: {  	_ =	shalt  }
0x53: {  	_ =	shalt  }
0x54: {  	_ =	shalt  }
0x55: {  	_ =	shalt  }
0x56: {  	_ =	shalt  }
0x57: {  	_ =	shalt  }
0x58: {  	_ =	shalt  }
0x59: {  	_ =	shalt  }
0x5a: {  	_ =	shalt  }
0x5b: {  	_ =	shalt  }
0x5c: {  	_ =	shalt  }
0x5d: {  	_ =	shalt  }
0x5e: {  	_ =	shalt  }
0x5f: {  	_ =	shalt  }
0x60: {  	_ =	shalt  }
0x61: {  	_ =	shalt  }
0x62: {  	_ =	shalt  }
0x63: {  	_ =	shalt  }
0x64: {  	_ =	shalt  }
0x65: {  	_ =	shalt  }
0x66: {  	_ =	shalt  }
0x67: {  	_ =	shalt  }
0x68: {  	_ =	shalt  }
0x69: {  	_ =	shalt  }
0x6a: {  	_ =	shalt  }
0x6b: {  	_ =	shalt  }
0x6c: {  	_ =	shalt  }
0x6d: {  	_ =	shalt  }
0x6e: {  	_ =	shalt  }
0x6f: {  	_ =	shalt  }
0x70: {  	_ =	shalt  }
0x71: {  	_ =	shalt  }
0x72: {  	_ =	shalt  }
0x73: {  	_ =	shalt  }
0x74: {  	_ =	shalt  }
0x75: {  	_ =	shalt  }
0x76: {  	_ =	shalt  }
0x77: {  	_ =	shalt  }
0x78: {  	_ =	shalt  }
0x79: {  	_ =	shalt  }
0x7a: {  	_ =	shalt  }
0x7b: {  	_ =	shalt  }
0x7c: {  	_ =	shalt  }
0x7d: {  	_ =	shalt  }
0x7e: {  	_ =	shalt  }
0x7f: {  	_ =	shalt  }
0x80: {  	_ =	shalt  }
0x81: {  	_ =	shalt  }
0x82: {  	_ =	shalt  }
0x83: {  	_ =	shalt  }
0x84: {  	_ =	shalt  }
0x85: {  	_ =	shalt  }
0x86: {  	_ =	shalt  }
0x87: {  	_ =	shalt  }
.Lfunc_end0:
.L_simem_size_0:
called_computation.1_lowered:
.L_overlay_start_0:
0x88: {  	s2 =	sld [smem:$0x3FD9]  }
0x89: {  	s3 =	sld [smem:$0x3FFE];
	_ =	sdelay $0x1  }
0x8a: {  	s1 =	srdreg.scid  }
0x8b: {  	s0 =	sand.u32 $0x1, s1  }
0x8c: {  	s17 =	sshll.u32 s0, $0xA;
	s2 =	sadd.s32 s3, s2  }
0x8d: {  	s2 =	sadd.s32 s2, s17  }
0x8e: {  	[smem:$0x3FBE] =	sst s2  }
0x8f: {  	_ = 	snop  }
0x90: {  	s2 =	sld [smem:$0x3FD0];
	(tm) =	ssettm $0x1  }
0x91: {  	s18 =	sld [smem:$0x3FFB];
	_ =	sdelay $0x3  }
0x92: {  	_ =	strace s18  }
0x93: {  	s3 =	sld [smem:$0x3FFC];
	_ =	sdelay $0x3  }
0x94: {  	_ =	strace s3  }
0x95: {  	s3 =	sld [smem:$0x3FFD];
	_ =	sdelay $0x3  }
0x96: {  	_ =	strace s3  }
0x97: {  	_ =	strace $0x8FFFFFFF  }
0x98: {  	s19 =	sld [smem:$0x3FDB];
	_ =	sdelay $0x1  }
0x99: {  	s4 =	simm.s32 $_scs_section_size  }
0x9a: {  	s5 =	simm.s32 $_size__tile_overlayer_lowered;
	s6 =	simm.s32 $_tile_overlayer_lowered  }
0x9b: {  	s22 =	simm.s32 $0x1BFF;
	s21 =	sshll.u32 s6, $0x1;
	s3 =	sadd.s32 s4, s19  }
0x9c: {  	s7 =	simm.s32 $0x0;
	s20 =	sshll.u32 s5, $0x1;
	s5 =	sadd.s32 s21, s3  }
0x9d: {  	[timem:s7], [sflag:s22] =	dma.local [hbm:s5], s20  }
0x9e: {  	_ =	swait.ge [sflag:s22], s20  }
0x9f: {  	s4 =	ssub.s32 $0x0, s20;
	[sflag:s22] =	ssyncset.done $0x0  }
0xa0: {  	[sflag:s22] =	ssyncadd.s32 s4;
	_ =	sdelay $0x1  }
0xa1: {  	s23 =	simm.s32 $0x1B8B  }
0xa2: {  	_ =	swait.ge [sflag:s23], $0x1  }
0xa3: {  	[sflag:s23] =	ssyncset.done $0x0  }
0xa4: {  	s25 =	simm.s32 $0x1B8E;
	s24 =	sld [smem:$0x3FFE];
	[sflag:s23] =	ssyncadd.s32 $0xFFFFFFFF  }
0xa5: {  	s26 =	simm.s32 $execute0_lowered;
	[smem:$0x3FD2] =	sst s25  }
0xa6: {  	s5 =	sshll.u32 s26, $0x1;
	_ =	strace $0x80000049;
	[dreg:$0x1] =	wrdreg $0xFFFFFFFF  }
0xa7: {  	s28 =	simm.s32 $_size_execute0_lowered;
	s3 =	sadd.s32 s3, s5;
	[dreg:$0x0] =	wrdreg $0x0  }
0xa8: {  	s5 =	sshll.u32 s28, $0x1;
	[dreg:$0x2] =	wrdreg s3  }
0xa9: {  	[dreg:$0x3] =	wrdreg s5  }
0xaa: {  	[dreg:$0x4] =	wrdreg $0xC0  }
0xab: {  	_ =	task [dreg:s7], $0x5FFFF  }
0xac: {  	[dreg:$0x1] =	wrdreg $0xFFFFFFFF  }
0xad: {  	[dreg:$0x0] =	wrdreg $0x60  }
0xae: {  	[dreg:$0x2] =	wrdreg s24  }
0xaf: {  	[dreg:$0x3] =	wrdreg s2  }
0xb0: {  	[dreg:$0x4] =	wrdreg $0x19C900  }
0xb1: {  	[dreg:$0x5] =	wrdreg $0x1F4900  }
0xb2: {  	[dreg:$0x6] =	wrdreg $0x9  }
0xb3: {  	_ =	task.clear_ibuf [dreg:s7], $0x7FFFF;
	_ =	strace $0x90000049  }
0xb4: {  	s29 =	simm.s32 $0x9;
	_ =	strace $0x8000004B  }
0xb5: {  	_ =	swait.ge [sflag:s29], $0x1  }
0xb6: {  	[sflag:s29] =	ssyncadd.s32 $0xFFFFFFFF  }
0xb7: {  	_ =	strace $0x9000004B  }
0xb8: {  	_ =	sfence  }
0xb9: {  	s30 =	sld [smem:$0x0];
	_ =	sdelay $0x2  }
0xba: {  	s31 =	sshll.u32 s1, $0xD;
	s1 =	sshrl.u32 s1, $0x2  }
0xbb: {  	s3 =	sand.u32 $0x4000, s31;
	s1 =	sadd.s32 s1, s30  }
0xbc: {  	s0 =	sor.u32 s3, s0;
	s1 =	sshll.u32 s1, $0x11  }
0xbd: {  	s0 =	sor.u32 s1, s0  }
0xbe: {  	s0 =	sadd.s32 $0x8F2B, s0  }
0xbf: {  	[sflag:s0] =	ssyncadd.remote.s32 $0x1  }
0xc0: {  	_ =	sfence.sel $0xFFFF  }
0xc1: {  	[dreg:$0x0] =	wrdreg $0xFFFFFFFF;
	(pc) =	sbr.abs _section_cstart, $3  }
0xc2: {  	[dreg:$0x1] =	wrdreg $0xFFFFFFFF  }
0xc3: {  	_ =	task.clear_ibuf [dreg:s7], $0x2FFFF;
	_ =	strace $0x9FFFFFFF  }
0xc4: {  	(tm) =	ssettm $0x7FFFFFFF  }
0xc5: {  	_ =	shalt  }
tec
execute0_lowered:
.L_overlay_start_1:
0x0: {  	(tag) =	ssettag $0x1  }
0x1: {  	s1 =	rddreg [dreg:$0x0]  }
0x2: {  	s3 =	rddreg [dreg:$0x1];
	s12 =	stileid.u32  }
0x3: {  	s4 =	rddreg [dreg:$0x2];
	s0 =	smul.u32 $0xA20, s12  }
0x4: {  	s5 =	rddreg [dreg:$0x3];
	s6 =	simm.s32 $0x0;
	s10 =	smul.u32 $0x16000, s12  }
0x5: {  	s2 =	srdreg.scid;
	s30 =	simm.s32 $0x18080;
	s28 =	smul.u32 $0x2C00, s12  }
0x6: {  	[smem:$0x7FF] =	sst s6;
	s2 =	sand.u32 $0x1, s2;
	s15 =	smul.u32 $0x140, s12  }
0x7: {  	s8 =	sadd.s32 $0xA000, s1;
	_ =	strace $0x8000004A;
	s24 =	smul.u32 $0x14000, s2  }
0x8: {  	[dreg:$0x5] =	wrdreg s8;
	s25 =	ssub.s32 $0x2, s2;
	s0 =	sadd.s32 s0, s1  }
0x9: {  	s9 =	sshrl.u32 s25, $0x1;
	[dreg:$0xa] =	wrdreg s15;
	s26 =	sadd.s32 $0x27C00, s0  }
0xa: {  	s13 =	sshrl.u32 s10, $0x2;
	s0 =	sadd.s32 $0x1DA00, s0;
	[dreg:$0x6] =	wrdreg s26  }
0xb: {  	s14 =	sshrl.u32 s28, $0x2;
	s10 =	sadd.s32 s13, s4;
	[dreg:$0x7] =	wrdreg s0  }
0xc: {  	s6 =	sadd.s32 s24, s1;
	s0 =	sadd.s32 s14, s5;
	[dreg:$0x8] =	wrdreg s10  }
0xd: {  	s8 =	ssub.s32 s25, s9;
	s16 =	sadd.s32 $0x31E00, s6;
	[dreg:$0x9] =	wrdreg s0  }
0xe: {  	s29 =	simm.s32 $0x17080;
	s17 =	smax.u32 s8, $0x1;
	[dreg:$0xb] =	wrdreg s16  }
0xf: {  	s31 =	simm.s32 $0x16880;
	s18 =	sadd.s32 $0x800, s10;
	[dreg:$0xc] =	wrdreg s17  }
0x10: {  	s7 =	sadd.s32 $0x5000, s1;
	s19 =	sadd.s32 $0x1000, s10;
	[dreg:$0xd] =	wrdreg s18  }
0x11: {  	s12 =	simm.s32 $0x15480;
	s20 =	sadd.s32 $0x1800, s10;
	[dreg:$0xe] =	wrdreg s19  }
0x12: {  	s11 =	smul.u32 $0x2710, s2;
	s21 =	sadd.s32 $0x2000, s10;
	[dreg:$0xf] =	wrdreg s20  }
0x13: {  	s2 =	smul.u32 $0x2718, s2;
	s22 =	sadd.s32 $0x2800, s10;
	[dreg:$0x10] =	wrdreg s21  }
0x14: {  	v0 =	vmov s11;
	s11 =	simm.s32 $0x15C80;
	s23 =	sadd.s32 $0x3000, s10;
	[dreg:$0x11] =	wrdreg s22  }
0x15: {  	s24 =	sadd.s32 $0x3800, s10;
	s25 =	sadd.s32 $0x4000, s10;
	[dreg:$0x12] =	wrdreg s23  }
0x16: {  	s26 =	sadd.s32 $0x4800, s10;
	s28 =	sadd.s32 $0x5000, s10;
	[dreg:$0x13] =	wrdreg s24  }
0x17: {  	s8 =	simm.s32 $0xF400;
	s10 =	simm.s32 $0x17480;
	[dreg:$0x14] =	wrdreg s25  }
0x18: {  	s14 =	simm.s32 $0x19380;
	s6 =	simm.s32 $0x0;
	[dreg:$0x15] =	wrdreg s26  }
0x19: {  	[dreg:$0x16] =	wrdreg s28;
	s26 =	simm.s32 $0x6;
	s0 =	simm.s32 $0x80  }
0x1a: {  	v6 =	vlaneseq.u32;
	v2 =	vimm.f32 $0.0e+00;
	s16 =	simm.s32 $0x16080;
	s17 =	simm.s32 $0x4;
	s18 =	simm.s32 $0x5  }
0x1b: {  	v3 =	vshrl.u32 v6, $0x3;
	v4 =	vand.u32 $0x7, v6;
	v6 =	vmul.u32 $0x8, v6;
	s19 =	simm.s32 $0x15880;
	s20 =	simm.s32 $0x16480;
	s21 =	simm.s32 $0x2  }
0x1c: {  	v5 =	vimm.s32 $0x1400;
	v3 =	vmul.u32 $0x8, v3;
	v1 =	vmov s2;
	s22 =	simm.s32 $0x3;
	s23 =	simm.s32 $0x16C80;
	s24 =	simm.s32 $0x1  }
.LBB2_1:
0x1d: {  	[dreg:$0x17] =	wrdreg s6  }
0x1e: {  	s2 =	simm.s32 $0x0;
	s13 =	rddreg [dreg:$0x6]  }
0x1f: {  	[tilespmem:s2], [sflag:$0x6] =	stream.linear.gather [hbm4b:s13+s2], $0x5100, $0x38;
	[tilespmem:$0x1FF90] =	vst v63  }
0x20: {  	_ =	swait.ge [sflag:s26], $0x5100  }
0x21: {  	[sflag:s26] =	ssyncset.done $0x0  }
0x22: {  	s9 =	simm.s32 $0x5100;
	s15 =	rddreg [dreg:$0x7];
	[sflag:s26] =	ssyncadd.s32 $0xFFFFAF00  }
0x23: {  	[tilespmem:s9], [sflag:$0x6] =	stream.linear.gather [hbm4b:s15+s2], $0x5100, $0x38;
	[tilespmem:$0x1FF90] =	vst v63  }
0x24: {  	_ =	swait.ge [sflag:s26], $0x5100  }
0x25: {  	[sflag:s26] =	ssyncset.done $0x0  }
0x26: {  	s28 =	simm.s32 $0x19C80;
	s25 =	rddreg [dreg:$0x5];
	[sflag:s26] =	ssyncadd.s32 $0xFFFFAF00  }
0x27: {  	[tilespmem:s28], [sflag:$0x6] =	stream.linear.gather [hbm4b:s25+s2], $0x10, $0x38;
	[tilespmem:$0x1FF90] =	vst v63  }
0x28: {  	_ =	swait.ge [sflag:s26], $0x10  }
0x29: {  	[sflag:s26] =	ssyncset.done $0x0  }
0x2a: {  	[sflag:s26] =	ssyncadd.s32 $0xFFFFFFF0  }
0x2b: {  	s6 =	simm.s32 $0x0;
	v7 =	vld [tilespmem:$0x19C80]  }
0x2c: {  	v9 =	vld [tilespmem:s6+$0x0]  }
0x2d: {  	v11 =	vld [tilespmem:s6+$0x10]  }
0x2e: {  	v12 =	vld [tilespmem:s6+$0x20]  }
0x2f: {  	v10 =	vld [tilespmem:s6+$0x30]  }
0x30: {  	v8 =	vld [tilespmem:s6+$0x40]  }
0x31: {  	v13 =	vadd.s32 v0, v9;
	v9 =	vld [tilespmem:s6+$0x50]  }
0x32: {  	s9 =	simm.s32 $0x200;
	[tilespmem:s6+$0x0] =	vst v13;
	v13 =	vadd.s32 v0, v11;
	v11 =	vld [tilespmem:s6+$0x60]  }
.LBB2_2:
0x33: {  	p0 =	sne.s32 s9, $0x14200;
	[tilespmem:s6+$0x10] =	vst v13;
	v12 =	vadd.s32 v0, v12;
	v13 =	vld [tilespmem:s6+$0x70]  }
0x34: {  	v14 =	vld [tilespmem:s6+$0x5100];
	[tilespmem:s6+$0x20] =	vst v12;
	v10 =	vadd.s32 v0, v10  }
0x35: {  	v12 =	vld [tilespmem:s6+$0x5110];
	[tilespmem:s6+$0x30] =	vst v10;
	v8 =	vadd.s32 v0, v8  }
0x36: {  	v10 =	vld [tilespmem:s6+$0x5120];
	[tilespmem:s6+$0x40] =	vst v8;
	v8 =	vadd.s32 v0, v9  }
0x37: {  	v9 =	vld [tilespmem:s6+$0x5130];
	[tilespmem:s6+$0x50] =	vst v8;
	v8 =	vadd.s32 v0, v11  }
0x38: {  	v11 =	vld [tilespmem:s6+$0x5140];
	[tilespmem:s6+$0x60] =	vst v8;
	v8 =	vadd.s32 v0, v13  }
0x39: {  	v13 =	vadd.s32 v1, v14;
	v14 =	vld [tilespmem:s6+$0x5150];
	[tilespmem:s6+$0x70] =	vst v8  }
0x3a: {  	[tilespmem:s6+$0xA200] =	vst v13;
	v8 =	vadd.s32 v1, v12;
	v13 =	vld [tilespmem:s6+$0x5160]  }
0x3b: {  	s2 =	sshra.s32 s9, $0x2;
	[tilespmem:s6+$0xA210] =	vst v8;
	v8 =	vadd.s32 v1, v10;
	v15 =	vld [tilespmem:s6+$0x5170]  }
0x3c: {  	v16 =	vld [tilespmem:s2+$0x0];
	[tilespmem:s6+$0xA220] =	vst v8;
	v8 =	vadd.s32 v1, v9  }
0x3d: {  	v17 =	vld [tilespmem:s2+$0x10];
	[tilespmem:s6+$0xA230] =	vst v8;
	v8 =	vadd.s32 v1, v11  }
.Ltmp0:
0x3e: {  	v12 =	vld [tilespmem:s2+$0x20];
	[tilespmem:s6+$0xA240] =	vst v8;
	v8 =	vadd.s32 v1, v14;
	(pc) =	sbr.rel @p0 .LBB2_2-.Ltmp0, $4  }
0x3f: {  	v10 =	vld [tilespmem:s2+$0x30];
	[tilespmem:s6+$0xA250] =	vst v8;
	v9 =	vadd.s32 v1, v13  }
0x40: {  	v8 =	vld [tilespmem:s2+$0x40];
	[tilespmem:s6+$0xA260] =	vst v9;
	v11 =	vadd.s32 v1, v15  }
0x41: {  	v13 =	vadd.s32 v0, v16;
	v9 =	vld [tilespmem:s2+$0x50];
	[tilespmem:s6+$0xA270] =	vst v11;
	s6 =	smov.u32 s2  }
0x42: {  	s9 =	sadd.s32 $0x200, s9;
	[tilespmem:s6+$0x0] =	vst v13;
	v13 =	vadd.s32 v0, v17;
	v11 =	vld [tilespmem:s6+$0x60]  }
0x43: {  	[tilespmem:s6+$0x10] =	vst v13;
	v56 =	vld [tilespmem:s6+$0x70];
	v12 =	vadd.s32 v0, v12  }
0x44: {  	v14 =	vld [tilespmem:s6+$0x5100];
	[tilespmem:s6+$0x20] =	vst v12;
	v10 =	vadd.s32 v0, v10  }
0x45: {  	v57 =	vld [tilespmem:s6+$0x5110];
	[tilespmem:s6+$0x30] =	vst v10;
	v8 =	vadd.s32 v0, v8  }
0x46: {  	v58 =	vld [tilespmem:s6+$0x5120];
	[tilespmem:s6+$0x40] =	vst v8;
	v8 =	vadd.s32 v0, v9  }
0x47: {  	v59 =	vld [tilespmem:s6+$0x5130];
	[tilespmem:s6+$0x50] =	vst v8;
	v8 =	vadd.s32 v0, v11  }
0x48: {  	v60 =	vld [tilespmem:s6+$0x5140];
	[tilespmem:s6+$0x60] =	vst v8;
	v8 =	vadd.s32 v0, v56  }
0x49: {  	v61 =	vld [tilespmem:s6+$0x5150];
	v14 =	vadd.s32 v1, v14;
	[tilespmem:s6+$0x70] =	vst v8  }
0x4a: {  	v62 =	vld [tilespmem:s6+$0x5160];
	[tilespmem:s6+$0xA200] =	vst v14;
	v8 =	vadd.s32 v1, v57  }
0x4b: {  	v63 =	vld [tilespmem:s6+$0x5170];
	[tilespmem:s6+$0xA210] =	vst v8;
	v8 =	vadd.s32 v1, v58  }
0x4c: {  	[tilespmem:s6+$0xA220] =	vst v8;
	v8 =	vadd.s32 v1, v59  }
0x4d: {  	[tilespmem:s6+$0xA230] =	vst v8;
	v8 =	vadd.s32 v1, v60  }
0x4e: {  	[tilespmem:s6+$0xA240] =	vst v8;
	v8 =	vadd.s32 v1, v61  }
0x4f: {  	[tilespmem:s6+$0xA250] =	vst v8;
	v8 =	vadd.s32 v1, v62  }
0x50: {  	[tilespmem:s6+$0xA260] =	vst v8;
	v8 =	vadd.s32 v1, v63  }
0x51: {  	s9 =	simm.s32 $0x0;
	s13 =	simm.s32 $0x100;
	[tilespmem:s6+$0xA270] =	vst v8;
	s6 =	simm.s32 $0x0  }
.LBB2_4:
0x52: {  	p0 =	sne.s32 s13, $0x1F00;
	[tilespmem:s6+$0x178B0] =	vst v2;
	s2 =	smov.u32 s13;
	s13 =	sadd.s32 $0x100, s13  }
.Ltmp1:
0x53: {  	[tilespmem:s6+$0x178A0] =	vst v2;
	(pc) =	sbr.rel @p0 .LBB2_4-.Ltmp1, $3  }
0x54: {  	[tilespmem:s6+$0x17880] =	vst v2  }
0x55: {  	[tilespmem:s6+$0x17890] =	vst v2;
	_ =	sdelay $0x1  }
0x56: {  	s6 =	sshra.s32 s2, $0x2  }
0x57: {  	[tilespmem:s6+$0x178B0] =	vst v2;
	v8 =	vmov s9  }
0x58: {  	[tilespmem:s6+$0x178A0] =	vst v2;
	v8 =	vshll.u32 v8, $0x3  }
0x59: {  	[tilespmem:s6+$0x17880] =	vst v2;
	v8 =	vor.u32 v3, v8  }
0x5a: {  	[tilespmem:s6+$0x17890] =	vst v2;
	s6 =	simm.s32 $0x2;
	v8 =	vor.u32 v4, v8  }
.LBB2_6:
0x5b: {  	p0 =	sne.s32 s6, $0x15E  }
.Ltmp2:
0x5c: {  	_ = 	snop;
	(pc) =	sbr.rel @p0 .LBB2_6-.Ltmp2, $4  }
0x5d: {  	v9 =	vmov s6  }
0x5e: {  	v9 =	vshll.u32 v9, $0x3  }
0x5f: {  	v9 =	vor.u32 v3, v9  }
0x60: {  	s6 =	sadd.s32 $0x2, s6;
	[tilespmem:v8+s30+$0x0] =	vst.idx.msk $0xffff, v2;
	v8 =	vor.u32 v4, v9  }
0x61: {  	_ =	sdelay $0x3  }
0x62: {  	[tilespmem:v8+s30+$0x0] =	vst.idx.msk $0xffff, v2;
	s2 =	rddreg [dreg:$0x8];
	s6 =	simm.s32 $0x17880  }
0x63: {  	[spmem:s2] =	stream.linear.scatter [tilespmem:s6], [sflag:$0x6], $0x800, $0x38;
	[tilespmem:$0x1FF90] =	vst v63  }
0x64: {  	_ =	swait.ge [sflag:s26], $0x800  }
0x65: {  	[sflag:s26] =	ssyncset.done $0x0  }
0x66: {  	s25 =	rddreg [dreg:$0xd];
	[sflag:s26] =	ssyncadd.s32 $0xFFFFF800  }
0x67: {  	[spmem:s25] =	stream.linear.scatter [tilespmem:s6], [sflag:$0x6], $0x800, $0x38;
	[tilespmem:$0x1FF90] =	vst v63  }
0x68: {  	_ =	swait.ge [sflag:s26], $0x800  }
0x69: {  	[sflag:s26] =	ssyncset.done $0x0  }
0x6a: {  	s28 =	rddreg [dreg:$0xe];
	[sflag:s26] =	ssyncadd.s32 $0xFFFFF800  }
0x6b: {  	[spmem:s28] =	stream.linear.scatter [tilespmem:s6], [sflag:$0x6], $0x800, $0x38;
	[tilespmem:$0x1FF90] =	vst v63  }
0x6c: {  	_ =	swait.ge [sflag:s26], $0x800  }
0x6d: {  	[sflag:s26] =	ssyncset.done $0x0  }
0x6e: {  	s9 =	rddreg [dreg:$0xf];
	[sflag:s26] =	ssyncadd.s32 $0xFFFFF800  }
0x6f: {  	[spmem:s9] =	stream.linear.scatter [tilespmem:s6], [sflag:$0x6], $0x800, $0x38;
	[tilespmem:$0x1FF90] =	vst v63  }
0x70: {  	_ =	swait.ge [sflag:s26], $0x800  }
0x71: {  	[sflag:s26] =	ssyncset.done $0x0  }
0x72: {  	s13 =	rddreg [dreg:$0x10];
	[sflag:s26] =	ssyncadd.s32 $0xFFFFF800  }
0x73: {  	[spmem:s13] =	stream.linear.scatter [tilespmem:s6], [sflag:$0x6], $0x800, $0x38;
	[tilespmem:$0x1FF90] =	vst v63  }
0x74: {  	_ =	swait.ge [sflag:s26], $0x800  }
0x75: {  	[sflag:s26] =	ssyncset.done $0x0  }
0x76: {  	s15 =	rddreg [dreg:$0x11];
	[sflag:s26] =	ssyncadd.s32 $0xFFFFF800  }
0x77: {  	[spmem:s15] =	stream.linear.scatter [tilespmem:s6], [sflag:$0x6], $0x800, $0x38;
	[tilespmem:$0x1FF90] =	vst v63  }
0x78: {  	_ =	swait.ge [sflag:s26], $0x800  }
0x79: {  	[sflag:s26] =	ssyncset.done $0x0  }
0x7a: {  	s25 =	rddreg [dreg:$0x12];
	[sflag:s26] =	ssyncadd.s32 $0xFFFFF800  }
0x7b: {  	[spmem:s25] =	stream.linear.scatter [tilespmem:s6], [sflag:$0x6], $0x800, $0x38;
	[tilespmem:$0x1FF90] =	vst v63  }
0x7c: {  	_ =	swait.ge [sflag:s26], $0x800  }
0x7d: {  	[sflag:s26] =	ssyncset.done $0x0  }
0x7e: {  	s28 =	rddreg [dreg:$0x13];
	[sflag:s26] =	ssyncadd.s32 $0xFFFFF800  }
0x7f: {  	[spmem:s28] =	stream.linear.scatter [tilespmem:s6], [sflag:$0x6], $0x800, $0x38;
	[tilespmem:$0x1FF90] =	vst v63  }
0x80: {  	_ =	swait.ge [sflag:s26], $0x800  }
0x81: {  	[sflag:s26] =	ssyncset.done $0x0  }
0x82: {  	s9 =	rddreg [dreg:$0x14];
	[sflag:s26] =	ssyncadd.s32 $0xFFFFF800  }
0x83: {  	[spmem:s9] =	stream.linear.scatter [tilespmem:s6], [sflag:$0x6], $0x800, $0x38;
	[tilespmem:$0x1FF90] =	vst v63  }
0x84: {  	_ =	swait.ge [sflag:s26], $0x800  }
0x85: {  	[sflag:s26] =	ssyncset.done $0x0  }
0x86: {  	s13 =	rddreg [dreg:$0x15];
	[sflag:s26] =	ssyncadd.s32 $0xFFFFF800  }
0x87: {  	[spmem:s13] =	stream.linear.scatter [tilespmem:s6], [sflag:$0x6], $0x800, $0x38;
	[tilespmem:$0x1FF90] =	vst v63  }
0x88: {  	_ =	swait.ge [sflag:s26], $0x800  }
0x89: {  	[sflag:s26] =	ssyncset.done $0x0  }
0x8a: {  	s15 =	rddreg [dreg:$0x16];
	[sflag:s26] =	ssyncadd.s32 $0xFFFFF800  }
0x8b: {  	[spmem:s15] =	stream.linear.scatter [tilespmem:s6], [sflag:$0x6], $0x800, $0x38;
	[tilespmem:$0x1FF90] =	vst v63  }
0x8c: {  	_ =	swait.ge [sflag:s26], $0x800  }
0x8d: {  	[sflag:s26] =	ssyncset.done $0x0  }
0x8e: {  	s25 =	rddreg [dreg:$0x9];
	[sflag:s26] =	ssyncadd.s32 $0xFFFFF800  }
0x8f: {  	[spmem:s25] =	stream.linear.scatter [tilespmem:s30], [sflag:$0x6], $0xB00, $0x38;
	[tilespmem:$0x1FF90] =	vst v63  }
0x90: {  	_ =	swait.ge [sflag:s26], $0xB00  }
0x91: {  	[sflag:s26] =	ssyncset.done $0x0  }
0x92: {  	[sflag:s26] =	ssyncadd.s32 $0xFFFFF500  }
0x93: {  	[bflag:$0x0] =	sbarrier.arrive $0xFFFF  }
0x94: {  	[tilespmem:$0xF380] =	vst v5  }
0x95: {  	[tilespmem:$0xF390] =	vst v5  }
0x96: {  	[tilespmem:$0xF3A0] =	vst v5  }
0x97: {  	[tilespmem:$0xF3B0] =	vst v5  }
0x98: {  	[tilespmem:$0xF3C0] =	vst v5  }
0x99: {  	[tilespmem:$0xF3D0] =	vst v5  }
0x9a: {  	[tilespmem:$0xF3E0] =	vst v5  }
0x9b: {  	[tilespmem:$0xF3F0] =	vst v5  }
0x9c: {  	[tilespmem:$0xF400] =	vst v5  }
0x9d: {  	[tilespmem:$0xF410] =	vst v5  }
0x9e: {  	[tilespmem:$0xF420] =	vst v5  }
0x9f: {  	[tilespmem:$0xF430] =	vst v5  }
0xa0: {  	[tilespmem:$0xF440] =	vst v5  }
0xa1: {  	[tilespmem:$0xF450] =	vst v5  }
0xa2: {  	[tilespmem:$0xF460] =	vst v5  }
0xa3: {  	s28 =	simm.s32 $0xF380;
	s9 =	simm.s32 $0x11480;
	[tilespmem:$0xF470] =	vst v5  }
0xa4: {  	[spmem:s4] =	stream.indirect.scatter.add.f32 [tilespmem:s9], [sflag:$0x4], $0x40, s28, s0, $0xb8;
	[tilespmem:$0x1FF90] =	vst v63  }
0xa5: {  	_ = 	snop  }
0xa6: {  	[spmem:s5] =	stream.indirect.scatter.add.f32 [tilespmem:s29], [sflag:$0x5], $0x8, s28, s0, $0xb8;
	[tilespmem:$0x1FF90] =	vst v63  }
0xa7: {  	s13 =	simm.s32 $0x13480  }
0xa8: {  	[spmem:s4] =	stream.indirect.scatter.add.f32 [tilespmem:s13], [sflag:$0x4], $0x40, s8, s0, $0xb8;
	[tilespmem:$0x1FF90] =	vst v63  }
0xa9: {  	_ = 	snop  }
0xaa: {  	[spmem:s5] =	stream.indirect.scatter.add.f32 [tilespmem:s10], [sflag:$0x5], $0x8, s8, s0, $0xb8;
	[tilespmem:$0x1FF90] =	vst v63  }
0xab: {  	s15 =	simm.s32 $0x0;
	s25 =	simm.s32 $0xF480  }
0xac: {  	[tilespmem:s25], [sflag:$0x1] =	stream.indirect.gather [hbm4b:s3+s0], $0x40, s15, s0, $0xb8;
	[tilespmem:$0x1FF90] =	vst v63  }
0xad: {  	_ = 	snop  }
0xae: {  	[tilespmem:s12], [sflag:$0x2] =	stream.indirect.gather [hbm4b:s1+s0], $0x8, s15, s0, $0xb8;
	[tilespmem:$0x1FF90] =	vst v63  }
0xaf: {  	s6 =	simm.s32 $0x0;
	s28 =	simm.s32 $0xA200  }
0xb0: {  	[tilespmem:s16], [sflag:$0x3] =	stream.indirect.gather [hbm4b:s7+s0], $0x8, s28, s0, $0xb8;
	[tilespmem:$0x1FF90] =	vst v63  }
.LBB2_8:
0xb1: {  	_ =	swait.ge [sflag:s17], $0x2000  }
0xb2: {  	[sflag:s17] =	ssyncset.done $0x0  }
0xb3: {  	s13 =	smul.u32 $0x3, s6;
	[sflag:s17] =	ssyncadd.s32 $0xFFFFE000  }
0xb4: {  	_ =	swait.ge [sflag:s18], $0x400  }
0xb5: {  	s2 =	sadd.s32 $0x1, s13;
	[sflag:s18] =	ssyncset.done $0x0  }
0xb6: {  	s15 =	simm.s32 $0x11480;
	s28 =	sshll.u32 s2, $0x7;
	[sflag:s18] =	ssyncadd.s32 $0xFFFFFC00  }
0xb7: {  	[tilespmem:s15], [sflag:$0x1] =	stream.indirect.gather [hbm4b:s3+s0], $0x40, s28, s0, $0xb8;
	[tilespmem:$0x1FF90] =	vst v63  }
0xb8: {  	s9 =	smul.u32 $0x600, s6  }
0xb9: {  	[tilespmem:s19], [sflag:$0x2] =	stream.indirect.gather [hbm4b:s1+s0], $0x8, s28, s0, $0xb8;
	[tilespmem:$0x1FF90] =	vst v63  }
0xba: {  	s9 =	sshra.s32 s9, $0x2;
	s25 =	sadd.s32 $0xA200, s28  }
0xbb: {  	[tilespmem:s20], [sflag:$0x3] =	stream.indirect.gather [hbm4b:s7+s0], $0x8, s25, s0, $0xb8;
	[tilespmem:$0x1FF90] =	vst v63  }
0xbc: {  	v8 =	vld [tilespmem:s9+$0x5100];
	_ =	sdelay $0x4  }
0xbd: {  	v9 =	vand.u32 $0xFF, v8  }
0xbe: {  	vm0 =	vlt.u32 v8, $0x1400;
	v9 =	vor.u32 $0x1400, v9  }
0xbf: {  	v8 =	vsel vm0, v8, v9  }
0xc0: {  	[tilespmem:$0xF300] =	vst v8  }
0xc1: {  	v8 =	vld [tilespmem:s9+$0x5110];
	_ =	sdelay $0x4  }
0xc2: {  	v9 =	vand.u32 $0xFF, v8  }
0xc3: {  	vm8 =	vlt.u32 v8, $0x1400;
	v9 =	vor.u32 $0x1400, v9  }
0xc4: {  	v8 =	vsel vm8, v8, v9  }
0xc5: {  	[tilespmem:$0xF310] =	vst v8  }
0xc6: {  	v8 =	vld [tilespmem:s9+$0x5120];
	_ =	sdelay $0x4  }
0xc7: {  	v9 =	vand.u32 $0xFF, v8  }
0xc8: {  	vm9 =	vlt.u32 v8, $0x1400;
	v9 =	vor.u32 $0x1400, v9  }
0xc9: {  	v8 =	vsel vm9, v8, v9  }
0xca: {  	[tilespmem:$0xF320] =	vst v8  }
0xcb: {  	v8 =	vld [tilespmem:s9+$0x5130];
	_ =	sdelay $0x4  }
0xcc: {  	v9 =	vand.u32 $0xFF, v8  }
0xcd: {  	vm10 =	vlt.u32 v8, $0x1400;
	v9 =	vor.u32 $0x1400, v9  }
0xce: {  	v8 =	vsel vm10, v8, v9  }
0xcf: {  	[tilespmem:$0xF330] =	vst v8  }
0xd0: {  	v8 =	vld [tilespmem:s9+$0x5140];
	_ =	sdelay $0x4  }
0xd1: {  	v9 =	vand.u32 $0xFF, v8  }
0xd2: {  	vm11 =	vlt.u32 v8, $0x1400;
	v9 =	vor.u32 $0x1400, v9  }
0xd3: {  	v8 =	vsel vm11, v8, v9  }
0xd4: {  	[tilespmem:$0xF340] =	vst v8  }
0xd5: {  	v8 =	vld [tilespmem:s9+$0x5150];
	_ =	sdelay $0x4  }
0xd6: {  	v9 =	vand.u32 $0xFF, v8  }
0xd7: {  	vm12 =	vlt.u32 v8, $0x1400;
	v9 =	vor.u32 $0x1400, v9  }
0xd8: {  	v8 =	vsel vm12, v8, v9  }
0xd9: {  	[tilespmem:$0xF350] =	vst v8  }
0xda: {  	v8 =	vld [tilespmem:s9+$0x5160];
	_ =	sdelay $0x4  }
0xdb: {  	v9 =	vand.u32 $0xFF, v8  }
0xdc: {  	vm13 =	vlt.u32 v8, $0x1400;
	v9 =	vor.u32 $0x1400, v9  }
0xdd: {  	v8 =	vsel vm13, v8, v9  }
0xde: {  	[tilespmem:$0xF360] =	vst v8  }
0xdf: {  	v8 =	vld [tilespmem:s9+$0x5170];
	_ =	sdelay $0x4  }
0xe0: {  	v9 =	vand.u32 $0xFF, v8  }
0xe1: {  	vm14 =	vlt.u32 v8, $0x1400;
	v9 =	vor.u32 $0x1400, v9  }
0xe2: {  	s15 =	simm.s32 $0x0;
	v8 =	vsel vm14, v8, v9  }
0xe3: {  	[tilespmem:$0xF370] =	vst v8;
	v8 =	vmov s15  }
0xe4: {  	_ =	swait.ge [sflag:s21], $0x400;
	v8 =	vshll.u32 v8, $0x3  }
0xe5: {  	[sflag:s21] =	ssyncset.done $0x0;
	v8 =	vor.u32 v6, v8  }
0xe6: {  	[sflag:s21] =	ssyncadd.s32 $0xFFFFFC00  }
0xe7: {  	_ =	swait.ge [sflag:s22], $0x400  }
0xe8: {  	[sflag:s22] =	ssyncset.done $0x0  }
0xe9: {  	[sflag:s22] =	ssyncadd.s32 $0xFFFFFC00  }
0xea: {  	v9 =	vld.idx.msk [tilespmem:v8+s16+$0x0], $0xffff  }
0xeb: {  	v10 =	vld.idx.msk [tilespmem:v8+s12+$0x0], $0xffff;
	_ =	sdelay $0x4  }
0xec: {  	v9 =	vadd.f32 v9, v10;
	_ =	sdelay $0x1  }
0xed: {  	v10 =	vmul.f32 $2.000000030e-01, v9  }
0xee: {  	vm15 =	vge.f32 v9, $0.0e+00  }
0xef: {  	v9 =	vsel vm15, v9, v10  }
0xf0: {  	v9 =	vsub.f32 v9, v7;
	_ =	sdelay $0x1  }
0xf1: {  	v9 =	vmul.f32 $1.442695020e+00, v9;
	_ =	sdelay $0x1  }
0xf2: {  	(erf) = vpow2.f32 v9;
	_ =	sdelay $0x2  }
0xf3: {  	s25 =	simm.s32 $0x10  }
0xf4: {  	v10 =	vmov s25  }
0xf5: {  	s9 =	simm.s32 $0x20;
	v9 =	vshll.u32 v10, $0x3  }
.LBB2_9:
0xf6: {  	p0 =	sne.s32 s9, $0x70;
	v9 =	vor.u32 v6, v9;
	_ =	sdelay $0x2  }
0xf7: {  	v10 =	vpop (erf)  }
0xf8: {  	[tilespmem:v8+s23+$0x0] =	vst.idx.msk $0xffff, v10;
	v8 =	vmov v9  }
0xf9: {  	v10 =	vld.idx.msk [tilespmem:v9+s16+$0x0], $0xffff  }
0xfa: {  	v9 =	vld.idx.msk [tilespmem:v9+s12+$0x0], $0xffff;
	_ =	sdelay $0x5  }
0xfb: {  	v9 =	vadd.f32 v10, v9;
	_ =	sdelay $0x1  }
0xfc: {  	v10 =	vmul.f32 $2.000000030e-01, v9  }
0xfd: {  	vm0 =	vge.f32 v9, $0.0e+00  }
0xfe: {  	v9 =	vsel vm0, v9, v10  }
0xff: {  	v9 =	vsub.f32 v9, v7;
	_ =	sdelay $0x1  }
0x100: {  	v9 =	vmul.f32 $1.442695020e+00, v9;
	_ =	sdelay $0x1  }
0x101: {  	(erf) = vpow2.f32 v9  }
.Ltmp3:
0x102: {  	(pc) =	sbr.rel @p0 .LBB2_9-.Ltmp3, $3  }
0x103: {  	_ =	sdelay $0x1  }
0x104: {  	v9 =	vmov s9  }
0x105: {  	s9 =	sadd.s32 $0x10, s9;
	v9 =	vshll.u32 v9, $0x3  }
0x106: {  	v9 =	vor.u32 v6, v9;
	_ =	sdelay $0x2  }
0x107: {  	v10 =	vpop (erf)  }
0x108: {  	[tilespmem:v8+s23+$0x0] =	vst.idx.msk $0xffff, v10  }
0x109: {  	v8 =	vld.idx.msk [tilespmem:v9+s16+$0x0], $0xffff  }
0x10a: {  	v10 =	vld.idx.msk [tilespmem:v9+s12+$0x0], $0xffff;
	_ =	sdelay $0x4  }
0x10b: {  	v8 =	vadd.f32 v8, v10;
	_ =	sdelay $0x1  }
0x10c: {  	v10 =	vmul.f32 $2.000000030e-01, v8  }
0x10d: {  	vm0 =	vge.f32 v8, $0.0e+00  }
0x10e: {  	v8 =	vsel vm0, v8, v10  }
0x10f: {  	v8 =	vsub.f32 v8, v7;
	_ =	sdelay $0x1  }
0x110: {  	v8 =	vmul.f32 $1.442695020e+00, v8;
	_ =	sdelay $0x1  }
0x111: {  	(erf) = vpow2.f32 v8;
	_ =	sdelay $0x8  }
0x112: {  	v8 =	vpop (erf)  }
0x113: {  	s2 =	simm.s32 $0x0;
	[tilespmem:v9+s23+$0x0] =	vst.idx.msk $0xffff, v8  }
0x114: {  	v8 =	vmov s2;
	_ =	swait.ge [sflag:s24], $0x2000  }
0x115: {  	[sflag:s24] =	ssyncset.done $0x0  }
0x116: {  	s9 =	simm.s32 $0xF4A0;
	[sflag:s24] =	ssyncadd.s32 $0xFFFFE000  }
0x117: {  	v10 =	vld [tilespmem:s9+$0xFFFFFFF0]  }
0x118: {  	v11 =	vld [tilespmem:s9+$0x10]  }
0x119: {  	v13 =	vld.idx.msk [tilespmem:v8+s23+$0x0], $0xffff  }
0x11a: {  	v8 =	vld [tilespmem:s9+$0xFFFFFFE0]  }
0x11b: {  	v14 =	vld [tilespmem:s9+$0x0];
	_ =	sdelay $0x3  }
0x11c: {  	s25 =	simm.s32 $0x8;
	v9 =	vmul.f32 v8, v13;
	v12 =	vmul.f32 v11, v13  }
0x11d: {  	s15 =	simm.s32 $0x2;
	v8 =	vmov s25;
	v11 =	vmul.f32 v10, v13;
	v10 =	vmul.f32 v14, v13;
	s25 =	simm.s32 $0xF4A0  }
.LBB2_11:
0x11e: {  	p0 =	sne.s32 s15, $0x7F  }
0x11f: {  	[tilespmem:s9+$0x10] =	vst v12;
	s25 =	sadd.s32 $0x40, s25;
	s2 =	smov.u32 s15;
	s15 =	sadd.s32 $0x1, s15  }
0x120: {  	[tilespmem:s9+$0xFFFFFFE0] =	vst v9  }
0x121: {  	v13 =	vld [tilespmem:s25+$0xFFFFFFF0];
	[tilespmem:s9+$0xFFFFFFF0] =	vst v11  }
0x122: {  	v11 =	vld [tilespmem:s25+$0x10];
	[tilespmem:s9+$0x0] =	vst v10;
	s9 =	smov.u32 s25  }
0x123: {  	v10 =	vld.idx.msk [tilespmem:v8+s23+$0x0], $0xffff  }
0x124: {  	v8 =	vld [tilespmem:s25+$0xFFFFFFE0]  }
0x125: {  	v14 =	vld [tilespmem:s25+$0x0]  }
.Ltmp4:
0x126: {  	(pc) =	sbr.rel @p0 .LBB2_11-.Ltmp4, $3  }
0x127: {  	_ =	sdelay $0x1  }
0x128: {  	s2 =	sshll.u32 s2, $0x3;
	v12 =	vmul.f32 v11, v10;
	v9 =	vmul.f32 v8, v10  }
0x129: {  	v11 =	vmul.f32 v13, v10;
	v8 =	vmov s2;
	v10 =	vmul.f32 v14, v10  }
0x12a: {  	[tilespmem:s9+$0x10] =	vst v12  }
0x12b: {  	s2 =	sadd.s32 $0x40, s25;
	[tilespmem:s9+$0xFFFFFFE0] =	vst v9  }
0x12c: {  	v9 =	vld [tilespmem:s2+$0xFFFFFFF0];
	[tilespmem:s9+$0xFFFFFFF0] =	vst v11  }
0x12d: {  	v11 =	vld [tilespmem:s2+$0x10];
	[tilespmem:s9+$0x0] =	vst v10  }
0x12e: {  	v8 =	vld.idx.msk [tilespmem:v8+s23+$0x0], $0xffff  }
0x12f: {  	v10 =	vld [tilespmem:s2+$0xFFFFFFE0];
	_ =	sdelay $0x1  }
0x130: {  	v12 =	vld [tilespmem:s2+$0x0];
	_ =	sdelay $0x1  }
0x131: {  	v11 =	vmul.f32 v11, v8  }
0x132: {  	v10 =	vmul.f32 v10, v8  }
0x133: {  	v9 =	vmul.f32 v9, v8;
	[tilespmem:s2+$0x10] =	vst v11  }
0x134: {  	v8 =	vmul.f32 v12, v8;
	[tilespmem:s2+$0xFFFFFFE0] =	vst v10  }
0x135: {  	[tilespmem:s2+$0xFFFFFFF0] =	vst v9  }
0x136: {  	s15 =	simm.s32 $0xF300;
	s9 =	simm.s32 $0xF480;
	[tilespmem:s2+$0x0] =	vst v8  }
0x137: {  	[spmem:s4] =	stream.indirect.scatter.add.f32 [tilespmem:s9], [sflag:$0x4], $0x40, s15, s0, $0xb8;
	[tilespmem:$0x1FF90] =	vst v63  }
0x138: {  	_ = 	snop  }
0x139: {  	[spmem:s5] =	stream.indirect.scatter.add.f32 [tilespmem:s23], [sflag:$0x5], $0x8, s15, s0, $0xb8;
	[tilespmem:$0x1FF90] =	vst v63  }
0x13a: {  	_ =	swait.ge [sflag:s17], $0x2000  }
0x13b: {  	[sflag:s17] =	ssyncset.done $0x0  }
0x13c: {  	[sflag:s17] =	ssyncadd.s32 $0xFFFFE000  }
0x13d: {  	_ =	swait.ge [sflag:s18], $0x400  }
0x13e: {  	s25 =	sadd.s32 $0x2, s13;
	[sflag:s18] =	ssyncset.done $0x0  }
0x13f: {  	s25 =	sshll.u32 s25, $0x7;
	s9 =	simm.s32 $0x13480;
	[sflag:s18] =	ssyncadd.s32 $0xFFFFFC00  }
0x140: {  	[tilespmem:s9], [sflag:$0x1] =	stream.indirect.gather [hbm4b:s3+s0], $0x40, s25, s0, $0xb8;
	[tilespmem:$0x1FF90] =	vst v63  }
0x141: {  	_ = 	snop  }
0x142: {  	[tilespmem:s11], [sflag:$0x2] =	stream.indirect.gather [hbm4b:s1+s0], $0x8, s25, s0, $0xb8;
	[tilespmem:$0x1FF90] =	vst v63  }
0x143: {  	s15 =	sadd.s32 $0xA200, s25;
	s9 =	sand.u32 $0x3FFFFF80, s28  }
0x144: {  	[tilespmem:s31], [sflag:$0x3] =	stream.indirect.gather [hbm4b:s7+s0], $0x8, s15, s0, $0xb8;
	[tilespmem:$0x1FF90] =	vst v63  }
0x145: {  	v8 =	vld [tilespmem:s9+$0x5100];
	_ =	sdelay $0x4  }
0x146: {  	v9 =	vand.u32 $0xFF, v8  }
0x147: {  	vm0 =	vlt.u32 v8, $0x1400;
	v9 =	vor.u32 $0x1400, v9  }
0x148: {  	v8 =	vsel vm0, v8, v9  }
0x149: {  	[tilespmem:$0xF380] =	vst v8  }
0x14a: {  	v8 =	vld [tilespmem:s9+$0x5110];
	_ =	sdelay $0x4  }
0x14b: {  	v9 =	vand.u32 $0xFF, v8  }
0x14c: {  	vm8 =	vlt.u32 v8, $0x1400;
	v9 =	vor.u32 $0x1400, v9  }
0x14d: {  	v8 =	vsel vm8, v8, v9  }
0x14e: {  	[tilespmem:$0xF390] =	vst v8  }
0x14f: {  	v8 =	vld [tilespmem:s9+$0x5120];
	_ =	sdelay $0x4  }
0x150: {  	v9 =	vand.u32 $0xFF, v8  }
0x151: {  	vm9 =	vlt.u32 v8, $0x1400;
	v9 =	vor.u32 $0x1400, v9  }
0x152: {  	v8 =	vsel vm9, v8, v9  }
0x153: {  	[tilespmem:$0xF3A0] =	vst v8  }
0x154: {  	v8 =	vld [tilespmem:s9+$0x5130];
	_ =	sdelay $0x4  }
0x155: {  	v9 =	vand.u32 $0xFF, v8  }
0x156: {  	vm10 =	vlt.u32 v8, $0x1400;
	v9 =	vor.u32 $0x1400, v9  }
0x157: {  	v8 =	vsel vm10, v8, v9  }
0x158: {  	[tilespmem:$0xF3B0] =	vst v8  }
0x159: {  	v8 =	vld [tilespmem:s9+$0x5140];
	_ =	sdelay $0x4  }
0x15a: {  	v9 =	vand.u32 $0xFF, v8  }
0x15b: {  	vm11 =	vlt.u32 v8, $0x1400;
	v9 =	vor.u32 $0x1400, v9  }
0x15c: {  	v8 =	vsel vm11, v8, v9  }
0x15d: {  	[tilespmem:$0xF3C0] =	vst v8  }
0x15e: {  	v8 =	vld [tilespmem:s9+$0x5150];
	_ =	sdelay $0x4  }
0x15f: {  	v9 =	vand.u32 $0xFF, v8  }
0x160: {  	vm12 =	vlt.u32 v8, $0x1400;
	v9 =	vor.u32 $0x1400, v9  }
0x161: {  	v8 =	vsel vm12, v8, v9  }
0x162: {  	[tilespmem:$0xF3D0] =	vst v8  }
0x163: {  	v8 =	vld [tilespmem:s9+$0x5160];
	_ =	sdelay $0x4  }
0x164: {  	v9 =	vand.u32 $0xFF, v8  }
0x165: {  	vm13 =	vlt.u32 v8, $0x1400;
	v9 =	vor.u32 $0x1400, v9  }
0x166: {  	v8 =	vsel vm13, v8, v9  }
0x167: {  	[tilespmem:$0xF3E0] =	vst v8  }
0x168: {  	v8 =	vld [tilespmem:s9+$0x5170];
	_ =	sdelay $0x4  }
0x169: {  	v9 =	vand.u32 $0xFF, v8  }
0x16a: {  	vm14 =	vlt.u32 v8, $0x1400;
	v9 =	vor.u32 $0x1400, v9  }
0x16b: {  	s15 =	simm.s32 $0x0;
	v8 =	vsel vm14, v8, v9  }
0x16c: {  	[tilespmem:$0xF3F0] =	vst v8;
	v8 =	vmov s15  }
0x16d: {  	_ =	swait.ge [sflag:s21], $0x400;
	v8 =	vshll.u32 v8, $0x3  }
0x16e: {  	[sflag:s21] =	ssyncset.done $0x0;
	v8 =	vor.u32 v6, v8  }
0x16f: {  	[sflag:s21] =	ssyncadd.s32 $0xFFFFFC00  }
0x170: {  	_ =	swait.ge [sflag:s22], $0x400  }
0x171: {  	[sflag:s22] =	ssyncset.done $0x0  }
0x172: {  	[sflag:s22] =	ssyncadd.s32 $0xFFFFFC00  }
0x173: {  	v9 =	vld.idx.msk [tilespmem:v8+s20+$0x0], $0xffff  }
0x174: {  	v10 =	vld.idx.msk [tilespmem:v8+s19+$0x0], $0xffff;
	_ =	sdelay $0x4  }
0x175: {  	v9 =	vadd.f32 v9, v10;
	_ =	sdelay $0x1  }
0x176: {  	v10 =	vmul.f32 $2.000000030e-01, v9  }
0x177: {  	vm15 =	vge.f32 v9, $0.0e+00  }
0x178: {  	v9 =	vsel vm15, v9, v10  }
0x179: {  	v9 =	vsub.f32 v9, v7;
	_ =	sdelay $0x1  }
0x17a: {  	v9 =	vmul.f32 $1.442695020e+00, v9;
	_ =	sdelay $0x1  }
0x17b: {  	(erf) = vpow2.f32 v9;
	_ =	sdelay $0x2  }
0x17c: {  	s28 =	simm.s32 $0x10  }
0x17d: {  	v10 =	vmov s28  }
0x17e: {  	s9 =	simm.s32 $0x20;
	v9 =	vshll.u32 v10, $0x3  }
.LBB2_13:
0x17f: {  	p0 =	sne.s32 s9, $0x70;
	v9 =	vor.u32 v6, v9;
	_ =	sdelay $0x2  }
0x180: {  	v10 =	vpop (erf)  }
0x181: {  	[tilespmem:v8+s29+$0x0] =	vst.idx.msk $0xffff, v10;
	v8 =	vmov v9  }
0x182: {  	v10 =	vld.idx.msk [tilespmem:v9+s20+$0x0], $0xffff  }
0x183: {  	v9 =	vld.idx.msk [tilespmem:v9+s19+$0x0], $0xffff;
	_ =	sdelay $0x5  }
0x184: {  	v9 =	vadd.f32 v10, v9;
	_ =	sdelay $0x1  }
0x185: {  	v10 =	vmul.f32 $2.000000030e-01, v9  }
0x186: {  	vm0 =	vge.f32 v9, $0.0e+00  }
0x187: {  	v9 =	vsel vm0, v9, v10  }
0x188: {  	v9 =	vsub.f32 v9, v7;
	_ =	sdelay $0x1  }
0x189: {  	v9 =	vmul.f32 $1.442695020e+00, v9;
	_ =	sdelay $0x1  }
0x18a: {  	(erf) = vpow2.f32 v9  }
.Ltmp5:
0x18b: {  	(pc) =	sbr.rel @p0 .LBB2_13-.Ltmp5, $3  }
0x18c: {  	_ =	sdelay $0x1  }
0x18d: {  	v9 =	vmov s9  }
0x18e: {  	s9 =	sadd.s32 $0x10, s9;
	v9 =	vshll.u32 v9, $0x3  }
0x18f: {  	v9 =	vor.u32 v6, v9;
	_ =	sdelay $0x2  }
0x190: {  	v10 =	vpop (erf)  }
0x191: {  	[tilespmem:v8+s29+$0x0] =	vst.idx.msk $0xffff, v10  }
0x192: {  	v8 =	vld.idx.msk [tilespmem:v9+s20+$0x0], $0xffff  }
0x193: {  	v10 =	vld.idx.msk [tilespmem:v9+s19+$0x0], $0xffff;
	_ =	sdelay $0x4  }
0x194: {  	v8 =	vadd.f32 v8, v10;
	_ =	sdelay $0x1  }
0x195: {  	v10 =	vmul.f32 $2.000000030e-01, v8  }
0x196: {  	vm0 =	vge.f32 v8, $0.0e+00  }
0x197: {  	v8 =	vsel vm0, v8, v10  }
0x198: {  	v8 =	vsub.f32 v8, v7;
	_ =	sdelay $0x1  }
0x199: {  	v8 =	vmul.f32 $1.442695020e+00, v8;
	_ =	sdelay $0x1  }
0x19a: {  	(erf) = vpow2.f32 v8;
	_ =	sdelay $0x8  }
0x19b: {  	v8 =	vpop (erf)  }
0x19c: {  	s2 =	simm.s32 $0x0;
	[tilespmem:v9+s29+$0x0] =	vst.idx.msk $0xffff, v8  }
0x19d: {  	v8 =	vmov s2;
	_ =	swait.ge [sflag:s24], $0x2000  }
0x19e: {  	[sflag:s24] =	ssyncset.done $0x0  }
0x19f: {  	s9 =	simm.s32 $0x114A0;
	[sflag:s24] =	ssyncadd.s32 $0xFFFFE000  }
0x1a0: {  	v10 =	vld [tilespmem:s9+$0xFFFFFFF0]  }
0x1a1: {  	v11 =	vld [tilespmem:s9+$0x10]  }
0x1a2: {  	v13 =	vld.idx.msk [tilespmem:v8+s29+$0x0], $0xffff  }
0x1a3: {  	v8 =	vld [tilespmem:s9+$0xFFFFFFE0]  }
0x1a4: {  	v14 =	vld [tilespmem:s9+$0x0];
	_ =	sdelay $0x3  }
0x1a5: {  	s2 =	simm.s32 $0x8;
	v9 =	vmul.f32 v8, v13;
	v12 =	vmul.f32 v11, v13  }
0x1a6: {  	s15 =	simm.s32 $0x2;
	s28 =	simm.s32 $0x114A0;
	v8 =	vmov s2;
	v11 =	vmul.f32 v10, v13;
	v10 =	vmul.f32 v14, v13  }
.LBB2_15:
0x1a7: {  	p0 =	sne.s32 s15, $0x7F  }
0x1a8: {  	[tilespmem:s9+$0x10] =	vst v12;
	s28 =	sadd.s32 $0x40, s28;
	s2 =	smov.u32 s15;
	s15 =	sadd.s32 $0x1, s15  }
0x1a9: {  	[tilespmem:s9+$0xFFFFFFE0] =	vst v9  }
0x1aa: {  	v13 =	vld [tilespmem:s28+$0xFFFFFFF0];
	[tilespmem:s9+$0xFFFFFFF0] =	vst v11  }
0x1ab: {  	v11 =	vld [tilespmem:s28+$0x10];
	[tilespmem:s9+$0x0] =	vst v10;
	s9 =	smov.u32 s28  }
0x1ac: {  	v10 =	vld.idx.msk [tilespmem:v8+s29+$0x0], $0xffff  }
0x1ad: {  	v8 =	vld [tilespmem:s28+$0xFFFFFFE0]  }
0x1ae: {  	v14 =	vld [tilespmem:s28+$0x0]  }
.Ltmp6:
0x1af: {  	(pc) =	sbr.rel @p0 .LBB2_15-.Ltmp6, $3  }
0x1b0: {  	_ =	sdelay $0x1  }
0x1b1: {  	s2 =	sshll.u32 s2, $0x3;
	v12 =	vmul.f32 v11, v10;
	v9 =	vmul.f32 v8, v10  }
0x1b2: {  	v11 =	vmul.f32 v13, v10;
	v8 =	vmov s2;
	v10 =	vmul.f32 v14, v10  }
0x1b3: {  	[tilespmem:s9+$0x10] =	vst v12  }
0x1b4: {  	s2 =	sadd.s32 $0x40, s28;
	[tilespmem:s9+$0xFFFFFFE0] =	vst v9  }
0x1b5: {  	v9 =	vld [tilespmem:s2+$0xFFFFFFF0];
	[tilespmem:s9+$0xFFFFFFF0] =	vst v11  }
0x1b6: {  	v11 =	vld [tilespmem:s2+$0x10];
	[tilespmem:s9+$0x0] =	vst v10  }
0x1b7: {  	v8 =	vld.idx.msk [tilespmem:v8+s29+$0x0], $0xffff  }
0x1b8: {  	v10 =	vld [tilespmem:s2+$0xFFFFFFE0];
	_ =	sdelay $0x1  }
0x1b9: {  	v12 =	vld [tilespmem:s2+$0x0];
	_ =	sdelay $0x1  }
0x1ba: {  	v11 =	vmul.f32 v11, v8  }
0x1bb: {  	v10 =	vmul.f32 v10, v8  }
0x1bc: {  	v9 =	vmul.f32 v9, v8;
	[tilespmem:s2+$0x10] =	vst v11  }
0x1bd: {  	v8 =	vmul.f32 v12, v8;
	[tilespmem:s2+$0xFFFFFFE0] =	vst v10  }
0x1be: {  	[tilespmem:s2+$0xFFFFFFF0] =	vst v9  }
0x1bf: {  	s15 =	simm.s32 $0xF380;
	s28 =	simm.s32 $0x11480;
	[tilespmem:s2+$0x0] =	vst v8  }
0x1c0: {  	[spmem:s4] =	stream.indirect.scatter.add.f32 [tilespmem:s28], [sflag:$0x4], $0x40, s15, s0, $0xb8;
	[tilespmem:$0x1FF90] =	vst v63  }
0x1c1: {  	_ = 	snop  }
0x1c2: {  	[spmem:s5] =	stream.indirect.scatter.add.f32 [tilespmem:s29], [sflag:$0x5], $0x8, s15, s0, $0xb8;
	[tilespmem:$0x1FF90] =	vst v63  }
0x1c3: {  	_ =	swait.ge [sflag:s17], $0x2000  }
0x1c4: {  	[sflag:s17] =	ssyncset.done $0x0  }
0x1c5: {  	[sflag:s17] =	ssyncadd.s32 $0xFFFFE000  }
0x1c6: {  	s13 =	smin.u32 s13, $0x9E;
	_ =	swait.ge [sflag:s18], $0x400  }
0x1c7: {  	s2 =	sshll.u32 s13, $0x7;
	[sflag:s18] =	ssyncset.done $0x0  }
0x1c8: {  	s28 =	simm.s32 $0xF480;
	s15 =	sadd.s32 $0x180, s2;
	[sflag:s18] =	ssyncadd.s32 $0xFFFFFC00  }
0x1c9: {  	[tilespmem:s28], [sflag:$0x1] =	stream.indirect.gather [hbm4b:s3+s0], $0x40, s15, s0, $0xb8;
	[tilespmem:$0x1FF90] =	vst v63  }
0x1ca: {  	_ = 	snop  }
0x1cb: {  	[tilespmem:s12], [sflag:$0x2] =	stream.indirect.gather [hbm4b:s1+s0], $0x8, s15, s0, $0xb8;
	[tilespmem:$0x1FF90] =	vst v63  }
0x1cc: {  	s2 =	sadd.s32 $0xA380, s2;
	s15 =	sand.u32 $0x3FFFFF80, s25  }
0x1cd: {  	[tilespmem:s16], [sflag:$0x3] =	stream.indirect.gather [hbm4b:s7+s0], $0x8, s2, s0, $0xb8;
	[tilespmem:$0x1FF90] =	vst v63  }
0x1ce: {  	v8 =	vld [tilespmem:s15+$0x5100];
	_ =	sdelay $0x4  }
0x1cf: {  	v9 =	vand.u32 $0xFF, v8  }
0x1d0: {  	vm0 =	vlt.u32 v8, $0x1400;
	v9 =	vor.u32 $0x1400, v9  }
0x1d1: {  	v8 =	vsel vm0, v8, v9  }
0x1d2: {  	[tilespmem:$0xF400] =	vst v8  }
0x1d3: {  	v8 =	vld [tilespmem:s15+$0x5110];
	_ =	sdelay $0x4  }
0x1d4: {  	v9 =	vand.u32 $0xFF, v8  }
0x1d5: {  	vm8 =	vlt.u32 v8, $0x1400;
	v9 =	vor.u32 $0x1400, v9  }
0x1d6: {  	v8 =	vsel vm8, v8, v9  }
0x1d7: {  	[tilespmem:$0xF410] =	vst v8  }
0x1d8: {  	v8 =	vld [tilespmem:s15+$0x5120];
	_ =	sdelay $0x4  }
0x1d9: {  	v9 =	vand.u32 $0xFF, v8  }
0x1da: {  	vm9 =	vlt.u32 v8, $0x1400;
	v9 =	vor.u32 $0x1400, v9  }
0x1db: {  	v8 =	vsel vm9, v8, v9  }
0x1dc: {  	[tilespmem:$0xF420] =	vst v8  }
0x1dd: {  	v8 =	vld [tilespmem:s15+$0x5130];
	_ =	sdelay $0x4  }
0x1de: {  	v9 =	vand.u32 $0xFF, v8  }
0x1df: {  	vm10 =	vlt.u32 v8, $0x1400;
	v9 =	vor.u32 $0x1400, v9  }
0x1e0: {  	v8 =	vsel vm10, v8, v9  }
0x1e1: {  	[tilespmem:$0xF430] =	vst v8  }
0x1e2: {  	v8 =	vld [tilespmem:s15+$0x5140];
	_ =	sdelay $0x4  }
0x1e3: {  	v9 =	vand.u32 $0xFF, v8  }
0x1e4: {  	vm11 =	vlt.u32 v8, $0x1400;
	v9 =	vor.u32 $0x1400, v9  }
0x1e5: {  	v8 =	vsel vm11, v8, v9  }
0x1e6: {  	[tilespmem:$0xF440] =	vst v8  }
0x1e7: {  	v8 =	vld [tilespmem:s15+$0x5150];
	_ =	sdelay $0x4  }
0x1e8: {  	v9 =	vand.u32 $0xFF, v8  }
0x1e9: {  	vm12 =	vlt.u32 v8, $0x1400;
	v9 =	vor.u32 $0x1400, v9  }
0x1ea: {  	v8 =	vsel vm12, v8, v9  }
0x1eb: {  	[tilespmem:$0xF450] =	vst v8  }
0x1ec: {  	v8 =	vld [tilespmem:s15+$0x5160];
	_ =	sdelay $0x4  }
0x1ed: {  	v9 =	vand.u32 $0xFF, v8  }
0x1ee: {  	vm13 =	vlt.u32 v8, $0x1400;
	v9 =	vor.u32 $0x1400, v9  }
0x1ef: {  	v8 =	vsel vm13, v8, v9  }
0x1f0: {  	[tilespmem:$0xF460] =	vst v8  }
0x1f1: {  	v8 =	vld [tilespmem:s15+$0x5170];
	_ =	sdelay $0x4  }
0x1f2: {  	v9 =	vand.u32 $0xFF, v8  }
0x1f3: {  	vm14 =	vlt.u32 v8, $0x1400;
	v9 =	vor.u32 $0x1400, v9  }
0x1f4: {  	s25 =	simm.s32 $0x0;
	v8 =	vsel vm14, v8, v9  }
0x1f5: {  	[tilespmem:$0xF470] =	vst v8;
	v8 =	vmov s25  }
0x1f6: {  	_ =	swait.ge [sflag:s21], $0x400;
	v8 =	vshll.u32 v8, $0x3  }
0x1f7: {  	[sflag:s21] =	ssyncset.done $0x0;
	v8 =	vor.u32 v6, v8  }
0x1f8: {  	[sflag:s21] =	ssyncadd.s32 $0xFFFFFC00  }
0x1f9: {  	_ =	swait.ge [sflag:s22], $0x400  }
0x1fa: {  	[sflag:s22] =	ssyncset.done $0x0  }
0x1fb: {  	[sflag:s22] =	ssyncadd.s32 $0xFFFFFC00  }
0x1fc: {  	v9 =	vld.idx.msk [tilespmem:v8+s31+$0x0], $0xffff  }
0x1fd: {  	v10 =	vld.idx.msk [tilespmem:v8+s11+$0x0], $0xffff;
	_ =	sdelay $0x4  }
0x1fe: {  	v9 =	vadd.f32 v9, v10;
	_ =	sdelay $0x1  }
0x1ff: {  	v10 =	vmul.f32 $2.000000030e-01, v9  }
0x200: {  	vm15 =	vge.f32 v9, $0.0e+00  }
0x201: {  	v9 =	vsel vm15, v9, v10  }
0x202: {  	v9 =	vsub.f32 v9, v7;
	_ =	sdelay $0x1  }
0x203: {  	v9 =	vmul.f32 $1.442695020e+00, v9;
	_ =	sdelay $0x1  }
0x204: {  	(erf) = vpow2.f32 v9;
	_ =	sdelay $0x2  }
0x205: {  	s28 =	simm.s32 $0x10  }
0x206: {  	v10 =	vmov s28  }
0x207: {  	s9 =	simm.s32 $0x20;
	v9 =	vshll.u32 v10, $0x3  }
.LBB2_17:
0x208: {  	p0 =	sne.s32 s9, $0x70;
	v9 =	vor.u32 v6, v9;
	_ =	sdelay $0x2  }
0x209: {  	v10 =	vpop (erf)  }
0x20a: {  	[tilespmem:v8+s10+$0x0] =	vst.idx.msk $0xffff, v10;
	v8 =	vmov v9  }
0x20b: {  	v10 =	vld.idx.msk [tilespmem:v9+s31+$0x0], $0xffff  }
0x20c: {  	v9 =	vld.idx.msk [tilespmem:v9+s11+$0x0], $0xffff;
	_ =	sdelay $0x5  }
0x20d: {  	v9 =	vadd.f32 v10, v9;
	_ =	sdelay $0x1  }
0x20e: {  	v10 =	vmul.f32 $2.000000030e-01, v9  }
0x20f: {  	vm0 =	vge.f32 v9, $0.0e+00  }
0x210: {  	v9 =	vsel vm0, v9, v10  }
0x211: {  	v9 =	vsub.f32 v9, v7;
	_ =	sdelay $0x1  }
0x212: {  	v9 =	vmul.f32 $1.442695020e+00, v9;
	_ =	sdelay $0x1  }
0x213: {  	(erf) = vpow2.f32 v9  }
.Ltmp7:
0x214: {  	(pc) =	sbr.rel @p0 .LBB2_17-.Ltmp7, $3  }
0x215: {  	_ =	sdelay $0x1  }
0x216: {  	v9 =	vmov s9  }
0x217: {  	s9 =	sadd.s32 $0x10, s9;
	v9 =	vshll.u32 v9, $0x3  }
0x218: {  	v9 =	vor.u32 v6, v9;
	_ =	sdelay $0x2  }
0x219: {  	v10 =	vpop (erf)  }
0x21a: {  	[tilespmem:v8+s10+$0x0] =	vst.idx.msk $0xffff, v10  }
0x21b: {  	v8 =	vld.idx.msk [tilespmem:v9+s31+$0x0], $0xffff  }
0x21c: {  	v10 =	vld.idx.msk [tilespmem:v9+s11+$0x0], $0xffff;
	_ =	sdelay $0x4  }
0x21d: {  	v8 =	vadd.f32 v8, v10;
	_ =	sdelay $0x1  }
0x21e: {  	v10 =	vmul.f32 $2.000000030e-01, v8  }
0x21f: {  	vm0 =	vge.f32 v8, $0.0e+00  }
0x220: {  	v8 =	vsel vm0, v8, v10  }
0x221: {  	v8 =	vsub.f32 v8, v7;
	_ =	sdelay $0x1  }
0x222: {  	v8 =	vmul.f32 $1.442695020e+00, v8;
	_ =	sdelay $0x1  }
0x223: {  	(erf) = vpow2.f32 v8;
	_ =	sdelay $0x8  }
0x224: {  	v8 =	vpop (erf)  }
0x225: {  	s2 =	simm.s32 $0x0;
	[tilespmem:v9+s10+$0x0] =	vst.idx.msk $0xffff, v8  }
0x226: {  	v8 =	vmov s2;
	_ =	swait.ge [sflag:s24], $0x2000  }
0x227: {  	[sflag:s24] =	ssyncset.done $0x0  }
0x228: {  	s9 =	simm.s32 $0x134A0;
	[sflag:s24] =	ssyncadd.s32 $0xFFFFE000  }
0x229: {  	v10 =	vld [tilespmem:s9+$0xFFFFFFF0]  }
0x22a: {  	v11 =	vld [tilespmem:s9+$0x10]  }
0x22b: {  	v13 =	vld.idx.msk [tilespmem:v8+s10+$0x0], $0xffff  }
0x22c: {  	v8 =	vld [tilespmem:s9+$0xFFFFFFE0]  }
0x22d: {  	v14 =	vld [tilespmem:s9+$0x0];
	_ =	sdelay $0x3  }
0x22e: {  	s28 =	simm.s32 $0x8;
	v9 =	vmul.f32 v8, v13;
	v12 =	vmul.f32 v11, v13  }
0x22f: {  	s13 =	simm.s32 $0x2;
	s15 =	simm.s32 $0x134A0;
	v8 =	vmov s28;
	v11 =	vmul.f32 v10, v13;
	v10 =	vmul.f32 v14, v13  }
.LBB2_19:
0x230: {  	p0 =	sne.s32 s13, $0x7F  }
0x231: {  	[tilespmem:s9+$0x10] =	vst v12;
	s15 =	sadd.s32 $0x40, s15;
	s2 =	smov.u32 s13;
	s13 =	sadd.s32 $0x1, s13  }
0x232: {  	[tilespmem:s9+$0xFFFFFFE0] =	vst v9  }
0x233: {  	v13 =	vld [tilespmem:s15+$0xFFFFFFF0];
	[tilespmem:s9+$0xFFFFFFF0] =	vst v11  }
0x234: {  	v11 =	vld [tilespmem:s15+$0x10];
	[tilespmem:s9+$0x0] =	vst v10;
	s9 =	smov.u32 s15  }
0x235: {  	v10 =	vld.idx.msk [tilespmem:v8+s10+$0x0], $0xffff  }
0x236: {  	v8 =	vld [tilespmem:s15+$0xFFFFFFE0]  }
0x237: {  	v14 =	vld [tilespmem:s15+$0x0]  }
.Ltmp8:
0x238: {  	(pc) =	sbr.rel @p0 .LBB2_19-.Ltmp8, $3  }
0x239: {  	_ =	sdelay $0x1  }
0x23a: {  	s2 =	sshll.u32 s2, $0x3;
	v12 =	vmul.f32 v11, v10;
	v9 =	vmul.f32 v8, v10  }
0x23b: {  	v11 =	vmul.f32 v13, v10;
	v8 =	vmov s2;
	v10 =	vmul.f32 v14, v10  }
0x23c: {  	[tilespmem:s9+$0x10] =	vst v12  }
0x23d: {  	s2 =	sadd.s32 $0x40, s15;
	[tilespmem:s9+$0xFFFFFFE0] =	vst v9  }
0x23e: {  	v9 =	vld [tilespmem:s2+$0xFFFFFFF0];
	[tilespmem:s9+$0xFFFFFFF0] =	vst v11  }
0x23f: {  	v11 =	vld [tilespmem:s2+$0x10];
	[tilespmem:s9+$0x0] =	vst v10  }
0x240: {  	v8 =	vld.idx.msk [tilespmem:v8+s10+$0x0], $0xffff  }
0x241: {  	v10 =	vld [tilespmem:s2+$0xFFFFFFE0];
	_ =	sdelay $0x1  }
0x242: {  	v12 =	vld [tilespmem:s2+$0x0];
	_ =	sdelay $0x1  }
0x243: {  	v11 =	vmul.f32 v11, v8  }
0x244: {  	v10 =	vmul.f32 v10, v8  }
0x245: {  	s6 =	sadd.s32 $0x1, s6;
	v9 =	vmul.f32 v9, v8;
	[tilespmem:s2+$0x10] =	vst v11  }
0x246: {  	p0 =	sne.s32 s6, $0x36;
	v8 =	vmul.f32 v12, v8;
	[tilespmem:s2+$0xFFFFFFE0] =	vst v10  }
.Ltmp9:
0x247: {  	[tilespmem:s2+$0xFFFFFFF0] =	vst v9;
	(pc) =	sbr.rel @p0 .LBB2_8-.Ltmp9, $4  }
0x248: {  	s28 =	simm.s32 $0x13480;
	[tilespmem:s2+$0x0] =	vst v8  }
0x249: {  	[spmem:s4] =	stream.indirect.scatter.add.f32 [tilespmem:s28], [sflag:$0x4], $0x40, s8, s0, $0xb8;
	[tilespmem:$0x1FF90] =	vst v63  }
0x24a: {  	_ = 	snop  }
0x24b: {  	[spmem:s5] =	stream.indirect.scatter.add.f32 [tilespmem:s10], [sflag:$0x5], $0x8, s8, s0, $0xb8;
	[tilespmem:$0x1FF90] =	vst v63  }
0x24c: {  	_ =	swait.ge [sflag:s17], $0x2000  }
0x24d: {  	[sflag:s17] =	ssyncset.done $0x0  }
0x24e: {  	[sflag:s17] =	ssyncadd.s32 $0xFFFFE000  }
0x24f: {  	_ =	swait.ge [sflag:s18], $0x400  }
0x250: {  	[sflag:s18] =	ssyncset.done $0x0  }
0x251: {  	[sflag:s18] =	ssyncadd.s32 $0xFFFFFC00  }
0x252: {  	_ =	swait.ge [sflag:s17], $0x2000  }
0x253: {  	[sflag:s17] =	ssyncset.done $0x0  }
0x254: {  	[sflag:s17] =	ssyncadd.s32 $0xFFFFE000  }
0x255: {  	_ =	swait.ge [sflag:s18], $0x400  }
0x256: {  	[sflag:s18] =	ssyncset.done $0x0  }
0x257: {  	[sflag:s18] =	ssyncadd.s32 $0xFFFFFC00  }
0x258: {  	_ =	swait.ge [sflag:s21], $0x400  }
0x259: {  	[sflag:s21] =	ssyncset.done $0x0  }
0x25a: {  	[sflag:s21] =	ssyncadd.s32 $0xFFFFFC00  }
0x25b: {  	_ =	swait.ge [sflag:s22], $0x400  }
0x25c: {  	[sflag:s22] =	ssyncset.done $0x0  }
0x25d: {  	[sflag:s22] =	ssyncadd.s32 $0xFFFFFC00  }
0x25e: {  	_ =	swait.ge [sflag:s24], $0x2000  }
0x25f: {  	[sflag:s24] =	ssyncset.done $0x0  }
0x260: {  	[sflag:s24] =	ssyncadd.s32 $0xFFFFE000  }
0x261: {  	s6 =	simm.s32 $0x0;
	[bflag:$0x0] =	sbarrier.arrive $0xFFFF  }
.LBB2_22:
0x262: {  	s2 =	sshll.u32 s6, $0x5;
	s9 =	rddreg [dreg:$0xa]  }
0x263: {  	s2 =	sadd.s32 s9, s2  }
0x264: {  	s9 =	sshll.u32 s2, $0x6  }
0x265: {  	s9 =	sand.u32 $0x3FFFFFC0, s9  }
0x266: {  	s13 =	simm.s32 $0x18B80;
	s9 =	sadd.s32 s9, s4  }
0x267: {  	[tilespmem:s13], [sflag:$0x6] =	stream.linear.gather [spmem:s9], $0x800, $0x38;
	[tilespmem:$0x1FF90] =	vst v63  }
0x268: {  	s13 =	sshll.u32 s2, $0x3;
	_ =	swait.ge [sflag:s26], $0x800  }
0x269: {  	s25 =	simm.s32 $0x0;
	s2 =	sand.u32 $0x3FFFFFF8, s13;
	[sflag:s26] =	ssyncset.done $0x0  }
0x26a: {  	v8 =	vmov s25;
	s2 =	sadd.s32 s2, s5;
	[sflag:s26] =	ssyncadd.s32 $0xFFFFF800  }
0x26b: {  	[tilespmem:s14], [sflag:$0x6] =	stream.linear.gather [spmem:s2], $0x100, $0x38;
	[tilespmem:$0x1FF90] =	vst v63  }
0x26c: {  	_ =	swait.ge [sflag:s26], $0x100  }
0x26d: {  	[sflag:s26] =	ssyncset.done $0x0  }
0x26e: {  	[sflag:s26] =	ssyncadd.s32 $0xFFFFFF00  }
0x26f: {  	v8 =	vld.idx.msk [tilespmem:v8+s14+$0x0], $0xffff;
	_ =	sdelay $0x4  }
0x270: {  	v8 =	vadd.f32 $1.000000020e-16, v8;
	_ =	sdelay $0x1  }
0x271: {  	(erf) = vrcp.f32 v8;
	_ =	sdelay $0x3  }
0x272: {  	s28 =	simm.s32 $0x18BA0  }
0x273: {  	v9 =	vld [tilespmem:s28+$0xFFFFFFE0];
	_ =	sdelay $0x3  }
0x274: {  	v8 =	vpop (erf)  }
0x275: {  	v9 =	vmul.f32 v9, v8  }
0x276: {  	s25 =	simm.s32 $0x194A0  }
0x277: {  	[tilespmem:s25+$0xFFFFFFE0] =	vst v9  }
0x278: {  	v9 =	vld [tilespmem:s28+$0xFFFFFFF0];
	_ =	sdelay $0x4  }
0x279: {  	v9 =	vmul.f32 v9, v8;
	_ =	sdelay $0x1  }
0x27a: {  	[tilespmem:s25+$0xFFFFFFF0] =	vst v9  }
0x27b: {  	v9 =	vld [tilespmem:s28+$0x0];
	_ =	sdelay $0x4  }
0x27c: {  	v9 =	vmul.f32 v9, v8;
	_ =	sdelay $0x1  }
0x27d: {  	[tilespmem:s25+$0x0] =	vst v9  }
0x27e: {  	v9 =	vld [tilespmem:s28+$0x10];
	_ =	sdelay $0x1  }
0x27f: {  	s15 =	simm.s32 $0x8;
	s9 =	simm.s32 $0x2  }
.LBB2_23:
0x280: {  	p0 =	sne.s32 s9, $0x1F;
	v10 =	vmov s15;
	_ =	sdelay $0x1  }
0x281: {  	v8 =	vmul.f32 v9, v8;
	_ =	sdelay $0x1  }
0x282: {  	[tilespmem:s25+$0x10] =	vst v8  }
0x283: {  	s28 =	sadd.s32 $0x40, s28;
	v8 =	vld.idx.msk [tilespmem:v10+s14+$0x0], $0xffff  }
0x284: {  	v9 =	vld [tilespmem:s28+$0xFFFFFFE0];
	_ =	sdelay $0x4  }
0x285: {  	v8 =	vadd.f32 $1.000000020e-16, v8;
	_ =	sdelay $0x1  }
0x286: {  	(erf) = vrcp.f32 v8;
	_ =	sdelay $0x8  }
0x287: {  	v8 =	vpop (erf)  }
0x288: {  	v9 =	vmul.f32 v9, v8  }
0x289: {  	s25 =	sadd.s32 $0x40, s25  }
0x28a: {  	[tilespmem:s25+$0xFFFFFFE0] =	vst v9  }
0x28b: {  	v9 =	vld [tilespmem:s28+$0xFFFFFFF0];
	_ =	sdelay $0x4  }
0x28c: {  	v9 =	vmul.f32 v9, v8;
	_ =	sdelay $0x1  }
0x28d: {  	[tilespmem:s25+$0xFFFFFFF0] =	vst v9  }
0x28e: {  	v9 =	vld [tilespmem:s28+$0x0];
	_ =	sdelay $0x4  }
0x28f: {  	v9 =	vmul.f32 v9, v8  }
.Ltmp10:
0x290: {  	(pc) =	sbr.rel @p0 .LBB2_23-.Ltmp10, $3  }
0x291: {  	[tilespmem:s25+$0x0] =	vst v9  }
0x292: {  	v9 =	vld [tilespmem:s28+$0x10];
	_ =	sdelay $0x1  }
0x293: {  	s15 =	sshll.u32 s9, $0x3;
	s9 =	sadd.s32 $0x1, s9  }
0x294: {  	v10 =	vmov s15;
	_ =	sdelay $0x1  }
0x295: {  	v8 =	vmul.f32 v9, v8;
	_ =	sdelay $0x1  }
0x296: {  	[tilespmem:s25+$0x10] =	vst v8  }
0x297: {  	v8 =	vld.idx.msk [tilespmem:v10+s14+$0x0], $0xffff;
	_ =	sdelay $0x4  }
0x298: {  	v8 =	vadd.f32 $1.000000020e-16, v8;
	_ =	sdelay $0x1  }
0x299: {  	(erf) = vrcp.f32 v8;
	_ =	sdelay $0x3  }
0x29a: {  	s2 =	sadd.s32 $0x40, s28  }
0x29b: {  	v8 =	vld [tilespmem:s2+$0xFFFFFFE0];
	_ =	sdelay $0x3  }
0x29c: {  	v63 =	vpop (erf)  }
0x29d: {  	v8 =	vmul.f32 v8, v63  }
0x29e: {  	s9 =	sadd.s32 $0x40, s25  }
0x29f: {  	[tilespmem:s9+$0xFFFFFFE0] =	vst v8  }
0x2a0: {  	v8 =	vld [tilespmem:s2+$0xFFFFFFF0];
	_ =	sdelay $0x4  }
0x2a1: {  	v8 =	vmul.f32 v8, v63;
	_ =	sdelay $0x1  }
0x2a2: {  	[tilespmem:s9+$0xFFFFFFF0] =	vst v8  }
0x2a3: {  	v8 =	vld [tilespmem:s2+$0x0];
	_ =	sdelay $0x4  }
0x2a4: {  	v8 =	vmul.f32 v8, v63;
	_ =	sdelay $0x1  }
0x2a5: {  	[tilespmem:s9+$0x0] =	vst v8  }
0x2a6: {  	v8 =	vld [tilespmem:s2+$0x10];
	_ =	sdelay $0x4  }
0x2a7: {  	s6 =	sadd.s32 $0x1, s6;
	v8 =	vmul.f32 v8, v63  }
0x2a8: {  	s15 =	rddreg [dreg:$0xb];
	s28 =	simm.s32 $0x19480;
	p0 =	sne.s32 s6, $0xA  }
.Ltmp11:
0x2a9: {  	s25 =	simm.s32 $0x0;
	s2 =	sadd.s32 s13, s15;
	[tilespmem:s9+$0x10] =	vst v8;
	(pc) =	sbr.rel @p0 .LBB2_22-.Ltmp11, $4  }
0x2aa: {  	[hbm4b:s2+s25] =	stream.linear.scatter [tilespmem:s28], [sflag:$0x6], $0x800, $0x38;
	[tilespmem:$0x1FF90] =	vst v63  }
0x2ab: {  	_ =	swait.ge [sflag:s26], $0x800  }
0x2ac: {  	[sflag:s26] =	ssyncset.done $0x0  }
0x2ad: {  	[sflag:s26] =	ssyncadd.s32 $0xFFFFF800  }
0x2ae: {  	[bflag:$0x0] =	sbarrier.arrive $0xFFFF  }
0x2af: {  	s6 =	simm.s32 $0x17880;
	s2 =	rddreg [dreg:$0x8]  }
0x2b0: {  	[spmem:s2] =	stream.linear.scatter [tilespmem:s6], [sflag:$0x6], $0x800, $0x38;
	[tilespmem:$0x1FF90] =	vst v63  }
0x2b1: {  	_ =	swait.ge [sflag:s26], $0x800  }
0x2b2: {  	[sflag:s26] =	ssyncset.done $0x0  }
0x2b3: {  	s25 =	rddreg [dreg:$0xd];
	[sflag:s26] =	ssyncadd.s32 $0xFFFFF800  }
0x2b4: {  	[spmem:s25] =	stream.linear.scatter [tilespmem:s6], [sflag:$0x6], $0x800, $0x38;
	[tilespmem:$0x1FF90] =	vst v63  }
0x2b5: {  	_ =	swait.ge [sflag:s26], $0x800  }
0x2b6: {  	[sflag:s26] =	ssyncset.done $0x0  }
0x2b7: {  	s28 =	rddreg [dreg:$0xe];
	[sflag:s26] =	ssyncadd.s32 $0xFFFFF800  }
0x2b8: {  	[spmem:s28] =	stream.linear.scatter [tilespmem:s6], [sflag:$0x6], $0x800, $0x38;
	[tilespmem:$0x1FF90] =	vst v63  }
0x2b9: {  	_ =	swait.ge [sflag:s26], $0x800  }
0x2ba: {  	[sflag:s26] =	ssyncset.done $0x0  }
0x2bb: {  	s9 =	rddreg [dreg:$0xf];
	[sflag:s26] =	ssyncadd.s32 $0xFFFFF800  }
0x2bc: {  	[spmem:s9] =	stream.linear.scatter [tilespmem:s6], [sflag:$0x6], $0x800, $0x38;
	[tilespmem:$0x1FF90] =	vst v63  }
0x2bd: {  	_ =	swait.ge [sflag:s26], $0x800  }
0x2be: {  	[sflag:s26] =	ssyncset.done $0x0  }
0x2bf: {  	s13 =	rddreg [dreg:$0x10];
	[sflag:s26] =	ssyncadd.s32 $0xFFFFF800  }
0x2c0: {  	[spmem:s13] =	stream.linear.scatter [tilespmem:s6], [sflag:$0x6], $0x800, $0x38;
	[tilespmem:$0x1FF90] =	vst v63  }
0x2c1: {  	_ =	swait.ge [sflag:s26], $0x800  }
0x2c2: {  	[sflag:s26] =	ssyncset.done $0x0  }
0x2c3: {  	s15 =	rddreg [dreg:$0x11];
	[sflag:s26] =	ssyncadd.s32 $0xFFFFF800  }
0x2c4: {  	[spmem:s15] =	stream.linear.scatter [tilespmem:s6], [sflag:$0x6], $0x800, $0x38;
	[tilespmem:$0x1FF90] =	vst v63  }
0x2c5: {  	_ =	swait.ge [sflag:s26], $0x800  }
0x2c6: {  	[sflag:s26] =	ssyncset.done $0x0  }
0x2c7: {  	s25 =	rddreg [dreg:$0x12];
	[sflag:s26] =	ssyncadd.s32 $0xFFFFF800  }
0x2c8: {  	[spmem:s25] =	stream.linear.scatter [tilespmem:s6], [sflag:$0x6], $0x800, $0x38;
	[tilespmem:$0x1FF90] =	vst v63  }
0x2c9: {  	_ =	swait.ge [sflag:s26], $0x800  }
0x2ca: {  	[sflag:s26] =	ssyncset.done $0x0  }
0x2cb: {  	s28 =	rddreg [dreg:$0x13];
	[sflag:s26] =	ssyncadd.s32 $0xFFFFF800  }
0x2cc: {  	[spmem:s28] =	stream.linear.scatter [tilespmem:s6], [sflag:$0x6], $0x800, $0x38;
	[tilespmem:$0x1FF90] =	vst v63  }
0x2cd: {  	_ =	swait.ge [sflag:s26], $0x800  }
0x2ce: {  	[sflag:s26] =	ssyncset.done $0x0  }
0x2cf: {  	s9 =	rddreg [dreg:$0x14];
	[sflag:s26] =	ssyncadd.s32 $0xFFFFF800  }
0x2d0: {  	[spmem:s9] =	stream.linear.scatter [tilespmem:s6], [sflag:$0x6], $0x800, $0x38;
	[tilespmem:$0x1FF90] =	vst v63  }
0x2d1: {  	_ =	swait.ge [sflag:s26], $0x800  }
0x2d2: {  	[sflag:s26] =	ssyncset.done $0x0  }
0x2d3: {  	s13 =	rddreg [dreg:$0x15];
	[sflag:s26] =	ssyncadd.s32 $0xFFFFF800  }
0x2d4: {  	[spmem:s13] =	stream.linear.scatter [tilespmem:s6], [sflag:$0x6], $0x800, $0x38;
	[tilespmem:$0x1FF90] =	vst v63  }
0x2d5: {  	_ =	swait.ge [sflag:s26], $0x800  }
0x2d6: {  	[sflag:s26] =	ssyncset.done $0x0  }
0x2d7: {  	s15 =	rddreg [dreg:$0x16];
	[sflag:s26] =	ssyncadd.s32 $0xFFFFF800  }
0x2d8: {  	[spmem:s15] =	stream.linear.scatter [tilespmem:s6], [sflag:$0x6], $0x800, $0x38;
	[tilespmem:$0x1FF90] =	vst v63  }
0x2d9: {  	_ =	swait.ge [sflag:s26], $0x800  }
0x2da: {  	[sflag:s26] =	ssyncset.done $0x0  }
0x2db: {  	s25 =	rddreg [dreg:$0x9];
	[sflag:s26] =	ssyncadd.s32 $0xFFFFF800  }
0x2dc: {  	[spmem:s25] =	stream.linear.scatter [tilespmem:s30], [sflag:$0x6], $0xB00, $0x38;
	[tilespmem:$0x1FF90] =	vst v63  }
0x2dd: {  	_ =	swait.ge [sflag:s26], $0xB00  }
0x2de: {  	[sflag:s26] =	ssyncset.done $0x0  }
0x2df: {  	[sflag:s26] =	ssyncadd.s32 $0xFFFFF500  }
0x2e0: {  	[bflag:$0x0] =	sbarrier.arrive $0xFFFF  }
0x2e1: {  	[tilespmem:$0xF380] =	vst v5  }
0x2e2: {  	[tilespmem:$0xF390] =	vst v5  }
0x2e3: {  	[tilespmem:$0xF3A0] =	vst v5  }
0x2e4: {  	[tilespmem:$0xF3B0] =	vst v5  }
0x2e5: {  	[tilespmem:$0xF3C0] =	vst v5  }
0x2e6: {  	[tilespmem:$0xF3D0] =	vst v5  }
0x2e7: {  	[tilespmem:$0xF3E0] =	vst v5  }
0x2e8: {  	[tilespmem:$0xF3F0] =	vst v5  }
0x2e9: {  	[tilespmem:$0xF400] =	vst v5  }
0x2ea: {  	[tilespmem:$0xF410] =	vst v5  }
0x2eb: {  	[tilespmem:$0xF420] =	vst v5  }
0x2ec: {  	[tilespmem:$0xF430] =	vst v5  }
0x2ed: {  	[tilespmem:$0xF440] =	vst v5  }
0x2ee: {  	[tilespmem:$0xF450] =	vst v5  }
0x2ef: {  	[tilespmem:$0xF460] =	vst v5  }
0x2f0: {  	s28 =	simm.s32 $0xF380;
	s9 =	simm.s32 $0x11480;
	[tilespmem:$0xF470] =	vst v5  }
0x2f1: {  	[spmem:s4] =	stream.indirect.scatter.add.f32 [tilespmem:s9], [sflag:$0x4], $0x40, s28, s0, $0xb8;
	[tilespmem:$0x1FF90] =	vst v63  }
0x2f2: {  	_ = 	snop  }
0x2f3: {  	[spmem:s5] =	stream.indirect.scatter.add.f32 [tilespmem:s29], [sflag:$0x5], $0x8, s28, s0, $0xb8;
	[tilespmem:$0x1FF90] =	vst v63  }
0x2f4: {  	s13 =	simm.s32 $0x13480  }
0x2f5: {  	[spmem:s4] =	stream.indirect.scatter.add.f32 [tilespmem:s13], [sflag:$0x4], $0x40, s8, s0, $0xb8;
	[tilespmem:$0x1FF90] =	vst v63  }
0x2f6: {  	_ = 	snop  }
0x2f7: {  	[spmem:s5] =	stream.indirect.scatter.add.f32 [tilespmem:s10], [sflag:$0x5], $0x8, s8, s0, $0xb8;
	[tilespmem:$0x1FF90] =	vst v63  }
0x2f8: {  	s15 =	simm.s32 $0x0;
	s25 =	simm.s32 $0xF480  }
0x2f9: {  	[tilespmem:s25], [sflag:$0x1] =	stream.indirect.gather [hbm4b:s3+s0], $0x40, s15, s0, $0xb8;
	[tilespmem:$0x1FF90] =	vst v63  }
0x2fa: {  	_ = 	snop  }
0x2fb: {  	[tilespmem:s12], [sflag:$0x2] =	stream.indirect.gather [hbm4b:s1+s0], $0x8, s15, s0, $0xb8;
	[tilespmem:$0x1FF90] =	vst v63  }
0x2fc: {  	s6 =	simm.s32 $0x0;
	s28 =	simm.s32 $0xA200  }
0x2fd: {  	[tilespmem:s16], [sflag:$0x3] =	stream.indirect.gather [hbm4b:s7+s0], $0x8, s28, s0, $0xb8;
	[tilespmem:$0x1FF90] =	vst v63  }
.LBB2_26:
0x2fe: {  	_ =	swait.ge [sflag:s17], $0x2000  }
0x2ff: {  	[sflag:s17] =	ssyncset.done $0x0  }
0x300: {  	s13 =	smul.u32 $0x3, s6;
	[sflag:s17] =	ssyncadd.s32 $0xFFFFE000  }
0x301: {  	_ =	swait.ge [sflag:s18], $0x400  }
0x302: {  	s2 =	sadd.s32 $0x1, s13;
	[sflag:s18] =	ssyncset.done $0x0  }
0x303: {  	s15 =	simm.s32 $0x11480;
	s28 =	sshll.u32 s2, $0x7;
	[sflag:s18] =	ssyncadd.s32 $0xFFFFFC00  }
0x304: {  	[tilespmem:s15], [sflag:$0x1] =	stream.indirect.gather [hbm4b:s3+s0], $0x40, s28, s0, $0xb8;
	[tilespmem:$0x1FF90] =	vst v63  }
0x305: {  	s9 =	smul.u32 $0x600, s6  }
0x306: {  	[tilespmem:s19], [sflag:$0x2] =	stream.indirect.gather [hbm4b:s1+s0], $0x8, s28, s0, $0xb8;
	[tilespmem:$0x1FF90] =	vst v63  }
0x307: {  	s9 =	sshra.s32 s9, $0x2;
	s25 =	sadd.s32 $0xA200, s28  }
0x308: {  	[tilespmem:s20], [sflag:$0x3] =	stream.indirect.gather [hbm4b:s7+s0], $0x8, s25, s0, $0xb8;
	[tilespmem:$0x1FF90] =	vst v63  }
0x309: {  	v8 =	vld [tilespmem:s9+$0x5100];
	_ =	sdelay $0x4  }
0x30a: {  	v9 =	vadd.s32 $0xFFFFEC00, v8;
	v8 =	vand.u32 $0xFF, v8  }
0x30b: {  	vm0 =	vlt.u32 v9, $0x1400;
	v8 =	vor.u32 $0x1400, v8  }
0x30c: {  	v8 =	vsel vm0, v9, v8  }
0x30d: {  	[tilespmem:$0xF300] =	vst v8  }
0x30e: {  	v8 =	vld [tilespmem:s9+$0x5110];
	_ =	sdelay $0x4  }
0x30f: {  	v9 =	vadd.s32 $0xFFFFEC00, v8;
	v8 =	vand.u32 $0xFF, v8  }
0x310: {  	vm8 =	vlt.u32 v9, $0x1400;
	v8 =	vor.u32 $0x1400, v8  }
0x311: {  	v8 =	vsel vm8, v9, v8  }
0x312: {  	[tilespmem:$0xF310] =	vst v8  }
0x313: {  	v8 =	vld [tilespmem:s9+$0x5120];
	_ =	sdelay $0x4  }
0x314: {  	v9 =	vadd.s32 $0xFFFFEC00, v8;
	v8 =	vand.u32 $0xFF, v8  }
0x315: {  	vm9 =	vlt.u32 v9, $0x1400;
	v8 =	vor.u32 $0x1400, v8  }
0x316: {  	v8 =	vsel vm9, v9, v8  }
0x317: {  	[tilespmem:$0xF320] =	vst v8  }
0x318: {  	v8 =	vld [tilespmem:s9+$0x5130];
	_ =	sdelay $0x4  }
0x319: {  	v9 =	vadd.s32 $0xFFFFEC00, v8;
	v8 =	vand.u32 $0xFF, v8  }
0x31a: {  	vm10 =	vlt.u32 v9, $0x1400;
	v8 =	vor.u32 $0x1400, v8  }
0x31b: {  	v8 =	vsel vm10, v9, v8  }
0x31c: {  	[tilespmem:$0xF330] =	vst v8  }
0x31d: {  	v8 =	vld [tilespmem:s9+$0x5140];
	_ =	sdelay $0x4  }
0x31e: {  	v9 =	vadd.s32 $0xFFFFEC00, v8;
	v8 =	vand.u32 $0xFF, v8  }
0x31f: {  	vm11 =	vlt.u32 v9, $0x1400;
	v8 =	vor.u32 $0x1400, v8  }
0x320: {  	v8 =	vsel vm11, v9, v8  }
0x321: {  	[tilespmem:$0xF340] =	vst v8  }
0x322: {  	v8 =	vld [tilespmem:s9+$0x5150];
	_ =	sdelay $0x4  }
0x323: {  	v9 =	vadd.s32 $0xFFFFEC00, v8;
	v8 =	vand.u32 $0xFF, v8  }
0x324: {  	vm12 =	vlt.u32 v9, $0x1400;
	v8 =	vor.u32 $0x1400, v8  }
0x325: {  	v8 =	vsel vm12, v9, v8  }
0x326: {  	[tilespmem:$0xF350] =	vst v8  }
0x327: {  	v8 =	vld [tilespmem:s9+$0x5160];
	_ =	sdelay $0x4  }
0x328: {  	v9 =	vadd.s32 $0xFFFFEC00, v8;
	v8 =	vand.u32 $0xFF, v8  }
0x329: {  	vm13 =	vlt.u32 v9, $0x1400;
	v8 =	vor.u32 $0x1400, v8  }
0x32a: {  	v8 =	vsel vm13, v9, v8  }
0x32b: {  	[tilespmem:$0xF360] =	vst v8  }
0x32c: {  	v8 =	vld [tilespmem:s9+$0x5170];
	_ =	sdelay $0x4  }
0x32d: {  	v9 =	vadd.s32 $0xFFFFEC00, v8;
	v8 =	vand.u32 $0xFF, v8  }
0x32e: {  	vm14 =	vlt.u32 v9, $0x1400;
	v8 =	vor.u32 $0x1400, v8  }
0x32f: {  	s15 =	simm.s32 $0x0;
	v8 =	vsel vm14, v9, v8  }
0x330: {  	[tilespmem:$0xF370] =	vst v8;
	v8 =	vmov s15  }
0x331: {  	_ =	swait.ge [sflag:s21], $0x400;
	v8 =	vshll.u32 v8, $0x3  }
0x332: {  	[sflag:s21] =	ssyncset.done $0x0;
	v8 =	vor.u32 v6, v8  }
0x333: {  	[sflag:s21] =	ssyncadd.s32 $0xFFFFFC00  }
0x334: {  	_ =	swait.ge [sflag:s22], $0x400  }
0x335: {  	[sflag:s22] =	ssyncset.done $0x0  }
0x336: {  	[sflag:s22] =	ssyncadd.s32 $0xFFFFFC00  }
0x337: {  	v9 =	vld.idx.msk [tilespmem:v8+s16+$0x0], $0xffff  }
0x338: {  	v10 =	vld.idx.msk [tilespmem:v8+s12+$0x0], $0xffff;
	_ =	sdelay $0x4  }
0x339: {  	v9 =	vadd.f32 v9, v10;
	_ =	sdelay $0x1  }
0x33a: {  	v10 =	vmul.f32 $2.000000030e-01, v9  }
0x33b: {  	vm15 =	vge.f32 v9, $0.0e+00  }
0x33c: {  	v9 =	vsel vm15, v9, v10  }
0x33d: {  	v9 =	vsub.f32 v9, v7;
	_ =	sdelay $0x1  }
0x33e: {  	v9 =	vmul.f32 $1.442695020e+00, v9;
	_ =	sdelay $0x1  }
0x33f: {  	(erf) = vpow2.f32 v9;
	_ =	sdelay $0x2  }
0x340: {  	s25 =	simm.s32 $0x10  }
0x341: {  	v10 =	vmov s25  }
0x342: {  	s9 =	simm.s32 $0x20;
	v9 =	vshll.u32 v10, $0x3  }
.LBB2_27:
0x343: {  	p0 =	sne.s32 s9, $0x70;
	v9 =	vor.u32 v6, v9;
	_ =	sdelay $0x2  }
0x344: {  	v10 =	vpop (erf)  }
0x345: {  	[tilespmem:v8+s23+$0x0] =	vst.idx.msk $0xffff, v10;
	v8 =	vmov v9  }
0x346: {  	v10 =	vld.idx.msk [tilespmem:v9+s16+$0x0], $0xffff  }
0x347: {  	v9 =	vld.idx.msk [tilespmem:v9+s12+$0x0], $0xffff;
	_ =	sdelay $0x5  }
0x348: {  	v9 =	vadd.f32 v10, v9;
	_ =	sdelay $0x1  }
0x349: {  	v10 =	vmul.f32 $2.000000030e-01, v9  }
0x34a: {  	vm0 =	vge.f32 v9, $0.0e+00  }
0x34b: {  	v9 =	vsel vm0, v9, v10  }
0x34c: {  	v9 =	vsub.f32 v9, v7;
	_ =	sdelay $0x1  }
0x34d: {  	v9 =	vmul.f32 $1.442695020e+00, v9;
	_ =	sdelay $0x1  }
0x34e: {  	(erf) = vpow2.f32 v9  }
.Ltmp12:
0x34f: {  	(pc) =	sbr.rel @p0 .LBB2_27-.Ltmp12, $3  }
0x350: {  	_ =	sdelay $0x1  }
0x351: {  	v9 =	vmov s9  }
0x352: {  	s9 =	sadd.s32 $0x10, s9;
	v9 =	vshll.u32 v9, $0x3  }
0x353: {  	v9 =	vor.u32 v6, v9;
	_ =	sdelay $0x2  }
0x354: {  	v10 =	vpop (erf)  }
0x355: {  	[tilespmem:v8+s23+$0x0] =	vst.idx.msk $0xffff, v10  }
0x356: {  	v8 =	vld.idx.msk [tilespmem:v9+s16+$0x0], $0xffff  }
0x357: {  	v10 =	vld.idx.msk [tilespmem:v9+s12+$0x0], $0xffff;
	_ =	sdelay $0x4  }
0x358: {  	v8 =	vadd.f32 v8, v10;
	_ =	sdelay $0x1  }
0x359: {  	v10 =	vmul.f32 $2.000000030e-01, v8  }
0x35a: {  	vm0 =	vge.f32 v8, $0.0e+00  }
0x35b: {  	v8 =	vsel vm0, v8, v10  }
0x35c: {  	v8 =	vsub.f32 v8, v7;
	_ =	sdelay $0x1  }
0x35d: {  	v8 =	vmul.f32 $1.442695020e+00, v8;
	_ =	sdelay $0x1  }
0x35e: {  	(erf) = vpow2.f32 v8;
	_ =	sdelay $0x8  }
0x35f: {  	v8 =	vpop (erf)  }
0x360: {  	s2 =	simm.s32 $0x0;
	[tilespmem:v9+s23+$0x0] =	vst.idx.msk $0xffff, v8  }
0x361: {  	v8 =	vmov s2;
	_ =	swait.ge [sflag:s24], $0x2000  }
0x362: {  	[sflag:s24] =	ssyncset.done $0x0  }
0x363: {  	s9 =	simm.s32 $0xF4A0;
	[sflag:s24] =	ssyncadd.s32 $0xFFFFE000  }
0x364: {  	v10 =	vld [tilespmem:s9+$0xFFFFFFF0]  }
0x365: {  	v11 =	vld [tilespmem:s9+$0x10]  }
0x366: {  	v13 =	vld.idx.msk [tilespmem:v8+s23+$0x0], $0xffff  }
0x367: {  	v8 =	vld [tilespmem:s9+$0xFFFFFFE0]  }
0x368: {  	v14 =	vld [tilespmem:s9+$0x0];
	_ =	sdelay $0x3  }
0x369: {  	s25 =	simm.s32 $0x8;
	v9 =	vmul.f32 v8, v13;
	v12 =	vmul.f32 v11, v13  }
0x36a: {  	s15 =	simm.s32 $0x2;
	v8 =	vmov s25;
	v11 =	vmul.f32 v10, v13;
	v10 =	vmul.f32 v14, v13;
	s25 =	simm.s32 $0xF4A0  }
.LBB2_29:
0x36b: {  	p0 =	sne.s32 s15, $0x7F  }
0x36c: {  	[tilespmem:s9+$0x10] =	vst v12;
	s25 =	sadd.s32 $0x40, s25;
	s2 =	smov.u32 s15;
	s15 =	sadd.s32 $0x1, s15  }
0x36d: {  	[tilespmem:s9+$0xFFFFFFE0] =	vst v9  }
0x36e: {  	v13 =	vld [tilespmem:s25+$0xFFFFFFF0];
	[tilespmem:s9+$0xFFFFFFF0] =	vst v11  }
0x36f: {  	v11 =	vld [tilespmem:s25+$0x10];
	[tilespmem:s9+$0x0] =	vst v10;
	s9 =	smov.u32 s25  }
0x370: {  	v10 =	vld.idx.msk [tilespmem:v8+s23+$0x0], $0xffff  }
0x371: {  	v8 =	vld [tilespmem:s25+$0xFFFFFFE0]  }
0x372: {  	v14 =	vld [tilespmem:s25+$0x0]  }
.Ltmp13:
0x373: {  	(pc) =	sbr.rel @p0 .LBB2_29-.Ltmp13, $3  }
0x374: {  	_ =	sdelay $0x1  }
0x375: {  	s2 =	sshll.u32 s2, $0x3;
	v12 =	vmul.f32 v11, v10;
	v9 =	vmul.f32 v8, v10  }
0x376: {  	v11 =	vmul.f32 v13, v10;
	v8 =	vmov s2;
	v10 =	vmul.f32 v14, v10  }
0x377: {  	[tilespmem:s9+$0x10] =	vst v12  }
0x378: {  	s2 =	sadd.s32 $0x40, s25;
	[tilespmem:s9+$0xFFFFFFE0] =	vst v9  }
0x379: {  	v9 =	vld [tilespmem:s2+$0xFFFFFFF0];
	[tilespmem:s9+$0xFFFFFFF0] =	vst v11  }
0x37a: {  	v11 =	vld [tilespmem:s2+$0x10];
	[tilespmem:s9+$0x0] =	vst v10  }
0x37b: {  	v8 =	vld.idx.msk [tilespmem:v8+s23+$0x0], $0xffff  }
0x37c: {  	v10 =	vld [tilespmem:s2+$0xFFFFFFE0];
	_ =	sdelay $0x1  }
0x37d: {  	v12 =	vld [tilespmem:s2+$0x0];
	_ =	sdelay $0x1  }
0x37e: {  	v11 =	vmul.f32 v11, v8  }
0x37f: {  	v10 =	vmul.f32 v10, v8  }
0x380: {  	v9 =	vmul.f32 v9, v8;
	[tilespmem:s2+$0x10] =	vst v11  }
0x381: {  	v8 =	vmul.f32 v12, v8;
	[tilespmem:s2+$0xFFFFFFE0] =	vst v10  }
0x382: {  	[tilespmem:s2+$0xFFFFFFF0] =	vst v9  }
0x383: {  	s15 =	simm.s32 $0xF300;
	s9 =	simm.s32 $0xF480;
	[tilespmem:s2+$0x0] =	vst v8  }
0x384: {  	[spmem:s4] =	stream.indirect.scatter.add.f32 [tilespmem:s9], [sflag:$0x4], $0x40, s15, s0, $0xb8;
	[tilespmem:$0x1FF90] =	vst v63  }
0x385: {  	_ = 	snop  }
0x386: {  	[spmem:s5] =	stream.indirect.scatter.add.f32 [tilespmem:s23], [sflag:$0x5], $0x8, s15, s0, $0xb8;
	[tilespmem:$0x1FF90] =	vst v63  }
0x387: {  	_ =	swait.ge [sflag:s17], $0x2000  }
0x388: {  	[sflag:s17] =	ssyncset.done $0x0  }
0x389: {  	[sflag:s17] =	ssyncadd.s32 $0xFFFFE000  }
0x38a: {  	_ =	swait.ge [sflag:s18], $0x400  }
0x38b: {  	s25 =	sadd.s32 $0x2, s13;
	[sflag:s18] =	ssyncset.done $0x0  }
0x38c: {  	s25 =	sshll.u32 s25, $0x7;
	s9 =	simm.s32 $0x13480;
	[sflag:s18] =	ssyncadd.s32 $0xFFFFFC00  }
0x38d: {  	[tilespmem:s9], [sflag:$0x1] =	stream.indirect.gather [hbm4b:s3+s0], $0x40, s25, s0, $0xb8;
	[tilespmem:$0x1FF90] =	vst v63  }
0x38e: {  	_ = 	snop  }
0x38f: {  	[tilespmem:s11], [sflag:$0x2] =	stream.indirect.gather [hbm4b:s1+s0], $0x8, s25, s0, $0xb8;
	[tilespmem:$0x1FF90] =	vst v63  }
0x390: {  	s15 =	sadd.s32 $0xA200, s25;
	s9 =	sand.u32 $0x3FFFFF80, s28  }
0x391: {  	[tilespmem:s31], [sflag:$0x3] =	stream.indirect.gather [hbm4b:s7+s0], $0x8, s15, s0, $0xb8;
	[tilespmem:$0x1FF90] =	vst v63  }
0x392: {  	v8 =	vld [tilespmem:s9+$0x5100];
	_ =	sdelay $0x4  }
0x393: {  	v9 =	vadd.s32 $0xFFFFEC00, v8;
	v8 =	vand.u32 $0xFF, v8  }
0x394: {  	vm0 =	vlt.u32 v9, $0x1400;
	v8 =	vor.u32 $0x1400, v8  }
0x395: {  	v8 =	vsel vm0, v9, v8  }
0x396: {  	[tilespmem:$0xF380] =	vst v8  }
0x397: {  	v8 =	vld [tilespmem:s9+$0x5110];
	_ =	sdelay $0x4  }
0x398: {  	v9 =	vadd.s32 $0xFFFFEC00, v8;
	v8 =	vand.u32 $0xFF, v8  }
0x399: {  	vm8 =	vlt.u32 v9, $0x1400;
	v8 =	vor.u32 $0x1400, v8  }
0x39a: {  	v8 =	vsel vm8, v9, v8  }
0x39b: {  	[tilespmem:$0xF390] =	vst v8  }
0x39c: {  	v8 =	vld [tilespmem:s9+$0x5120];
	_ =	sdelay $0x4  }
0x39d: {  	v9 =	vadd.s32 $0xFFFFEC00, v8;
	v8 =	vand.u32 $0xFF, v8  }
0x39e: {  	vm9 =	vlt.u32 v9, $0x1400;
	v8 =	vor.u32 $0x1400, v8  }
0x39f: {  	v8 =	vsel vm9, v9, v8  }
0x3a0: {  	[tilespmem:$0xF3A0] =	vst v8  }
0x3a1: {  	v8 =	vld [tilespmem:s9+$0x5130];
	_ =	sdelay $0x4  }
0x3a2: {  	v9 =	vadd.s32 $0xFFFFEC00, v8;
	v8 =	vand.u32 $0xFF, v8  }
0x3a3: {  	vm10 =	vlt.u32 v9, $0x1400;
	v8 =	vor.u32 $0x1400, v8  }
0x3a4: {  	v8 =	vsel vm10, v9, v8  }
0x3a5: {  	[tilespmem:$0xF3B0] =	vst v8  }
0x3a6: {  	v8 =	vld [tilespmem:s9+$0x5140];
	_ =	sdelay $0x4  }
0x3a7: {  	v9 =	vadd.s32 $0xFFFFEC00, v8;
	v8 =	vand.u32 $0xFF, v8  }
0x3a8: {  	vm11 =	vlt.u32 v9, $0x1400;
	v8 =	vor.u32 $0x1400, v8  }
0x3a9: {  	v8 =	vsel vm11, v9, v8  }
0x3aa: {  	[tilespmem:$0xF3C0] =	vst v8  }
0x3ab: {  	v8 =	vld [tilespmem:s9+$0x5150];
	_ =	sdelay $0x4  }
0x3ac: {  	v9 =	vadd.s32 $0xFFFFEC00, v8;
	v8 =	vand.u32 $0xFF, v8  }
0x3ad: {  	vm12 =	vlt.u32 v9, $0x1400;
	v8 =	vor.u32 $0x1400, v8  }
0x3ae: {  	v8 =	vsel vm12, v9, v8  }
0x3af: {  	[tilespmem:$0xF3D0] =	vst v8  }
0x3b0: {  	v8 =	vld [tilespmem:s9+$0x5160];
	_ =	sdelay $0x4  }
0x3b1: {  	v9 =	vadd.s32 $0xFFFFEC00, v8;
	v8 =	vand.u32 $0xFF, v8  }
0x3b2: {  	vm13 =	vlt.u32 v9, $0x1400;
	v8 =	vor.u32 $0x1400, v8  }
0x3b3: {  	v8 =	vsel vm13, v9, v8  }
0x3b4: {  	[tilespmem:$0xF3E0] =	vst v8  }
0x3b5: {  	v8 =	vld [tilespmem:s9+$0x5170];
	_ =	sdelay $0x4  }
0x3b6: {  	v9 =	vadd.s32 $0xFFFFEC00, v8;
	v8 =	vand.u32 $0xFF, v8  }
0x3b7: {  	vm14 =	vlt.u32 v9, $0x1400;
	v8 =	vor.u32 $0x1400, v8  }
0x3b8: {  	s15 =	simm.s32 $0x0;
	v8 =	vsel vm14, v9, v8  }
0x3b9: {  	[tilespmem:$0xF3F0] =	vst v8;
	v8 =	vmov s15  }
0x3ba: {  	_ =	swait.ge [sflag:s21], $0x400;
	v8 =	vshll.u32 v8, $0x3  }
0x3bb: {  	[sflag:s21] =	ssyncset.done $0x0;
	v8 =	vor.u32 v6, v8  }
0x3bc: {  	[sflag:s21] =	ssyncadd.s32 $0xFFFFFC00  }
0x3bd: {  	_ =	swait.ge [sflag:s22], $0x400  }
0x3be: {  	[sflag:s22] =	ssyncset.done $0x0  }
0x3bf: {  	[sflag:s22] =	ssyncadd.s32 $0xFFFFFC00  }
0x3c0: {  	v9 =	vld.idx.msk [tilespmem:v8+s20+$0x0], $0xffff  }
0x3c1: {  	v10 =	vld.idx.msk [tilespmem:v8+s19+$0x0], $0xffff;
	_ =	sdelay $0x4  }
0x3c2: {  	v9 =	vadd.f32 v9, v10;
	_ =	sdelay $0x1  }
0x3c3: {  	v10 =	vmul.f32 $2.000000030e-01, v9  }
0x3c4: {  	vm15 =	vge.f32 v9, $0.0e+00  }
0x3c5: {  	v9 =	vsel vm15, v9, v10  }
0x3c6: {  	v9 =	vsub.f32 v9, v7;
	_ =	sdelay $0x1  }
0x3c7: {  	v9 =	vmul.f32 $1.442695020e+00, v9;
	_ =	sdelay $0x1  }
0x3c8: {  	(erf) = vpow2.f32 v9;
	_ =	sdelay $0x2  }
0x3c9: {  	s28 =	simm.s32 $0x10  }
0x3ca: {  	v10 =	vmov s28  }
0x3cb: {  	s9 =	simm.s32 $0x20;
	v9 =	vshll.u32 v10, $0x3  }
.LBB2_31:
0x3cc: {  	p0 =	sne.s32 s9, $0x70;
	v9 =	vor.u32 v6, v9;
	_ =	sdelay $0x2  }
0x3cd: {  	v10 =	vpop (erf)  }
0x3ce: {  	[tilespmem:v8+s29+$0x0] =	vst.idx.msk $0xffff, v10;
	v8 =	vmov v9  }
0x3cf: {  	v10 =	vld.idx.msk [tilespmem:v9+s20+$0x0], $0xffff  }
0x3d0: {  	v9 =	vld.idx.msk [tilespmem:v9+s19+$0x0], $0xffff;
	_ =	sdelay $0x5  }
0x3d1: {  	v9 =	vadd.f32 v10, v9;
	_ =	sdelay $0x1  }
0x3d2: {  	v10 =	vmul.f32 $2.000000030e-01, v9  }
0x3d3: {  	vm0 =	vge.f32 v9, $0.0e+00  }
0x3d4: {  	v9 =	vsel vm0, v9, v10  }
0x3d5: {  	v9 =	vsub.f32 v9, v7;
	_ =	sdelay $0x1  }
0x3d6: {  	v9 =	vmul.f32 $1.442695020e+00, v9;
	_ =	sdelay $0x1  }
0x3d7: {  	(erf) = vpow2.f32 v9  }
.Ltmp14:
0x3d8: {  	(pc) =	sbr.rel @p0 .LBB2_31-.Ltmp14, $3  }
0x3d9: {  	_ =	sdelay $0x1  }
0x3da: {  	v9 =	vmov s9  }
0x3db: {  	s9 =	sadd.s32 $0x10, s9;
	v9 =	vshll.u32 v9, $0x3  }
0x3dc: {  	v9 =	vor.u32 v6, v9;
	_ =	sdelay $0x2  }
0x3dd: {  	v10 =	vpop (erf)  }
0x3de: {  	[tilespmem:v8+s29+$0x0] =	vst.idx.msk $0xffff, v10  }
0x3df: {  	v8 =	vld.idx.msk [tilespmem:v9+s20+$0x0], $0xffff  }
0x3e0: {  	v10 =	vld.idx.msk [tilespmem:v9+s19+$0x0], $0xffff;
	_ =	sdelay $0x4  }
0x3e1: {  	v8 =	vadd.f32 v8, v10;
	_ =	sdelay $0x1  }
0x3e2: {  	v10 =	vmul.f32 $2.000000030e-01, v8  }
0x3e3: {  	vm0 =	vge.f32 v8, $0.0e+00  }
0x3e4: {  	v8 =	vsel vm0, v8, v10  }
0x3e5: {  	v8 =	vsub.f32 v8, v7;
	_ =	sdelay $0x1  }
0x3e6: {  	v8 =	vmul.f32 $1.442695020e+00, v8;
	_ =	sdelay $0x1  }
0x3e7: {  	(erf) = vpow2.f32 v8;
	_ =	sdelay $0x8  }
0x3e8: {  	v8 =	vpop (erf)  }
0x3e9: {  	s2 =	simm.s32 $0x0;
	[tilespmem:v9+s29+$0x0] =	vst.idx.msk $0xffff, v8  }
0x3ea: {  	v8 =	vmov s2;
	_ =	swait.ge [sflag:s24], $0x2000  }
0x3eb: {  	[sflag:s24] =	ssyncset.done $0x0  }
0x3ec: {  	s9 =	simm.s32 $0x114A0;
	[sflag:s24] =	ssyncadd.s32 $0xFFFFE000  }
0x3ed: {  	v10 =	vld [tilespmem:s9+$0xFFFFFFF0]  }
0x3ee: {  	v11 =	vld [tilespmem:s9+$0x10]  }
0x3ef: {  	v13 =	vld.idx.msk [tilespmem:v8+s29+$0x0], $0xffff  }
0x3f0: {  	v8 =	vld [tilespmem:s9+$0xFFFFFFE0]  }
0x3f1: {  	v14 =	vld [tilespmem:s9+$0x0];
	_ =	sdelay $0x3  }
0x3f2: {  	s2 =	simm.s32 $0x8;
	v9 =	vmul.f32 v8, v13;
	v12 =	vmul.f32 v11, v13  }
0x3f3: {  	s15 =	simm.s32 $0x2;
	s28 =	simm.s32 $0x114A0;
	v8 =	vmov s2;
	v11 =	vmul.f32 v10, v13;
	v10 =	vmul.f32 v14, v13  }
.LBB2_33:
0x3f4: {  	p0 =	sne.s32 s15, $0x7F  }
0x3f5: {  	[tilespmem:s9+$0x10] =	vst v12;
	s28 =	sadd.s32 $0x40, s28;
	s2 =	smov.u32 s15;
	s15 =	sadd.s32 $0x1, s15  }
0x3f6: {  	[tilespmem:s9+$0xFFFFFFE0] =	vst v9  }
0x3f7: {  	v13 =	vld [tilespmem:s28+$0xFFFFFFF0];
	[tilespmem:s9+$0xFFFFFFF0] =	vst v11  }
0x3f8: {  	v11 =	vld [tilespmem:s28+$0x10];
	[tilespmem:s9+$0x0] =	vst v10;
	s9 =	smov.u32 s28  }
0x3f9: {  	v10 =	vld.idx.msk [tilespmem:v8+s29+$0x0], $0xffff  }
0x3fa: {  	v8 =	vld [tilespmem:s28+$0xFFFFFFE0]  }
0x3fb: {  	v14 =	vld [tilespmem:s28+$0x0]  }
.Ltmp15:
0x3fc: {  	(pc) =	sbr.rel @p0 .LBB2_33-.Ltmp15, $3  }
0x3fd: {  	_ =	sdelay $0x1  }
0x3fe: {  	s2 =	sshll.u32 s2, $0x3;
	v12 =	vmul.f32 v11, v10;
	v9 =	vmul.f32 v8, v10  }
0x3ff: {  	v11 =	vmul.f32 v13, v10;
	v8 =	vmov s2;
	v10 =	vmul.f32 v14, v10  }
0x400: {  	[tilespmem:s9+$0x10] =	vst v12  }
0x401: {  	s2 =	sadd.s32 $0x40, s28;
	[tilespmem:s9+$0xFFFFFFE0] =	vst v9  }
0x402: {  	v9 =	vld [tilespmem:s2+$0xFFFFFFF0];
	[tilespmem:s9+$0xFFFFFFF0] =	vst v11  }
0x403: {  	v11 =	vld [tilespmem:s2+$0x10];
	[tilespmem:s9+$0x0] =	vst v10  }
0x404: {  	v8 =	vld.idx.msk [tilespmem:v8+s29+$0x0], $0xffff  }
0x405: {  	v10 =	vld [tilespmem:s2+$0xFFFFFFE0];
	_ =	sdelay $0x1  }
0x406: {  	v12 =	vld [tilespmem:s2+$0x0];
	_ =	sdelay $0x1  }
0x407: {  	v11 =	vmul.f32 v11, v8  }
0x408: {  	v10 =	vmul.f32 v10, v8  }
0x409: {  	v9 =	vmul.f32 v9, v8;
	[tilespmem:s2+$0x10] =	vst v11  }
0x40a: {  	v8 =	vmul.f32 v12, v8;
	[tilespmem:s2+$0xFFFFFFE0] =	vst v10  }
0x40b: {  	[tilespmem:s2+$0xFFFFFFF0] =	vst v9  }
0x40c: {  	s15 =	simm.s32 $0xF380;
	s28 =	simm.s32 $0x11480;
	[tilespmem:s2+$0x0] =	vst v8  }
0x40d: {  	[spmem:s4] =	stream.indirect.scatter.add.f32 [tilespmem:s28], [sflag:$0x4], $0x40, s15, s0, $0xb8;
	[tilespmem:$0x1FF90] =	vst v63  }
0x40e: {  	_ = 	snop  }
0x40f: {  	[spmem:s5] =	stream.indirect.scatter.add.f32 [tilespmem:s29], [sflag:$0x5], $0x8, s15, s0, $0xb8;
	[tilespmem:$0x1FF90] =	vst v63  }
0x410: {  	_ =	swait.ge [sflag:s17], $0x2000  }
0x411: {  	[sflag:s17] =	ssyncset.done $0x0  }
0x412: {  	[sflag:s17] =	ssyncadd.s32 $0xFFFFE000  }
0x413: {  	s13 =	smin.u32 s13, $0x9E;
	_ =	swait.ge [sflag:s18], $0x400  }
0x414: {  	s2 =	sshll.u32 s13, $0x7;
	[sflag:s18] =	ssyncset.done $0x0  }
0x415: {  	s28 =	simm.s32 $0xF480;
	s15 =	sadd.s32 $0x180, s2;
	[sflag:s18] =	ssyncadd.s32 $0xFFFFFC00  }
0x416: {  	[tilespmem:s28], [sflag:$0x1] =	stream.indirect.gather [hbm4b:s3+s0], $0x40, s15, s0, $0xb8;
	[tilespmem:$0x1FF90] =	vst v63  }
0x417: {  	_ = 	snop  }
0x418: {  	[tilespmem:s12], [sflag:$0x2] =	stream.indirect.gather [hbm4b:s1+s0], $0x8, s15, s0, $0xb8;
	[tilespmem:$0x1FF90] =	vst v63  }
0x419: {  	s2 =	sadd.s32 $0xA380, s2;
	s15 =	sand.u32 $0x3FFFFF80, s25  }
0x41a: {  	[tilespmem:s16], [sflag:$0x3] =	stream.indirect.gather [hbm4b:s7+s0], $0x8, s2, s0, $0xb8;
	[tilespmem:$0x1FF90] =	vst v63  }
0x41b: {  	v8 =	vld [tilespmem:s15+$0x5100];
	_ =	sdelay $0x4  }
0x41c: {  	v9 =	vadd.s32 $0xFFFFEC00, v8;
	v8 =	vand.u32 $0xFF, v8  }
0x41d: {  	vm0 =	vlt.u32 v9, $0x1400;
	v8 =	vor.u32 $0x1400, v8  }
0x41e: {  	v8 =	vsel vm0, v9, v8  }
0x41f: {  	[tilespmem:$0xF400] =	vst v8  }
0x420: {  	v8 =	vld [tilespmem:s15+$0x5110];
	_ =	sdelay $0x4  }
0x421: {  	v9 =	vadd.s32 $0xFFFFEC00, v8;
	v8 =	vand.u32 $0xFF, v8  }
0x422: {  	vm8 =	vlt.u32 v9, $0x1400;
	v8 =	vor.u32 $0x1400, v8  }
0x423: {  	v8 =	vsel vm8, v9, v8  }
0x424: {  	[tilespmem:$0xF410] =	vst v8  }
0x425: {  	v8 =	vld [tilespmem:s15+$0x5120];
	_ =	sdelay $0x4  }
0x426: {  	v9 =	vadd.s32 $0xFFFFEC00, v8;
	v8 =	vand.u32 $0xFF, v8  }
0x427: {  	vm9 =	vlt.u32 v9, $0x1400;
	v8 =	vor.u32 $0x1400, v8  }
0x428: {  	v8 =	vsel vm9, v9, v8  }
0x429: {  	[tilespmem:$0xF420] =	vst v8  }
0x42a: {  	v8 =	vld [tilespmem:s15+$0x5130];
	_ =	sdelay $0x4  }
0x42b: {  	v9 =	vadd.s32 $0xFFFFEC00, v8;
	v8 =	vand.u32 $0xFF, v8  }
0x42c: {  	vm10 =	vlt.u32 v9, $0x1400;
	v8 =	vor.u32 $0x1400, v8  }
0x42d: {  	v8 =	vsel vm10, v9, v8  }
0x42e: {  	[tilespmem:$0xF430] =	vst v8  }
0x42f: {  	v8 =	vld [tilespmem:s15+$0x5140];
	_ =	sdelay $0x4  }
0x430: {  	v9 =	vadd.s32 $0xFFFFEC00, v8;
	v8 =	vand.u32 $0xFF, v8  }
0x431: {  	vm11 =	vlt.u32 v9, $0x1400;
	v8 =	vor.u32 $0x1400, v8  }
0x432: {  	v8 =	vsel vm11, v9, v8  }
0x433: {  	[tilespmem:$0xF440] =	vst v8  }
0x434: {  	v8 =	vld [tilespmem:s15+$0x5150];
	_ =	sdelay $0x4  }
0x435: {  	v9 =	vadd.s32 $0xFFFFEC00, v8;
	v8 =	vand.u32 $0xFF, v8  }
0x436: {  	vm12 =	vlt.u32 v9, $0x1400;
	v8 =	vor.u32 $0x1400, v8  }
0x437: {  	v8 =	vsel vm12, v9, v8  }
0x438: {  	[tilespmem:$0xF450] =	vst v8  }
0x439: {  	v8 =	vld [tilespmem:s15+$0x5160];
	_ =	sdelay $0x4  }
0x43a: {  	v9 =	vadd.s32 $0xFFFFEC00, v8;
	v8 =	vand.u32 $0xFF, v8  }
0x43b: {  	vm13 =	vlt.u32 v9, $0x1400;
	v8 =	vor.u32 $0x1400, v8  }
0x43c: {  	v8 =	vsel vm13, v9, v8  }
0x43d: {  	[tilespmem:$0xF460] =	vst v8  }
0x43e: {  	v8 =	vld [tilespmem:s15+$0x5170];
	_ =	sdelay $0x4  }
0x43f: {  	v9 =	vadd.s32 $0xFFFFEC00, v8;
	v8 =	vand.u32 $0xFF, v8  }
0x440: {  	vm14 =	vlt.u32 v9, $0x1400;
	v8 =	vor.u32 $0x1400, v8  }
0x441: {  	s25 =	simm.s32 $0x0;
	v8 =	vsel vm14, v9, v8  }
0x442: {  	[tilespmem:$0xF470] =	vst v8;
	v8 =	vmov s25  }
0x443: {  	_ =	swait.ge [sflag:s21], $0x400;
	v8 =	vshll.u32 v8, $0x3  }
0x444: {  	[sflag:s21] =	ssyncset.done $0x0;
	v8 =	vor.u32 v6, v8  }
0x445: {  	[sflag:s21] =	ssyncadd.s32 $0xFFFFFC00  }
0x446: {  	_ =	swait.ge [sflag:s22], $0x400  }
0x447: {  	[sflag:s22] =	ssyncset.done $0x0  }
0x448: {  	[sflag:s22] =	ssyncadd.s32 $0xFFFFFC00  }
0x449: {  	v9 =	vld.idx.msk [tilespmem:v8+s31+$0x0], $0xffff  }
0x44a: {  	v10 =	vld.idx.msk [tilespmem:v8+s11+$0x0], $0xffff;
	_ =	sdelay $0x4  }
0x44b: {  	v9 =	vadd.f32 v9, v10;
	_ =	sdelay $0x1  }
0x44c: {  	v10 =	vmul.f32 $2.000000030e-01, v9  }
0x44d: {  	vm15 =	vge.f32 v9, $0.0e+00  }
0x44e: {  	v9 =	vsel vm15, v9, v10  }
0x44f: {  	v9 =	vsub.f32 v9, v7;
	_ =	sdelay $0x1  }
0x450: {  	v9 =	vmul.f32 $1.442695020e+00, v9;
	_ =	sdelay $0x1  }
0x451: {  	(erf) = vpow2.f32 v9;
	_ =	sdelay $0x2  }
0x452: {  	s28 =	simm.s32 $0x10  }
0x453: {  	v10 =	vmov s28  }
0x454: {  	s9 =	simm.s32 $0x20;
	v9 =	vshll.u32 v10, $0x3  }
.LBB2_35:
0x455: {  	p0 =	sne.s32 s9, $0x70;
	v9 =	vor.u32 v6, v9;
	_ =	sdelay $0x2  }
0x456: {  	v10 =	vpop (erf)  }
0x457: {  	[tilespmem:v8+s10+$0x0] =	vst.idx.msk $0xffff, v10;
	v8 =	vmov v9  }
0x458: {  	v10 =	vld.idx.msk [tilespmem:v9+s31+$0x0], $0xffff  }
0x459: {  	v9 =	vld.idx.msk [tilespmem:v9+s11+$0x0], $0xffff;
	_ =	sdelay $0x5  }
0x45a: {  	v9 =	vadd.f32 v10, v9;
	_ =	sdelay $0x1  }
0x45b: {  	v10 =	vmul.f32 $2.000000030e-01, v9  }
0x45c: {  	vm0 =	vge.f32 v9, $0.0e+00  }
0x45d: {  	v9 =	vsel vm0, v9, v10  }
0x45e: {  	v9 =	vsub.f32 v9, v7;
	_ =	sdelay $0x1  }
0x45f: {  	v9 =	vmul.f32 $1.442695020e+00, v9;
	_ =	sdelay $0x1  }
0x460: {  	(erf) = vpow2.f32 v9  }
.Ltmp16:
0x461: {  	(pc) =	sbr.rel @p0 .LBB2_35-.Ltmp16, $3  }
0x462: {  	_ =	sdelay $0x1  }
0x463: {  	v9 =	vmov s9  }
0x464: {  	s9 =	sadd.s32 $0x10, s9;
	v9 =	vshll.u32 v9, $0x3  }
0x465: {  	v9 =	vor.u32 v6, v9;
	_ =	sdelay $0x2  }
0x466: {  	v10 =	vpop (erf)  }
0x467: {  	[tilespmem:v8+s10+$0x0] =	vst.idx.msk $0xffff, v10  }
0x468: {  	v8 =	vld.idx.msk [tilespmem:v9+s31+$0x0], $0xffff  }
0x469: {  	v10 =	vld.idx.msk [tilespmem:v9+s11+$0x0], $0xffff;
	_ =	sdelay $0x4  }
0x46a: {  	v8 =	vadd.f32 v8, v10;
	_ =	sdelay $0x1  }
0x46b: {  	v10 =	vmul.f32 $2.000000030e-01, v8  }
0x46c: {  	vm0 =	vge.f32 v8, $0.0e+00  }
0x46d: {  	v8 =	vsel vm0, v8, v10  }
0x46e: {  	v8 =	vsub.f32 v8, v7;
	_ =	sdelay $0x1  }
0x46f: {  	v8 =	vmul.f32 $1.442695020e+00, v8;
	_ =	sdelay $0x1  }
0x470: {  	(erf) = vpow2.f32 v8;
	_ =	sdelay $0x8  }
0x471: {  	v8 =	vpop (erf)  }
0x472: {  	s2 =	simm.s32 $0x0;
	[tilespmem:v9+s10+$0x0] =	vst.idx.msk $0xffff, v8  }
0x473: {  	v8 =	vmov s2;
	_ =	swait.ge [sflag:s24], $0x2000  }
0x474: {  	[sflag:s24] =	ssyncset.done $0x0  }
0x475: {  	s9 =	simm.s32 $0x134A0;
	[sflag:s24] =	ssyncadd.s32 $0xFFFFE000  }
0x476: {  	v10 =	vld [tilespmem:s9+$0xFFFFFFF0]  }
0x477: {  	v11 =	vld [tilespmem:s9+$0x10]  }
0x478: {  	v13 =	vld.idx.msk [tilespmem:v8+s10+$0x0], $0xffff  }
0x479: {  	v8 =	vld [tilespmem:s9+$0xFFFFFFE0]  }
0x47a: {  	v14 =	vld [tilespmem:s9+$0x0];
	_ =	sdelay $0x3  }
0x47b: {  	s28 =	simm.s32 $0x8;
	v9 =	vmul.f32 v8, v13;
	v12 =	vmul.f32 v11, v13  }
0x47c: {  	s13 =	simm.s32 $0x2;
	s15 =	simm.s32 $0x134A0;
	v8 =	vmov s28;
	v11 =	vmul.f32 v10, v13;
	v10 =	vmul.f32 v14, v13  }
.LBB2_37:
0x47d: {  	p0 =	sne.s32 s13, $0x7F  }
0x47e: {  	[tilespmem:s9+$0x10] =	vst v12;
	s15 =	sadd.s32 $0x40, s15;
	s2 =	smov.u32 s13;
	s13 =	sadd.s32 $0x1, s13  }
0x47f: {  	[tilespmem:s9+$0xFFFFFFE0] =	vst v9  }
0x480: {  	v13 =	vld [tilespmem:s15+$0xFFFFFFF0];
	[tilespmem:s9+$0xFFFFFFF0] =	vst v11  }
0x481: {  	v11 =	vld [tilespmem:s15+$0x10];
	[tilespmem:s9+$0x0] =	vst v10;
	s9 =	smov.u32 s15  }
0x482: {  	v10 =	vld.idx.msk [tilespmem:v8+s10+$0x0], $0xffff  }
0x483: {  	v8 =	vld [tilespmem:s15+$0xFFFFFFE0]  }
0x484: {  	v14 =	vld [tilespmem:s15+$0x0]  }
.Ltmp17:
0x485: {  	(pc) =	sbr.rel @p0 .LBB2_37-.Ltmp17, $3  }
0x486: {  	_ =	sdelay $0x1  }
0x487: {  	s2 =	sshll.u32 s2, $0x3;
	v12 =	vmul.f32 v11, v10;
	v9 =	vmul.f32 v8, v10  }
0x488: {  	v11 =	vmul.f32 v13, v10;
	v8 =	vmov s2;
	v10 =	vmul.f32 v14, v10  }
0x489: {  	[tilespmem:s9+$0x10] =	vst v12  }
0x48a: {  	s2 =	sadd.s32 $0x40, s15;
	[tilespmem:s9+$0xFFFFFFE0] =	vst v9  }
0x48b: {  	v9 =	vld [tilespmem:s2+$0xFFFFFFF0];
	[tilespmem:s9+$0xFFFFFFF0] =	vst v11  }
0x48c: {  	v11 =	vld [tilespmem:s2+$0x10];
	[tilespmem:s9+$0x0] =	vst v10  }
0x48d: {  	v8 =	vld.idx.msk [tilespmem:v8+s10+$0x0], $0xffff  }
0x48e: {  	v10 =	vld [tilespmem:s2+$0xFFFFFFE0];
	_ =	sdelay $0x1  }
0x48f: {  	v12 =	vld [tilespmem:s2+$0x0];
	_ =	sdelay $0x1  }
0x490: {  	v11 =	vmul.f32 v11, v8  }
0x491: {  	v10 =	vmul.f32 v10, v8  }
0x492: {  	s6 =	sadd.s32 $0x1, s6;
	v9 =	vmul.f32 v9, v8;
	[tilespmem:s2+$0x10] =	vst v11  }
0x493: {  	p0 =	sne.s32 s6, $0x36;
	v8 =	vmul.f32 v12, v8;
	[tilespmem:s2+$0xFFFFFFE0] =	vst v10  }
.Ltmp18:
0x494: {  	[tilespmem:s2+$0xFFFFFFF0] =	vst v9;
	(pc) =	sbr.rel @p0 .LBB2_26-.Ltmp18, $4  }
0x495: {  	s28 =	simm.s32 $0x13480;
	[tilespmem:s2+$0x0] =	vst v8  }
0x496: {  	[spmem:s4] =	stream.indirect.scatter.add.f32 [tilespmem:s28], [sflag:$0x4], $0x40, s8, s0, $0xb8;
	[tilespmem:$0x1FF90] =	vst v63  }
0x497: {  	_ = 	snop  }
0x498: {  	[spmem:s5] =	stream.indirect.scatter.add.f32 [tilespmem:s10], [sflag:$0x5], $0x8, s8, s0, $0xb8;
	[tilespmem:$0x1FF90] =	vst v63  }
0x499: {  	_ =	swait.ge [sflag:s17], $0x2000  }
0x49a: {  	[sflag:s17] =	ssyncset.done $0x0  }
0x49b: {  	[sflag:s17] =	ssyncadd.s32 $0xFFFFE000  }
0x49c: {  	_ =	swait.ge [sflag:s18], $0x400  }
0x49d: {  	[sflag:s18] =	ssyncset.done $0x0  }
0x49e: {  	[sflag:s18] =	ssyncadd.s32 $0xFFFFFC00  }
0x49f: {  	_ =	swait.ge [sflag:s17], $0x2000  }
0x4a0: {  	[sflag:s17] =	ssyncset.done $0x0  }
0x4a1: {  	[sflag:s17] =	ssyncadd.s32 $0xFFFFE000  }
0x4a2: {  	_ =	swait.ge [sflag:s18], $0x400  }
0x4a3: {  	[sflag:s18] =	ssyncset.done $0x0  }
0x4a4: {  	[sflag:s18] =	ssyncadd.s32 $0xFFFFFC00  }
0x4a5: {  	_ =	swait.ge [sflag:s21], $0x400  }
0x4a6: {  	[sflag:s21] =	ssyncset.done $0x0  }
0x4a7: {  	[sflag:s21] =	ssyncadd.s32 $0xFFFFFC00  }
0x4a8: {  	_ =	swait.ge [sflag:s22], $0x400  }
0x4a9: {  	[sflag:s22] =	ssyncset.done $0x0  }
0x4aa: {  	[sflag:s22] =	ssyncadd.s32 $0xFFFFFC00  }
0x4ab: {  	_ =	swait.ge [sflag:s24], $0x2000  }
0x4ac: {  	[sflag:s24] =	ssyncset.done $0x0  }
0x4ad: {  	[sflag:s24] =	ssyncadd.s32 $0xFFFFE000  }
0x4ae: {  	[bflag:$0x0] =	sbarrier.arrive $0xFFFF  }
0x4af: {  	s2 =	rddreg [dreg:$0xb]  }
0x4b0: {  	s13 =	simm.s32 $0x0;
	s6 =	sadd.s32 $0xA000, s2  }
.LBB2_40:
0x4b1: {  	s2 =	sshll.u32 s13, $0x5;
	s9 =	rddreg [dreg:$0xa]  }
0x4b2: {  	s2 =	sadd.s32 s9, s2  }
0x4b3: {  	s9 =	sshll.u32 s2, $0x6  }
0x4b4: {  	s9 =	sand.u32 $0x3FFFFFC0, s9  }
0x4b5: {  	s15 =	simm.s32 $0x18B80;
	s9 =	sadd.s32 s9, s4  }
0x4b6: {  	[tilespmem:s15], [sflag:$0x6] =	stream.linear.gather [spmem:s9], $0x800, $0x38;
	[tilespmem:$0x1FF90] =	vst v63  }
0x4b7: {  	s25 =	sshll.u32 s2, $0x3;
	_ =	swait.ge [sflag:s26], $0x800  }
0x4b8: {  	s2 =	sand.u32 $0x3FFFFFF8, s25;
	s15 =	simm.s32 $0x0;
	[sflag:s26] =	ssyncset.done $0x0  }
0x4b9: {  	s2 =	sadd.s32 s2, s5;
	v7 =	vmov s15;
	[sflag:s26] =	ssyncadd.s32 $0xFFFFF800  }
0x4ba: {  	[tilespmem:s14], [sflag:$0x6] =	stream.linear.gather [spmem:s2], $0x100, $0x38;
	[tilespmem:$0x1FF90] =	vst v63  }
0x4bb: {  	_ =	swait.ge [sflag:s26], $0x100  }
0x4bc: {  	[sflag:s26] =	ssyncset.done $0x0  }
0x4bd: {  	[sflag:s26] =	ssyncadd.s32 $0xFFFFFF00  }
0x4be: {  	v7 =	vld.idx.msk [tilespmem:v7+s14+$0x0], $0xffff;
	_ =	sdelay $0x4  }
0x4bf: {  	v7 =	vadd.f32 $1.000000020e-16, v7;
	_ =	sdelay $0x1  }
0x4c0: {  	(erf) = vrcp.f32 v7;
	_ =	sdelay $0x3  }
0x4c1: {  	s9 =	simm.s32 $0x18BA0  }
0x4c2: {  	v8 =	vld [tilespmem:s9+$0xFFFFFFE0];
	_ =	sdelay $0x3  }
0x4c3: {  	v7 =	vpop (erf)  }
0x4c4: {  	v8 =	vmul.f32 v8, v7  }
0x4c5: {  	s28 =	simm.s32 $0x194A0  }
0x4c6: {  	[tilespmem:s28+$0xFFFFFFE0] =	vst v8  }
0x4c7: {  	v8 =	vld [tilespmem:s9+$0xFFFFFFF0];
	_ =	sdelay $0x4  }
0x4c8: {  	v8 =	vmul.f32 v8, v7;
	_ =	sdelay $0x1  }
0x4c9: {  	[tilespmem:s28+$0xFFFFFFF0] =	vst v8  }
0x4ca: {  	v8 =	vld [tilespmem:s9+$0x0];
	_ =	sdelay $0x4  }
0x4cb: {  	v8 =	vmul.f32 v8, v7;
	_ =	sdelay $0x1  }
0x4cc: {  	[tilespmem:s28+$0x0] =	vst v8  }
0x4cd: {  	v8 =	vld [tilespmem:s9+$0x10];
	_ =	sdelay $0x1  }
0x4ce: {  	s15 =	simm.s32 $0x2;
	s2 =	simm.s32 $0x8  }
.LBB2_41:
0x4cf: {  	p0 =	sne.s32 s15, $0x1F;
	v9 =	vmov s2;
	_ =	sdelay $0x1  }
0x4d0: {  	v7 =	vmul.f32 v8, v7;
	_ =	sdelay $0x1  }
0x4d1: {  	[tilespmem:s28+$0x10] =	vst v7  }
0x4d2: {  	s9 =	sadd.s32 $0x40, s9;
	v7 =	vld.idx.msk [tilespmem:v9+s14+$0x0], $0xffff  }
0x4d3: {  	v8 =	vld [tilespmem:s9+$0xFFFFFFE0];
	_ =	sdelay $0x4  }
0x4d4: {  	v7 =	vadd.f32 $1.000000020e-16, v7;
	_ =	sdelay $0x1  }
0x4d5: {  	(erf) = vrcp.f32 v7;
	_ =	sdelay $0x8  }
0x4d6: {  	v7 =	vpop (erf)  }
0x4d7: {  	v8 =	vmul.f32 v8, v7  }
0x4d8: {  	s28 =	sadd.s32 $0x40, s28  }
0x4d9: {  	[tilespmem:s28+$0xFFFFFFE0] =	vst v8  }
0x4da: {  	v8 =	vld [tilespmem:s9+$0xFFFFFFF0];
	_ =	sdelay $0x4  }
0x4db: {  	v8 =	vmul.f32 v8, v7;
	_ =	sdelay $0x1  }
0x4dc: {  	[tilespmem:s28+$0xFFFFFFF0] =	vst v8  }
0x4dd: {  	v8 =	vld [tilespmem:s9+$0x0];
	_ =	sdelay $0x4  }
0x4de: {  	v8 =	vmul.f32 v8, v7  }
.Ltmp19:
0x4df: {  	(pc) =	sbr.rel @p0 .LBB2_41-.Ltmp19, $3  }
0x4e0: {  	[tilespmem:s28+$0x0] =	vst v8  }
0x4e1: {  	v8 =	vld [tilespmem:s9+$0x10];
	_ =	sdelay $0x1  }
0x4e2: {  	s2 =	sshll.u32 s15, $0x3;
	s15 =	sadd.s32 $0x1, s15  }
0x4e3: {  	v9 =	vmov s2;
	_ =	sdelay $0x1  }
0x4e4: {  	v7 =	vmul.f32 v8, v7;
	_ =	sdelay $0x1  }
0x4e5: {  	[tilespmem:s28+$0x10] =	vst v7  }
0x4e6: {  	v7 =	vld.idx.msk [tilespmem:v9+s14+$0x0], $0xffff;
	_ =	sdelay $0x4  }
0x4e7: {  	v7 =	vadd.f32 $1.000000020e-16, v7;
	_ =	sdelay $0x1  }
0x4e8: {  	(erf) = vrcp.f32 v7;
	_ =	sdelay $0x3  }
0x4e9: {  	s9 =	sadd.s32 $0x40, s9  }
0x4ea: {  	v7 =	vld [tilespmem:s9+$0xFFFFFFE0];
	_ =	sdelay $0x3  }
0x4eb: {  	v8 =	vpop (erf)  }
0x4ec: {  	v7 =	vmul.f32 v7, v8  }
0x4ed: {  	s15 =	sadd.s32 $0x40, s28  }
0x4ee: {  	[tilespmem:s15+$0xFFFFFFE0] =	vst v7  }
0x4ef: {  	v7 =	vld [tilespmem:s9+$0xFFFFFFF0];
	_ =	sdelay $0x4  }
0x4f0: {  	v7 =	vmul.f32 v7, v8;
	_ =	sdelay $0x1  }
0x4f1: {  	[tilespmem:s15+$0xFFFFFFF0] =	vst v7  }
0x4f2: {  	v7 =	vld [tilespmem:s9+$0x0];
	_ =	sdelay $0x4  }
0x4f3: {  	v7 =	vmul.f32 v7, v8;
	_ =	sdelay $0x1  }
0x4f4: {  	[tilespmem:s15+$0x0] =	vst v7  }
0x4f5: {  	v7 =	vld [tilespmem:s9+$0x10];
	_ =	sdelay $0x4  }
0x4f6: {  	s13 =	sadd.s32 $0x1, s13;
	v7 =	vmul.f32 v7, v8  }
0x4f7: {  	s25 =	sadd.s32 s6, s25;
	p0 =	sne.s32 s13, $0xA  }
.Ltmp20:
0x4f8: {  	s28 =	simm.s32 $0x0;
	[tilespmem:s15+$0x10] =	vst v7;
	s15 =	simm.s32 $0x19480;
	(pc) =	sbr.rel @p0 .LBB2_40-.Ltmp20, $4  }
0x4f9: {  	[hbm4b:s25+s28] =	stream.linear.scatter [tilespmem:s15], [sflag:$0x6], $0x800, $0x38;
	[tilespmem:$0x1FF90] =	vst v63  }
0x4fa: {  	_ =	swait.ge [sflag:s26], $0x800  }
0x4fb: {  	[sflag:s26] =	ssyncset.done $0x0  }
0x4fc: {  	[sflag:s26] =	ssyncadd.s32 $0xFFFFF800  }
0x4fd: {  	s6 =	rddreg [dreg:$0x17]  }
0x4fe: {  	s2 =	rddreg [dreg:$0xc];
	s6 =	sadd.s32 $0x1, s6  }
0x4ff: {  	p0 =	sne.s32 s6, s2  }
.Ltmp21:
0x500: {  	_ = 	snop;
	(pc) =	sbr.rel @p0 .LBB2_1-.Ltmp21, $1  }
0x501: {  	_ =	sdelay $0x3  }
0x502: {  	_ =	sfence.sel $0x180000  }
0x503: {  	[bflag:$0x0] =	sbarrier.arrive $0xFFFF  }
0x504: {  	_ =	strace $0x9000004A  }
0x505: {  	s0 =	stileid.u32;
	[bflag:$0x2] =	sbarrier.arrive $0xFFFF  }
0x506: {  	p0 =	sne.s32 s0, $0x0;
	s0 =	rddreg [dreg:$0x4]  }
0x507: {  	s0 =	sadd.s32 @!p0 $0x100000, s0  }
0x508: {  	[sflag:s0] =	ssyncadd.tile.s32 @!p0 $0x1;
	_ =	shalt  }
.Lfunc_end2:
_tile_overlayer_lowered:
.L_overlay_start_2:
0x509: {  	(tag) =	ssettag $0x2  }
0x50a: {  	s0 =	rddreg [dreg:$0x0];
	s2 =	stileid.u32  }
0x50b: {  	s1 =	rddreg [dreg:$0x1];
	p0 =	sne.s32 s2, $0x0  }
0x50c: {  	s3 =	rddreg [dreg:$0x2];
	[bflag:$0x3] =	sbarrier.arrive $0xFFFF;
	s2 =	simm.s32 @!p0 $0x1C06  }
0x50d: {  	[timem:s3], [sflag:s2] =	dma.local @!p0 [hbm:s0], s1  }
0x50e: {  	s0 =	simm.s32 @!p0 $0x6  }
0x50f: {  	_ =	swait.ge @!p0 [sflag:s0], s1  }
0x510: {  	s1 =	ssub.s32 @!p0 $0x0, s1;
	[sflag:s0] =	ssyncset.done @!p0 $0x0  }
0x511: {  	[sflag:s0] =	ssyncadd.s32 @!p0 s1  }
0x512: {  	[bflag:$0x3] =	sbarrier.arrive $0xFFFF  }
0x513: {  	_ =	shalt  }

// kernel: kernel.7.cloned.1.call-start
scs
__scs_entry_jumppad:
0x0: {  	(pc) =	sbr.rel $0x88, $3  }
0x1: {  	(tag) =	ssettag $0x0;
	lr =	simm.s32 $0x1  }
0x2: {  	[smem:$0x3F97] =	sst lr;
	_ =	strace $0xD0000000  }
0x3: {  	_ = 	snop  }
0x4: {  	_ = 	snop  }
0x5: {  	_ = 	snop  }
0x6: {  	_ = 	snop  }
0x7: {  	_ = 	snop  }
__scs_overlays_trampoline_lowered:
0x8: {  	[smem:$0x3FA6] =	sst s0  }
0x9: {  	[smem:$0x3FA7] =	sst s1  }
0xa: {  	[smem:$0x3FA8] =	sst s2  }
0xb: {  	[smem:$0x3FA9] =	sst s3  }
0xc: {  	[smem:$0x3FAA] =	sst s4  }
0xd: {  	[smem:$0x3FAB] =	sst s5  }
0xe: {  	[smem:$0x3FAC] =	sst s6  }
0xf: {  	[smem:$0x3FAD] =	sst s7  }
0x10: {  	[smem:$0x3FAE] =	sst s8  }
0x11: {  	[smem:$0x3FAF] =	sst s9;
	s0 =	simm.s32 @!p0 $0x0  }
0x12: {  	s1 =	sld [smem:$0x3F95];
	s0 =	simm.s32 @p0 $0x1  }
0x13: {  	[smem:$0x3FB0] =	sst s0;
	s0 =	simm.s32 @!p1 $0x0  }
0x14: {  	s2 =	sld [smem:$0x3F94];
	s0 =	simm.s32 @p1 $0x1  }
0x15: {  	[smem:$0x3FB1] =	sst s0;
	s0 =	simm.s32 @!p2 $0x0  }
0x16: {  	s3 =	sld [smem:$0x3FDB];
	s0 =	simm.s32 @p2 $0x1  }
0x17: {  	s4 =	simm.s32 $0x1BF5;
	[smem:$0x3FB3] =	sst s0  }
0x18: {  	s0 =	sld [smem:$0x3F96];
	_ =	swait.ge [sflag:s4], $0x0  }
0x19: {  	s7 =	sld [smem:$0x3F97]  }
0x1a: {  	s8 =	sadd.s32 $0xFFFFE003, lr  }
0x1b: {  	s9 =	sadd.s32 $0xFFFFFEF7, lr;
	s5 =	simm.s32 $0xFFFFFFFF;
	p2 =	slt.u32 s8, $0xFFFFF086  }
0x1c: {  	p1 =	slt.u32 s9, $0xF7A;
	s5 =	simm.s32 @!p2 $0x0  }
0x1d: {  	s5 =	simm.s32 @p1 $0x1;
	p0 =	seq.s32 s7, s2  }
0x1e: {  	s7 =	smul.u32 @!p0 $0xF7A, s2;
	p2 =	seq.s32 @!p0 s5, $0x0  }
0x1f: {  	s9 =	smul.u32 $0xF7A, s1;
	s8 =	simm.s32 @!p0 $0x1BF5;
	p2 =	por !p2, p0  }
0x20: {  	[sflag:s8] =	ssyncset.s32 @!p0 $0xFFFFF086;
	s6 =	sadd.s32 @!p0 s3, s7;
	s7 =	simm.s32 @!p0 $0x108  }
0x21: {  	s3 =	sadd.s32 s3, s9;
	s6 =	sadd.s32 @!p0 $0x88, s6;
	s7 =	simm.s32 @p2 $0x1082  }
0x22: {  	[simem:s7], [sflag:s8] =	dma.local @!p0 [hbm:s6], $0xF7A  }
0x23: {  	s9 =	sor.u32 $0xD0000000, s2;
	s6 =	simm.s32 $0x108;
	_ =	swait.ge @!p0 [sflag:s8], $0x0  }
0x24: {  	s3 =	sadd.s32 $0x88, s3;
	s6 =	simm.s32 @!p1 $0x1082;
	[sflag:s4] =	ssyncset.s32 $0xFFFFF086  }
0x25: {  	[simem:s6], [sflag:s4] =	dma.local [hbm:s3], $0xF7A  }
0x26: {  	[smem:$0x3F97] =	sst s1;
	(tag) =	ssettag s2;
	_ =	strace s9  }
0x27: {  	s1 =	sld [smem:$0x3FA7]  }
0x28: {  	s2 =	sld [smem:$0x3FA8]  }
0x29: {  	s4 =	sld [smem:$0x3FAA]  }
0x2a: {  	p0 =	seq.s32 s5, $0x0;
	s5 =	sld [smem:$0x3FAB]  }
0x2b: {  	s6 =	sld [smem:$0x3FAC]  }
0x2c: {  	s7 =	sld [smem:$0x3FAD]  }
0x2d: {  	s3 =	simm.s32 $0x108;
	s8 =	sld [smem:$0x3FAE]  }
0x2e: {  	s3 =	simm.s32 @!p0 $0x1082;
	s9 =	sld [smem:$0x3FAF]  }
0x2f: {  	lr =	sadd.s32 s0, s3;
	s0 =	sld [smem:$0x3FA6]  }
0x30: {  	s3 =	sld [smem:$0x3FA9]  }
0x31: {  	[smem:$0x3FB2] =	sst s10  }
0x32: {  	s10 =	sld [smem:$0x3FB0];
	_ =	sdelay $0x3  }
0x33: {  	p0 =	seq.s32 s10, $0x1;
	s10 =	sld [smem:$0x3FB2];
	_ =	sdelay $0x3  }
0x34: {  	[smem:$0x3FB2] =	sst s10  }
0x35: {  	s10 =	sld [smem:$0x3FB1];
	_ =	sdelay $0x3  }
0x36: {  	p1 =	seq.s32 s10, $0x1;
	s10 =	sld [smem:$0x3FB2];
	_ =	sdelay $0x3  }
0x37: {  	[smem:$0x3FB2] =	sst s10  }
0x38: {  	s10 =	sld [smem:$0x3FB3]  }
0x39: {  	_ = 	snop;
	(pc) =	sbr.ind lr, $3  }
0x3a: {  	_ = 	snop  }
0x3b: {  	_ = 	snop  }
0x3c: {  	p2 =	seq.s32 s10, $0x1;
	s10 =	sld [smem:$0x3FB2]  }
0x3d: {  	_ =	shalt  }
0x3e: {  	_ =	shalt  }
0x3f: {  	_ =	shalt  }
0x40: {  	_ =	shalt  }
0x41: {  	_ =	shalt  }
0x42: {  	_ =	shalt  }
0x43: {  	_ =	shalt  }
0x44: {  	_ =	shalt  }
0x45: {  	_ =	shalt  }
0x46: {  	_ =	shalt  }
0x47: {  	_ =	shalt  }
0x48: {  	_ =	shalt  }
0x49: {  	_ =	shalt  }
0x4a: {  	_ =	shalt  }
0x4b: {  	_ =	shalt  }
0x4c: {  	_ =	shalt  }
0x4d: {  	_ =	shalt  }
0x4e: {  	_ =	shalt  }
0x4f: {  	_ =	shalt  }
0x50: {  	_ =	shalt  }
0x51: {  	_ =	shalt  }
0x52: {  	_ =	shalt  }
0x53: {  	_ =	shalt  }
0x54: {  	_ =	shalt  }
0x55: {  	_ =	shalt  }
0x56: {  	_ =	shalt  }
0x57: {  	_ =	shalt  }
0x58: {  	_ =	shalt  }
0x59: {  	_ =	shalt  }
0x5a: {  	_ =	shalt  }
0x5b: {  	_ =	shalt  }
0x5c: {  	_ =	shalt  }
0x5d: {  	_ =	shalt  }
0x5e: {  	_ =	shalt  }
0x5f: {  	_ =	shalt  }
0x60: {  	_ =	shalt  }
0x61: {  	_ =	shalt  }
0x62: {  	_ =	shalt  }
0x63: {  	_ =	shalt  }
0x64: {  	_ =	shalt  }
0x65: {  	_ =	shalt  }
0x66: {  	_ =	shalt  }
0x67: {  	_ =	shalt  }
0x68: {  	_ =	shalt  }
0x69: {  	_ =	shalt  }
0x6a: {  	_ =	shalt  }
0x6b: {  	_ =	shalt  }
0x6c: {  	_ =	shalt  }
0x6d: {  	_ =	shalt  }
0x6e: {  	_ =	shalt  }
0x6f: {  	_ =	shalt  }
0x70: {  	_ =	shalt  }
0x71: {  	_ =	shalt  }
0x72: {  	_ =	shalt  }
0x73: {  	_ =	shalt  }
0x74: {  	_ =	shalt  }
0x75: {  	_ =	shalt  }
0x76: {  	_ =	shalt  }
0x77: {  	_ =	shalt  }
0x78: {  	_ =	shalt  }
0x79: {  	_ =	shalt  }
0x7a: {  	_ =	shalt  }
0x7b: {  	_ =	shalt  }
0x7c: {  	_ =	shalt  }
0x7d: {  	_ =	shalt  }
0x7e: {  	_ =	shalt  }
0x7f: {  	_ =	shalt  }
0x80: {  	_ =	shalt  }
0x81: {  	_ =	shalt  }
0x82: {  	_ =	shalt  }
0x83: {  	_ =	shalt  }
0x84: {  	_ =	shalt  }
0x85: {  	_ =	shalt  }
0x86: {  	_ =	shalt  }
0x87: {  	_ =	shalt  }
.Lfunc_end0:
.L_simem_size_0:
called_computation_lowered:
.L_overlay_start_0:
0x88: {  	s2 =	sld [smem:$0x3FD9]  }
0x89: {  	s3 =	sld [smem:$0x3FFE];
	_ =	sdelay $0x1  }
0x8a: {  	s1 =	srdreg.scid  }
0x8b: {  	s0 =	sand.u32 $0x1, s1  }
0x8c: {  	s17 =	sshll.u32 s0, $0xA;
	s2 =	sadd.s32 s3, s2  }
0x8d: {  	s2 =	sadd.s32 s2, s17  }
0x8e: {  	[smem:$0x3FBE] =	sst s2  }
0x8f: {  	_ = 	snop  }
0x90: {  	s2 =	sld [smem:$0x3FD0];
	(tm) =	ssettm $0x1  }
0x91: {  	s18 =	sld [smem:$0x3FFB];
	_ =	sdelay $0x3  }
0x92: {  	_ =	strace s18  }
0x93: {  	s3 =	sld [smem:$0x3FFC];
	_ =	sdelay $0x3  }
0x94: {  	_ =	strace s3  }
0x95: {  	s3 =	sld [smem:$0x3FFD];
	_ =	sdelay $0x3  }
0x96: {  	_ =	strace s3  }
0x97: {  	_ =	strace $0x8FFFFFFF  }
0x98: {  	s19 =	sld [smem:$0x3FDB];
	_ =	sdelay $0x1  }
0x99: {  	s4 =	simm.s32 $_scs_section_size  }
0x9a: {  	s5 =	simm.s32 $_size__tile_overlayer_lowered;
	s6 =	simm.s32 $_tile_overlayer_lowered  }
0x9b: {  	s22 =	simm.s32 $0x1BFF;
	s21 =	sshll.u32 s6, $0x1;
	s3 =	sadd.s32 s4, s19  }
0x9c: {  	s7 =	simm.s32 $0x0;
	s20 =	sshll.u32 s5, $0x1;
	s5 =	sadd.s32 s21, s3  }
0x9d: {  	[timem:s7], [sflag:s22] =	dma.local [hbm:s5], s20  }
0x9e: {  	_ =	swait.ge [sflag:s22], s20  }
0x9f: {  	s4 =	ssub.s32 $0x0, s20;
	[sflag:s22] =	ssyncset.done $0x0  }
0xa0: {  	[sflag:s22] =	ssyncadd.s32 s4;
	_ =	sdelay $0x1  }
0xa1: {  	s23 =	simm.s32 $0x1B8B  }
0xa2: {  	_ =	swait.ge [sflag:s23], $0x1  }
0xa3: {  	[sflag:s23] =	ssyncset.done $0x0  }
0xa4: {  	s25 =	simm.s32 $0x1B8E;
	s24 =	sld [smem:$0x3FFE];
	[sflag:s23] =	ssyncadd.s32 $0xFFFFFFFF  }
0xa5: {  	s26 =	simm.s32 $execute0_lowered;
	[smem:$0x3FD2] =	sst s25  }
0xa6: {  	s5 =	sshll.u32 s26, $0x1;
	_ =	strace $0x80000046;
	[dreg:$0x1] =	wrdreg $0xFFFFFFFF  }
0xa7: {  	s28 =	simm.s32 $_size_execute0_lowered;
	s3 =	sadd.s32 s3, s5;
	[dreg:$0x0] =	wrdreg $0x0  }
0xa8: {  	s5 =	sshll.u32 s28, $0x1;
	[dreg:$0x2] =	wrdreg s3  }
0xa9: {  	[dreg:$0x3] =	wrdreg s5  }
0xaa: {  	[dreg:$0x4] =	wrdreg $0xC0  }
0xab: {  	_ =	task [dreg:s7], $0x5FFFF  }
0xac: {  	[dreg:$0x1] =	wrdreg $0xFFFFFFFF  }
0xad: {  	[dreg:$0x0] =	wrdreg $0x60  }
0xae: {  	[dreg:$0x2] =	wrdreg s24  }
0xaf: {  	[dreg:$0x3] =	wrdreg s2  }
0xb0: {  	[dreg:$0x4] =	wrdreg $0x169900  }
0xb1: {  	[dreg:$0x5] =	wrdreg $0x1B9900  }
0xb2: {  	[dreg:$0x6] =	wrdreg $0x9  }
0xb3: {  	_ =	task.clear_ibuf [dreg:s7], $0x7FFFF;
	_ =	strace $0x90000046  }
0xb4: {  	s29 =	simm.s32 $0x9;
	_ =	strace $0x80000048  }
0xb5: {  	_ =	swait.ge [sflag:s29], $0x1  }
0xb6: {  	[sflag:s29] =	ssyncadd.s32 $0xFFFFFFFF  }
0xb7: {  	_ =	strace $0x90000048  }
0xb8: {  	_ =	sfence  }
0xb9: {  	s30 =	sld [smem:$0x0];
	_ =	sdelay $0x2  }
0xba: {  	s31 =	sshll.u32 s1, $0xD;
	s1 =	sshrl.u32 s1, $0x2  }
0xbb: {  	s3 =	sand.u32 $0x4000, s31;
	s1 =	sadd.s32 s1, s30  }
0xbc: {  	s0 =	sor.u32 s3, s0;
	s1 =	sshll.u32 s1, $0x11  }
0xbd: {  	s0 =	sor.u32 s1, s0  }
0xbe: {  	s0 =	sadd.s32 $0x8F2B, s0  }
0xbf: {  	[sflag:s0] =	ssyncadd.remote.s32 $0x1  }
0xc0: {  	_ =	sfence.sel $0xFFFF  }
0xc1: {  	[dreg:$0x0] =	wrdreg $0xFFFFFFFF;
	(pc) =	sbr.abs _section_cstart, $3  }
0xc2: {  	[dreg:$0x1] =	wrdreg $0xFFFFFFFF  }
0xc3: {  	_ =	task.clear_ibuf [dreg:s7], $0x2FFFF;
	_ =	strace $0x9FFFFFFF  }
0xc4: {  	(tm) =	ssettm $0x7FFFFFFF  }
0xc5: {  	_ =	shalt  }
tec
execute0_lowered:
.L_overlay_start_1:
0x0: {  	(tag) =	ssettag $0x1  }
0x1: {  	s1 =	rddreg [dreg:$0x0]  }
0x2: {  	s0 =	rddreg [dreg:$0x1]  }
0x3: {  	s3 =	rddreg [dreg:$0x2];
	s12 =	stileid.u32  }
0x4: {  	s4 =	rddreg [dreg:$0x3];
	s17 =	smul.u32 $0xA20, s12  }
0x5: {  	s2 =	simm.s32 $0x0;
	s5 =	srdreg.scid;
	s11 =	smul.u32 $0x14000, s12  }
0x6: {  	[smem:$0x7FF] =	sst s2;
	s5 =	sand.u32 $0x1, s5;
	s20 =	smul.u32 $0x5000, s12  }
0x7: {  	s10 =	sadd.s32 $0x31E00, s1;
	s24 =	smul.u32 $0x280, s12;
	_ =	strace $0x80000047  }
0x8: {  	s8 =	ssub.s32 $0x2, s5;
	[dreg:$0x5] =	wrdreg s10;
	s2 =	sadd.s32 s17, s1  }
0x9: {  	s22 =	smul.u32 $0xA000, s5;
	[dreg:$0x9] =	wrdreg s24;
	s19 =	sadd.s32 $0x27C00, s2  }
0xa: {  	s18 =	sshrl.u32 s8, $0x1;
	s2 =	sadd.s32 $0x1DA00, s2;
	[dreg:$0x6] =	wrdreg s19  }
0xb: {  	s21 =	sshrl.u32 s11, $0x2;
	s0 =	sadd.s32 s0, s22;
	[dreg:$0x7] =	wrdreg s2  }
0xc: {  	s23 =	sshrl.u32 s20, $0x2;
	s13 =	sadd.s32 s21, s3;
	[dreg:$0xb] =	wrdreg s0  }
0xd: {  	s8 =	ssub.s32 s8, s18;
	s2 =	sadd.s32 s23, s4;
	[dreg:$0x8] =	wrdreg s13  }
0xe: {  	s25 =	smax.u32 s8, $0x1;
	[dreg:$0xa] =	wrdreg s2  }
0xf: {  	s26 =	sadd.s32 $0x400, s13;
	[dreg:$0xc] =	wrdreg s25  }
0x10: {  	s8 =	sadd.s32 $0xC00, s13;
	[dreg:$0xd] =	wrdreg s26  }
0x11: {  	s10 =	sadd.s32 $0x1000, s13;
	[dreg:$0xf] =	wrdreg s8  }
0x12: {  	s11 =	sadd.s32 $0x1400, s13;
	[dreg:$0x10] =	wrdreg s10  }
0x13: {  	s12 =	sadd.s32 $0x1800, s13;
	[dreg:$0x11] =	wrdreg s11  }
0x14: {  	s14 =	sadd.s32 $0x1C00, s13;
	[dreg:$0x12] =	wrdreg s12  }
0x15: {  	s28 =	simm.s32 $0x5;
	s15 =	sadd.s32 $0x2000, s13;
	[dreg:$0x13] =	wrdreg s14  }
0x16: {  	s29 =	simm.s32 $0x12880;
	s16 =	sadd.s32 $0x2400, s13;
	[dreg:$0x14] =	wrdreg s15  }
0x17: {  	s30 =	simm.s32 $0x13480;
	s17 =	sadd.s32 $0x2800, s13;
	[dreg:$0x15] =	wrdreg s16  }
0x18: {  	s31 =	simm.s32 $0x2;
	s18 =	sadd.s32 $0x2C00, s13;
	[dreg:$0x16] =	wrdreg s17  }
0x19: {  	s6 =	sadd.s32 $0x13A00, s1;
	s19 =	sadd.s32 $0x3000, s13;
	[dreg:$0x17] =	wrdreg s18  }
0x1a: {  	s9 =	smul.u32 $0x2710, s5;
	s20 =	sadd.s32 $0x3400, s13;
	[dreg:$0x18] =	wrdreg s19  }
0x1b: {  	s5 =	smul.u32 $0x2718, s5;
	s21 =	sadd.s32 $0x3800, s13;
	[dreg:$0x19] =	wrdreg s20  }
0x1c: {  	s7 =	sadd.s32 $0x18A00, s1;
	s22 =	sadd.s32 $0x3C00, s13;
	[dreg:$0x1a] =	wrdreg s21  }
0x1d: {  	v2 =	vmov s5;
	s5 =	simm.s32 $0x16480;
	s23 =	sadd.s32 $0x4000, s13;
	[dreg:$0x1b] =	wrdreg s22  }
0x1e: {  	s24 =	sadd.s32 $0x4400, s13;
	s0 =	simm.s32 $0x3;
	[dreg:$0x1c] =	wrdreg s23  }
0x1f: {  	s2 =	sadd.s32 $0x800, s13;
	[dreg:$0x1d] =	wrdreg s24;
	s25 =	sadd.s32 $0x4800, s13  }
0x20: {  	s26 =	sadd.s32 $0x4C00, s13;
	s10 =	simm.s32 $0x6;
	s13 =	simm.s32 $0x14C80  }
0x21: {  	s16 =	simm.s32 $0x80;
	s19 =	simm.s32 $0x14080;
	s20 =	simm.s32 $0xF400  }
0x22: {  	v8 =	vlaneseq.u32;
	v3 =	vimm.f32 $0.0e+00;
	s22 =	simm.s32 $0x14480;
	s24 =	simm.s32 $0x12480;
	[dreg:$0xe] =	wrdreg s2  }
0x23: {  	v6 =	vimm.s32 $0x2718;
	v1 =	vshrl.u32 v8, $0x3;
	v7 =	vshrl.u32 v8, $0x2;
	s8 =	simm.s32 $0x1;
	s11 =	simm.s32 $0x12C80;
	[dreg:$0x1e] =	wrdreg s25  }
0x24: {  	v5 =	vand.u32 $0x7, v8;
	v8 =	vand.u32 $0x3, v8;
	v7 =	vmul.u32 $0x8, v7;
	s15 =	simm.s32 $0x13880;
	s12 =	simm.s32 $0x0;
	[dreg:$0x1f] =	wrdreg s26  }
0x25: {  	v4 =	vmul.u32 $0x8, v1;
	v9 =	vor.u32 $0x2, v1;
	v0 =	vmov s9;
	s25 =	simm.s32 $0x13080;
	s26 =	simm.s32 $0x4;
	s2 =	simm.s32 $0x13C80  }
.LBB2_1:
0x26: {  	[smem:$0x7FD] =	sst s12  }
0x27: {  	s9 =	simm.s32 $0x0;
	s17 =	rddreg [dreg:$0x6]  }
0x28: {  	[tilespmem:s9], [sflag:$0x6] =	stream.linear.gather [hbm4b:s17+s9], $0x5100, $0x38;
	[tilespmem:$0x1CD90] =	vst v63  }
0x29: {  	_ =	swait.ge [sflag:s10], $0x5100  }
0x2a: {  	[sflag:s10] =	ssyncset.done $0x0  }
0x2b: {  	s14 =	simm.s32 $0x5100;
	s18 =	rddreg [dreg:$0x7];
	[sflag:s10] =	ssyncadd.s32 $0xFFFFAF00  }
0x2c: {  	[tilespmem:s14], [sflag:$0x6] =	stream.linear.gather [hbm4b:s18+s9], $0x5100, $0x38;
	[tilespmem:$0x1CD90] =	vst v63  }
0x2d: {  	_ =	swait.ge [sflag:s10], $0x5100  }
0x2e: {  	[sflag:s10] =	ssyncset.done $0x0  }
0x2f: {  	s23 =	simm.s32 $0x16980;
	s21 =	rddreg [dreg:$0x5];
	[sflag:s10] =	ssyncadd.s32 $0xFFFFAF00  }
0x30: {  	[tilespmem:s23], [sflag:$0x6] =	stream.linear.gather [hbm4b:s21+s9], $0x10, $0x38;
	[tilespmem:$0x1CD90] =	vst v63  }
0x31: {  	_ =	swait.ge [sflag:s10], $0x10  }
0x32: {  	[sflag:s10] =	ssyncset.done $0x0  }
0x33: {  	[sflag:s10] =	ssyncadd.s32 $0xFFFFFFF0  }
0x34: {  	s12 =	simm.s32 $0x0;
	v10 =	vld [tilespmem:$0x16980]  }
0x35: {  	v12 =	vld [tilespmem:s12+$0x0]  }
0x36: {  	v14 =	vld [tilespmem:s12+$0x10]  }
0x37: {  	v15 =	vld [tilespmem:s12+$0x20]  }
0x38: {  	v13 =	vld [tilespmem:s12+$0x30]  }
0x39: {  	v11 =	vld [tilespmem:s12+$0x40]  }
0x3a: {  	v16 =	vadd.s32 v0, v12;
	v12 =	vld [tilespmem:s12+$0x50]  }
0x3b: {  	s14 =	simm.s32 $0x200;
	[tilespmem:s12+$0x0] =	vst v16;
	v16 =	vadd.s32 v0, v14;
	v14 =	vld [tilespmem:s12+$0x60]  }
.LBB2_2:
0x3c: {  	p0 =	sne.s32 s14, $0x14200;
	[tilespmem:s12+$0x10] =	vst v16;
	v15 =	vadd.s32 v0, v15;
	v16 =	vld [tilespmem:s12+$0x70]  }
0x3d: {  	v17 =	vld [tilespmem:s12+$0x5100];
	[tilespmem:s12+$0x20] =	vst v15;
	v13 =	vadd.s32 v0, v13  }
0x3e: {  	v15 =	vld [tilespmem:s12+$0x5110];
	[tilespmem:s12+$0x30] =	vst v13;
	v11 =	vadd.s32 v0, v11  }
0x3f: {  	v13 =	vld [tilespmem:s12+$0x5120];
	[tilespmem:s12+$0x40] =	vst v11;
	v11 =	vadd.s32 v0, v12  }
0x40: {  	v12 =	vld [tilespmem:s12+$0x5130];
	[tilespmem:s12+$0x50] =	vst v11;
	v11 =	vadd.s32 v0, v14  }
0x41: {  	v14 =	vld [tilespmem:s12+$0x5140];
	[tilespmem:s12+$0x60] =	vst v11;
	v11 =	vadd.s32 v0, v16  }
0x42: {  	v16 =	vadd.s32 v2, v17;
	v17 =	vld [tilespmem:s12+$0x5150];
	[tilespmem:s12+$0x70] =	vst v11  }
0x43: {  	[tilespmem:s12+$0xA200] =	vst v16;
	v11 =	vadd.s32 v2, v15;
	v16 =	vld [tilespmem:s12+$0x5160]  }
0x44: {  	s9 =	sshra.s32 s14, $0x2;
	[tilespmem:s12+$0xA210] =	vst v11;
	v11 =	vadd.s32 v2, v13;
	v18 =	vld [tilespmem:s12+$0x5170]  }
0x45: {  	v19 =	vld [tilespmem:s9+$0x0];
	[tilespmem:s12+$0xA220] =	vst v11;
	v11 =	vadd.s32 v2, v12  }
0x46: {  	v20 =	vld [tilespmem:s9+$0x10];
	[tilespmem:s12+$0xA230] =	vst v11;
	v11 =	vadd.s32 v2, v14  }
.Ltmp0:
0x47: {  	v15 =	vld [tilespmem:s9+$0x20];
	[tilespmem:s12+$0xA240] =	vst v11;
	v11 =	vadd.s32 v2, v17;
	(pc) =	sbr.rel @p0 .LBB2_2-.Ltmp0, $4  }
0x48: {  	v13 =	vld [tilespmem:s9+$0x30];
	[tilespmem:s12+$0xA250] =	vst v11;
	v12 =	vadd.s32 v2, v16  }
0x49: {  	v11 =	vld [tilespmem:s9+$0x40];
	[tilespmem:s12+$0xA260] =	vst v12;
	v14 =	vadd.s32 v2, v18  }
0x4a: {  	v16 =	vadd.s32 v0, v19;
	v12 =	vld [tilespmem:s9+$0x50];
	[tilespmem:s12+$0xA270] =	vst v14;
	s12 =	smov.u32 s9  }
0x4b: {  	s14 =	sadd.s32 $0x200, s14;
	[tilespmem:s12+$0x0] =	vst v16;
	v16 =	vadd.s32 v0, v20;
	v14 =	vld [tilespmem:s12+$0x60]  }
0x4c: {  	[tilespmem:s12+$0x10] =	vst v16;
	v56 =	vld [tilespmem:s12+$0x70];
	v15 =	vadd.s32 v0, v15  }
0x4d: {  	v17 =	vld [tilespmem:s12+$0x5100];
	[tilespmem:s12+$0x20] =	vst v15;
	v13 =	vadd.s32 v0, v13  }
0x4e: {  	v57 =	vld [tilespmem:s12+$0x5110];
	[tilespmem:s12+$0x30] =	vst v13;
	v11 =	vadd.s32 v0, v11  }
0x4f: {  	v58 =	vld [tilespmem:s12+$0x5120];
	[tilespmem:s12+$0x40] =	vst v11;
	v11 =	vadd.s32 v0, v12  }
0x50: {  	v59 =	vld [tilespmem:s12+$0x5130];
	[tilespmem:s12+$0x50] =	vst v11;
	v11 =	vadd.s32 v0, v14  }
0x51: {  	v60 =	vld [tilespmem:s12+$0x5140];
	[tilespmem:s12+$0x60] =	vst v11;
	v11 =	vadd.s32 v0, v56  }
0x52: {  	v61 =	vld [tilespmem:s12+$0x5150];
	v17 =	vadd.s32 v2, v17;
	[tilespmem:s12+$0x70] =	vst v11  }
0x53: {  	v62 =	vld [tilespmem:s12+$0x5160];
	[tilespmem:s12+$0xA200] =	vst v17;
	v11 =	vadd.s32 v2, v57  }
0x54: {  	v63 =	vld [tilespmem:s12+$0x5170];
	[tilespmem:s12+$0xA210] =	vst v11;
	v11 =	vadd.s32 v2, v58  }
0x55: {  	[tilespmem:s12+$0xA220] =	vst v11;
	v11 =	vadd.s32 v2, v59  }
0x56: {  	[tilespmem:s12+$0xA230] =	vst v11;
	v11 =	vadd.s32 v2, v60  }
0x57: {  	[tilespmem:s12+$0xA240] =	vst v11;
	v11 =	vadd.s32 v2, v61  }
0x58: {  	[tilespmem:s12+$0xA250] =	vst v11;
	v11 =	vadd.s32 v2, v62  }
0x59: {  	[tilespmem:s12+$0xA260] =	vst v11;
	v11 =	vadd.s32 v2, v63  }
0x5a: {  	[tilespmem:s12+$0xA270] =	vst v11  }
0x5b: {  	[tilespmem:$0x14880] =	vst v3  }
0x5c: {  	[tilespmem:$0x14890] =	vst v3  }
0x5d: {  	[tilespmem:$0x148A0] =	vst v3  }
0x5e: {  	[tilespmem:$0x148B0] =	vst v3  }
0x5f: {  	[tilespmem:$0x148C0] =	vst v3  }
0x60: {  	[tilespmem:$0x148D0] =	vst v3  }
0x61: {  	[tilespmem:$0x148E0] =	vst v3  }
0x62: {  	[tilespmem:$0x148F0] =	vst v3  }
0x63: {  	[tilespmem:$0x14900] =	vst v3  }
0x64: {  	[tilespmem:$0x14910] =	vst v3  }
0x65: {  	[tilespmem:$0x14920] =	vst v3  }
0x66: {  	[tilespmem:$0x14930] =	vst v3  }
0x67: {  	[tilespmem:$0x14940] =	vst v3  }
0x68: {  	[tilespmem:$0x14950] =	vst v3  }
0x69: {  	[tilespmem:$0x14960] =	vst v3  }
0x6a: {  	[tilespmem:$0x14970] =	vst v3  }
0x6b: {  	[tilespmem:$0x14980] =	vst v3  }
0x6c: {  	[tilespmem:$0x14990] =	vst v3  }
0x6d: {  	[tilespmem:$0x149A0] =	vst v3  }
0x6e: {  	[tilespmem:$0x149B0] =	vst v3  }
0x6f: {  	[tilespmem:$0x149C0] =	vst v3  }
0x70: {  	[tilespmem:$0x149D0] =	vst v3  }
0x71: {  	[tilespmem:$0x149E0] =	vst v3  }
0x72: {  	[tilespmem:$0x149F0] =	vst v3  }
0x73: {  	[tilespmem:$0x14A00] =	vst v3  }
0x74: {  	[tilespmem:$0x14A10] =	vst v3  }
0x75: {  	[tilespmem:$0x14A20] =	vst v3  }
0x76: {  	[tilespmem:$0x14A30] =	vst v3  }
0x77: {  	[tilespmem:$0x14A40] =	vst v3  }
0x78: {  	[tilespmem:$0x14A50] =	vst v3  }
0x79: {  	[tilespmem:$0x14A60] =	vst v3  }
0x7a: {  	[tilespmem:$0x14A70] =	vst v3  }
0x7b: {  	[tilespmem:$0x14A80] =	vst v3  }
0x7c: {  	[tilespmem:$0x14A90] =	vst v3  }
0x7d: {  	[tilespmem:$0x14AA0] =	vst v3  }
0x7e: {  	[tilespmem:$0x14AB0] =	vst v3  }
0x7f: {  	[tilespmem:$0x14AC0] =	vst v3  }
0x80: {  	[tilespmem:$0x14AD0] =	vst v3  }
0x81: {  	[tilespmem:$0x14AE0] =	vst v3  }
0x82: {  	[tilespmem:$0x14AF0] =	vst v3  }
0x83: {  	[tilespmem:$0x14B00] =	vst v3  }
0x84: {  	[tilespmem:$0x14B10] =	vst v3  }
0x85: {  	[tilespmem:$0x14B20] =	vst v3  }
0x86: {  	[tilespmem:$0x14B30] =	vst v3  }
0x87: {  	[tilespmem:$0x14B40] =	vst v3  }
0x88: {  	[tilespmem:$0x14B50] =	vst v3  }
0x89: {  	[tilespmem:$0x14B60] =	vst v3  }
0x8a: {  	[tilespmem:$0x14B70] =	vst v3  }
0x8b: {  	[tilespmem:$0x14B80] =	vst v3  }
0x8c: {  	[tilespmem:$0x14B90] =	vst v3  }
0x8d: {  	[tilespmem:$0x14BA0] =	vst v3  }
0x8e: {  	[tilespmem:$0x14BB0] =	vst v3  }
0x8f: {  	[tilespmem:$0x14BC0] =	vst v3  }
0x90: {  	[tilespmem:$0x14BD0] =	vst v3  }
0x91: {  	[tilespmem:$0x14BE0] =	vst v3  }
0x92: {  	[tilespmem:$0x14BF0] =	vst v3  }
0x93: {  	[tilespmem:$0x14C00] =	vst v3  }
0x94: {  	[tilespmem:$0x14C10] =	vst v3  }
0x95: {  	[tilespmem:$0x14C20] =	vst v3  }
0x96: {  	s9 =	simm.s32 $0x0;
	[tilespmem:$0x14C30] =	vst v3  }
0x97: {  	v11 =	vmov s9;
	[tilespmem:$0x14C40] =	vst v3  }
0x98: {  	[tilespmem:$0x14C50] =	vst v3;
	v11 =	vshll.u32 v11, $0x3  }
0x99: {  	[tilespmem:$0x14C60] =	vst v3;
	v11 =	vor.u32 v4, v11  }
0x9a: {  	s9 =	simm.s32 $0x2;
	[tilespmem:$0x14C70] =	vst v3;
	v11 =	vor.u32 v5, v11  }
.LBB2_4:
0x9b: {  	p0 =	sne.s32 s9, $0x27E  }
.Ltmp1:
0x9c: {  	_ = 	snop;
	(pc) =	sbr.rel @p0 .LBB2_4-.Ltmp1, $4  }
0x9d: {  	v12 =	vmov s9  }
0x9e: {  	v12 =	vshll.u32 v12, $0x3  }
0x9f: {  	v12 =	vor.u32 v4, v12  }
0xa0: {  	s9 =	sadd.s32 $0x2, s9;
	[tilespmem:v11+s13+$0x0] =	vst.idx.msk $0xffff, v3;
	v11 =	vor.u32 v5, v12  }
0xa1: {  	_ =	sdelay $0x3  }
0xa2: {  	[tilespmem:v11+s13+$0x0] =	vst.idx.msk $0xffff, v3;
	s9 =	rddreg [dreg:$0x8];
	s12 =	simm.s32 $0x14880  }
0xa3: {  	[spmem:s9] =	stream.linear.scatter [tilespmem:s12], [sflag:$0x6], $0x400, $0x38;
	[tilespmem:$0x1CD90] =	vst v63  }
0xa4: {  	_ =	swait.ge [sflag:s10], $0x400  }
0xa5: {  	[sflag:s10] =	ssyncset.done $0x0  }
0xa6: {  	s17 =	rddreg [dreg:$0xd];
	[sflag:s10] =	ssyncadd.s32 $0xFFFFFC00  }
0xa7: {  	[spmem:s17] =	stream.linear.scatter [tilespmem:s12], [sflag:$0x6], $0x400, $0x38;
	[tilespmem:$0x1CD90] =	vst v63  }
0xa8: {  	_ =	swait.ge [sflag:s10], $0x400  }
0xa9: {  	[sflag:s10] =	ssyncset.done $0x0  }
0xaa: {  	s18 =	rddreg [dreg:$0xe];
	[sflag:s10] =	ssyncadd.s32 $0xFFFFFC00  }
0xab: {  	[spmem:s18] =	stream.linear.scatter [tilespmem:s12], [sflag:$0x6], $0x400, $0x38;
	[tilespmem:$0x1CD90] =	vst v63  }
0xac: {  	_ =	swait.ge [sflag:s10], $0x400  }
0xad: {  	[sflag:s10] =	ssyncset.done $0x0  }
0xae: {  	s21 =	rddreg [dreg:$0xf];
	[sflag:s10] =	ssyncadd.s32 $0xFFFFFC00  }
0xaf: {  	[spmem:s21] =	stream.linear.scatter [tilespmem:s12], [sflag:$0x6], $0x400, $0x38;
	[tilespmem:$0x1CD90] =	vst v63  }
0xb0: {  	_ =	swait.ge [sflag:s10], $0x400  }
0xb1: {  	[sflag:s10] =	ssyncset.done $0x0  }
0xb2: {  	s23 =	rddreg [dreg:$0x10];
	[sflag:s10] =	ssyncadd.s32 $0xFFFFFC00  }
0xb3: {  	[spmem:s23] =	stream.linear.scatter [tilespmem:s12], [sflag:$0x6], $0x400, $0x38;
	[tilespmem:$0x1CD90] =	vst v63  }
0xb4: {  	_ =	swait.ge [sflag:s10], $0x400  }
0xb5: {  	[sflag:s10] =	ssyncset.done $0x0  }
0xb6: {  	s14 =	rddreg [dreg:$0x11];
	[sflag:s10] =	ssyncadd.s32 $0xFFFFFC00  }
0xb7: {  	[spmem:s14] =	stream.linear.scatter [tilespmem:s12], [sflag:$0x6], $0x400, $0x38;
	[tilespmem:$0x1CD90] =	vst v63  }
0xb8: {  	_ =	swait.ge [sflag:s10], $0x400  }
0xb9: {  	[sflag:s10] =	ssyncset.done $0x0  }
0xba: {  	s17 =	rddreg [dreg:$0x12];
	[sflag:s10] =	ssyncadd.s32 $0xFFFFFC00  }
0xbb: {  	[spmem:s17] =	stream.linear.scatter [tilespmem:s12], [sflag:$0x6], $0x400, $0x38;
	[tilespmem:$0x1CD90] =	vst v63  }
0xbc: {  	_ =	swait.ge [sflag:s10], $0x400  }
0xbd: {  	[sflag:s10] =	ssyncset.done $0x0  }
0xbe: {  	s18 =	rddreg [dreg:$0x13];
	[sflag:s10] =	ssyncadd.s32 $0xFFFFFC00  }
0xbf: {  	[spmem:s18] =	stream.linear.scatter [tilespmem:s12], [sflag:$0x6], $0x400, $0x38;
	[tilespmem:$0x1CD90] =	vst v63  }
0xc0: {  	_ =	swait.ge [sflag:s10], $0x400  }
0xc1: {  	[sflag:s10] =	ssyncset.done $0x0  }
0xc2: {  	s21 =	rddreg [dreg:$0x14];
	[sflag:s10] =	ssyncadd.s32 $0xFFFFFC00  }
0xc3: {  	[spmem:s21] =	stream.linear.scatter [tilespmem:s12], [sflag:$0x6], $0x400, $0x38;
	[tilespmem:$0x1CD90] =	vst v63  }
0xc4: {  	_ =	swait.ge [sflag:s10], $0x400  }
0xc5: {  	[sflag:s10] =	ssyncset.done $0x0  }
0xc6: {  	s23 =	rddreg [dreg:$0x15];
	[sflag:s10] =	ssyncadd.s32 $0xFFFFFC00  }
0xc7: {  	[spmem:s23] =	stream.linear.scatter [tilespmem:s12], [sflag:$0x6], $0x400, $0x38;
	[tilespmem:$0x1CD90] =	vst v63  }
0xc8: {  	_ =	swait.ge [sflag:s10], $0x400  }
0xc9: {  	[sflag:s10] =	ssyncset.done $0x0  }
0xca: {  	s14 =	rddreg [dreg:$0x16];
	[sflag:s10] =	ssyncadd.s32 $0xFFFFFC00  }
0xcb: {  	[spmem:s14] =	stream.linear.scatter [tilespmem:s12], [sflag:$0x6], $0x400, $0x38;
	[tilespmem:$0x1CD90] =	vst v63  }
0xcc: {  	_ =	swait.ge [sflag:s10], $0x400  }
0xcd: {  	[sflag:s10] =	ssyncset.done $0x0  }
0xce: {  	s17 =	rddreg [dreg:$0x17];
	[sflag:s10] =	ssyncadd.s32 $0xFFFFFC00  }
0xcf: {  	[spmem:s17] =	stream.linear.scatter [tilespmem:s12], [sflag:$0x6], $0x400, $0x38;
	[tilespmem:$0x1CD90] =	vst v63  }
0xd0: {  	_ =	swait.ge [sflag:s10], $0x400  }
0xd1: {  	[sflag:s10] =	ssyncset.done $0x0  }
0xd2: {  	s18 =	rddreg [dreg:$0x18];
	[sflag:s10] =	ssyncadd.s32 $0xFFFFFC00  }
0xd3: {  	[spmem:s18] =	stream.linear.scatter [tilespmem:s12], [sflag:$0x6], $0x400, $0x38;
	[tilespmem:$0x1CD90] =	vst v63  }
0xd4: {  	_ =	swait.ge [sflag:s10], $0x400  }
0xd5: {  	[sflag:s10] =	ssyncset.done $0x0  }
0xd6: {  	s21 =	rddreg [dreg:$0x19];
	[sflag:s10] =	ssyncadd.s32 $0xFFFFFC00  }
0xd7: {  	[spmem:s21] =	stream.linear.scatter [tilespmem:s12], [sflag:$0x6], $0x400, $0x38;
	[tilespmem:$0x1CD90] =	vst v63  }
0xd8: {  	_ =	swait.ge [sflag:s10], $0x400  }
0xd9: {  	[sflag:s10] =	ssyncset.done $0x0  }
0xda: {  	s23 =	rddreg [dreg:$0x1a];
	[sflag:s10] =	ssyncadd.s32 $0xFFFFFC00  }
0xdb: {  	[spmem:s23] =	stream.linear.scatter [tilespmem:s12], [sflag:$0x6], $0x400, $0x38;
	[tilespmem:$0x1CD90] =	vst v63  }
0xdc: {  	_ =	swait.ge [sflag:s10], $0x400  }
0xdd: {  	[sflag:s10] =	ssyncset.done $0x0  }
0xde: {  	s14 =	rddreg [dreg:$0x1b];
	[sflag:s10] =	ssyncadd.s32 $0xFFFFFC00  }
0xdf: {  	[spmem:s14] =	stream.linear.scatter [tilespmem:s12], [sflag:$0x6], $0x400, $0x38;
	[tilespmem:$0x1CD90] =	vst v63  }
0xe0: {  	_ =	swait.ge [sflag:s10], $0x400  }
0xe1: {  	[sflag:s10] =	ssyncset.done $0x0  }
0xe2: {  	s17 =	rddreg [dreg:$0x1c];
	[sflag:s10] =	ssyncadd.s32 $0xFFFFFC00  }
0xe3: {  	[spmem:s17] =	stream.linear.scatter [tilespmem:s12], [sflag:$0x6], $0x400, $0x38;
	[tilespmem:$0x1CD90] =	vst v63  }
0xe4: {  	_ =	swait.ge [sflag:s10], $0x400  }
0xe5: {  	[sflag:s10] =	ssyncset.done $0x0  }
0xe6: {  	s18 =	rddreg [dreg:$0x1d];
	[sflag:s10] =	ssyncadd.s32 $0xFFFFFC00  }
0xe7: {  	[spmem:s18] =	stream.linear.scatter [tilespmem:s12], [sflag:$0x6], $0x400, $0x38;
	[tilespmem:$0x1CD90] =	vst v63  }
0xe8: {  	_ =	swait.ge [sflag:s10], $0x400  }
0xe9: {  	[sflag:s10] =	ssyncset.done $0x0  }
0xea: {  	s21 =	rddreg [dreg:$0x1e];
	[sflag:s10] =	ssyncadd.s32 $0xFFFFFC00  }
0xeb: {  	[spmem:s21] =	stream.linear.scatter [tilespmem:s12], [sflag:$0x6], $0x400, $0x38;
	[tilespmem:$0x1CD90] =	vst v63  }
0xec: {  	_ =	swait.ge [sflag:s10], $0x400  }
0xed: {  	[sflag:s10] =	ssyncset.done $0x0  }
0xee: {  	s23 =	rddreg [dreg:$0x1f];
	[sflag:s10] =	ssyncadd.s32 $0xFFFFFC00  }
0xef: {  	[spmem:s23] =	stream.linear.scatter [tilespmem:s12], [sflag:$0x6], $0x400, $0x38;
	[tilespmem:$0x1CD90] =	vst v63  }
0xf0: {  	_ =	swait.ge [sflag:s10], $0x400  }
0xf1: {  	[sflag:s10] =	ssyncset.done $0x0  }
0xf2: {  	s12 =	rddreg [dreg:$0xa];
	[sflag:s10] =	ssyncadd.s32 $0xFFFFFC00  }
0xf3: {  	[spmem:s12] =	stream.linear.scatter [tilespmem:s13], [sflag:$0x6], $0x1400, $0x38;
	[tilespmem:$0x1CD90] =	vst v63  }
0xf4: {  	_ =	swait.ge [sflag:s10], $0x1400  }
0xf5: {  	[sflag:s10] =	ssyncset.done $0x0  }
0xf6: {  	[sflag:s10] =	ssyncadd.s32 $0xFFFFEC00  }
0xf7: {  	[bflag:$0x0] =	sbarrier.arrive $0xFFFF  }
0xf8: {  	[tilespmem:$0xF380] =	vst v6  }
0xf9: {  	[tilespmem:$0xF390] =	vst v6  }
0xfa: {  	[tilespmem:$0xF3A0] =	vst v6  }
0xfb: {  	[tilespmem:$0xF3B0] =	vst v6  }
0xfc: {  	[tilespmem:$0xF3C0] =	vst v6  }
0xfd: {  	[tilespmem:$0xF3D0] =	vst v6  }
0xfe: {  	[tilespmem:$0xF3E0] =	vst v6  }
0xff: {  	[tilespmem:$0xF3F0] =	vst v6  }
0x100: {  	[tilespmem:$0xF400] =	vst v6  }
0x101: {  	[tilespmem:$0xF410] =	vst v6  }
0x102: {  	[tilespmem:$0xF420] =	vst v6  }
0x103: {  	[tilespmem:$0xF430] =	vst v6  }
0x104: {  	[tilespmem:$0xF440] =	vst v6  }
0x105: {  	[tilespmem:$0xF450] =	vst v6  }
0x106: {  	[tilespmem:$0xF460] =	vst v6  }
0x107: {  	s14 =	simm.s32 $0xF380;
	s17 =	simm.s32 $0x10480;
	[tilespmem:$0xF470] =	vst v6  }
0x108: {  	[spmem:s3] =	stream.indirect.scatter.add.f32 [tilespmem:s17], [sflag:$0x4], $0x20, s14, s16, $0xb8;
	[tilespmem:$0x1CD90] =	vst v63  }
0x109: {  	_ = 	snop  }
0x10a: {  	[spmem:s4] =	stream.indirect.scatter.add.f32 [tilespmem:s19], [sflag:$0x5], $0x8, s14, s16, $0xb8;
	[tilespmem:$0x1CD90] =	vst v63  }
0x10b: {  	s18 =	simm.s32 $0x11480  }
0x10c: {  	[spmem:s3] =	stream.indirect.scatter.add.f32 [tilespmem:s18], [sflag:$0x4], $0x20, s20, s16, $0xb8;
	[tilespmem:$0x1CD90] =	vst v63  }
0x10d: {  	_ = 	snop  }
0x10e: {  	[spmem:s4] =	stream.indirect.scatter.add.f32 [tilespmem:s22], [sflag:$0x5], $0x8, s20, s16, $0xb8;
	[tilespmem:$0x1CD90] =	vst v63  }
0x10f: {  	s21 =	simm.s32 $0xF480;
	s12 =	simm.s32 $0x0  }
0x110: {  	[tilespmem:s21], [sflag:$0x1] =	stream.indirect.gather [hbm4b:s1+s16], $0x20, s12, s16, $0xb8;
	[tilespmem:$0x1CD90] =	vst v63  }
0x111: {  	_ = 	snop  }
0x112: {  	[tilespmem:s24], [sflag:$0x2] =	stream.indirect.gather [hbm4b:s6+s16], $0x8, s12, s16, $0xb8;
	[tilespmem:$0x1CD90] =	vst v63  }
0x113: {  	s23 =	simm.s32 $0xA200;
	s14 =	simm.s32 $0x0  }
0x114: {  	[tilespmem:s25], [sflag:$0x3] =	stream.indirect.gather [hbm4b:s7+s16], $0x8, s23, s16, $0xb8;
	[tilespmem:$0x1CD90] =	vst v63  }
.LBB2_6:
0x115: {  	_ =	swait.ge [sflag:s26], $0x1000  }
0x116: {  	[sflag:s26] =	ssyncset.done $0x0  }
0x117: {  	s18 =	smul.u32 $0x3, s14;
	[sflag:s26] =	ssyncadd.s32 $0xFFFFF000  }
0x118: {  	_ =	swait.ge [sflag:s28], $0x400  }
0x119: {  	s9 =	sadd.s32 $0x1, s18;
	[sflag:s28] =	ssyncset.done $0x0  }
0x11a: {  	s17 =	simm.s32 $0x10480;
	s23 =	sshll.u32 s9, $0x7;
	[sflag:s28] =	ssyncadd.s32 $0xFFFFFC00  }
0x11b: {  	[tilespmem:s17], [sflag:$0x1] =	stream.indirect.gather [hbm4b:s1+s16], $0x20, s23, s16, $0xb8;
	[tilespmem:$0x1CD90] =	vst v63  }
0x11c: {  	s17 =	smul.u32 $0x600, s14  }
0x11d: {  	[tilespmem:s29], [sflag:$0x2] =	stream.indirect.gather [hbm4b:s6+s16], $0x8, s23, s16, $0xb8;
	[tilespmem:$0x1CD90] =	vst v63  }
0x11e: {  	s21 =	sadd.s32 $0xA200, s23;
	s17 =	sshra.s32 s17, $0x2  }
0x11f: {  	[tilespmem:s30], [sflag:$0x3] =	stream.indirect.gather [hbm4b:s7+s16], $0x8, s21, s16, $0xb8;
	[tilespmem:$0x1CD90] =	vst v63  }
0x120: {  	v11 =	vld [tilespmem:s17+$0x5100];
	_ =	sdelay $0x4  }
0x121: {  	[tilespmem:$0xF300] =	vst v11  }
0x122: {  	v11 =	vld [tilespmem:s17+$0x5110];
	_ =	sdelay $0x4  }
0x123: {  	[tilespmem:$0xF310] =	vst v11  }
0x124: {  	v11 =	vld [tilespmem:s17+$0x5120];
	_ =	sdelay $0x4  }
0x125: {  	[tilespmem:$0xF320] =	vst v11  }
0x126: {  	v11 =	vld [tilespmem:s17+$0x5130];
	_ =	sdelay $0x4  }
0x127: {  	[tilespmem:$0xF330] =	vst v11  }
0x128: {  	v11 =	vld [tilespmem:s17+$0x5140];
	_ =	sdelay $0x4  }
0x129: {  	[tilespmem:$0xF340] =	vst v11  }
0x12a: {  	v11 =	vld [tilespmem:s17+$0x5150];
	_ =	sdelay $0x4  }
0x12b: {  	[tilespmem:$0xF350] =	vst v11  }
0x12c: {  	v11 =	vld [tilespmem:s17+$0x5160];
	_ =	sdelay $0x4  }
0x12d: {  	[tilespmem:$0xF360] =	vst v11  }
0x12e: {  	v11 =	vld [tilespmem:s17+$0x5170];
	_ =	sdelay $0x3  }
0x12f: {  	v12 =	vmov s12  }
0x130: {  	[tilespmem:$0xF370] =	vst v11;
	v11 =	vshll.u32 v12, $0x3  }
0x131: {  	_ =	swait.ge [sflag:s31], $0x400;
	v11 =	vor.u32 v7, v11  }
0x132: {  	[sflag:s31] =	ssyncset.done $0x0;
	v11 =	vor.u32 v8, v11  }
0x133: {  	[sflag:s31] =	ssyncadd.s32 $0xFFFFFC00  }
0x134: {  	_ =	swait.ge [sflag:s0], $0x400  }
0x135: {  	[sflag:s0] =	ssyncset.done $0x0  }
0x136: {  	[sflag:s0] =	ssyncadd.s32 $0xFFFFFC00  }
0x137: {  	v12 =	vld.idx.msk [tilespmem:v11+s25+$0x0], $0xffff  }
0x138: {  	v13 =	vld.idx.msk [tilespmem:v11+s24+$0x0], $0xffff;
	_ =	sdelay $0x4  }
0x139: {  	v12 =	vadd.f32 v12, v13;
	_ =	sdelay $0x1  }
0x13a: {  	v13 =	vmul.f32 $2.000000030e-01, v12  }
0x13b: {  	vm0 =	vge.f32 v12, $0.0e+00  }
0x13c: {  	v12 =	vsel vm0, v12, v13  }
0x13d: {  	v12 =	vsub.f32 v12, v10;
	_ =	sdelay $0x1  }
0x13e: {  	v12 =	vmul.f32 $1.442695020e+00, v12;
	_ =	sdelay $0x1  }
0x13f: {  	(erf) = vpow2.f32 v12;
	_ =	sdelay $0x1  }
0x140: {  	s21 =	simm.s32 $0x4  }
0x141: {  	v13 =	vmov s21  }
0x142: {  	s9 =	simm.s32 $0x8;
	v12 =	vshll.u32 v13, $0x3  }
.LBB2_7:
0x143: {  	p0 =	sne.s32 s9, $0x7C;
	v12 =	vor.u32 v7, v12  }
0x144: {  	v12 =	vor.u32 v8, v12;
	_ =	sdelay $0x2  }
0x145: {  	v13 =	vpop (erf)  }
0x146: {  	[tilespmem:v11+s2+$0x0] =	vst.idx.msk $0xffff, v13;
	v11 =	vmov v12  }
0x147: {  	v13 =	vld.idx.msk [tilespmem:v12+s25+$0x0], $0xffff  }
0x148: {  	v12 =	vld.idx.msk [tilespmem:v12+s24+$0x0], $0xffff;
	_ =	sdelay $0x5  }
0x149: {  	v12 =	vadd.f32 v13, v12;
	_ =	sdelay $0x1  }
0x14a: {  	v13 =	vmul.f32 $2.000000030e-01, v12  }
0x14b: {  	vm0 =	vge.f32 v12, $0.0e+00  }
0x14c: {  	v12 =	vsel vm0, v12, v13  }
0x14d: {  	v12 =	vsub.f32 v12, v10;
	_ =	sdelay $0x1  }
0x14e: {  	v12 =	vmul.f32 $1.442695020e+00, v12;
	_ =	sdelay $0x1  }
.Ltmp2:
0x14f: {  	(erf) = vpow2.f32 v12;
	(pc) =	sbr.rel @p0 .LBB2_7-.Ltmp2, $3  }
0x150: {  	_ =	sdelay $0x1  }
0x151: {  	v12 =	vmov s9  }
0x152: {  	s9 =	sadd.s32 $0x4, s9;
	v12 =	vshll.u32 v12, $0x3  }
0x153: {  	v12 =	vor.u32 v7, v12  }
0x154: {  	v12 =	vor.u32 v8, v12;
	_ =	sdelay $0x2  }
0x155: {  	v13 =	vpop (erf)  }
0x156: {  	[tilespmem:v11+s2+$0x0] =	vst.idx.msk $0xffff, v13  }
0x157: {  	v11 =	vld.idx.msk [tilespmem:v12+s25+$0x0], $0xffff  }
0x158: {  	v13 =	vld.idx.msk [tilespmem:v12+s24+$0x0], $0xffff;
	_ =	sdelay $0x4  }
0x159: {  	v11 =	vadd.f32 v11, v13;
	_ =	sdelay $0x1  }
0x15a: {  	v13 =	vmul.f32 $2.000000030e-01, v11  }
0x15b: {  	vm0 =	vge.f32 v11, $0.0e+00  }
0x15c: {  	v11 =	vsel vm0, v11, v13  }
0x15d: {  	v11 =	vsub.f32 v11, v10;
	_ =	sdelay $0x1  }
0x15e: {  	v11 =	vmul.f32 $1.442695020e+00, v11;
	_ =	sdelay $0x1  }
0x15f: {  	(erf) = vpow2.f32 v11;
	_ =	sdelay $0x7  }
0x160: {  	s9 =	simm.s32 $0x0  }
0x161: {  	v13 =	vor.u32 s9, v1;
	v11 =	vpop (erf)  }
0x162: {  	[tilespmem:v12+s2+$0x0] =	vst.idx.msk $0xffff, v11  }
0x163: {  	_ =	swait.ge [sflag:s8], $0x1000  }
0x164: {  	[sflag:s8] =	ssyncset.done $0x0  }
0x165: {  	[sflag:s8] =	ssyncadd.s32 $0xFFFFF000  }
0x166: {  	s21 =	simm.s32 $0xF490;
	v11 =	vld.idx.msk [tilespmem:v13+s2+$0x0], $0xffff  }
0x167: {  	v12 =	vld [tilespmem:s21+$0xFFFFFFF0];
	_ =	sdelay $0x2  }
0x168: {  	v13 =	vor.u32 s9, v9;
	_ =	sdelay $0x1  }
0x169: {  	v11 =	vmul.f32 v12, v11;
	_ =	sdelay $0x1  }
0x16a: {  	v12 =	vld [tilespmem:s21+$0x0];
	[tilespmem:s21+$0xFFFFFFF0] =	vst v11  }
0x16b: {  	v11 =	vld.idx.msk [tilespmem:v13+s2+$0x0], $0xffff;
	_ =	sdelay $0x1  }
0x16c: {  	s17 =	simm.s32 $0x8;
	s9 =	simm.s32 $0x2  }
.LBB2_9:
0x16d: {  	p0 =	sne.s32 s9, $0x7F;
	v13 =	vor.u32 s17, v1;
	_ =	sdelay $0x1  }
0x16e: {  	v11 =	vmul.f32 v12, v11;
	_ =	sdelay $0x1  }
0x16f: {  	[tilespmem:s21+$0x0] =	vst v11  }
0x170: {  	s21 =	sadd.s32 $0x20, s21;
	v11 =	vld.idx.msk [tilespmem:v13+s2+$0x0], $0xffff  }
0x171: {  	v12 =	vld [tilespmem:s21+$0xFFFFFFF0];
	_ =	sdelay $0x2  }
0x172: {  	v13 =	vor.u32 s17, v9;
	_ =	sdelay $0x1  }
0x173: {  	v11 =	vmul.f32 v12, v11;
	_ =	sdelay $0x1  }
.Ltmp3:
0x174: {  	[tilespmem:s21+$0xFFFFFFF0] =	vst v11;
	(pc) =	sbr.rel @p0 .LBB2_9-.Ltmp3, $3  }
0x175: {  	v11 =	vld.idx.msk [tilespmem:v13+s2+$0x0], $0xffff  }
0x176: {  	v12 =	vld [tilespmem:s21+$0x0];
	_ =	sdelay $0x1  }
0x177: {  	s17 =	sshll.u32 s9, $0x3;
	s9 =	sadd.s32 $0x1, s9  }
0x178: {  	v13 =	vor.u32 s17, v1;
	_ =	sdelay $0x1  }
0x179: {  	v11 =	vmul.f32 v12, v11;
	_ =	sdelay $0x1  }
0x17a: {  	[tilespmem:s21+$0x0] =	vst v11  }
0x17b: {  	s9 =	sadd.s32 $0x20, s21;
	v11 =	vld.idx.msk [tilespmem:v13+s2+$0x0], $0xffff  }
0x17c: {  	v12 =	vld [tilespmem:s9+$0xFFFFFFF0];
	_ =	sdelay $0x2  }
0x17d: {  	v13 =	vor.u32 s17, v9;
	_ =	sdelay $0x1  }
0x17e: {  	v11 =	vmul.f32 v12, v11;
	_ =	sdelay $0x1  }
0x17f: {  	v12 =	vld [tilespmem:s9+$0x0];
	[tilespmem:s9+$0xFFFFFFF0] =	vst v11  }
0x180: {  	v11 =	vld.idx.msk [tilespmem:v13+s2+$0x0], $0xffff;
	_ =	sdelay $0x4  }
0x181: {  	v11 =	vmul.f32 v12, v11;
	_ =	sdelay $0x1  }
0x182: {  	s21 =	simm.s32 $0xF300;
	s17 =	simm.s32 $0xF480;
	[tilespmem:s9+$0x0] =	vst v11  }
0x183: {  	[spmem:s3] =	stream.indirect.scatter.add.f32 [tilespmem:s17], [sflag:$0x4], $0x20, s21, s16, $0xb8;
	[tilespmem:$0x1CD90] =	vst v63  }
0x184: {  	_ = 	snop  }
0x185: {  	[spmem:s4] =	stream.indirect.scatter.add.f32 [tilespmem:s2], [sflag:$0x5], $0x8, s21, s16, $0xb8;
	[tilespmem:$0x1CD90] =	vst v63  }
0x186: {  	_ =	swait.ge [sflag:s26], $0x1000  }
0x187: {  	[sflag:s26] =	ssyncset.done $0x0  }
0x188: {  	[sflag:s26] =	ssyncadd.s32 $0xFFFFF000  }
0x189: {  	_ =	swait.ge [sflag:s28], $0x400  }
0x18a: {  	s21 =	sadd.s32 $0x2, s18;
	[sflag:s28] =	ssyncset.done $0x0  }
0x18b: {  	s17 =	simm.s32 $0x11480;
	s21 =	sshll.u32 s21, $0x7;
	[sflag:s28] =	ssyncadd.s32 $0xFFFFFC00  }
0x18c: {  	[tilespmem:s17], [sflag:$0x1] =	stream.indirect.gather [hbm4b:s1+s16], $0x20, s21, s16, $0xb8;
	[tilespmem:$0x1CD90] =	vst v63  }
0x18d: {  	_ = 	snop  }
0x18e: {  	[tilespmem:s11], [sflag:$0x2] =	stream.indirect.gather [hbm4b:s6+s16], $0x8, s21, s16, $0xb8;
	[tilespmem:$0x1CD90] =	vst v63  }
0x18f: {  	s23 =	sand.u32 $0x3FFFFF80, s23;
	s17 =	sadd.s32 $0xA200, s21  }
0x190: {  	[tilespmem:s15], [sflag:$0x3] =	stream.indirect.gather [hbm4b:s7+s16], $0x8, s17, s16, $0xb8;
	[tilespmem:$0x1CD90] =	vst v63  }
0x191: {  	v11 =	vld [tilespmem:s23+$0x5100];
	_ =	sdelay $0x4  }
0x192: {  	[tilespmem:$0xF380] =	vst v11  }
0x193: {  	v11 =	vld [tilespmem:s23+$0x5110];
	_ =	sdelay $0x4  }
0x194: {  	[tilespmem:$0xF390] =	vst v11  }
0x195: {  	v11 =	vld [tilespmem:s23+$0x5120];
	_ =	sdelay $0x4  }
0x196: {  	[tilespmem:$0xF3A0] =	vst v11  }
0x197: {  	v11 =	vld [tilespmem:s23+$0x5130];
	_ =	sdelay $0x4  }
0x198: {  	[tilespmem:$0xF3B0] =	vst v11  }
0x199: {  	v11 =	vld [tilespmem:s23+$0x5140];
	_ =	sdelay $0x4  }
0x19a: {  	[tilespmem:$0xF3C0] =	vst v11  }
0x19b: {  	v11 =	vld [tilespmem:s23+$0x5150];
	_ =	sdelay $0x4  }
0x19c: {  	[tilespmem:$0xF3D0] =	vst v11  }
0x19d: {  	v11 =	vld [tilespmem:s23+$0x5160];
	_ =	sdelay $0x4  }
0x19e: {  	[tilespmem:$0xF3E0] =	vst v11  }
0x19f: {  	v11 =	vld [tilespmem:s23+$0x5170];
	_ =	sdelay $0x2  }
0x1a0: {  	s17 =	simm.s32 $0x0  }
0x1a1: {  	v12 =	vmov s17  }
0x1a2: {  	[tilespmem:$0xF3F0] =	vst v11;
	v11 =	vshll.u32 v12, $0x3  }
0x1a3: {  	_ =	swait.ge [sflag:s31], $0x400;
	v11 =	vor.u32 v7, v11  }
0x1a4: {  	[sflag:s31] =	ssyncset.done $0x0;
	v11 =	vor.u32 v8, v11  }
0x1a5: {  	[sflag:s31] =	ssyncadd.s32 $0xFFFFFC00  }
0x1a6: {  	_ =	swait.ge [sflag:s0], $0x400  }
0x1a7: {  	[sflag:s0] =	ssyncset.done $0x0  }
0x1a8: {  	[sflag:s0] =	ssyncadd.s32 $0xFFFFFC00  }
0x1a9: {  	v12 =	vld.idx.msk [tilespmem:v11+s30+$0x0], $0xffff  }
0x1aa: {  	v13 =	vld.idx.msk [tilespmem:v11+s29+$0x0], $0xffff;
	_ =	sdelay $0x4  }
0x1ab: {  	v12 =	vadd.f32 v12, v13;
	_ =	sdelay $0x1  }
0x1ac: {  	v13 =	vmul.f32 $2.000000030e-01, v12  }
0x1ad: {  	vm0 =	vge.f32 v12, $0.0e+00  }
0x1ae: {  	v12 =	vsel vm0, v12, v13  }
0x1af: {  	v12 =	vsub.f32 v12, v10;
	_ =	sdelay $0x1  }
0x1b0: {  	v12 =	vmul.f32 $1.442695020e+00, v12;
	_ =	sdelay $0x1  }
0x1b1: {  	(erf) = vpow2.f32 v12;
	_ =	sdelay $0x1  }
0x1b2: {  	s23 =	simm.s32 $0x4  }
0x1b3: {  	v13 =	vmov s23  }
0x1b4: {  	s9 =	simm.s32 $0x8;
	v12 =	vshll.u32 v13, $0x3  }
.LBB2_11:
0x1b5: {  	p0 =	sne.s32 s9, $0x7C;
	v12 =	vor.u32 v7, v12  }
0x1b6: {  	v12 =	vor.u32 v8, v12;
	_ =	sdelay $0x2  }
0x1b7: {  	v13 =	vpop (erf)  }
0x1b8: {  	[tilespmem:v11+s19+$0x0] =	vst.idx.msk $0xffff, v13;
	v11 =	vmov v12  }
0x1b9: {  	v13 =	vld.idx.msk [tilespmem:v12+s30+$0x0], $0xffff  }
0x1ba: {  	v12 =	vld.idx.msk [tilespmem:v12+s29+$0x0], $0xffff;
	_ =	sdelay $0x5  }
0x1bb: {  	v12 =	vadd.f32 v13, v12;
	_ =	sdelay $0x1  }
0x1bc: {  	v13 =	vmul.f32 $2.000000030e-01, v12  }
0x1bd: {  	vm0 =	vge.f32 v12, $0.0e+00  }
0x1be: {  	v12 =	vsel vm0, v12, v13  }
0x1bf: {  	v12 =	vsub.f32 v12, v10;
	_ =	sdelay $0x1  }
0x1c0: {  	v12 =	vmul.f32 $1.442695020e+00, v12;
	_ =	sdelay $0x1  }
.Ltmp4:
0x1c1: {  	(erf) = vpow2.f32 v12;
	(pc) =	sbr.rel @p0 .LBB2_11-.Ltmp4, $3  }
0x1c2: {  	_ =	sdelay $0x1  }
0x1c3: {  	v12 =	vmov s9  }
0x1c4: {  	s9 =	sadd.s32 $0x4, s9;
	v12 =	vshll.u32 v12, $0x3  }
0x1c5: {  	v12 =	vor.u32 v7, v12  }
0x1c6: {  	v12 =	vor.u32 v8, v12;
	_ =	sdelay $0x2  }
0x1c7: {  	v13 =	vpop (erf)  }
0x1c8: {  	[tilespmem:v11+s19+$0x0] =	vst.idx.msk $0xffff, v13  }
0x1c9: {  	v11 =	vld.idx.msk [tilespmem:v12+s30+$0x0], $0xffff  }
0x1ca: {  	v13 =	vld.idx.msk [tilespmem:v12+s29+$0x0], $0xffff;
	_ =	sdelay $0x4  }
0x1cb: {  	v11 =	vadd.f32 v11, v13;
	_ =	sdelay $0x1  }
0x1cc: {  	v13 =	vmul.f32 $2.000000030e-01, v11  }
0x1cd: {  	vm0 =	vge.f32 v11, $0.0e+00  }
0x1ce: {  	v11 =	vsel vm0, v11, v13  }
0x1cf: {  	v11 =	vsub.f32 v11, v10;
	_ =	sdelay $0x1  }
0x1d0: {  	v11 =	vmul.f32 $1.442695020e+00, v11;
	_ =	sdelay $0x1  }
0x1d1: {  	(erf) = vpow2.f32 v11;
	_ =	sdelay $0x7  }
0x1d2: {  	s9 =	simm.s32 $0x0  }
0x1d3: {  	v13 =	vor.u32 s9, v1;
	v11 =	vpop (erf)  }
0x1d4: {  	[tilespmem:v12+s19+$0x0] =	vst.idx.msk $0xffff, v11  }
0x1d5: {  	_ =	swait.ge [sflag:s8], $0x1000  }
0x1d6: {  	[sflag:s8] =	ssyncset.done $0x0  }
0x1d7: {  	[sflag:s8] =	ssyncadd.s32 $0xFFFFF000  }
0x1d8: {  	s23 =	simm.s32 $0x10490;
	v11 =	vld.idx.msk [tilespmem:v13+s19+$0x0], $0xffff  }
0x1d9: {  	v12 =	vld [tilespmem:s23+$0xFFFFFFF0];
	_ =	sdelay $0x2  }
0x1da: {  	v13 =	vor.u32 s9, v9;
	_ =	sdelay $0x1  }
0x1db: {  	v11 =	vmul.f32 v12, v11;
	_ =	sdelay $0x1  }
0x1dc: {  	v12 =	vld [tilespmem:s23+$0x0];
	[tilespmem:s23+$0xFFFFFFF0] =	vst v11  }
0x1dd: {  	v11 =	vld.idx.msk [tilespmem:v13+s19+$0x0], $0xffff;
	_ =	sdelay $0x1  }
0x1de: {  	s17 =	simm.s32 $0x8;
	s9 =	simm.s32 $0x2  }
.LBB2_13:
0x1df: {  	p0 =	sne.s32 s9, $0x7F;
	v13 =	vor.u32 s17, v1;
	_ =	sdelay $0x1  }
0x1e0: {  	v11 =	vmul.f32 v12, v11;
	_ =	sdelay $0x1  }
0x1e1: {  	[tilespmem:s23+$0x0] =	vst v11  }
0x1e2: {  	s23 =	sadd.s32 $0x20, s23;
	v11 =	vld.idx.msk [tilespmem:v13+s19+$0x0], $0xffff  }
0x1e3: {  	v12 =	vld [tilespmem:s23+$0xFFFFFFF0];
	_ =	sdelay $0x2  }
0x1e4: {  	v13 =	vor.u32 s17, v9;
	_ =	sdelay $0x1  }
0x1e5: {  	v11 =	vmul.f32 v12, v11;
	_ =	sdelay $0x1  }
.Ltmp5:
0x1e6: {  	[tilespmem:s23+$0xFFFFFFF0] =	vst v11;
	(pc) =	sbr.rel @p0 .LBB2_13-.Ltmp5, $3  }
0x1e7: {  	v11 =	vld.idx.msk [tilespmem:v13+s19+$0x0], $0xffff  }
0x1e8: {  	v12 =	vld [tilespmem:s23+$0x0];
	_ =	sdelay $0x1  }
0x1e9: {  	s17 =	sshll.u32 s9, $0x3;
	s9 =	sadd.s32 $0x1, s9  }
0x1ea: {  	v13 =	vor.u32 s17, v1;
	_ =	sdelay $0x1  }
0x1eb: {  	v11 =	vmul.f32 v12, v11;
	_ =	sdelay $0x1  }
0x1ec: {  	[tilespmem:s23+$0x0] =	vst v11  }
0x1ed: {  	s9 =	sadd.s32 $0x20, s23;
	v11 =	vld.idx.msk [tilespmem:v13+s19+$0x0], $0xffff  }
0x1ee: {  	v12 =	vld [tilespmem:s9+$0xFFFFFFF0];
	_ =	sdelay $0x2  }
0x1ef: {  	v13 =	vor.u32 s17, v9;
	_ =	sdelay $0x1  }
0x1f0: {  	v11 =	vmul.f32 v12, v11;
	_ =	sdelay $0x1  }
0x1f1: {  	v12 =	vld [tilespmem:s9+$0x0];
	[tilespmem:s9+$0xFFFFFFF0] =	vst v11  }
0x1f2: {  	v11 =	vld.idx.msk [tilespmem:v13+s19+$0x0], $0xffff;
	_ =	sdelay $0x4  }
0x1f3: {  	v11 =	vmul.f32 v12, v11;
	_ =	sdelay $0x1  }
0x1f4: {  	s23 =	simm.s32 $0x10480;
	[tilespmem:s9+$0x0] =	vst v11;
	s9 =	simm.s32 $0xF380  }
0x1f5: {  	[spmem:s3] =	stream.indirect.scatter.add.f32 [tilespmem:s23], [sflag:$0x4], $0x20, s9, s16, $0xb8;
	[tilespmem:$0x1CD90] =	vst v63  }
0x1f6: {  	_ = 	snop  }
0x1f7: {  	[spmem:s4] =	stream.indirect.scatter.add.f32 [tilespmem:s19], [sflag:$0x5], $0x8, s9, s16, $0xb8;
	[tilespmem:$0x1CD90] =	vst v63  }
0x1f8: {  	_ =	swait.ge [sflag:s26], $0x1000  }
0x1f9: {  	[sflag:s26] =	ssyncset.done $0x0  }
0x1fa: {  	[sflag:s26] =	ssyncadd.s32 $0xFFFFF000  }
0x1fb: {  	s18 =	smin.u32 s18, $0x9E;
	_ =	swait.ge [sflag:s28], $0x400  }
0x1fc: {  	s9 =	sshll.u32 s18, $0x7;
	[sflag:s28] =	ssyncset.done $0x0  }
0x1fd: {  	s23 =	simm.s32 $0xF480;
	s17 =	sadd.s32 $0x180, s9;
	[sflag:s28] =	ssyncadd.s32 $0xFFFFFC00  }
0x1fe: {  	[tilespmem:s23], [sflag:$0x1] =	stream.indirect.gather [hbm4b:s1+s16], $0x20, s17, s16, $0xb8;
	[tilespmem:$0x1CD90] =	vst v63  }
0x1ff: {  	_ = 	snop  }
0x200: {  	[tilespmem:s24], [sflag:$0x2] =	stream.indirect.gather [hbm4b:s6+s16], $0x8, s17, s16, $0xb8;
	[tilespmem:$0x1CD90] =	vst v63  }
0x201: {  	s18 =	sand.u32 $0x3FFFFF80, s21;
	s9 =	sadd.s32 $0xA380, s9  }
0x202: {  	[tilespmem:s25], [sflag:$0x3] =	stream.indirect.gather [hbm4b:s7+s16], $0x8, s9, s16, $0xb8;
	[tilespmem:$0x1CD90] =	vst v63  }
0x203: {  	v11 =	vld [tilespmem:s18+$0x5100];
	_ =	sdelay $0x4  }
0x204: {  	[tilespmem:$0xF400] =	vst v11  }
0x205: {  	v11 =	vld [tilespmem:s18+$0x5110];
	_ =	sdelay $0x4  }
0x206: {  	[tilespmem:$0xF410] =	vst v11  }
0x207: {  	v11 =	vld [tilespmem:s18+$0x5120];
	_ =	sdelay $0x4  }
0x208: {  	[tilespmem:$0xF420] =	vst v11  }
0x209: {  	v11 =	vld [tilespmem:s18+$0x5130];
	_ =	sdelay $0x4  }
0x20a: {  	[tilespmem:$0xF430] =	vst v11  }
0x20b: {  	v11 =	vld [tilespmem:s18+$0x5140];
	_ =	sdelay $0x4  }
0x20c: {  	[tilespmem:$0xF440] =	vst v11  }
0x20d: {  	v11 =	vld [tilespmem:s18+$0x5150];
	_ =	sdelay $0x4  }
0x20e: {  	[tilespmem:$0xF450] =	vst v11  }
0x20f: {  	v11 =	vld [tilespmem:s18+$0x5160];
	_ =	sdelay $0x4  }
0x210: {  	[tilespmem:$0xF460] =	vst v11  }
0x211: {  	v11 =	vld [tilespmem:s18+$0x5170];
	_ =	sdelay $0x2  }
0x212: {  	s21 =	simm.s32 $0x0  }
0x213: {  	v12 =	vmov s21  }
0x214: {  	[tilespmem:$0xF470] =	vst v11;
	v11 =	vshll.u32 v12, $0x3  }
0x215: {  	_ =	swait.ge [sflag:s31], $0x400;
	v11 =	vor.u32 v7, v11  }
0x216: {  	[sflag:s31] =	ssyncset.done $0x0;
	v11 =	vor.u32 v8, v11  }
0x217: {  	[sflag:s31] =	ssyncadd.s32 $0xFFFFFC00  }
0x218: {  	_ =	swait.ge [sflag:s0], $0x400  }
0x219: {  	[sflag:s0] =	ssyncset.done $0x0  }
0x21a: {  	[sflag:s0] =	ssyncadd.s32 $0xFFFFFC00  }
0x21b: {  	v12 =	vld.idx.msk [tilespmem:v11+s15+$0x0], $0xffff  }
0x21c: {  	v13 =	vld.idx.msk [tilespmem:v11+s11+$0x0], $0xffff;
	_ =	sdelay $0x4  }
0x21d: {  	v12 =	vadd.f32 v12, v13;
	_ =	sdelay $0x1  }
0x21e: {  	v13 =	vmul.f32 $2.000000030e-01, v12  }
0x21f: {  	vm0 =	vge.f32 v12, $0.0e+00  }
0x220: {  	v12 =	vsel vm0, v12, v13  }
0x221: {  	v12 =	vsub.f32 v12, v10;
	_ =	sdelay $0x1  }
0x222: {  	v12 =	vmul.f32 $1.442695020e+00, v12;
	_ =	sdelay $0x1  }
0x223: {  	(erf) = vpow2.f32 v12;
	_ =	sdelay $0x1  }
0x224: {  	s23 =	simm.s32 $0x4  }
0x225: {  	v13 =	vmov s23  }
0x226: {  	s9 =	simm.s32 $0x8;
	v12 =	vshll.u32 v13, $0x3  }
.LBB2_15:
0x227: {  	p0 =	sne.s32 s9, $0x7C;
	v12 =	vor.u32 v7, v12  }
0x228: {  	v12 =	vor.u32 v8, v12;
	_ =	sdelay $0x2  }
0x229: {  	v13 =	vpop (erf)  }
0x22a: {  	[tilespmem:v11+s22+$0x0] =	vst.idx.msk $0xffff, v13;
	v11 =	vmov v12  }
0x22b: {  	v13 =	vld.idx.msk [tilespmem:v12+s15+$0x0], $0xffff  }
0x22c: {  	v12 =	vld.idx.msk [tilespmem:v12+s11+$0x0], $0xffff;
	_ =	sdelay $0x5  }
0x22d: {  	v12 =	vadd.f32 v13, v12;
	_ =	sdelay $0x1  }
0x22e: {  	v13 =	vmul.f32 $2.000000030e-01, v12  }
0x22f: {  	vm0 =	vge.f32 v12, $0.0e+00  }
0x230: {  	v12 =	vsel vm0, v12, v13  }
0x231: {  	v12 =	vsub.f32 v12, v10;
	_ =	sdelay $0x1  }
0x232: {  	v12 =	vmul.f32 $1.442695020e+00, v12;
	_ =	sdelay $0x1  }
.Ltmp6:
0x233: {  	(erf) = vpow2.f32 v12;
	(pc) =	sbr.rel @p0 .LBB2_15-.Ltmp6, $3  }
0x234: {  	_ =	sdelay $0x1  }
0x235: {  	v12 =	vmov s9  }
0x236: {  	s9 =	sadd.s32 $0x4, s9;
	v12 =	vshll.u32 v12, $0x3  }
0x237: {  	v12 =	vor.u32 v7, v12  }
0x238: {  	v12 =	vor.u32 v8, v12;
	_ =	sdelay $0x2  }
0x239: {  	v13 =	vpop (erf)  }
0x23a: {  	[tilespmem:v11+s22+$0x0] =	vst.idx.msk $0xffff, v13  }
0x23b: {  	v11 =	vld.idx.msk [tilespmem:v12+s15+$0x0], $0xffff  }
0x23c: {  	v13 =	vld.idx.msk [tilespmem:v12+s11+$0x0], $0xffff;
	_ =	sdelay $0x4  }
0x23d: {  	v11 =	vadd.f32 v11, v13;
	_ =	sdelay $0x1  }
0x23e: {  	v13 =	vmul.f32 $2.000000030e-01, v11  }
0x23f: {  	vm0 =	vge.f32 v11, $0.0e+00  }
0x240: {  	v11 =	vsel vm0, v11, v13  }
0x241: {  	v11 =	vsub.f32 v11, v10;
	_ =	sdelay $0x1  }
0x242: {  	v11 =	vmul.f32 $1.442695020e+00, v11;
	_ =	sdelay $0x1  }
0x243: {  	(erf) = vpow2.f32 v11;
	_ =	sdelay $0x7  }
0x244: {  	s9 =	simm.s32 $0x0  }
0x245: {  	v13 =	vor.u32 s9, v1;
	v11 =	vpop (erf)  }
0x246: {  	[tilespmem:v12+s22+$0x0] =	vst.idx.msk $0xffff, v11  }
0x247: {  	_ =	swait.ge [sflag:s8], $0x1000  }
0x248: {  	[sflag:s8] =	ssyncset.done $0x0  }
0x249: {  	[sflag:s8] =	ssyncadd.s32 $0xFFFFF000  }
0x24a: {  	s18 =	simm.s32 $0x11490;
	v11 =	vld.idx.msk [tilespmem:v13+s22+$0x0], $0xffff  }
0x24b: {  	v12 =	vld [tilespmem:s18+$0xFFFFFFF0];
	_ =	sdelay $0x2  }
0x24c: {  	v13 =	vor.u32 s9, v9;
	_ =	sdelay $0x1  }
0x24d: {  	v11 =	vmul.f32 v12, v11;
	_ =	sdelay $0x1  }
0x24e: {  	v12 =	vld [tilespmem:s18+$0x0];
	[tilespmem:s18+$0xFFFFFFF0] =	vst v11  }
0x24f: {  	v11 =	vld.idx.msk [tilespmem:v13+s22+$0x0], $0xffff;
	_ =	sdelay $0x1  }
0x250: {  	s17 =	simm.s32 $0x8;
	s9 =	simm.s32 $0x2  }
.LBB2_17:
0x251: {  	p0 =	sne.s32 s9, $0x7F;
	v13 =	vor.u32 s17, v1;
	_ =	sdelay $0x1  }
0x252: {  	v11 =	vmul.f32 v12, v11;
	_ =	sdelay $0x1  }
0x253: {  	[tilespmem:s18+$0x0] =	vst v11  }
0x254: {  	s18 =	sadd.s32 $0x20, s18;
	v11 =	vld.idx.msk [tilespmem:v13+s22+$0x0], $0xffff  }
0x255: {  	v12 =	vld [tilespmem:s18+$0xFFFFFFF0];
	_ =	sdelay $0x2  }
0x256: {  	v13 =	vor.u32 s17, v9;
	_ =	sdelay $0x1  }
0x257: {  	v11 =	vmul.f32 v12, v11;
	_ =	sdelay $0x1  }
.Ltmp7:
0x258: {  	[tilespmem:s18+$0xFFFFFFF0] =	vst v11;
	(pc) =	sbr.rel @p0 .LBB2_17-.Ltmp7, $3  }
0x259: {  	v11 =	vld.idx.msk [tilespmem:v13+s22+$0x0], $0xffff  }
0x25a: {  	v12 =	vld [tilespmem:s18+$0x0];
	_ =	sdelay $0x1  }
0x25b: {  	s17 =	sshll.u32 s9, $0x3;
	s9 =	sadd.s32 $0x1, s9  }
0x25c: {  	v13 =	vor.u32 s17, v1;
	_ =	sdelay $0x1  }
0x25d: {  	v11 =	vmul.f32 v12, v11;
	_ =	sdelay $0x1  }
0x25e: {  	[tilespmem:s18+$0x0] =	vst v11  }
0x25f: {  	s9 =	sadd.s32 $0x20, s18;
	v11 =	vld.idx.msk [tilespmem:v13+s22+$0x0], $0xffff  }
0x260: {  	v61 =	vld [tilespmem:s9+$0xFFFFFFF0];
	_ =	sdelay $0x2  }
0x261: {  	v62 =	vor.u32 s17, v9;
	_ =	sdelay $0x1  }
0x262: {  	v11 =	vmul.f32 v61, v11;
	_ =	sdelay $0x1  }
0x263: {  	v63 =	vld [tilespmem:s9+$0x0];
	[tilespmem:s9+$0xFFFFFFF0] =	vst v11  }
0x264: {  	v11 =	vld.idx.msk [tilespmem:v62+s22+$0x0], $0xffff;
	_ =	sdelay $0x3  }
0x265: {  	s14 =	sadd.s32 $0x1, s14  }
0x266: {  	p0 =	sne.s32 s14, $0x36;
	v11 =	vmul.f32 v63, v11  }
.Ltmp8:
0x267: {  	_ = 	snop;
	(pc) =	sbr.rel @p0 .LBB2_6-.Ltmp8, $4  }
0x268: {  	s23 =	simm.s32 $0x11480;
	[tilespmem:s9+$0x0] =	vst v11  }
0x269: {  	[spmem:s3] =	stream.indirect.scatter.add.f32 [tilespmem:s23], [sflag:$0x4], $0x20, s20, s16, $0xb8;
	[tilespmem:$0x1CD90] =	vst v63  }
0x26a: {  	_ = 	snop  }
0x26b: {  	[spmem:s4] =	stream.indirect.scatter.add.f32 [tilespmem:s22], [sflag:$0x5], $0x8, s20, s16, $0xb8;
	[tilespmem:$0x1CD90] =	vst v63  }
0x26c: {  	_ =	swait.ge [sflag:s26], $0x1000  }
0x26d: {  	[sflag:s26] =	ssyncset.done $0x0  }
0x26e: {  	[sflag:s26] =	ssyncadd.s32 $0xFFFFF000  }
0x26f: {  	_ =	swait.ge [sflag:s28], $0x400  }
0x270: {  	[sflag:s28] =	ssyncset.done $0x0  }
0x271: {  	[sflag:s28] =	ssyncadd.s32 $0xFFFFFC00  }
0x272: {  	_ =	swait.ge [sflag:s26], $0x1000  }
0x273: {  	[sflag:s26] =	ssyncset.done $0x0  }
0x274: {  	[sflag:s26] =	ssyncadd.s32 $0xFFFFF000  }
0x275: {  	_ =	swait.ge [sflag:s28], $0x400  }
0x276: {  	[sflag:s28] =	ssyncset.done $0x0  }
0x277: {  	[sflag:s28] =	ssyncadd.s32 $0xFFFFFC00  }
0x278: {  	_ =	swait.ge [sflag:s31], $0x400  }
0x279: {  	[sflag:s31] =	ssyncset.done $0x0  }
0x27a: {  	[sflag:s31] =	ssyncadd.s32 $0xFFFFFC00  }
0x27b: {  	_ =	swait.ge [sflag:s0], $0x400  }
0x27c: {  	[sflag:s0] =	ssyncset.done $0x0  }
0x27d: {  	[sflag:s0] =	ssyncadd.s32 $0xFFFFFC00  }
0x27e: {  	_ =	swait.ge [sflag:s8], $0x1000  }
0x27f: {  	[sflag:s8] =	ssyncset.done $0x0  }
0x280: {  	[sflag:s8] =	ssyncadd.s32 $0xFFFFF000  }
0x281: {  	s12 =	simm.s32 $0x0;
	[bflag:$0x0] =	sbarrier.arrive $0xFFFF  }
.LBB2_20:
0x282: {  	s9 =	sshll.u32 s12, $0x5;
	s14 =	rddreg [dreg:$0x9]  }
0x283: {  	s14 =	sadd.s32 s14, s9  }
0x284: {  	s9 =	sshll.u32 s14, $0x5  }
0x285: {  	s9 =	sand.u32 $0x3FFFFFE0, s9  }
0x286: {  	s17 =	simm.s32 $0x16080;
	s9 =	sadd.s32 s9, s3  }
0x287: {  	[tilespmem:s17], [sflag:$0x6] =	stream.linear.gather [spmem:s9], $0x400, $0x38;
	[tilespmem:$0x1CD90] =	vst v63  }
0x288: {  	s21 =	sshll.u32 s14, $0x3;
	_ =	swait.ge [sflag:s10], $0x400  }
0x289: {  	s23 =	simm.s32 $0x0;
	s9 =	sand.u32 $0x3FFFFFF8, s21;
	[sflag:s10] =	ssyncset.done $0x0  }
0x28a: {  	v10 =	vor.u32 s23, v1;
	s9 =	sadd.s32 s9, s4;
	[sflag:s10] =	ssyncadd.s32 $0xFFFFFC00  }
0x28b: {  	[tilespmem:s5], [sflag:$0x6] =	stream.linear.gather [spmem:s9], $0x100, $0x38;
	[tilespmem:$0x1CD90] =	vst v63  }
0x28c: {  	_ =	swait.ge [sflag:s10], $0x100  }
0x28d: {  	[sflag:s10] =	ssyncset.done $0x0  }
0x28e: {  	[sflag:s10] =	ssyncadd.s32 $0xFFFFFF00  }
0x28f: {  	v10 =	vld.idx.msk [tilespmem:v10+s5+$0x0], $0xffff;
	_ =	sdelay $0x4  }
0x290: {  	v10 =	vadd.f32 $1.000000020e-16, v10;
	_ =	sdelay $0x1  }
0x291: {  	(erf) = vrcp.f32 v10;
	_ =	sdelay $0x3  }
0x292: {  	s21 =	simm.s32 $0x16090  }
0x293: {  	v10 =	vld [tilespmem:s21+$0xFFFFFFF0];
	_ =	sdelay $0x2  }
0x294: {  	v11 =	vor.u32 s23, v9  }
0x295: {  	v12 =	vpop (erf)  }
0x296: {  	v10 =	vmul.f32 v12, v10  }
0x297: {  	s18 =	simm.s32 $0x16590  }
0x298: {  	[tilespmem:s18+$0xFFFFFFF0] =	vst v10  }
0x299: {  	v10 =	vld.idx.msk [tilespmem:v11+s5+$0x0], $0xffff;
	_ =	sdelay $0x4  }
0x29a: {  	v11 =	vadd.f32 $1.000000020e-16, v10;
	_ =	sdelay $0x1  }
0x29b: {  	(erf) = vrcp.f32 v11;
	_ =	sdelay $0x4  }
0x29c: {  	v10 =	vld [tilespmem:s21+$0x0];
	_ =	sdelay $0x1  }
0x29d: {  	s23 =	simm.s32 $0x2;
	s9 =	simm.s32 $0x8  }
.LBB2_21:
0x29e: {  	p0 =	sne.s32 s23, $0x1F;
	v11 =	vor.u32 s9, v1  }
0x29f: {  	v12 =	vpop (erf)  }
0x2a0: {  	v10 =	vmul.f32 v12, v10;
	_ =	sdelay $0x1  }
0x2a1: {  	[tilespmem:s18+$0x0] =	vst v10  }
0x2a2: {  	s21 =	sadd.s32 $0x20, s21;
	v10 =	vld.idx.msk [tilespmem:v11+s5+$0x0], $0xffff  }
0x2a3: {  	v11 =	vld [tilespmem:s21+$0xFFFFFFF0];
	_ =	sdelay $0x4  }
0x2a4: {  	v10 =	vadd.f32 $1.000000020e-16, v10;
	_ =	sdelay $0x1  }
0x2a5: {  	(erf) = vrcp.f32 v10;
	_ =	sdelay $0x7  }
0x2a6: {  	v10 =	vor.u32 s9, v9  }
0x2a7: {  	v12 =	vpop (erf)  }
0x2a8: {  	v11 =	vmul.f32 v12, v11  }
0x2a9: {  	s18 =	sadd.s32 $0x20, s18  }
0x2aa: {  	[tilespmem:s18+$0xFFFFFFF0] =	vst v11  }
0x2ab: {  	v11 =	vld.idx.msk [tilespmem:v10+s5+$0x0], $0xffff  }
0x2ac: {  	v10 =	vld [tilespmem:s21+$0x0];
	_ =	sdelay $0x4  }
0x2ad: {  	v11 =	vadd.f32 $1.000000020e-16, v11;
	_ =	sdelay $0x1  }
0x2ae: {  	(erf) = vrcp.f32 v11;
	_ =	sdelay $0x2  }
.Ltmp9:
0x2af: {  	(pc) =	sbr.rel @p0 .LBB2_21-.Ltmp9, $2  }
0x2b0: {  	_ =	sdelay $0x2  }
0x2b1: {  	s9 =	sshll.u32 s23, $0x3;
	s23 =	sadd.s32 $0x1, s23  }
0x2b2: {  	v11 =	vor.u32 s9, v1  }
0x2b3: {  	v12 =	vpop (erf)  }
0x2b4: {  	v10 =	vmul.f32 v12, v10;
	_ =	sdelay $0x1  }
0x2b5: {  	[tilespmem:s18+$0x0] =	vst v10  }
0x2b6: {  	v10 =	vld.idx.msk [tilespmem:v11+s5+$0x0], $0xffff;
	_ =	sdelay $0x4  }
0x2b7: {  	v10 =	vadd.f32 $1.000000020e-16, v10;
	_ =	sdelay $0x1  }
0x2b8: {  	(erf) = vrcp.f32 v10;
	_ =	sdelay $0x3  }
0x2b9: {  	s17 =	sadd.s32 $0x20, s21  }
0x2ba: {  	v10 =	vld [tilespmem:s17+$0xFFFFFFF0];
	_ =	sdelay $0x2  }
0x2bb: {  	v11 =	vor.u32 s9, v9  }
0x2bc: {  	v63 =	vpop (erf)  }
0x2bd: {  	v10 =	vmul.f32 v63, v10  }
0x2be: {  	s23 =	sadd.s32 $0x20, s18  }
0x2bf: {  	[tilespmem:s23+$0xFFFFFFF0] =	vst v10  }
0x2c0: {  	v10 =	vld.idx.msk [tilespmem:v11+s5+$0x0], $0xffff;
	_ =	sdelay $0x4  }
0x2c1: {  	v10 =	vadd.f32 $1.000000020e-16, v10;
	_ =	sdelay $0x1  }
0x2c2: {  	(erf) = vrcp.f32 v10;
	_ =	sdelay $0x4  }
0x2c3: {  	v10 =	vld [tilespmem:s17+$0x0];
	_ =	sdelay $0x3  }
0x2c4: {  	v11 =	vpop (erf)  }
0x2c5: {  	s14 =	sshll.u32 s14, $0x2;
	s12 =	sadd.s32 $0x1, s12;
	v10 =	vmul.f32 v11, v10  }
0x2c6: {  	s21 =	simm.s32 $0x0;
	p0 =	sne.s32 s12, $0x14;
	s18 =	rddreg [dreg:$0xb]  }
.Ltmp10:
0x2c7: {  	s9 =	sadd.s32 s14, s18;
	[tilespmem:s23+$0x0] =	vst v10;
	s23 =	simm.s32 $0x16580;
	(pc) =	sbr.rel @p0 .LBB2_20-.Ltmp10, $4  }
0x2c8: {  	[hbm4b:s9+s21] =	stream.linear.scatter [tilespmem:s23], [sflag:$0x6], $0x400, $0x38;
	[tilespmem:$0x1CD90] =	vst v63  }
0x2c9: {  	_ =	swait.ge [sflag:s10], $0x400  }
0x2ca: {  	[sflag:s10] =	ssyncset.done $0x0  }
0x2cb: {  	[sflag:s10] =	ssyncadd.s32 $0xFFFFFC00  }
0x2cc: {  	s12 =	sld [smem:$0x7FD];
	_ =	sdelay $0x2  }
0x2cd: {  	s9 =	rddreg [dreg:$0xc];
	s12 =	sadd.s32 $0x1, s12  }
0x2ce: {  	p0 =	sne.s32 s12, s9  }
.Ltmp11:
0x2cf: {  	_ = 	snop;
	(pc) =	sbr.rel @p0 .LBB2_1-.Ltmp11, $1  }
0x2d0: {  	_ =	sdelay $0x3  }
0x2d1: {  	_ =	sfence.sel $0x180000  }
0x2d2: {  	[bflag:$0x0] =	sbarrier.arrive $0xFFFF  }
0x2d3: {  	_ =	strace $0x90000047  }
0x2d4: {  	s0 =	stileid.u32;
	[bflag:$0x2] =	sbarrier.arrive $0xFFFF  }
0x2d5: {  	p0 =	sne.s32 s0, $0x0;
	s0 =	rddreg [dreg:$0x4]  }
0x2d6: {  	s0 =	sadd.s32 @!p0 $0x100000, s0  }
0x2d7: {  	[sflag:s0] =	ssyncadd.tile.s32 @!p0 $0x1;
	_ =	shalt  }
.Lfunc_end2:
_tile_overlayer_lowered:
.L_overlay_start_2:
0x2d8: {  	(tag) =	ssettag $0x2  }
0x2d9: {  	s0 =	rddreg [dreg:$0x0];
	s2 =	stileid.u32  }
0x2da: {  	s1 =	rddreg [dreg:$0x1];
	p0 =	sne.s32 s2, $0x0  }
0x2db: {  	s3 =	rddreg [dreg:$0x2];
	[bflag:$0x3] =	sbarrier.arrive $0xFFFF;
	s2 =	simm.s32 @!p0 $0x1C06  }
0x2dc: {  	[timem:s3], [sflag:s2] =	dma.local @!p0 [hbm:s0], s1  }
0x2dd: {  	s0 =	simm.s32 @!p0 $0x6  }
0x2de: {  	_ =	swait.ge @!p0 [sflag:s0], s1  }
0x2df: {  	s1 =	ssub.s32 @!p0 $0x0, s1;
	[sflag:s0] =	ssyncset.done @!p0 $0x0  }
0x2e0: {  	[sflag:s0] =	ssyncadd.s32 @!p0 s1  }
0x2e1: {  	[bflag:$0x3] =	sbarrier.arrive $0xFFFF  }
0x2e2: {  	_ =	shalt  }

</sc_bundles>
